<compile_context>
chip_gen: v7x
topology: tpu7x:2x2x1
jax: 0.10.2.dev20260603
libtpu: 0.0.44.dev20260713+nightly
codegen_flags: <defaults>
</compile_context>

<pallas_src>
import functools

import jax
import jax.numpy as jnp
from jax import lax
from jax.experimental import pallas as pl
from jax.experimental.pallas import tpu as pltpu
from jax.experimental.pallas import tpu_sc as plsc

NUM_EMBEDDINGS = 1000000
EMBEDDING_DIM = 32
BATCH = 16384
HIST = 50

_TOTAL = BATCH * HIST
_NW = 32
_BPW = BATCH // _NW
_PER_W = _BPW * HIST
_BLK = 128
_NBLK = _PER_W // _BLK


@functools.partial(
    pl.kernel,
    mesh=plsc.VectorSubcoreMesh(core_axis_name="c", subcore_axis_name="s"),
    out_type=jax.ShapeDtypeStruct((HIST, 4, BATCH // _BLK, 8 * _BLK), jnp.float32),
    scratch_types=[
        pltpu.VMEM((_PER_W,), jnp.int32),
        pltpu.VMEM((_BLK,), jnp.int32),
        pltpu.VMEM((_BLK,), jnp.int32),
        pltpu.VMEM((_BLK, EMBEDDING_DIM), jnp.float32),
        pltpu.VMEM((_BLK, EMBEDDING_DIM), jnp.float32),
        pltpu.VMEM((_BLK * EMBEDDING_DIM,), jnp.float32),
        pltpu.VMEM((_BLK * EMBEDDING_DIM,), jnp.float32),
        pltpu.SemaphoreType.DMA,
        pltpu.SemaphoreType.DMA,
        pltpu.SemaphoreType.DMA,
    ],
    compiler_params=pltpu.CompilerParams(
        use_tc_tiling_on_sc=False, needs_layout_passes=False),
)
def _gather_kernel(ids_hbm, table_hbm, out_hbm, idx_all, idb0, idb1,
                   gb0, gb1, tb0, tb1, sem_g, sem_s0, sem_s1):
    wid = lax.axis_index("s") * 2 + lax.axis_index("c")
    base = wid * _PER_W
    pltpu.sync_copy(ids_hbm.at[pl.ds(base, _PER_W)], idx_all)

    iv50 = lax.iota(jnp.int32, 16) * HIST
    iv16 = lax.iota(jnp.int32, 16)
    rowvs = [iv16 + (b0 * 16) for b0 in range(8)]
    ivz = iv16 * 0
    idbufs = (idb0, idb1)
    gbufs = (gb0, gb1)
    tbufs = (tb0, tb1)
    sems = (sem_s0, sem_s1)

    def stage(t, pb):
        q = t % 4
        h = t // 4
        off = q * (_BLK * HIST) + h
        for j0 in range(8):
            v = plsc.load_gather(idx_all, [iv50 + (off + j0 * 16 * HIST)])
            idbufs[pb][pl.ds(j0 * 16, 16)] = v

    def g_start(pb):
        pltpu.make_async_copy(
            table_hbm.at[idbufs[pb]], gbufs[pb], sem_g).start()

    def g_wait():
        pltpu.make_async_copy(
            table_hbm.at[idbufs[0]], gbufs[0], sem_g).wait()

    def transpose(pb):
        g = gbufs[pb]
        tb = tbufs[pb]
        @plsc.parallel_loop(0, EMBEDDING_DIM // 2, unroll=4)
        def _(d):
            colv0 = ivz + d
            colv1 = colv0 + 16
            for b0 in range(8):
                v0 = plsc.load_gather(g, [rowvs[b0], colv0])
                v1 = plsc.load_gather(g, [rowvs[b0], colv1])
                tb[pl.ds(d * _BLK + b0 * 16, 16)] = v0
                tb[pl.ds((d + 16) * _BLK + b0 * 16, 16)] = v1

    def s_start(t, pb):
        q = t % 4
        h = t // 4
        b1 = wid * 4 + q
        for d1 in range(4):
            pltpu.make_async_copy(
                tbufs[pb].at[pl.ds(d1 * 8 * _BLK, 8 * _BLK)],
                out_hbm.at[h, d1, b1], sems[pb]).start()

    def s_wait(pb):
        for _ in range(4):
            pltpu.make_async_copy(
                tbufs[pb].at[pl.ds(0, 8 * _BLK)],
                out_hbm.at[0, 0, 0], sems[pb]).wait()

    stage(0, 0)
    g_start(0)
    stage(1, 1)
    g_start(1)
    g_wait()
    transpose(0)
    s_start(0, 0)
    stage(2, 0)
    g_start(0)
    g_wait()
    transpose(1)
    s_start(1, 1)

    def pair(gi, carry):
        t = 2 + 2 * gi
        stage(t + 1, 1)
        g_start(1)
        g_wait()
        s_wait(0)
        transpose(0)
        s_start(t, 0)
        stage(t + 2, 0)
        g_start(0)
        g_wait()
        s_wait(1)
        transpose(1)
        s_start(t + 1, 1)
        return carry

    lax.fori_loop(0, (_NBLK - 4) // 2, pair, 0)

    stage(_NBLK - 1, 1)
    g_start(1)
    g_wait()
    s_wait(0)
    transpose(0)
    s_start(_NBLK - 2, 0)
    g_wait()
    s_wait(1)
    transpose(1)
    s_start(_NBLK - 1, 1)
    s_wait(0)
    s_wait(1)


def kernel(token_ids, weights):
    flat_ids = token_ids.reshape(_TOTAL)
    out = _gather_kernel(flat_ids, weights)
    out = out.reshape(HIST, 4, BATCH // _BLK, 8, _BLK)
    return out.transpose(2, 4, 0, 1, 3).reshape(BATCH, HIST, EMBEDDING_DIM)

# --- scband reference (transcript-rebuilt; emitter-appended) ---
"""Pipeline reference for scband-embedding-12438225289243 (READ-ONLY COPY).

The authoritative reference and input builder live on the scoring server;
editing this copy changes nothing except your own understanding.
"""

import jax, jax.numpy as jnp
import numpy as np

NUM_EMBEDDINGS = 1000000
EMBEDDING_DIM = 32
BATCH = 16384
HIST = 50


def setup_inputs(seed: int = 0) -> dict:
    key = jax.random.key(seed)
    k1, k2 = jax.random.split(key)
    token_ids = jax.random.randint(k1, (BATCH, HIST), 0, NUM_EMBEDDINGS, dtype=jnp.int64 if jax.config.jax_enable_x64 else jnp.int32)
    std = 2.0 / (NUM_EMBEDDINGS + EMBEDDING_DIM)
    weights = jax.random.truncated_normal(k2, -3.0, 3.0, (NUM_EMBEDDINGS, EMBEDDING_DIM), dtype=jnp.float32) * std
    return {"token_ids": token_ids, "weights": weights}


def reference(token_ids, weights):
    # einx.get_at('[num_embeddings] embedding_dim, b idx -> b idx embedding_dim', weights, token_ids)
    # is a plain embedding gather along axis 0.
    return jnp.take(weights, token_ids, axis=0)

if __name__ == "__main__":
    import jax
    _d = setup_inputs()
    print(jax.jit(kernel)(*tuple(_d.values())))

</pallas_src>

<mosaic_0001>
#map = affine_map<(d0, d1) -> (0)>
#map1 = affine_map<(d0, d1) -> (0, 0)>
#map2 = affine_map<(d0, d1) -> (0, 0, 0, 0)>
module attributes {stable_mosaic.version = 14 : i64} {
  func.func @_gather_kernel(%arg0: i32, %arg1: i32, %arg2: memref<819200xi32, #tpu.memory_space<hbm>>, %arg3: memref<1000000x32xf32, #tpu.memory_space<hbm>>, %arg4: memref<50x4x128x1024xf32, #tpu.memory_space<hbm>>, %arg5: memref<25600xi32, #tpu.memory_space<vmem>>, %arg6: memref<128xi32, #tpu.memory_space<vmem>>, %arg7: memref<128xi32, #tpu.memory_space<vmem>>, %arg8: memref<128x32xf32, #tpu.memory_space<vmem>>, %arg9: memref<128x32xf32, #tpu.memory_space<vmem>>, %arg10: memref<4096xf32, #tpu.memory_space<vmem>>, %arg11: memref<4096xf32, #tpu.memory_space<vmem>>, %arg12: memref<!tpu.dma_semaphore, #tpu.memory_space<semaphore_mem>>, %arg13: memref<!tpu.dma_semaphore, #tpu.memory_space<semaphore_mem>>, %arg14: memref<!tpu.dma_semaphore, #tpu.memory_space<semaphore_mem>>) attributes {dimension_semantics = [#tpu.dimension_semantics<core_parallel>, #tpu.dimension_semantics<subcore_parallel>], iteration_bounds = array<i64: 2, 16>, scalar_prefetch = 0 : i64, scratch_operands = 10 : i64, tpu.core_type = #tpu.core_type<sc_vector_subcore>, window_params = [{transform_indices = #map}, {transform_indices = #map1}, {transform_indices = #map2}]} {
    %mul3A = arith.constant 2 : i32
    %mul3A_0 = arith.muli %arg1, %mul3A : i32
    %add3A = arith.addi %mul3A_0, %arg0 : i32
    %mul3A_1 = arith.constant 25600 : i32
    %mul3A_2 = arith.muli %add3A, %mul3A_1 : i32
    "tpu.region"() ({
      %run_scoped3A = tpu.sem_alloc : memref<!tpu.dma_semaphore, #tpu.memory_space<semaphore_mem>>
      %dma_start3A_678 = tpu.memref_slice %arg2[%mul3A_2] : memref<819200xi32, #tpu.memory_space<hbm>> -> memref<25600xi32, #tpu.memory_space<hbm>>
      %dma_start3A_679 = tpu.memref_slice %arg2[%mul3A_2] : memref<819200xi32, #tpu.memory_space<hbm>> -> memref<25600xi32, #tpu.memory_space<hbm>>
      tpu.enqueue_dma source(%dma_start3A_679 : memref<25600xi32, #tpu.memory_space<hbm>>) target(%arg5 : memref<25600xi32, #tpu.memory_space<vmem>>) target_semaphore(%run_scoped3A : memref<!tpu.dma_semaphore, #tpu.memory_space<semaphore_mem>>)
      %dma_wait3A_680 = tpu.memref_slice %arg2[%mul3A_2] : memref<819200xi32, #tpu.memory_space<hbm>> -> memref<25600xi32, #tpu.memory_space<hbm>>
      %dma_wait3A_681 = tpu.memref_slice %arg2[%mul3A_2] : memref<819200xi32, #tpu.memory_space<hbm>> -> memref<25600xi32, #tpu.memory_space<hbm>>
      tpu.wait_dma2 semaphore(%run_scoped3A : memref<!tpu.dma_semaphore, #tpu.memory_space<semaphore_mem>>) src(%dma_wait3A_681 : memref<25600xi32, #tpu.memory_space<hbm>>) dst(%arg5 : memref<25600xi32, #tpu.memory_space<vmem>>)
      tpu.yield
    }) : () -> ()
    %iota3A = tpu.iota {dimensions = array<i32: 0>} : vector<16xi32>
    %mul3A_3 = arith.constant 50 : i32
    %mul3A_4 = vector.broadcast %mul3A_3 : i32 to vector<16xi32>
    %mul3A_5 = arith.muli %iota3A, %mul3A_4 : vector<16xi32>
    %iota3A_6 = tpu.iota {dimensions = array<i32: 0>} : vector<16xi32>
    %add3A_7 = arith.constant 0 : i32
    %add3A_8 = vector.broadcast %add3A_7 : i32 to vector<16xi32>
    %add3A_9 = arith.addi %iota3A_6, %add3A_8 : vector<16xi32>
    %add3A_10 = arith.constant 16 : i32
    %add3A_11 = vector.broadcast %add3A_10 : i32 to vector<16xi32>
    %add3A_12 = arith.addi %iota3A_6, %add3A_11 : vector<16xi32>
    %add3A_13 = arith.constant 32 : i32
    %add3A_14 = vector.broadcast %add3A_13 : i32 to vector<16xi32>
    %add3A_15 = arith.addi %iota3A_6, %add3A_14 : vector<16xi32>
    %add3A_16 = arith.constant 48 : i32
    %add3A_17 = vector.broadcast %add3A_16 : i32 to vector<16xi32>
    %add3A_18 = arith.addi %iota3A_6, %add3A_17 : vector<16xi32>
    %add3A_19 = arith.constant 64 : i32
    %add3A_20 = vector.broadcast %add3A_19 : i32 to vector<16xi32>
    %add3A_21 = arith.addi %iota3A_6, %add3A_20 : vector<16xi32>
    %add3A_22 = arith.constant 80 : i32
    %add3A_23 = vector.broadcast %add3A_22 : i32 to vector<16xi32>
    %add3A_24 = arith.addi %iota3A_6, %add3A_23 : vector<16xi32>
    %add3A_25 = arith.constant 96 : i32
    %add3A_26 = vector.broadcast %add3A_25 : i32 to vector<16xi32>
    %add3A_27 = arith.addi %iota3A_6, %add3A_26 : vector<16xi32>
    %add3A_28 = arith.constant 112 : i32
    %add3A_29 = vector.broadcast %add3A_28 : i32 to vector<16xi32>
    %add3A_30 = arith.addi %iota3A_6, %add3A_29 : vector<16xi32>
    %mul3A_31 = arith.constant 0 : i32
    %mul3A_32 = vector.broadcast %mul3A_31 : i32 to vector<16xi32>
    %mul3A_33 = arith.muli %iota3A_6, %mul3A_32 : vector<16xi32>
    %add3A_34 = arith.constant 0 : i32
    %add3A_35 = vector.broadcast %add3A_34 : i32 to vector<16xi32>
    %add3A_36 = arith.addi %mul3A_5, %add3A_35 : vector<16xi32>
    %gather3A = tpu.vector_load_idx %arg5[%add3A_36] : memref<25600xi32, #tpu.memory_space<vmem>>[vector<16xi32>], vector<16xi32>,
    %swap3A = arith.constant 0 : index
    %swap3A_37 = tpu.vector_load %arg6[%swap3A] {strides = array<i32>} : memref<128xi32, #tpu.memory_space<vmem>>, vector<16xi32>,
    tpu.vector_store %arg6[%swap3A], %gather3A {strides = array<i32>} : memref<128xi32, #tpu.memory_space<vmem>>, vector<16xi32>,
    %add3A_38 = arith.constant 800 : i32
    %add3A_39 = vector.broadcast %add3A_38 : i32 to vector<16xi32>
    %add3A_40 = arith.addi %mul3A_5, %add3A_39 : vector<16xi32>
    %gather3A_41 = tpu.vector_load_idx %arg5[%add3A_40] : memref<25600xi32, #tpu.memory_space<vmem>>[vector<16xi32>], vector<16xi32>,
    %swap3A_42 = arith.constant 16 : index
    %swap3A_43 = tpu.vector_load %arg6[%swap3A_42] {strides = array<i32>} : memref<128xi32, #tpu.memory_space<vmem>>, vector<16xi32>,
    tpu.vector_store %arg6[%swap3A_42], %gather3A_41 {strides = array<i32>} : memref<128xi32, #tpu.memory_space<vmem>>, vector<16xi32>,
    %add3A_44 = arith.constant 1600 : i32
    %add3A_45 = vector.broadcast %add3A_44 : i32 to vector<16xi32>
    %add3A_46 = arith.addi %mul3A_5, %add3A_45 : vector<16xi32>
    %gather3A_47 = tpu.vector_load_idx %arg5[%add3A_46] : memref<25600xi32, #tpu.memory_space<vmem>>[vector<16xi32>], vector<16xi32>,
    %swap3A_48 = arith.constant 32 : index
    %swap3A_49 = tpu.vector_load %arg6[%swap3A_48] {strides = array<i32>} : memref<128xi32, #tpu.memory_space<vmem>>, vector<16xi32>,
    tpu.vector_store %arg6[%swap3A_48], %gather3A_47 {strides = array<i32>} : memref<128xi32, #tpu.memory_space<vmem>>, vector<16xi32>,
    %add3A_50 = arith.constant 2400 : i32
    %add3A_51 = vector.broadcast %add3A_50 : i32 to vector<16xi32>
    %add3A_52 = arith.addi %mul3A_5, %add3A_51 : vector<16xi32>
    %gather3A_53 = tpu.vector_load_idx %arg5[%add3A_52] : memref<25600xi32, #tpu.memory_space<vmem>>[vector<16xi32>], vector<16xi32>,
    %swap3A_54 = arith.constant 48 : index
    %swap3A_55 = tpu.vector_load %arg6[%swap3A_54] {strides = array<i32>} : memref<128xi32, #tpu.memory_space<vmem>>, vector<16xi32>,
    tpu.vector_store %arg6[%swap3A_54], %gather3A_53 {strides = array<i32>} : memref<128xi32, #tpu.memory_space<vmem>>, vector<16xi32>,
    %add3A_56 = arith.constant 3200 : i32
    %add3A_57 = vector.broadcast %add3A_56 : i32 to vector<16xi32>
    %add3A_58 = arith.addi %mul3A_5, %add3A_57 : vector<16xi32>
    %gather3A_59 = tpu.vector_load_idx %arg5[%add3A_58] : memref<25600xi32, #tpu.memory_space<vmem>>[vector<16xi32>], vector<16xi32>,
    %swap3A_60 = arith.constant 64 : index
    %swap3A_61 = tpu.vector_load %arg6[%swap3A_60] {strides = array<i32>} : memref<128xi32, #tpu.memory_space<vmem>>, vector<16xi32>,
    tpu.vector_store %arg6[%swap3A_60], %gather3A_59 {strides = array<i32>} : memref<128xi32, #tpu.memory_space<vmem>>, vector<16xi32>,
    %add3A_62 = arith.constant 4000 : i32
    %add3A_63 = vector.broadcast %add3A_62 : i32 to vector<16xi32>
    %add3A_64 = arith.addi %mul3A_5, %add3A_63 : vector<16xi32>
    %gather3A_65 = tpu.vector_load_idx %arg5[%add3A_64] : memref<25600xi32, #tpu.memory_space<vmem>>[vector<16xi32>], vector<16xi32>,
    %swap3A_66 = arith.constant 80 : index
    %swap3A_67 = tpu.vector_load %arg6[%swap3A_66] {strides = array<i32>} : memref<128xi32, #tpu.memory_space<vmem>>, vector<16xi32>,
    tpu.vector_store %arg6[%swap3A_66], %gather3A_65 {strides = array<i32>} : memref<128xi32, #tpu.memory_space<vmem>>, vector<16xi32>,
    %add3A_68 = arith.constant 4800 : i32
    %add3A_69 = vector.broadcast %add3A_68 : i32 to vector<16xi32>
    %add3A_70 = arith.addi %mul3A_5, %add3A_69 : vector<16xi32>
    %gather3A_71 = tpu.vector_load_idx %arg5[%add3A_70] : memref<25600xi32, #tpu.memory_space<vmem>>[vector<16xi32>], vector<16xi32>,
    %swap3A_72 = arith.constant 96 : index
    %swap3A_73 = tpu.vector_load %arg6[%swap3A_72] {strides = array<i32>} : memref<128xi32, #tpu.memory_space<vmem>>, vector<16xi32>,
    tpu.vector_store %arg6[%swap3A_72], %gather3A_71 {strides = array<i32>} : memref<128xi32, #tpu.memory_space<vmem>>, vector<16xi32>,
    %add3A_74 = arith.constant 5600 : i32
    %add3A_75 = vector.broadcast %add3A_74 : i32 to vector<16xi32>
    %add3A_76 = arith.addi %mul3A_5, %add3A_75 : vector<16xi32>
    %gather3A_77 = tpu.vector_load_idx %arg5[%add3A_76] : memref<25600xi32, #tpu.memory_space<vmem>>[vector<16xi32>], vector<16xi32>,
    %swap3A_78 = arith.constant 112 : index
    %swap3A_79 = tpu.vector_load %arg6[%swap3A_78] {strides = array<i32>} : memref<128xi32, #tpu.memory_space<vmem>>, vector<16xi32>,
    tpu.vector_store %arg6[%swap3A_78], %gather3A_77 {strides = array<i32>} : memref<128xi32, #tpu.memory_space<vmem>>, vector<16xi32>,
    %dma_start3A = arith.constant 0 : i32
    %dma_start3A_80 = arith.constant 0 : i32
    %dma_start3A_81 = tpu.memref_slice %arg3[%dma_start3A, %dma_start3A_80] : memref<1000000x32xf32, #tpu.memory_space<hbm>> -> memref<1000000x32xf32, #tpu.memory_space<hbm>>
    tpu.enqueue_indirect_dma source(%dma_start3A_81 : memref<1000000x32xf32, #tpu.memory_space<hbm>>) target(%arg8 : memref<128x32xf32, #tpu.memory_space<vmem>>) offsets(%arg6 : memref<128xi32, #tpu.memory_space<vmem>>) semaphore(%arg12 : memref<!tpu.dma_semaphore, #tpu.memory_space<semaphore_mem>>)
    %add3A_82 = arith.constant 6400 : i32
    %add3A_83 = vector.broadcast %add3A_82 : i32 to vector<16xi32>
    %add3A_84 = arith.addi %mul3A_5, %add3A_83 : vector<16xi32>
    %gather3A_85 = tpu.vector_load_idx %arg5[%add3A_84] : memref<25600xi32, #tpu.memory_space<vmem>>[vector<16xi32>], vector<16xi32>,
    %swap3A_86 = arith.constant 0 : index
    %swap3A_87 = tpu.vector_load %arg7[%swap3A_86] {strides = array<i32>} : memref<128xi32, #tpu.memory_space<vmem>>, vector<16xi32>,
    tpu.vector_store %arg7[%swap3A_86], %gather3A_85 {strides = array<i32>} : memref<128xi32, #tpu.memory_space<vmem>>, vector<16xi32>,
    %add3A_88 = arith.constant 7200 : i32
    %add3A_89 = vector.broadcast %add3A_88 : i32 to vector<16xi32>
    %add3A_90 = arith.addi %mul3A_5, %add3A_89 : vector<16xi32>
    %gather3A_91 = tpu.vector_load_idx %arg5[%add3A_90] : memref<25600xi32, #tpu.memory_space<vmem>>[vector<16xi32>], vector<16xi32>,
    %swap3A_92 = arith.constant 16 : index
    %swap3A_93 = tpu.vector_load %arg7[%swap3A_92] {strides = array<i32>} : memref<128xi32, #tpu.memory_space<vmem>>, vector<16xi32>,
    tpu.vector_store %arg7[%swap3A_92], %gather3A_91 {strides = array<i32>} : memref<128xi32, #tpu.memory_space<vmem>>, vector<16xi32>,
    %add3A_94 = arith.constant 8000 : i32
    %add3A_95 = vector.broadcast %add3A_94 : i32 to vector<16xi32>
    %add3A_96 = arith.addi %mul3A_5, %add3A_95 : vector<16xi32>
    %gather3A_97 = tpu.vector_load_idx %arg5[%add3A_96] : memref<25600xi32, #tpu.memory_space<vmem>>[vector<16xi32>], vector<16xi32>,
    %swap3A_98 = arith.constant 32 : index
    %swap3A_99 = tpu.vector_load %arg7[%swap3A_98] {strides = array<i32>} : memref<128xi32, #tpu.memory_space<vmem>>, vector<16xi32>,
    tpu.vector_store %arg7[%swap3A_98], %gather3A_97 {strides = array<i32>} : memref<128xi32, #tpu.memory_space<vmem>>, vector<16xi32>,
    %add3A_100 = arith.constant 8800 : i32
    %add3A_101 = vector.broadcast %add3A_100 : i32 to vector<16xi32>
    %add3A_102 = arith.addi %mul3A_5, %add3A_101 : vector<16xi32>
    %gather3A_103 = tpu.vector_load_idx %arg5[%add3A_102] : memref<25600xi32, #tpu.memory_space<vmem>>[vector<16xi32>], vector<16xi32>,
    %swap3A_104 = arith.constant 48 : index
    %swap3A_105 = tpu.vector_load %arg7[%swap3A_104] {strides = array<i32>} : memref<128xi32, #tpu.memory_space<vmem>>, vector<16xi32>,
    tpu.vector_store %arg7[%swap3A_104], %gather3A_103 {strides = array<i32>} : memref<128xi32, #tpu.memory_space<vmem>>, vector<16xi32>,
    %add3A_106 = arith.constant 9600 : i32
    %add3A_107 = vector.broadcast %add3A_106 : i32 to vector<16xi32>
    %add3A_108 = arith.addi %mul3A_5, %add3A_107 : vector<16xi32>
    %gather3A_109 = tpu.vector_load_idx %arg5[%add3A_108] : memref<25600xi32, #tpu.memory_space<vmem>>[vector<16xi32>], vector<16xi32>,
    %swap3A_110 = arith.constant 64 : index
    %swap3A_111 = tpu.vector_load %arg7[%swap3A_110] {strides = array<i32>} : memref<128xi32, #tpu.memory_space<vmem>>, vector<16xi32>,
    tpu.vector_store %arg7[%swap3A_110], %gather3A_109 {strides = array<i32>} : memref<128xi32, #tpu.memory_space<vmem>>, vector<16xi32>,
    %add3A_112 = arith.constant 10400 : i32
    %add3A_113 = vector.broadcast %add3A_112 : i32 to vector<16xi32>
    %add3A_114 = arith.addi %mul3A_5, %add3A_113 : vector<16xi32>
    %gather3A_115 = tpu.vector_load_idx %arg5[%add3A_114] : memref<25600xi32, #tpu.memory_space<vmem>>[vector<16xi32>], vector<16xi32>,
    %swap3A_116 = arith.constant 80 : index
    %swap3A_117 = tpu.vector_load %arg7[%swap3A_116] {strides = array<i32>} : memref<128xi32, #tpu.memory_space<vmem>>, vector<16xi32>,
    tpu.vector_store %arg7[%swap3A_116], %gather3A_115 {strides = array<i32>} : memref<128xi32, #tpu.memory_space<vmem>>, vector<16xi32>,
    %add3A_118 = arith.constant 11200 : i32
    %add3A_119 = vector.broadcast %add3A_118 : i32 to vector<16xi32>
    %add3A_120 = arith.addi %mul3A_5, %add3A_119 : vector<16xi32>
    %gather3A_121 = tpu.vector_load_idx %arg5[%add3A_120] : memref<25600xi32, #tpu.memory_space<vmem>>[vector<16xi32>], vector<16xi32>,
    %swap3A_122 = arith.constant 96 : index
    %swap3A_123 = tpu.vector_load %arg7[%swap3A_122] {strides = array<i32>} : memref<128xi32, #tpu.memory_space<vmem>>, vector<16xi32>,
    tpu.vector_store %arg7[%swap3A_122], %gather3A_121 {strides = array<i32>} : memref<128xi32, #tpu.memory_space<vmem>>, vector<16xi32>,
    %add3A_124 = arith.constant 12000 : i32
    %add3A_125 = vector.broadcast %add3A_124 : i32 to vector<16xi32>
    %add3A_126 = arith.addi %mul3A_5, %add3A_125 : vector<16xi32>
    %gather3A_127 = tpu.vector_load_idx %arg5[%add3A_126] : memref<25600xi32, #tpu.memory_space<vmem>>[vector<16xi32>], vector<16xi32>,
    %swap3A_128 = arith.constant 112 : index
    %swap3A_129 = tpu.vector_load %arg7[%swap3A_128] {strides = array<i32>} : memref<128xi32, #tpu.memory_space<vmem>>, vector<16xi32>,
    tpu.vector_store %arg7[%swap3A_128], %gather3A_127 {strides = array<i32>} : memref<128xi32, #tpu.memory_space<vmem>>, vector<16xi32>,
    %dma_start3A_130 = arith.constant 0 : i32
    %dma_start3A_131 = arith.constant 0 : i32
    %dma_start3A_132 = tpu.memref_slice %arg3[%dma_start3A_130, %dma_start3A_131] : memref<1000000x32xf32, #tpu.memory_space<hbm>> -> memref<1000000x32xf32, #tpu.memory_space<hbm>>
    tpu.enqueue_indirect_dma source(%dma_start3A_132 : memref<1000000x32xf32, #tpu.memory_space<hbm>>) target(%arg9 : memref<128x32xf32, #tpu.memory_space<vmem>>) offsets(%arg7 : memref<128xi32, #tpu.memory_space<vmem>>) semaphore(%arg12 : memref<!tpu.dma_semaphore, #tpu.memory_space<semaphore_mem>>)
    %dma_wait3A = arith.constant 0 : i32
    %dma_wait3A_133 = arith.constant 0 : i32
    %dma_wait3A_134 = tpu.memref_slice %arg3[%dma_wait3A, %dma_wait3A_133] : memref<1000000x32xf32, #tpu.memory_space<hbm>> -> memref<1000000x32xf32, #tpu.memory_space<hbm>>
    tpu.wait_indirect_dma semaphore(%arg12 : memref<!tpu.dma_semaphore, #tpu.memory_space<semaphore_mem>>) src(%dma_wait3A_134 : memref<1000000x32xf32, #tpu.memory_space<hbm>>) dst(%arg8 : memref<128x32xf32, #tpu.memory_space<vmem>>)
    %parallel_loop3A = arith.constant 0 : i32
    %parallel_loop3A_135 = arith.constant 16 : i32
    %parallel_loop3A_136 = arith.constant 1 : i32
    scf.for %parallel_loop3A_678 = %parallel_loop3A to %parallel_loop3A_135 step %parallel_loop3A_136  : i32 {
      %parallel_loop3A_679 = vector.broadcast %parallel_loop3A_678 : i32 to vector<16xi32>
      %parallel_loop3A_680 = arith.addi %mul3A_33, %parallel_loop3A_679 : vector<16xi32>
      %parallel_loop3A_681 = arith.constant 16 : i32
      %parallel_loop3A_682 = vector.broadcast %parallel_loop3A_681 : i32 to vector<16xi32>
      %parallel_loop3A_683 = arith.addi %parallel_loop3A_680, %parallel_loop3A_682 : vector<16xi32>
      %parallel_loop3A_684 = tpu.vector_load_idx %arg8[%add3A_9, %parallel_loop3A_680] : memref<128x32xf32, #tpu.memory_space<vmem>>[vector<16xi32>, vector<16xi32>], vector<16xf32>,
      %parallel_loop3A_685 = tpu.vector_load_idx %arg8[%add3A_9, %parallel_loop3A_683] : memref<128x32xf32, #tpu.memory_space<vmem>>[vector<16xi32>, vector<16xi32>], vector<16xf32>,
      %parallel_loop3A_686 = arith.constant 128 : i32
      %parallel_loop3A_687 = arith.muli %parallel_loop3A_678, %parallel_loop3A_686 : i32
      %parallel_loop3A_688 = arith.constant 0 : i32
      %parallel_loop3A_689 = arith.addi %parallel_loop3A_687, %parallel_loop3A_688 : i32
      %parallel_loop3A_690 = arith.index_cast %parallel_loop3A_689 : i32 to index
      %parallel_loop3A_691 = tpu.vector_load %arg10[%parallel_loop3A_690] {strides = array<i32>} : memref<4096xf32, #tpu.memory_space<vmem>>, vector<16xf32>,
      tpu.vector_store %arg10[%parallel_loop3A_690], %parallel_loop3A_684 {strides = array<i32>} : memref<4096xf32, #tpu.memory_space<vmem>>, vector<16xf32>,
      %parallel_loop3A_692 = arith.constant 16 : i32
      %parallel_loop3A_693 = arith.addi %parallel_loop3A_678, %parallel_loop3A_692 : i32
      %parallel_loop3A_694 = arith.constant 128 : i32
      %parallel_loop3A_695 = arith.muli %parallel_loop3A_693, %parallel_loop3A_694 : i32
      %parallel_loop3A_696 = arith.constant 0 : i32
      %parallel_loop3A_697 = arith.addi %parallel_loop3A_695, %parallel_loop3A_696 : i32
      %parallel_loop3A_698 = arith.index_cast %parallel_loop3A_697 : i32 to index
      %parallel_loop3A_699 = tpu.vector_load %arg10[%parallel_loop3A_698] {strides = array<i32>} : memref<4096xf32, #tpu.memory_space<vmem>>, vector<16xf32>,
      tpu.vector_store %arg10[%parallel_loop3A_698], %parallel_loop3A_685 {strides = array<i32>} : memref<4096xf32, #tpu.memory_space<vmem>>, vector<16xf32>,
      %parallel_loop3A_700 = tpu.vector_load_idx %arg8[%add3A_12, %parallel_loop3A_680] : memref<128x32xf32, #tpu.memory_space<vmem>>[vector<16xi32>, vector<16xi32>], vector<16xf32>,
      %parallel_loop3A_701 = tpu.vector_load_idx %arg8[%add3A_12, %parallel_loop3A_683] : memref<128x32xf32, #tpu.memory_space<vmem>>[vector<16xi32>, vector<16xi32>], vector<16xf32>,
      %parallel_loop3A_702 = arith.constant 128 : i32
      %parallel_loop3A_703 = arith.muli %parallel_loop3A_678, %parallel_loop3A_702 : i32
      %parallel_loop3A_704 = arith.constant 16 : i32
      %parallel_loop3A_705 = arith.addi %parallel_loop3A_703, %parallel_loop3A_704 : i32
      %parallel_loop3A_706 = arith.index_cast %parallel_loop3A_705 : i32 to index
      %parallel_loop3A_707 = tpu.vector_load %arg10[%parallel_loop3A_706] {strides = array<i32>} : memref<4096xf32, #tpu.memory_space<vmem>>, vector<16xf32>,
      tpu.vector_store %arg10[%parallel_loop3A_706], %parallel_loop3A_700 {strides = array<i32>} : memref<4096xf32, #tpu.memory_space<vmem>>, vector<16xf32>,
      %parallel_loop3A_708 = arith.constant 16 : i32
      %parallel_loop3A_709 = arith.addi %parallel_loop3A_678, %parallel_loop3A_708 : i32
      %parallel_loop3A_710 = arith.constant 128 : i32
      %parallel_loop3A_711 = arith.muli %parallel_loop3A_709, %parallel_loop3A_710 : i32
      %parallel_loop3A_712 = arith.constant 16 : i32
      %parallel_loop3A_713 = arith.addi %parallel_loop3A_711, %parallel_loop3A_712 : i32
      %parallel_loop3A_714 = arith.index_cast %parallel_loop3A_713 : i32 to index
      %parallel_loop3A_715 = tpu.vector_load %arg10[%parallel_loop3A_714] {strides = array<i32>} : memref<4096xf32, #tpu.memory_space<vmem>>, vector<16xf32>,
      tpu.vector_store %arg10[%parallel_loop3A_714], %parallel_loop3A_701 {strides = array<i32>} : memref<4096xf32, #tpu.memory_space<vmem>>, vector<16xf32>,
      %parallel_loop3A_716 = tpu.vector_load_idx %arg8[%add3A_15, %parallel_loop3A_680] : memref<128x32xf32, #tpu.memory_space<vmem>>[vector<16xi32>, vector<16xi32>], vector<16xf32>,
      %parallel_loop3A_717 = tpu.vector_load_idx %arg8[%add3A_15, %parallel_loop3A_683] : memref<128x32xf32, #tpu.memory_space<vmem>>[vector<16xi32>, vector<16xi32>], vector<16xf32>,
      %parallel_loop3A_718 = arith.constant 128 : i32
      %parallel_loop3A_719 = arith.muli %parallel_loop3A_678, %parallel_loop3A_718 : i32
      %parallel_loop3A_720 = arith.constant 32 : i32
      %parallel_loop3A_721 = arith.addi %parallel_loop3A_719, %parallel_loop3A_720 : i32
      %parallel_loop3A_722 = arith.index_cast %parallel_loop3A_721 : i32 to index
      %parallel_loop3A_723 = tpu.vector_load %arg10[%parallel_loop3A_722] {strides = array<i32>} : memref<4096xf32, #tpu.memory_space<vmem>>, vector<16xf32>,
      tpu.vector_store %arg10[%parallel_loop3A_722], %parallel_loop3A_716 {strides = array<i32>} : memref<4096xf32, #tpu.memory_space<vmem>>, vector<16xf32>,
      %parallel_loop3A_724 = arith.constant 16 : i32
      %parallel_loop3A_725 = arith.addi %parallel_loop3A_678, %parallel_loop3A_724 : i32
      %parallel_loop3A_726 = arith.constant 128 : i32
      %parallel_loop3A_727 = arith.muli %parallel_loop3A_725, %parallel_loop3A_726 : i32
      %parallel_loop3A_728 = arith.constant 32 : i32
      %parallel_loop3A_729 = arith.addi %parallel_loop3A_727, %parallel_loop3A_728 : i32
      %parallel_loop3A_730 = arith.index_cast %parallel_loop3A_729 : i32 to index
      %parallel_loop3A_731 = tpu.vector_load %arg10[%parallel_loop3A_730] {strides = array<i32>} : memref<4096xf32, #tpu.memory_space<vmem>>, vector<16xf32>,
      tpu.vector_store %arg10[%parallel_loop3A_730], %parallel_loop3A_717 {strides = array<i32>} : memref<4096xf32, #tpu.memory_space<vmem>>, vector<16xf32>,
      %parallel_loop3A_732 = tpu.vector_load_idx %arg8[%add3A_18, %parallel_loop3A_680] : memref<128x32xf32, #tpu.memory_space<vmem>>[vector<16xi32>, vector<16xi32>], vector<16xf32>,
      %parallel_loop3A_733 = tpu.vector_load_idx %arg8[%add3A_18, %parallel_loop3A_683] : memref<128x32xf32, #tpu.memory_space<vmem>>[vector<16xi32>, vector<16xi32>], vector<16xf32>,
      %parallel_loop3A_734 = arith.constant 128 : i32
      %parallel_loop3A_735 = arith.muli %parallel_loop3A_678, %parallel_loop3A_734 : i32
      %parallel_loop3A_736 = arith.constant 48 : i32
      %parallel_loop3A_737 = arith.addi %parallel_loop3A_735, %parallel_loop3A_736 : i32
      %parallel_loop3A_738 = arith.index_cast %parallel_loop3A_737 : i32 to index
      %parallel_loop3A_739 = tpu.vector_load %arg10[%parallel_loop3A_738] {strides = array<i32>} : memref<4096xf32, #tpu.memory_space<vmem>>, vector<16xf32>,
      tpu.vector_store %arg10[%parallel_loop3A_738], %parallel_loop3A_732 {strides = array<i32>} : memref<4096xf32, #tpu.memory_space<vmem>>, vector<16xf32>,
      %parallel_loop3A_740 = arith.constant 16 : i32
      %parallel_loop3A_741 = arith.addi %parallel_loop3A_678, %parallel_loop3A_740 : i32
      %parallel_loop3A_742 = arith.constant 128 : i32
      %parallel_loop3A_743 = arith.muli %parallel_loop3A_741, %parallel_loop3A_742 : i32
      %parallel_loop3A_744 = arith.constant 48 : i32
      %parallel_loop3A_745 = arith.addi %parallel_loop3A_743, %parallel_loop3A_744 : i32
      %parallel_loop3A_746 = arith.index_cast %parallel_loop3A_745 : i32 to index
      %parallel_loop3A_747 = tpu.vector_load %arg10[%parallel_loop3A_746] {strides = array<i32>} : memref<4096xf32, #tpu.memory_space<vmem>>, vector<16xf32>,
      tpu.vector_store %arg10[%parallel_loop3A_746], %parallel_loop3A_733 {strides = array<i32>} : memref<4096xf32, #tpu.memory_space<vmem>>, vector<16xf32>,
      %parallel_loop3A_748 = tpu.vector_load_idx %arg8[%add3A_21, %parallel_loop3A_680] : memref<128x32xf32, #tpu.memory_space<vmem>>[vector<16xi32>, vector<16xi32>], vector<16xf32>,
      %parallel_loop3A_749 = tpu.vector_load_idx %arg8[%add3A_21, %parallel_loop3A_683] : memref<128x32xf32, #tpu.memory_space<vmem>>[vector<16xi32>, vector<16xi32>], vector<16xf32>,
      %parallel_loop3A_750 = arith.constant 128 : i32
      %parallel_loop3A_751 = arith.muli %parallel_loop3A_678, %parallel_loop3A_750 : i32
      %parallel_loop3A_752 = arith.constant 64 : i32
      %parallel_loop3A_753 = arith.addi %parallel_loop3A_751, %parallel_loop3A_752 : i32
      %parallel_loop3A_754 = arith.index_cast %parallel_loop3A_753 : i32 to index
      %parallel_loop3A_755 = tpu.vector_load %arg10[%parallel_loop3A_754] {strides = array<i32>} : memref<4096xf32, #tpu.memory_space<vmem>>, vector<16xf32>,
      tpu.vector_store %arg10[%parallel_loop3A_754], %parallel_loop3A_748 {strides = array<i32>} : memref<4096xf32, #tpu.memory_space<vmem>>, vector<16xf32>,
      %parallel_loop3A_756 = arith.constant 16 : i32
      %parallel_loop3A_757 = arith.addi %parallel_loop3A_678, %parallel_loop3A_756 : i32
      %parallel_loop3A_758 = arith.constant 128 : i32
      %parallel_loop3A_759 = arith.muli %parallel_loop3A_757, %parallel_loop3A_758 : i32
      %parallel_loop3A_760 = arith.constant 64 : i32
      %parallel_loop3A_761 = arith.addi %parallel_loop3A_759, %parallel_loop3A_760 : i32
      %parallel_loop3A_762 = arith.index_cast %parallel_loop3A_761 : i32 to index
      %parallel_loop3A_763 = tpu.vector_load %arg10[%parallel_loop3A_762] {strides = array<i32>} : memref<4096xf32, #tpu.memory_space<vmem>>, vector<16xf32>,
      tpu.vector_store %arg10[%parallel_loop3A_762], %parallel_loop3A_749 {strides = array<i32>} : memref<4096xf32, #tpu.memory_space<vmem>>, vector<16xf32>,
      %parallel_loop3A_764 = tpu.vector_load_idx %arg8[%add3A_24, %parallel_loop3A_680] : memref<128x32xf32, #tpu.memory_space<vmem>>[vector<16xi32>, vector<16xi32>], vector<16xf32>,
      %parallel_loop3A_765 = tpu.vector_load_idx %arg8[%add3A_24, %parallel_loop3A_683] : memref<128x32xf32, #tpu.memory_space<vmem>>[vector<16xi32>, vector<16xi32>], vector<16xf32>,
      %parallel_loop3A_766 = arith.constant 128 : i32
      %parallel_loop3A_767 = arith.muli %parallel_loop3A_678, %parallel_loop3A_766 : i32
      %parallel_loop3A_768 = arith.constant 80 : i32
      %parallel_loop3A_769 = arith.addi %parallel_loop3A_767, %parallel_loop3A_768 : i32
      %parallel_loop3A_770 = arith.index_cast %parallel_loop3A_769 : i32 to index
      %parallel_loop3A_771 = tpu.vector_load %arg10[%parallel_loop3A_770] {strides = array<i32>} : memref<4096xf32, #tpu.memory_space<vmem>>, vector<16xf32>,
      tpu.vector_store %arg10[%parallel_loop3A_770], %parallel_loop3A_764 {strides = array<i32>} : memref<4096xf32, #tpu.memory_space<vmem>>, vector<16xf32>,
      %parallel_loop3A_772 = arith.constant 16 : i32
      %parallel_loop3A_773 = arith.addi %parallel_loop3A_678, %parallel_loop3A_772 : i32
      %parallel_loop3A_774 = arith.constant 128 : i32
      %parallel_loop3A_775 = arith.muli %parallel_loop3A_773, %parallel_loop3A_774 : i32
      %parallel_loop3A_776 = arith.constant 80 : i32
      %parallel_loop3A_777 = arith.addi %parallel_loop3A_775, %parallel_loop3A_776 : i32
      %parallel_loop3A_778 = arith.index_cast %parallel_loop3A_777 : i32 to index
      %parallel_loop3A_779 = tpu.vector_load %arg10[%parallel_loop3A_778] {strides = array<i32>} : memref<4096xf32, #tpu.memory_space<vmem>>, vector<16xf32>,
      tpu.vector_store %arg10[%parallel_loop3A_778], %parallel_loop3A_765 {strides = array<i32>} : memref<4096xf32, #tpu.memory_space<vmem>>, vector<16xf32>,
      %parallel_loop3A_780 = tpu.vector_load_idx %arg8[%add3A_27, %parallel_loop3A_680] : memref<128x32xf32, #tpu.memory_space<vmem>>[vector<16xi32>, vector<16xi32>], vector<16xf32>,
      %parallel_loop3A_781 = tpu.vector_load_idx %arg8[%add3A_27, %parallel_loop3A_683] : memref<128x32xf32, #tpu.memory_space<vmem>>[vector<16xi32>, vector<16xi32>], vector<16xf32>,
      %parallel_loop3A_782 = arith.constant 128 : i32
      %parallel_loop3A_783 = arith.muli %parallel_loop3A_678, %parallel_loop3A_782 : i32
      %parallel_loop3A_784 = arith.constant 96 : i32
      %parallel_loop3A_785 = arith.addi %parallel_loop3A_783, %parallel_loop3A_784 : i32
      %parallel_loop3A_786 = arith.index_cast %parallel_loop3A_785 : i32 to index
      %parallel_loop3A_787 = tpu.vector_load %arg10[%parallel_loop3A_786] {strides = array<i32>} : memref<4096xf32, #tpu.memory_space<vmem>>, vector<16xf32>,
      tpu.vector_store %arg10[%parallel_loop3A_786], %parallel_loop3A_780 {strides = array<i32>} : memref<4096xf32, #tpu.memory_space<vmem>>, vector<16xf32>,
      %parallel_loop3A_788 = arith.constant 16 : i32
      %parallel_loop3A_789 = arith.addi %parallel_loop3A_678, %parallel_loop3A_788 : i32
      %parallel_loop3A_790 = arith.constant 128 : i32
      %parallel_loop3A_791 = arith.muli %parallel_loop3A_789, %parallel_loop3A_790 : i32
      %parallel_loop3A_792 = arith.constant 96 : i32
      %parallel_loop3A_793 = arith.addi %parallel_loop3A_791, %parallel_loop3A_792 : i32
      %parallel_loop3A_794 = arith.index_cast %parallel_loop3A_793 : i32 to index
      %parallel_loop3A_795 = tpu.vector_load %arg10[%parallel_loop3A_794] {strides = array<i32>} : memref<4096xf32, #tpu.memory_space<vmem>>, vector<16xf32>,
      tpu.vector_store %arg10[%parallel_loop3A_794], %parallel_loop3A_781 {strides = array<i32>} : memref<4096xf32, #tpu.memory_space<vmem>>, vector<16xf32>,
      %parallel_loop3A_796 = tpu.vector_load_idx %arg8[%add3A_30, %parallel_loop3A_680] : memref<128x32xf32, #tpu.memory_space<vmem>>[vector<16xi32>, vector<16xi32>], vector<16xf32>,
      %parallel_loop3A_797 = tpu.vector_load_idx %arg8[%add3A_30, %parallel_loop3A_683] : memref<128x32xf32, #tpu.memory_space<vmem>>[vector<16xi32>, vector<16xi32>], vector<16xf32>,
      %parallel_loop3A_798 = arith.constant 128 : i32
      %parallel_loop3A_799 = arith.muli %parallel_loop3A_678, %parallel_loop3A_798 : i32
      %parallel_loop3A_800 = arith.constant 112 : i32
      %parallel_loop3A_801 = arith.addi %parallel_loop3A_799, %parallel_loop3A_800 : i32
      %parallel_loop3A_802 = arith.index_cast %parallel_loop3A_801 : i32 to index
      %parallel_loop3A_803 = tpu.vector_load %arg10[%parallel_loop3A_802] {strides = array<i32>} : memref<4096xf32, #tpu.memory_space<vmem>>, vector<16xf32>,
      tpu.vector_store %arg10[%parallel_loop3A_802], %parallel_loop3A_796 {strides = array<i32>} : memref<4096xf32, #tpu.memory_space<vmem>>, vector<16xf32>,
      %parallel_loop3A_804 = arith.constant 16 : i32
      %parallel_loop3A_805 = arith.addi %parallel_loop3A_678, %parallel_loop3A_804 : i32
      %parallel_loop3A_806 = arith.constant 128 : i32
      %parallel_loop3A_807 = arith.muli %parallel_loop3A_805, %parallel_loop3A_806 : i32
      %parallel_loop3A_808 = arith.constant 112 : i32
      %parallel_loop3A_809 = arith.addi %parallel_loop3A_807, %parallel_loop3A_808 : i32
      %parallel_loop3A_810 = arith.index_cast %parallel_loop3A_809 : i32 to index
      %parallel_loop3A_811 = tpu.vector_load %arg10[%parallel_loop3A_810] {strides = array<i32>} : memref<4096xf32, #tpu.memory_space<vmem>>, vector<16xf32>,
      tpu.vector_store %arg10[%parallel_loop3A_810], %parallel_loop3A_797 {strides = array<i32>} : memref<4096xf32, #tpu.memory_space<vmem>>, vector<16xf32>,
    } {sc.loop_unroll_factor = 4 : i64, sc.parallel_access}
    %mul3A_137 = arith.constant 4 : i32
    %mul3A_138 = arith.muli %add3A, %mul3A_137 : i32
    %add3A_139 = arith.constant 0 : i32
    %add3A_140 = arith.addi %mul3A_138, %add3A_139 : i32
    %dma_start3A_141 = arith.constant 0 : i32
    %dma_start3A_142 = arith.constant 0 : i32
    %dma_start3A_143 = arith.constant 0 : i32
    %dma_start3A_144 = tpu.memref_slice %arg10[%dma_start3A_143] : memref<4096xf32, #tpu.memory_space<vmem>> -> memref<1024xf32, #tpu.memory_space<vmem>>
    %dma_start3A_145 = arith.constant 0 : i32
    %dma_start3A_146 = tpu.memref_slice %arg4[%dma_start3A_141, %dma_start3A_142, %add3A_140, %dma_start3A_145] : memref<50x4x128x1024xf32, #tpu.memory_space<hbm>> -> memref<1x1x1x1024xf32, #tpu.memory_space<hbm>>
    %dma_start3A_147 = tpu.memref_squeeze %dma_start3A_146 : memref<1x1x1x1024xf32, #tpu.memory_space<hbm>> -> memref<1024xf32, #tpu.memory_space<hbm>>
    %dma_start3A_148 = arith.constant 0 : i32
    %dma_start3A_149 = tpu.memref_slice %arg4[%dma_start3A_141, %dma_start3A_142, %add3A_140, %dma_start3A_148] : memref<50x4x128x1024xf32, #tpu.memory_space<hbm>> -> memref<1x1x1x1024xf32, #tpu.memory_space<hbm>>
    %dma_start3A_150 = tpu.memref_squeeze %dma_start3A_149 : memref<1x1x1x1024xf32, #tpu.memory_space<hbm>> -> memref<1024xf32, #tpu.memory_space<hbm>>
    %dma_start3A_151 = arith.constant 0 : i32
    %dma_start3A_152 = tpu.memref_slice %arg10[%dma_start3A_151] : memref<4096xf32, #tpu.memory_space<vmem>> -> memref<1024xf32, #tpu.memory_space<vmem>>
    tpu.enqueue_dma source(%dma_start3A_152 : memref<1024xf32, #tpu.memory_space<vmem>>) target(%dma_start3A_150 : memref<1024xf32, #tpu.memory_space<hbm>>) target_semaphore(%arg13 : memref<!tpu.dma_semaphore, #tpu.memory_space<semaphore_mem>>)
    %dma_start3A_153 = arith.constant 0 : i32
    %dma_start3A_154 = arith.constant 1 : i32
    %dma_start3A_155 = arith.constant 1024 : i32
    %dma_start3A_156 = tpu.memref_slice %arg10[%dma_start3A_155] : memref<4096xf32, #tpu.memory_space<vmem>> -> memref<1024xf32, #tpu.memory_space<vmem>>
    %dma_start3A_157 = arith.constant 0 : i32
    %dma_start3A_158 = tpu.memref_slice %arg4[%dma_start3A_153, %dma_start3A_154, %add3A_140, %dma_start3A_157] : memref<50x4x128x1024xf32, #tpu.memory_space<hbm>> -> memref<1x1x1x1024xf32, #tpu.memory_space<hbm>>
    %dma_start3A_159 = tpu.memref_squeeze %dma_start3A_158 : memref<1x1x1x1024xf32, #tpu.memory_space<hbm>> -> memref<1024xf32, #tpu.memory_space<hbm>>
    %dma_start3A_160 = arith.constant 0 : i32
    %dma_start3A_161 = tpu.memref_slice %arg4[%dma_start3A_153, %dma_start3A_154, %add3A_140, %dma_start3A_160] : memref<50x4x128x1024xf32, #tpu.memory_space<hbm>> -> memref<1x1x1x1024xf32, #tpu.memory_space<hbm>>
    %dma_start3A_162 = tpu.memref_squeeze %dma_start3A_161 : memref<1x1x1x1024xf32, #tpu.memory_space<hbm>> -> memref<1024xf32, #tpu.memory_space<hbm>>
    %dma_start3A_163 = arith.constant 1024 : i32
    %dma_start3A_164 = tpu.memref_slice %arg10[%dma_start3A_163] : memref<4096xf32, #tpu.memory_space<vmem>> -> memref<1024xf32, #tpu.memory_space<vmem>>
    tpu.enqueue_dma source(%dma_start3A_164 : memref<1024xf32, #tpu.memory_space<vmem>>) target(%dma_start3A_162 : memref<1024xf32, #tpu.memory_space<hbm>>) target_semaphore(%arg13 : memref<!tpu.dma_semaphore, #tpu.memory_space<semaphore_mem>>)
    %dma_start3A_165 = arith.constant 0 : i32
    %dma_start3A_166 = arith.constant 2 : i32
    %dma_start3A_167 = arith.constant 2048 : i32
    %dma_start3A_168 = tpu.memref_slice %arg10[%dma_start3A_167] : memref<4096xf32, #tpu.memory_space<vmem>> -> memref<1024xf32, #tpu.memory_space<vmem>>
    %dma_start3A_169 = arith.constant 0 : i32
    %dma_start3A_170 = tpu.memref_slice %arg4[%dma_start3A_165, %dma_start3A_166, %add3A_140, %dma_start3A_169] : memref<50x4x128x1024xf32, #tpu.memory_space<hbm>> -> memref<1x1x1x1024xf32, #tpu.memory_space<hbm>>
    %dma_start3A_171 = tpu.memref_squeeze %dma_start3A_170 : memref<1x1x1x1024xf32, #tpu.memory_space<hbm>> -> memref<1024xf32, #tpu.memory_space<hbm>>
    %dma_start3A_172 = arith.constant 0 : i32
    %dma_start3A_173 = tpu.memref_slice %arg4[%dma_start3A_165, %dma_start3A_166, %add3A_140, %dma_start3A_172] : memref<50x4x128x1024xf32, #tpu.memory_space<hbm>> -> memref<1x1x1x1024xf32, #tpu.memory_space<hbm>>
    %dma_start3A_174 = tpu.memref_squeeze %dma_start3A_173 : memref<1x1x1x1024xf32, #tpu.memory_space<hbm>> -> memref<1024xf32, #tpu.memory_space<hbm>>
    %dma_start3A_175 = arith.constant 2048 : i32
    %dma_start3A_176 = tpu.memref_slice %arg10[%dma_start3A_175] : memref<4096xf32, #tpu.memory_space<vmem>> -> memref<1024xf32, #tpu.memory_space<vmem>>
    tpu.enqueue_dma source(%dma_start3A_176 : memref<1024xf32, #tpu.memory_space<vmem>>) target(%dma_start3A_174 : memref<1024xf32, #tpu.memory_space<hbm>>) target_semaphore(%arg13 : memref<!tpu.dma_semaphore, #tpu.memory_space<semaphore_mem>>)
    %dma_start3A_177 = arith.constant 0 : i32
    %dma_start3A_178 = arith.constant 3 : i32
    %dma_start3A_179 = arith.constant 3072 : i32
    %dma_start3A_180 = tpu.memref_slice %arg10[%dma_start3A_179] : memref<4096xf32, #tpu.memory_space<vmem>> -> memref<1024xf32, #tpu.memory_space<vmem>>
    %dma_start3A_181 = arith.constant 0 : i32
    %dma_start3A_182 = tpu.memref_slice %arg4[%dma_start3A_177, %dma_start3A_178, %add3A_140, %dma_start3A_181] : memref<50x4x128x1024xf32, #tpu.memory_space<hbm>> -> memref<1x1x1x1024xf32, #tpu.memory_space<hbm>>
    %dma_start3A_183 = tpu.memref_squeeze %dma_start3A_182 : memref<1x1x1x1024xf32, #tpu.memory_space<hbm>> -> memref<1024xf32, #tpu.memory_space<hbm>>
    %dma_start3A_184 = arith.constant 0 : i32
    %dma_start3A_185 = tpu.memref_slice %arg4[%dma_start3A_177, %dma_start3A_178, %add3A_140, %dma_start3A_184] : memref<50x4x128x1024xf32, #tpu.memory_space<hbm>> -> memref<1x1x1x1024xf32, #tpu.memory_space<hbm>>
    %dma_start3A_186 = tpu.memref_squeeze %dma_start3A_185 : memref<1x1x1x1024xf32, #tpu.memory_space<hbm>> -> memref<1024xf32, #tpu.memory_space<hbm>>
    %dma_start3A_187 = arith.constant 3072 : i32
    %dma_start3A_188 = tpu.memref_slice %arg10[%dma_start3A_187] : memref<4096xf32, #tpu.memory_space<vmem>> -> memref<1024xf32, #tpu.memory_space<vmem>>
    tpu.enqueue_dma source(%dma_start3A_188 : memref<1024xf32, #tpu.memory_space<vmem>>) target(%dma_start3A_186 : memref<1024xf32, #tpu.memory_space<hbm>>) target_semaphore(%arg13 : memref<!tpu.dma_semaphore, #tpu.memory_space<semaphore_mem>>)
    %add3A_189 = arith.constant 12800 : i32
    %add3A_190 = vector.broadcast %add3A_189 : i32 to vector<16xi32>
    %add3A_191 = arith.addi %mul3A_5, %add3A_190 : vector<16xi32>
    %gather3A_192 = tpu.vector_load_idx %arg5[%add3A_191] : memref<25600xi32, #tpu.memory_space<vmem>>[vector<16xi32>], vector<16xi32>,
    %swap3A_193 = arith.constant 0 : index
    %swap3A_194 = tpu.vector_load %arg6[%swap3A_193] {strides = array<i32>} : memref<128xi32, #tpu.memory_space<vmem>>, vector<16xi32>,
    tpu.vector_store %arg6[%swap3A_193], %gather3A_192 {strides = array<i32>} : memref<128xi32, #tpu.memory_space<vmem>>, vector<16xi32>,
    %add3A_195 = arith.constant 13600 : i32
    %add3A_196 = vector.broadcast %add3A_195 : i32 to vector<16xi32>
    %add3A_197 = arith.addi %mul3A_5, %add3A_196 : vector<16xi32>
    %gather3A_198 = tpu.vector_load_idx %arg5[%add3A_197] : memref<25600xi32, #tpu.memory_space<vmem>>[vector<16xi32>], vector<16xi32>,
    %swap3A_199 = arith.constant 16 : index
    %swap3A_200 = tpu.vector_load %arg6[%swap3A_199] {strides = array<i32>} : memref<128xi32, #tpu.memory_space<vmem>>, vector<16xi32>,
    tpu.vector_store %arg6[%swap3A_199], %gather3A_198 {strides = array<i32>} : memref<128xi32, #tpu.memory_space<vmem>>, vector<16xi32>,
    %add3A_201 = arith.constant 14400 : i32
    %add3A_202 = vector.broadcast %add3A_201 : i32 to vector<16xi32>
    %add3A_203 = arith.addi %mul3A_5, %add3A_202 : vector<16xi32>
    %gather3A_204 = tpu.vector_load_idx %arg5[%add3A_203] : memref<25600xi32, #tpu.memory_space<vmem>>[vector<16xi32>], vector<16xi32>,
    %swap3A_205 = arith.constant 32 : index
    %swap3A_206 = tpu.vector_load %arg6[%swap3A_205] {strides = array<i32>} : memref<128xi32, #tpu.memory_space<vmem>>, vector<16xi32>,
    tpu.vector_store %arg6[%swap3A_205], %gather3A_204 {strides = array<i32>} : memref<128xi32, #tpu.memory_space<vmem>>, vector<16xi32>,
    %add3A_207 = arith.constant 15200 : i32
    %add3A_208 = vector.broadcast %add3A_207 : i32 to vector<16xi32>
    %add3A_209 = arith.addi %mul3A_5, %add3A_208 : vector<16xi32>
    %gather3A_210 = tpu.vector_load_idx %arg5[%add3A_209] : memref<25600xi32, #tpu.memory_space<vmem>>[vector<16xi32>], vector<16xi32>,
    %swap3A_211 = arith.constant 48 : index
    %swap3A_212 = tpu.vector_load %arg6[%swap3A_211] {strides = array<i32>} : memref<128xi32, #tpu.memory_space<vmem>>, vector<16xi32>,
    tpu.vector_store %arg6[%swap3A_211], %gather3A_210 {strides = array<i32>} : memref<128xi32, #tpu.memory_space<vmem>>, vector<16xi32>,
    %add3A_213 = arith.constant 16000 : i32
    %add3A_214 = vector.broadcast %add3A_213 : i32 to vector<16xi32>
    %add3A_215 = arith.addi %mul3A_5, %add3A_214 : vector<16xi32>
    %gather3A_216 = tpu.vector_load_idx %arg5[%add3A_215] : memref<25600xi32, #tpu.memory_space<vmem>>[vector<16xi32>], vector<16xi32>,
    %swap3A_217 = arith.constant 64 : index
    %swap3A_218 = tpu.vector_load %arg6[%swap3A_217] {strides = array<i32>} : memref<128xi32, #tpu.memory_space<vmem>>, vector<16xi32>,
    tpu.vector_store %arg6[%swap3A_217], %gather3A_216 {strides = array<i32>} : memref<128xi32, #tpu.memory_space<vmem>>, vector<16xi32>,
    %add3A_219 = arith.constant 16800 : i32
    %add3A_220 = vector.broadcast %add3A_219 : i32 to vector<16xi32>
    %add3A_221 = arith.addi %mul3A_5, %add3A_220 : vector<16xi32>
    %gather3A_222 = tpu.vector_load_idx %arg5[%add3A_221] : memref<25600xi32, #tpu.memory_space<vmem>>[vector<16xi32>], vector<16xi32>,
    %swap3A_223 = arith.constant 80 : index
    %swap3A_224 = tpu.vector_load %arg6[%swap3A_223] {strides = array<i32>} : memref<128xi32, #tpu.memory_space<vmem>>, vector<16xi32>,
    tpu.vector_store %arg6[%swap3A_223], %gather3A_222 {strides = array<i32>} : memref<128xi32, #tpu.memory_space<vmem>>, vector<16xi32>,
    %add3A_225 = arith.constant 17600 : i32
    %add3A_226 = vector.broadcast %add3A_225 : i32 to vector<16xi32>
    %add3A_227 = arith.addi %mul3A_5, %add3A_226 : vector<16xi32>
    %gather3A_228 = tpu.vector_load_idx %arg5[%add3A_227] : memref<25600xi32, #tpu.memory_space<vmem>>[vector<16xi32>], vector<16xi32>,
    %swap3A_229 = arith.constant 96 : index
    %swap3A_230 = tpu.vector_load %arg6[%swap3A_229] {strides = array<i32>} : memref<128xi32, #tpu.memory_space<vmem>>, vector<16xi32>,
    tpu.vector_store %arg6[%swap3A_229], %gather3A_228 {strides = array<i32>} : memref<128xi32, #tpu.memory_space<vmem>>, vector<16xi32>,
    %add3A_231 = arith.constant 18400 : i32
    %add3A_232 = vector.broadcast %add3A_231 : i32 to vector<16xi32>
    %add3A_233 = arith.addi %mul3A_5, %add3A_232 : vector<16xi32>
    %gather3A_234 = tpu.vector_load_idx %arg5[%add3A_233] : memref<25600xi32, #tpu.memory_space<vmem>>[vector<16xi32>], vector<16xi32>,
    %swap3A_235 = arith.constant 112 : index
    %swap3A_236 = tpu.vector_load %arg6[%swap3A_235] {strides = array<i32>} : memref<128xi32, #tpu.memory_space<vmem>>, vector<16xi32>,
    tpu.vector_store %arg6[%swap3A_235], %gather3A_234 {strides = array<i32>} : memref<128xi32, #tpu.memory_space<vmem>>, vector<16xi32>,
    %dma_start3A_237 = arith.constant 0 : i32
    %dma_start3A_238 = arith.constant 0 : i32
    %dma_start3A_239 = tpu.memref_slice %arg3[%dma_start3A_237, %dma_start3A_238] : memref<1000000x32xf32, #tpu.memory_space<hbm>> -> memref<1000000x32xf32, #tpu.memory_space<hbm>>
    tpu.enqueue_indirect_dma source(%dma_start3A_239 : memref<1000000x32xf32, #tpu.memory_space<hbm>>) target(%arg8 : memref<128x32xf32, #tpu.memory_space<vmem>>) offsets(%arg6 : memref<128xi32, #tpu.memory_space<vmem>>) semaphore(%arg12 : memref<!tpu.dma_semaphore, #tpu.memory_space<semaphore_mem>>)
    %dma_wait3A_240 = arith.constant 0 : i32
    %dma_wait3A_241 = arith.constant 0 : i32
    %dma_wait3A_242 = tpu.memref_slice %arg3[%dma_wait3A_240, %dma_wait3A_241] : memref<1000000x32xf32, #tpu.memory_space<hbm>> -> memref<1000000x32xf32, #tpu.memory_space<hbm>>
    tpu.wait_indirect_dma semaphore(%arg12 : memref<!tpu.dma_semaphore, #tpu.memory_space<semaphore_mem>>) src(%dma_wait3A_242 : memref<1000000x32xf32, #tpu.memory_space<hbm>>) dst(%arg8 : memref<128x32xf32, #tpu.memory_space<vmem>>)
    %parallel_loop3A_243 = arith.constant 0 : i32
    %parallel_loop3A_244 = arith.constant 16 : i32
    %parallel_loop3A_245 = arith.constant 1 : i32
    scf.for %parallel_loop3A_678 = %parallel_loop3A_243 to %parallel_loop3A_244 step %parallel_loop3A_245  : i32 {
      %parallel_loop3A_679 = vector.broadcast %parallel_loop3A_678 : i32 to vector<16xi32>
      %parallel_loop3A_680 = arith.addi %mul3A_33, %parallel_loop3A_679 : vector<16xi32>
      %parallel_loop3A_681 = arith.constant 16 : i32
      %parallel_loop3A_682 = vector.broadcast %parallel_loop3A_681 : i32 to vector<16xi32>
      %parallel_loop3A_683 = arith.addi %parallel_loop3A_680, %parallel_loop3A_682 : vector<16xi32>
      %parallel_loop3A_684 = tpu.vector_load_idx %arg9[%add3A_9, %parallel_loop3A_680] : memref<128x32xf32, #tpu.memory_space<vmem>>[vector<16xi32>, vector<16xi32>], vector<16xf32>,
      %parallel_loop3A_685 = tpu.vector_load_idx %arg9[%add3A_9, %parallel_loop3A_683] : memref<128x32xf32, #tpu.memory_space<vmem>>[vector<16xi32>, vector<16xi32>], vector<16xf32>,
      %parallel_loop3A_686 = arith.constant 128 : i32
      %parallel_loop3A_687 = arith.muli %parallel_loop3A_678, %parallel_loop3A_686 : i32
      %parallel_loop3A_688 = arith.constant 0 : i32
      %parallel_loop3A_689 = arith.addi %parallel_loop3A_687, %parallel_loop3A_688 : i32
      %parallel_loop3A_690 = arith.index_cast %parallel_loop3A_689 : i32 to index
      %parallel_loop3A_691 = tpu.vector_load %arg11[%parallel_loop3A_690] {strides = array<i32>} : memref<4096xf32, #tpu.memory_space<vmem>>, vector<16xf32>,
      tpu.vector_store %arg11[%parallel_loop3A_690], %parallel_loop3A_684 {strides = array<i32>} : memref<4096xf32, #tpu.memory_space<vmem>>, vector<16xf32>,
      %parallel_loop3A_692 = arith.constant 16 : i32
      %parallel_loop3A_693 = arith.addi %parallel_loop3A_678, %parallel_loop3A_692 : i32
      %parallel_loop3A_694 = arith.constant 128 : i32
      %parallel_loop3A_695 = arith.muli %parallel_loop3A_693, %parallel_loop3A_694 : i32
      %parallel_loop3A_696 = arith.constant 0 : i32
      %parallel_loop3A_697 = arith.addi %parallel_loop3A_695, %parallel_loop3A_696 : i32
      %parallel_loop3A_698 = arith.index_cast %parallel_loop3A_697 : i32 to index
      %parallel_loop3A_699 = tpu.vector_load %arg11[%parallel_loop3A_698] {strides = array<i32>} : memref<4096xf32, #tpu.memory_space<vmem>>, vector<16xf32>,
      tpu.vector_store %arg11[%parallel_loop3A_698], %parallel_loop3A_685 {strides = array<i32>} : memref<4096xf32, #tpu.memory_space<vmem>>, vector<16xf32>,
      %parallel_loop3A_700 = tpu.vector_load_idx %arg9[%add3A_12, %parallel_loop3A_680] : memref<128x32xf32, #tpu.memory_space<vmem>>[vector<16xi32>, vector<16xi32>], vector<16xf32>,
      %parallel_loop3A_701 = tpu.vector_load_idx %arg9[%add3A_12, %parallel_loop3A_683] : memref<128x32xf32, #tpu.memory_space<vmem>>[vector<16xi32>, vector<16xi32>], vector<16xf32>,
      %parallel_loop3A_702 = arith.constant 128 : i32
      %parallel_loop3A_703 = arith.muli %parallel_loop3A_678, %parallel_loop3A_702 : i32
      %parallel_loop3A_704 = arith.constant 16 : i32
      %parallel_loop3A_705 = arith.addi %parallel_loop3A_703, %parallel_loop3A_704 : i32
      %parallel_loop3A_706 = arith.index_cast %parallel_loop3A_705 : i32 to index
      %parallel_loop3A_707 = tpu.vector_load %arg11[%parallel_loop3A_706] {strides = array<i32>} : memref<4096xf32, #tpu.memory_space<vmem>>, vector<16xf32>,
      tpu.vector_store %arg11[%parallel_loop3A_706], %parallel_loop3A_700 {strides = array<i32>} : memref<4096xf32, #tpu.memory_space<vmem>>, vector<16xf32>,
      %parallel_loop3A_708 = arith.constant 16 : i32
      %parallel_loop3A_709 = arith.addi %parallel_loop3A_678, %parallel_loop3A_708 : i32
      %parallel_loop3A_710 = arith.constant 128 : i32
      %parallel_loop3A_711 = arith.muli %parallel_loop3A_709, %parallel_loop3A_710 : i32
      %parallel_loop3A_712 = arith.constant 16 : i32
      %parallel_loop3A_713 = arith.addi %parallel_loop3A_711, %parallel_loop3A_712 : i32
      %parallel_loop3A_714 = arith.index_cast %parallel_loop3A_713 : i32 to index
      %parallel_loop3A_715 = tpu.vector_load %arg11[%parallel_loop3A_714] {strides = array<i32>} : memref<4096xf32, #tpu.memory_space<vmem>>, vector<16xf32>,
      tpu.vector_store %arg11[%parallel_loop3A_714], %parallel_loop3A_701 {strides = array<i32>} : memref<4096xf32, #tpu.memory_space<vmem>>, vector<16xf32>,
      %parallel_loop3A_716 = tpu.vector_load_idx %arg9[%add3A_15, %parallel_loop3A_680] : memref<128x32xf32, #tpu.memory_space<vmem>>[vector<16xi32>, vector<16xi32>], vector<16xf32>,
      %parallel_loop3A_717 = tpu.vector_load_idx %arg9[%add3A_15, %parallel_loop3A_683] : memref<128x32xf32, #tpu.memory_space<vmem>>[vector<16xi32>, vector<16xi32>], vector<16xf32>,
      %parallel_loop3A_718 = arith.constant 128 : i32
      %parallel_loop3A_719 = arith.muli %parallel_loop3A_678, %parallel_loop3A_718 : i32
      %parallel_loop3A_720 = arith.constant 32 : i32
      %parallel_loop3A_721 = arith.addi %parallel_loop3A_719, %parallel_loop3A_720 : i32
      %parallel_loop3A_722 = arith.index_cast %parallel_loop3A_721 : i32 to index
      %parallel_loop3A_723 = tpu.vector_load %arg11[%parallel_loop3A_722] {strides = array<i32>} : memref<4096xf32, #tpu.memory_space<vmem>>, vector<16xf32>,
      tpu.vector_store %arg11[%parallel_loop3A_722], %parallel_loop3A_716 {strides = array<i32>} : memref<4096xf32, #tpu.memory_space<vmem>>, vector<16xf32>,
      %parallel_loop3A_724 = arith.constant 16 : i32
      %parallel_loop3A_725 = arith.addi %parallel_loop3A_678, %parallel_loop3A_724 : i32
      %parallel_loop3A_726 = arith.constant 128 : i32
      %parallel_loop3A_727 = arith.muli %parallel_loop3A_725, %parallel_loop3A_726 : i32
      %parallel_loop3A_728 = arith.constant 32 : i32
      %parallel_loop3A_729 = arith.addi %parallel_loop3A_727, %parallel_loop3A_728 : i32
      %parallel_loop3A_730 = arith.index_cast %parallel_loop3A_729 : i32 to index
      %parallel_loop3A_731 = tpu.vector_load %arg11[%parallel_loop3A_730] {strides = array<i32>} : memref<4096xf32, #tpu.memory_space<vmem>>, vector<16xf32>,
      tpu.vector_store %arg11[%parallel_loop3A_730], %parallel_loop3A_717 {strides = array<i32>} : memref<4096xf32, #tpu.memory_space<vmem>>, vector<16xf32>,
      %parallel_loop3A_732 = tpu.vector_load_idx %arg9[%add3A_18, %parallel_loop3A_680] : memref<128x32xf32, #tpu.memory_space<vmem>>[vector<16xi32>, vector<16xi32>], vector<16xf32>,
      %parallel_loop3A_733 = tpu.vector_load_idx %arg9[%add3A_18, %parallel_loop3A_683] : memref<128x32xf32, #tpu.memory_space<vmem>>[vector<16xi32>, vector<16xi32>], vector<16xf32>,
      %parallel_loop3A_734 = arith.constant 128 : i32
      %parallel_loop3A_735 = arith.muli %parallel_loop3A_678, %parallel_loop3A_734 : i32
      %parallel_loop3A_736 = arith.constant 48 : i32
      %parallel_loop3A_737 = arith.addi %parallel_loop3A_735, %parallel_loop3A_736 : i32
      %parallel_loop3A_738 = arith.index_cast %parallel_loop3A_737 : i32 to index
      %parallel_loop3A_739 = tpu.vector_load %arg11[%parallel_loop3A_738] {strides = array<i32>} : memref<4096xf32, #tpu.memory_space<vmem>>, vector<16xf32>,
      tpu.vector_store %arg11[%parallel_loop3A_738], %parallel_loop3A_732 {strides = array<i32>} : memref<4096xf32, #tpu.memory_space<vmem>>, vector<16xf32>,
      %parallel_loop3A_740 = arith.constant 16 : i32
      %parallel_loop3A_741 = arith.addi %parallel_loop3A_678, %parallel_loop3A_740 : i32
      %parallel_loop3A_742 = arith.constant 128 : i32
      %parallel_loop3A_743 = arith.muli %parallel_loop3A_741, %parallel_loop3A_742 : i32
      %parallel_loop3A_744 = arith.constant 48 : i32
      %parallel_loop3A_745 = arith.addi %parallel_loop3A_743, %parallel_loop3A_744 : i32
      %parallel_loop3A_746 = arith.index_cast %parallel_loop3A_745 : i32 to index
      %parallel_loop3A_747 = tpu.vector_load %arg11[%parallel_loop3A_746] {strides = array<i32>} : memref<4096xf32, #tpu.memory_space<vmem>>, vector<16xf32>,
      tpu.vector_store %arg11[%parallel_loop3A_746], %parallel_loop3A_733 {strides = array<i32>} : memref<4096xf32, #tpu.memory_space<vmem>>, vector<16xf32>,
      %parallel_loop3A_748 = tpu.vector_load_idx %arg9[%add3A_21, %parallel_loop3A_680] : memref<128x32xf32, #tpu.memory_space<vmem>>[vector<16xi32>, vector<16xi32>], vector<16xf32>,
      %parallel_loop3A_749 = tpu.vector_load_idx %arg9[%add3A_21, %parallel_loop3A_683] : memref<128x32xf32, #tpu.memory_space<vmem>>[vector<16xi32>, vector<16xi32>], vector<16xf32>,
      %parallel_loop3A_750 = arith.constant 128 : i32
      %parallel_loop3A_751 = arith.muli %parallel_loop3A_678, %parallel_loop3A_750 : i32
      %parallel_loop3A_752 = arith.constant 64 : i32
      %parallel_loop3A_753 = arith.addi %parallel_loop3A_751, %parallel_loop3A_752 : i32
      %parallel_loop3A_754 = arith.index_cast %parallel_loop3A_753 : i32 to index
      %parallel_loop3A_755 = tpu.vector_load %arg11[%parallel_loop3A_754] {strides = array<i32>} : memref<4096xf32, #tpu.memory_space<vmem>>, vector<16xf32>,
      tpu.vector_store %arg11[%parallel_loop3A_754], %parallel_loop3A_748 {strides = array<i32>} : memref<4096xf32, #tpu.memory_space<vmem>>, vector<16xf32>,
      %parallel_loop3A_756 = arith.constant 16 : i32
      %parallel_loop3A_757 = arith.addi %parallel_loop3A_678, %parallel_loop3A_756 : i32
      %parallel_loop3A_758 = arith.constant 128 : i32
      %parallel_loop3A_759 = arith.muli %parallel_loop3A_757, %parallel_loop3A_758 : i32
      %parallel_loop3A_760 = arith.constant 64 : i32
      %parallel_loop3A_761 = arith.addi %parallel_loop3A_759, %parallel_loop3A_760 : i32
      %parallel_loop3A_762 = arith.index_cast %parallel_loop3A_761 : i32 to index
      %parallel_loop3A_763 = tpu.vector_load %arg11[%parallel_loop3A_762] {strides = array<i32>} : memref<4096xf32, #tpu.memory_space<vmem>>, vector<16xf32>,
      tpu.vector_store %arg11[%parallel_loop3A_762], %parallel_loop3A_749 {strides = array<i32>} : memref<4096xf32, #tpu.memory_space<vmem>>, vector<16xf32>,
      %parallel_loop3A_764 = tpu.vector_load_idx %arg9[%add3A_24, %parallel_loop3A_680] : memref<128x32xf32, #tpu.memory_space<vmem>>[vector<16xi32>, vector<16xi32>], vector<16xf32>,
      %parallel_loop3A_765 = tpu.vector_load_idx %arg9[%add3A_24, %parallel_loop3A_683] : memref<128x32xf32, #tpu.memory_space<vmem>>[vector<16xi32>, vector<16xi32>], vector<16xf32>,
      %parallel_loop3A_766 = arith.constant 128 : i32
      %parallel_loop3A_767 = arith.muli %parallel_loop3A_678, %parallel_loop3A_766 : i32
      %parallel_loop3A_768 = arith.constant 80 : i32
      %parallel_loop3A_769 = arith.addi %parallel_loop3A_767, %parallel_loop3A_768 : i32
      %parallel_loop3A_770 = arith.index_cast %parallel_loop3A_769 : i32 to index
      %parallel_loop3A_771 = tpu.vector_load %arg11[%parallel_loop3A_770] {strides = array<i32>} : memref<4096xf32, #tpu.memory_space<vmem>>, vector<16xf32>,
      tpu.vector_store %arg11[%parallel_loop3A_770], %parallel_loop3A_764 {strides = array<i32>} : memref<4096xf32, #tpu.memory_space<vmem>>, vector<16xf32>,
      %parallel_loop3A_772 = arith.constant 16 : i32
      %parallel_loop3A_773 = arith.addi %parallel_loop3A_678, %parallel_loop3A_772 : i32
      %parallel_loop3A_774 = arith.constant 128 : i32
      %parallel_loop3A_775 = arith.muli %parallel_loop3A_773, %parallel_loop3A_774 : i32
      %parallel_loop3A_776 = arith.constant 80 : i32
      %parallel_loop3A_777 = arith.addi %parallel_loop3A_775, %parallel_loop3A_776 : i32
      %parallel_loop3A_778 = arith.index_cast %parallel_loop3A_777 : i32 to index
      %parallel_loop3A_779 = tpu.vector_load %arg11[%parallel_loop3A_778] {strides = array<i32>} : memref<4096xf32, #tpu.memory_space<vmem>>, vector<16xf32>,
      tpu.vector_store %arg11[%parallel_loop3A_778], %parallel_loop3A_765 {strides = array<i32>} : memref<4096xf32, #tpu.memory_space<vmem>>, vector<16xf32>,
      %parallel_loop3A_780 = tpu.vector_load_idx %arg9[%add3A_27, %parallel_loop3A_680] : memref<128x32xf32, #tpu.memory_space<vmem>>[vector<16xi32>, vector<16xi32>], vector<16xf32>,
      %parallel_loop3A_781 = tpu.vector_load_idx %arg9[%add3A_27, %parallel_loop3A_683] : memref<128x32xf32, #tpu.memory_space<vmem>>[vector<16xi32>, vector<16xi32>], vector<16xf32>,
      %parallel_loop3A_782 = arith.constant 128 : i32
      %parallel_loop3A_783 = arith.muli %parallel_loop3A_678, %parallel_loop3A_782 : i32
      %parallel_loop3A_784 = arith.constant 96 : i32
      %parallel_loop3A_785 = arith.addi %parallel_loop3A_783, %parallel_loop3A_784 : i32
      %parallel_loop3A_786 = arith.index_cast %parallel_loop3A_785 : i32 to index
      %parallel_loop3A_787 = tpu.vector_load %arg11[%parallel_loop3A_786] {strides = array<i32>} : memref<4096xf32, #tpu.memory_space<vmem>>, vector<16xf32>,
      tpu.vector_store %arg11[%parallel_loop3A_786], %parallel_loop3A_780 {strides = array<i32>} : memref<4096xf32, #tpu.memory_space<vmem>>, vector<16xf32>,
      %parallel_loop3A_788 = arith.constant 16 : i32
      %parallel_loop3A_789 = arith.addi %parallel_loop3A_678, %parallel_loop3A_788 : i32
      %parallel_loop3A_790 = arith.constant 128 : i32
      %parallel_loop3A_791 = arith.muli %parallel_loop3A_789, %parallel_loop3A_790 : i32
      %parallel_loop3A_792 = arith.constant 96 : i32
      %parallel_loop3A_793 = arith.addi %parallel_loop3A_791, %parallel_loop3A_792 : i32
      %parallel_loop3A_794 = arith.index_cast %parallel_loop3A_793 : i32 to index
      %parallel_loop3A_795 = tpu.vector_load %arg11[%parallel_loop3A_794] {strides = array<i32>} : memref<4096xf32, #tpu.memory_space<vmem>>, vector<16xf32>,
      tpu.vector_store %arg11[%parallel_loop3A_794], %parallel_loop3A_781 {strides = array<i32>} : memref<4096xf32, #tpu.memory_space<vmem>>, vector<16xf32>,
      %parallel_loop3A_796 = tpu.vector_load_idx %arg9[%add3A_30, %parallel_loop3A_680] : memref<128x32xf32, #tpu.memory_space<vmem>>[vector<16xi32>, vector<16xi32>], vector<16xf32>,
      %parallel_loop3A_797 = tpu.vector_load_idx %arg9[%add3A_30, %parallel_loop3A_683] : memref<128x32xf32, #tpu.memory_space<vmem>>[vector<16xi32>, vector<16xi32>], vector<16xf32>,
      %parallel_loop3A_798 = arith.constant 128 : i32
      %parallel_loop3A_799 = arith.muli %parallel_loop3A_678, %parallel_loop3A_798 : i32
      %parallel_loop3A_800 = arith.constant 112 : i32
      %parallel_loop3A_801 = arith.addi %parallel_loop3A_799, %parallel_loop3A_800 : i32
      %parallel_loop3A_802 = arith.index_cast %parallel_loop3A_801 : i32 to index
      %parallel_loop3A_803 = tpu.vector_load %arg11[%parallel_loop3A_802] {strides = array<i32>} : memref<4096xf32, #tpu.memory_space<vmem>>, vector<16xf32>,
      tpu.vector_store %arg11[%parallel_loop3A_802], %parallel_loop3A_796 {strides = array<i32>} : memref<4096xf32, #tpu.memory_space<vmem>>, vector<16xf32>,
      %parallel_loop3A_804 = arith.constant 16 : i32
      %parallel_loop3A_805 = arith.addi %parallel_loop3A_678, %parallel_loop3A_804 : i32
      %parallel_loop3A_806 = arith.constant 128 : i32
      %parallel_loop3A_807 = arith.muli %parallel_loop3A_805, %parallel_loop3A_806 : i32
      %parallel_loop3A_808 = arith.constant 112 : i32
      %parallel_loop3A_809 = arith.addi %parallel_loop3A_807, %parallel_loop3A_808 : i32
      %parallel_loop3A_810 = arith.index_cast %parallel_loop3A_809 : i32 to index
      %parallel_loop3A_811 = tpu.vector_load %arg11[%parallel_loop3A_810] {strides = array<i32>} : memref<4096xf32, #tpu.memory_space<vmem>>, vector<16xf32>,
      tpu.vector_store %arg11[%parallel_loop3A_810], %parallel_loop3A_797 {strides = array<i32>} : memref<4096xf32, #tpu.memory_space<vmem>>, vector<16xf32>,
    } {sc.loop_unroll_factor = 4 : i64, sc.parallel_access}
    %mul3A_246 = arith.constant 4 : i32
    %mul3A_247 = arith.muli %add3A, %mul3A_246 : i32
    %add3A_248 = arith.constant 1 : i32
    %add3A_249 = arith.addi %mul3A_247, %add3A_248 : i32
    %dma_start3A_250 = arith.constant 0 : i32
    %dma_start3A_251 = arith.constant 0 : i32
    %dma_start3A_252 = arith.constant 0 : i32
    %dma_start3A_253 = tpu.memref_slice %arg11[%dma_start3A_252] : memref<4096xf32, #tpu.memory_space<vmem>> -> memref<1024xf32, #tpu.memory_space<vmem>>
    %dma_start3A_254 = arith.constant 0 : i32
    %dma_start3A_255 = tpu.memref_slice %arg4[%dma_start3A_250, %dma_start3A_251, %add3A_249, %dma_start3A_254] : memref<50x4x128x1024xf32, #tpu.memory_space<hbm>> -> memref<1x1x1x1024xf32, #tpu.memory_space<hbm>>
    %dma_start3A_256 = tpu.memref_squeeze %dma_start3A_255 : memref<1x1x1x1024xf32, #tpu.memory_space<hbm>> -> memref<1024xf32, #tpu.memory_space<hbm>>
    %dma_start3A_257 = arith.constant 0 : i32
    %dma_start3A_258 = tpu.memref_slice %arg4[%dma_start3A_250, %dma_start3A_251, %add3A_249, %dma_start3A_257] : memref<50x4x128x1024xf32, #tpu.memory_space<hbm>> -> memref<1x1x1x1024xf32, #tpu.memory_space<hbm>>
    %dma_start3A_259 = tpu.memref_squeeze %dma_start3A_258 : memref<1x1x1x1024xf32, #tpu.memory_space<hbm>> -> memref<1024xf32, #tpu.memory_space<hbm>>
    %dma_start3A_260 = arith.constant 0 : i32
    %dma_start3A_261 = tpu.memref_slice %arg11[%dma_start3A_260] : memref<4096xf32, #tpu.memory_space<vmem>> -> memref<1024xf32, #tpu.memory_space<vmem>>
    tpu.enqueue_dma source(%dma_start3A_261 : memref<1024xf32, #tpu.memory_space<vmem>>) target(%dma_start3A_259 : memref<1024xf32, #tpu.memory_space<hbm>>) target_semaphore(%arg14 : memref<!tpu.dma_semaphore, #tpu.memory_space<semaphore_mem>>)
    %dma_start3A_262 = arith.constant 0 : i32
    %dma_start3A_263 = arith.constant 1 : i32
    %dma_start3A_264 = arith.constant 1024 : i32
    %dma_start3A_265 = tpu.memref_slice %arg11[%dma_start3A_264] : memref<4096xf32, #tpu.memory_space<vmem>> -> memref<1024xf32, #tpu.memory_space<vmem>>
    %dma_start3A_266 = arith.constant 0 : i32
    %dma_start3A_267 = tpu.memref_slice %arg4[%dma_start3A_262, %dma_start3A_263, %add3A_249, %dma_start3A_266] : memref<50x4x128x1024xf32, #tpu.memory_space<hbm>> -> memref<1x1x1x1024xf32, #tpu.memory_space<hbm>>
    %dma_start3A_268 = tpu.memref_squeeze %dma_start3A_267 : memref<1x1x1x1024xf32, #tpu.memory_space<hbm>> -> memref<1024xf32, #tpu.memory_space<hbm>>
    %dma_start3A_269 = arith.constant 0 : i32
    %dma_start3A_270 = tpu.memref_slice %arg4[%dma_start3A_262, %dma_start3A_263, %add3A_249, %dma_start3A_269] : memref<50x4x128x1024xf32, #tpu.memory_space<hbm>> -> memref<1x1x1x1024xf32, #tpu.memory_space<hbm>>
    %dma_start3A_271 = tpu.memref_squeeze %dma_start3A_270 : memref<1x1x1x1024xf32, #tpu.memory_space<hbm>> -> memref<1024xf32, #tpu.memory_space<hbm>>
    %dma_start3A_272 = arith.constant 1024 : i32
    %dma_start3A_273 = tpu.memref_slice %arg11[%dma_start3A_272] : memref<4096xf32, #tpu.memory_space<vmem>> -> memref<1024xf32, #tpu.memory_space<vmem>>
    tpu.enqueue_dma source(%dma_start3A_273 : memref<1024xf32, #tpu.memory_space<vmem>>) target(%dma_start3A_271 : memref<1024xf32, #tpu.memory_space<hbm>>) target_semaphore(%arg14 : memref<!tpu.dma_semaphore, #tpu.memory_space<semaphore_mem>>)
    %dma_start3A_274 = arith.constant 0 : i32
    %dma_start3A_275 = arith.constant 2 : i32
    %dma_start3A_276 = arith.constant 2048 : i32
    %dma_start3A_277 = tpu.memref_slice %arg11[%dma_start3A_276] : memref<4096xf32, #tpu.memory_space<vmem>> -> memref<1024xf32, #tpu.memory_space<vmem>>
    %dma_start3A_278 = arith.constant 0 : i32
    %dma_start3A_279 = tpu.memref_slice %arg4[%dma_start3A_274, %dma_start3A_275, %add3A_249, %dma_start3A_278] : memref<50x4x128x1024xf32, #tpu.memory_space<hbm>> -> memref<1x1x1x1024xf32, #tpu.memory_space<hbm>>
    %dma_start3A_280 = tpu.memref_squeeze %dma_start3A_279 : memref<1x1x1x1024xf32, #tpu.memory_space<hbm>> -> memref<1024xf32, #tpu.memory_space<hbm>>
    %dma_start3A_281 = arith.constant 0 : i32
    %dma_start3A_282 = tpu.memref_slice %arg4[%dma_start3A_274, %dma_start3A_275, %add3A_249, %dma_start3A_281] : memref<50x4x128x1024xf32, #tpu.memory_space<hbm>> -> memref<1x1x1x1024xf32, #tpu.memory_space<hbm>>
    %dma_start3A_283 = tpu.memref_squeeze %dma_start3A_282 : memref<1x1x1x1024xf32, #tpu.memory_space<hbm>> -> memref<1024xf32, #tpu.memory_space<hbm>>
    %dma_start3A_284 = arith.constant 2048 : i32
    %dma_start3A_285 = tpu.memref_slice %arg11[%dma_start3A_284] : memref<4096xf32, #tpu.memory_space<vmem>> -> memref<1024xf32, #tpu.memory_space<vmem>>
    tpu.enqueue_dma source(%dma_start3A_285 : memref<1024xf32, #tpu.memory_space<vmem>>) target(%dma_start3A_283 : memref<1024xf32, #tpu.memory_space<hbm>>) target_semaphore(%arg14 : memref<!tpu.dma_semaphore, #tpu.memory_space<semaphore_mem>>)
    %dma_start3A_286 = arith.constant 0 : i32
    %dma_start3A_287 = arith.constant 3 : i32
    %dma_start3A_288 = arith.constant 3072 : i32
    %dma_start3A_289 = tpu.memref_slice %arg11[%dma_start3A_288] : memref<4096xf32, #tpu.memory_space<vmem>> -> memref<1024xf32, #tpu.memory_space<vmem>>
    %dma_start3A_290 = arith.constant 0 : i32
    %dma_start3A_291 = tpu.memref_slice %arg4[%dma_start3A_286, %dma_start3A_287, %add3A_249, %dma_start3A_290] : memref<50x4x128x1024xf32, #tpu.memory_space<hbm>> -> memref<1x1x1x1024xf32, #tpu.memory_space<hbm>>
    %dma_start3A_292 = tpu.memref_squeeze %dma_start3A_291 : memref<1x1x1x1024xf32, #tpu.memory_space<hbm>> -> memref<1024xf32, #tpu.memory_space<hbm>>
    %dma_start3A_293 = arith.constant 0 : i32
    %dma_start3A_294 = tpu.memref_slice %arg4[%dma_start3A_286, %dma_start3A_287, %add3A_249, %dma_start3A_293] : memref<50x4x128x1024xf32, #tpu.memory_space<hbm>> -> memref<1x1x1x1024xf32, #tpu.memory_space<hbm>>
    %dma_start3A_295 = tpu.memref_squeeze %dma_start3A_294 : memref<1x1x1x1024xf32, #tpu.memory_space<hbm>> -> memref<1024xf32, #tpu.memory_space<hbm>>
    %dma_start3A_296 = arith.constant 3072 : i32
    %dma_start3A_297 = tpu.memref_slice %arg11[%dma_start3A_296] : memref<4096xf32, #tpu.memory_space<vmem>> -> memref<1024xf32, #tpu.memory_space<vmem>>
    tpu.enqueue_dma source(%dma_start3A_297 : memref<1024xf32, #tpu.memory_space<vmem>>) target(%dma_start3A_295 : memref<1024xf32, #tpu.memory_space<hbm>>) target_semaphore(%arg14 : memref<!tpu.dma_semaphore, #tpu.memory_space<semaphore_mem>>)
    %scan3A = arith.constant 0 : i32
    %scan3A_298 = arith.constant 0 : i32
    %scan3A_299 = arith.constant 98 : i32
    %scan3A_300 = arith.addi %scan3A_298, %scan3A_299 : i32
    %scan3A_301 = arith.constant 1 : i32
    scf.for %scan3A_678 = %scan3A_298 to %scan3A_300 step %scan3A_301  : i32 {
      %mul3A_679 = arith.constant 2 : i32
      %mul3A_680 = arith.muli %mul3A_679, %scan3A_678 : i32
      %add3A_681 = arith.constant 2 : i32
      %add3A_682 = arith.addi %add3A_681, %mul3A_680 : i32
      %add3A_683 = arith.constant 1 : i32
      %add3A_684 = arith.addi %add3A_682, %add3A_683 : i32
      %jit3A = arith.constant 4 : i32
      %eq3A = arith.constant 0 : i32
      %eq3A_685 = arith.cmpi eq, %jit3A, %eq3A : i32
      %jit3A_686 = arith.constant 1 : i32
      %select_n3A = arith.select %eq3A_685, %jit3A_686, %jit3A : i32
      %rem3A = arith.remsi %add3A_684, %select_n3A : i32
      %ne3A = arith.constant 0 : i32
      %ne3A_687 = arith.cmpi ne, %rem3A, %ne3A : i32
      %lt3A = arith.constant 0 : i32
      %lt3A_688 = arith.cmpi slt, %rem3A, %lt3A : i32
      %lt3A_689 = arith.constant 0 : i32
      %lt3A_690 = arith.cmpi slt, %select_n3A, %lt3A_689 : i32
      %ne3A_691 = arith.xori %lt3A_688, %lt3A_690 : i1
      %and3A = arith.andi %ne3A_691, %ne3A_687 : i1
      %add3A_692 = arith.addi %rem3A, %select_n3A : i32
      %select_n3A_693 = arith.select %and3A, %add3A_692, %rem3A : i32
      %jit3A_694 = arith.constant 4 : i32
      %div3A = arith.divsi %add3A_684, %jit3A_694 : i32
      %sign3A = arith.constant 0 : i32
      %sign3A_695 = arith.cmpi sgt, %add3A_684, %sign3A : i32
      %sign3A_696 = arith.extui %sign3A_695 : i1 to i32
      %sign3A_697 = arith.constant 0 : i32
      %sign3A_698 = arith.cmpi slt, %add3A_684, %sign3A_697 : i32
      %sign3A_699 = arith.extui %sign3A_698 : i1 to i32
      %sign3A_700 = arith.subi %sign3A_696, %sign3A_699 : i32
      %sign3A_701 = arith.constant 0 : i32
      %sign3A_702 = arith.cmpi sgt, %jit3A_694, %sign3A_701 : i32
      %sign3A_703 = arith.extui %sign3A_702 : i1 to i32
      %sign3A_704 = arith.constant 0 : i32
      %sign3A_705 = arith.cmpi slt, %jit3A_694, %sign3A_704 : i32
      %sign3A_706 = arith.extui %sign3A_705 : i1 to i32
      %sign3A_707 = arith.subi %sign3A_703, %sign3A_706 : i32
      %ne3A_708 = arith.cmpi ne, %sign3A_700, %sign3A_707 : i32
      %rem3A_709 = arith.remsi %add3A_684, %jit3A_694 : i32
      %ne3A_710 = arith.constant 0 : i32
      %ne3A_711 = arith.cmpi ne, %rem3A_709, %ne3A_710 : i32
      %and3A_712 = arith.andi %ne3A_708, %ne3A_711 : i1
      %sub3A = arith.constant 1 : i32
      %sub3A_713 = arith.subi %div3A, %sub3A : i32
      %select_n3A_714 = arith.select %and3A_712, %sub3A_713, %div3A : i32
      %mul3A_715 = arith.constant 6400 : i32
      %mul3A_716 = arith.muli %select_n3A_693, %mul3A_715 : i32
      %add3A_717 = arith.addi %mul3A_716, %select_n3A_714 : i32
      %add3A_718 = arith.constant 0 : i32
      %add3A_719 = arith.addi %add3A_717, %add3A_718 : i32
      %add3A_720 = vector.broadcast %add3A_719 : i32 to vector<16xi32>
      %add3A_721 = arith.addi %mul3A_5, %add3A_720 : vector<16xi32>
      %gather3A_722 = tpu.vector_load_idx %arg5[%add3A_721] : memref<25600xi32, #tpu.memory_space<vmem>>[vector<16xi32>], vector<16xi32>,
      %swap3A_723 = arith.constant 0 : index
      %swap3A_724 = tpu.vector_load %arg7[%swap3A_723] {strides = array<i32>} : memref<128xi32, #tpu.memory_space<vmem>>, vector<16xi32>,
      tpu.vector_store %arg7[%swap3A_723], %gather3A_722 {strides = array<i32>} : memref<128xi32, #tpu.memory_space<vmem>>, vector<16xi32>,
      %add3A_725 = arith.constant 800 : i32
      %add3A_726 = arith.addi %add3A_717, %add3A_725 : i32
      %add3A_727 = vector.broadcast %add3A_726 : i32 to vector<16xi32>
      %add3A_728 = arith.addi %mul3A_5, %add3A_727 : vector<16xi32>
      %gather3A_729 = tpu.vector_load_idx %arg5[%add3A_728] : memref<25600xi32, #tpu.memory_space<vmem>>[vector<16xi32>], vector<16xi32>,
      %swap3A_730 = arith.constant 16 : index
      %swap3A_731 = tpu.vector_load %arg7[%swap3A_730] {strides = array<i32>} : memref<128xi32, #tpu.memory_space<vmem>>, vector<16xi32>,
      tpu.vector_store %arg7[%swap3A_730], %gather3A_729 {strides = array<i32>} : memref<128xi32, #tpu.memory_space<vmem>>, vector<16xi32>,
      %add3A_732 = arith.constant 1600 : i32
      %add3A_733 = arith.addi %add3A_717, %add3A_732 : i32
      %add3A_734 = vector.broadcast %add3A_733 : i32 to vector<16xi32>
      %add3A_735 = arith.addi %mul3A_5, %add3A_734 : vector<16xi32>
      %gather3A_736 = tpu.vector_load_idx %arg5[%add3A_735] : memref<25600xi32, #tpu.memory_space<vmem>>[vector<16xi32>], vector<16xi32>,
      %swap3A_737 = arith.constant 32 : index
      %swap3A_738 = tpu.vector_load %arg7[%swap3A_737] {strides = array<i32>} : memref<128xi32, #tpu.memory_space<vmem>>, vector<16xi32>,
      tpu.vector_store %arg7[%swap3A_737], %gather3A_736 {strides = array<i32>} : memref<128xi32, #tpu.memory_space<vmem>>, vector<16xi32>,
      %add3A_739 = arith.constant 2400 : i32
      %add3A_740 = arith.addi %add3A_717, %add3A_739 : i32
      %add3A_741 = vector.broadcast %add3A_740 : i32 to vector<16xi32>
      %add3A_742 = arith.addi %mul3A_5, %add3A_741 : vector<16xi32>
      %gather3A_743 = tpu.vector_load_idx %arg5[%add3A_742] : memref<25600xi32, #tpu.memory_space<vmem>>[vector<16xi32>], vector<16xi32>,
      %swap3A_744 = arith.constant 48 : index
      %swap3A_745 = tpu.vector_load %arg7[%swap3A_744] {strides = array<i32>} : memref<128xi32, #tpu.memory_space<vmem>>, vector<16xi32>,
      tpu.vector_store %arg7[%swap3A_744], %gather3A_743 {strides = array<i32>} : memref<128xi32, #tpu.memory_space<vmem>>, vector<16xi32>,
      %add3A_746 = arith.constant 3200 : i32
      %add3A_747 = arith.addi %add3A_717, %add3A_746 : i32
      %add3A_748 = vector.broadcast %add3A_747 : i32 to vector<16xi32>
      %add3A_749 = arith.addi %mul3A_5, %add3A_748 : vector<16xi32>
      %gather3A_750 = tpu.vector_load_idx %arg5[%add3A_749] : memref<25600xi32, #tpu.memory_space<vmem>>[vector<16xi32>], vector<16xi32>,
      %swap3A_751 = arith.constant 64 : index
      %swap3A_752 = tpu.vector_load %arg7[%swap3A_751] {strides = array<i32>} : memref<128xi32, #tpu.memory_space<vmem>>, vector<16xi32>,
      tpu.vector_store %arg7[%swap3A_751], %gather3A_750 {strides = array<i32>} : memref<128xi32, #tpu.memory_space<vmem>>, vector<16xi32>,
      %add3A_753 = arith.constant 4000 : i32
      %add3A_754 = arith.addi %add3A_717, %add3A_753 : i32
      %add3A_755 = vector.broadcast %add3A_754 : i32 to vector<16xi32>
      %add3A_756 = arith.addi %mul3A_5, %add3A_755 : vector<16xi32>
      %gather3A_757 = tpu.vector_load_idx %arg5[%add3A_756] : memref<25600xi32, #tpu.memory_space<vmem>>[vector<16xi32>], vector<16xi32>,
      %swap3A_758 = arith.constant 80 : index
      %swap3A_759 = tpu.vector_load %arg7[%swap3A_758] {strides = array<i32>} : memref<128xi32, #tpu.memory_space<vmem>>, vector<16xi32>,
      tpu.vector_store %arg7[%swap3A_758], %gather3A_757 {strides = array<i32>} : memref<128xi32, #tpu.memory_space<vmem>>, vector<16xi32>,
      %add3A_760 = arith.constant 4800 : i32
      %add3A_761 = arith.addi %add3A_717, %add3A_760 : i32
      %add3A_762 = vector.broadcast %add3A_761 : i32 to vector<16xi32>
      %add3A_763 = arith.addi %mul3A_5, %add3A_762 : vector<16xi32>
      %gather3A_764 = tpu.vector_load_idx %arg5[%add3A_763] : memref<25600xi32, #tpu.memory_space<vmem>>[vector<16xi32>], vector<16xi32>,
      %swap3A_765 = arith.constant 96 : index
      %swap3A_766 = tpu.vector_load %arg7[%swap3A_765] {strides = array<i32>} : memref<128xi32, #tpu.memory_space<vmem>>, vector<16xi32>,
      tpu.vector_store %arg7[%swap3A_765], %gather3A_764 {strides = array<i32>} : memref<128xi32, #tpu.memory_space<vmem>>, vector<16xi32>,
      %add3A_767 = arith.constant 5600 : i32
      %add3A_768 = arith.addi %add3A_717, %add3A_767 : i32
      %add3A_769 = vector.broadcast %add3A_768 : i32 to vector<16xi32>
      %add3A_770 = arith.addi %mul3A_5, %add3A_769 : vector<16xi32>
      %gather3A_771 = tpu.vector_load_idx %arg5[%add3A_770] : memref<25600xi32, #tpu.memory_space<vmem>>[vector<16xi32>], vector<16xi32>,
      %swap3A_772 = arith.constant 112 : index
      %swap3A_773 = tpu.vector_load %arg7[%swap3A_772] {strides = array<i32>} : memref<128xi32, #tpu.memory_space<vmem>>, vector<16xi32>,
      tpu.vector_store %arg7[%swap3A_772], %gather3A_771 {strides = array<i32>} : memref<128xi32, #tpu.memory_space<vmem>>, vector<16xi32>,
      %dma_start3A_774 = arith.constant 0 : i32
      %dma_start3A_775 = arith.constant 0 : i32
      %dma_start3A_776 = tpu.memref_slice %arg3[%dma_start3A_774, %dma_start3A_775] : memref<1000000x32xf32, #tpu.memory_space<hbm>> -> memref<1000000x32xf32, #tpu.memory_space<hbm>>
      tpu.enqueue_indirect_dma source(%dma_start3A_776 : memref<1000000x32xf32, #tpu.memory_space<hbm>>) target(%arg9 : memref<128x32xf32, #tpu.memory_space<vmem>>) offsets(%arg7 : memref<128xi32, #tpu.memory_space<vmem>>) semaphore(%arg12 : memref<!tpu.dma_semaphore, #tpu.memory_space<semaphore_mem>>)
      %dma_wait3A_777 = arith.constant 0 : i32
      %dma_wait3A_778 = arith.constant 0 : i32
      %dma_wait3A_779 = tpu.memref_slice %arg3[%dma_wait3A_777, %dma_wait3A_778] : memref<1000000x32xf32, #tpu.memory_space<hbm>> -> memref<1000000x32xf32, #tpu.memory_space<hbm>>
      tpu.wait_indirect_dma semaphore(%arg12 : memref<!tpu.dma_semaphore, #tpu.memory_space<semaphore_mem>>) src(%dma_wait3A_779 : memref<1000000x32xf32, #tpu.memory_space<hbm>>) dst(%arg8 : memref<128x32xf32, #tpu.memory_space<vmem>>)
      %dma_wait3A_780 = arith.constant 0 : i32
      %dma_wait3A_781 = arith.constant 0 : i32
      %dma_wait3A_782 = arith.constant 0 : i32
      %dma_wait3A_783 = arith.constant 0 : i32
      %dma_wait3A_784 = tpu.memref_slice %arg10[%dma_wait3A_783] : memref<4096xf32, #tpu.memory_space<vmem>> -> memref<1024xf32, #tpu.memory_space<vmem>>
      %dma_wait3A_785 = arith.constant 0 : i32
      %dma_wait3A_786 = tpu.memref_slice %arg4[%dma_wait3A_780, %dma_wait3A_781, %dma_wait3A_782, %dma_wait3A_785] : memref<50x4x128x1024xf32, #tpu.memory_space<hbm>> -> memref<1x1x1x1024xf32, #tpu.memory_space<hbm>>
      %dma_wait3A_787 = tpu.memref_squeeze %dma_wait3A_786 : memref<1x1x1x1024xf32, #tpu.memory_space<hbm>> -> memref<1024xf32, #tpu.memory_space<hbm>>
      %dma_wait3A_788 = arith.constant 0 : i32
      %dma_wait3A_789 = tpu.memref_slice %arg4[%dma_wait3A_780, %dma_wait3A_781, %dma_wait3A_782, %dma_wait3A_788] : memref<50x4x128x1024xf32, #tpu.memory_space<hbm>> -> memref<1x1x1x1024xf32, #tpu.memory_space<hbm>>
      %dma_wait3A_790 = tpu.memref_squeeze %dma_wait3A_789 : memref<1x1x1x1024xf32, #tpu.memory_space<hbm>> -> memref<1024xf32, #tpu.memory_space<hbm>>
      %dma_wait3A_791 = arith.constant 0 : i32
      %dma_wait3A_792 = tpu.memref_slice %arg10[%dma_wait3A_791] : memref<4096xf32, #tpu.memory_space<vmem>> -> memref<1024xf32, #tpu.memory_space<vmem>>
      tpu.wait_dma2 semaphore(%arg13 : memref<!tpu.dma_semaphore, #tpu.memory_space<semaphore_mem>>) src(%dma_wait3A_792 : memref<1024xf32, #tpu.memory_space<vmem>>) dst(%dma_wait3A_790 : memref<1024xf32, #tpu.memory_space<hbm>>)
      %dma_wait3A_793 = arith.constant 0 : i32
      %dma_wait3A_794 = arith.constant 0 : i32
      %dma_wait3A_795 = arith.constant 0 : i32
      %dma_wait3A_796 = arith.constant 0 : i32
      %dma_wait3A_797 = tpu.memref_slice %arg10[%dma_wait3A_796] : memref<4096xf32, #tpu.memory_space<vmem>> -> memref<1024xf32, #tpu.memory_space<vmem>>
      %dma_wait3A_798 = arith.constant 0 : i32
      %dma_wait3A_799 = tpu.memref_slice %arg4[%dma_wait3A_793, %dma_wait3A_794, %dma_wait3A_795, %dma_wait3A_798] : memref<50x4x128x1024xf32, #tpu.memory_space<hbm>> -> memref<1x1x1x1024xf32, #tpu.memory_space<hbm>>
      %dma_wait3A_800 = tpu.memref_squeeze %dma_wait3A_799 : memref<1x1x1x1024xf32, #tpu.memory_space<hbm>> -> memref<1024xf32, #tpu.memory_space<hbm>>
      %dma_wait3A_801 = arith.constant 0 : i32
      %dma_wait3A_802 = tpu.memref_slice %arg4[%dma_wait3A_793, %dma_wait3A_794, %dma_wait3A_795, %dma_wait3A_801] : memref<50x4x128x1024xf32, #tpu.memory_space<hbm>> -> memref<1x1x1x1024xf32, #tpu.memory_space<hbm>>
      %dma_wait3A_803 = tpu.memref_squeeze %dma_wait3A_802 : memref<1x1x1x1024xf32, #tpu.memory_space<hbm>> -> memref<1024xf32, #tpu.memory_space<hbm>>
      %dma_wait3A_804 = arith.constant 0 : i32
      %dma_wait3A_805 = tpu.memref_slice %arg10[%dma_wait3A_804] : memref<4096xf32, #tpu.memory_space<vmem>> -> memref<1024xf32, #tpu.memory_space<vmem>>
      tpu.wait_dma2 semaphore(%arg13 : memref<!tpu.dma_semaphore, #tpu.memory_space<semaphore_mem>>) src(%dma_wait3A_805 : memref<1024xf32, #tpu.memory_space<vmem>>) dst(%dma_wait3A_803 : memref<1024xf32, #tpu.memory_space<hbm>>)
      %dma_wait3A_806 = arith.constant 0 : i32
      %dma_wait3A_807 = arith.constant 0 : i32
      %dma_wait3A_808 = arith.constant 0 : i32
      %dma_wait3A_809 = arith.constant 0 : i32
      %dma_wait3A_810 = tpu.memref_slice %arg10[%dma_wait3A_809] : memref<4096xf32, #tpu.memory_space<vmem>> -> memref<1024xf32, #tpu.memory_space<vmem>>
      %dma_wait3A_811 = arith.constant 0 : i32
      %dma_wait3A_812 = tpu.memref_slice %arg4[%dma_wait3A_806, %dma_wait3A_807, %dma_wait3A_808, %dma_wait3A_811] : memref<50x4x128x1024xf32, #tpu.memory_space<hbm>> -> memref<1x1x1x1024xf32, #tpu.memory_space<hbm>>
      %dma_wait3A_813 = tpu.memref_squeeze %dma_wait3A_812 : memref<1x1x1x1024xf32, #tpu.memory_space<hbm>> -> memref<1024xf32, #tpu.memory_space<hbm>>
      %dma_wait3A_814 = arith.constant 0 : i32
      %dma_wait3A_815 = tpu.memref_slice %arg4[%dma_wait3A_806, %dma_wait3A_807, %dma_wait3A_808, %dma_wait3A_814] : memref<50x4x128x1024xf32, #tpu.memory_space<hbm>> -> memref<1x1x1x1024xf32, #tpu.memory_space<hbm>>
      %dma_wait3A_816 = tpu.memref_squeeze %dma_wait3A_815 : memref<1x1x1x1024xf32, #tpu.memory_space<hbm>> -> memref<1024xf32, #tpu.memory_space<hbm>>
      %dma_wait3A_817 = arith.constant 0 : i32
      %dma_wait3A_818 = tpu.memref_slice %arg10[%dma_wait3A_817] : memref<4096xf32, #tpu.memory_space<vmem>> -> memref<1024xf32, #tpu.memory_space<vmem>>
      tpu.wait_dma2 semaphore(%arg13 : memref<!tpu.dma_semaphore, #tpu.memory_space<semaphore_mem>>) src(%dma_wait3A_818 : memref<1024xf32, #tpu.memory_space<vmem>>) dst(%dma_wait3A_816 : memref<1024xf32, #tpu.memory_space<hbm>>)
      %dma_wait3A_819 = arith.constant 0 : i32
      %dma_wait3A_820 = arith.constant 0 : i32
      %dma_wait3A_821 = arith.constant 0 : i32
      %dma_wait3A_822 = arith.constant 0 : i32
      %dma_wait3A_823 = tpu.memref_slice %arg10[%dma_wait3A_822] : memref<4096xf32, #tpu.memory_space<vmem>> -> memref<1024xf32, #tpu.memory_space<vmem>>
      %dma_wait3A_824 = arith.constant 0 : i32
      %dma_wait3A_825 = tpu.memref_slice %arg4[%dma_wait3A_819, %dma_wait3A_820, %dma_wait3A_821, %dma_wait3A_824] : memref<50x4x128x1024xf32, #tpu.memory_space<hbm>> -> memref<1x1x1x1024xf32, #tpu.memory_space<hbm>>
      %dma_wait3A_826 = tpu.memref_squeeze %dma_wait3A_825 : memref<1x1x1x1024xf32, #tpu.memory_space<hbm>> -> memref<1024xf32, #tpu.memory_space<hbm>>
      %dma_wait3A_827 = arith.constant 0 : i32
      %dma_wait3A_828 = tpu.memref_slice %arg4[%dma_wait3A_819, %dma_wait3A_820, %dma_wait3A_821, %dma_wait3A_827] : memref<50x4x128x1024xf32, #tpu.memory_space<hbm>> -> memref<1x1x1x1024xf32, #tpu.memory_space<hbm>>
      %dma_wait3A_829 = tpu.memref_squeeze %dma_wait3A_828 : memref<1x1x1x1024xf32, #tpu.memory_space<hbm>> -> memref<1024xf32, #tpu.memory_space<hbm>>
      %dma_wait3A_830 = arith.constant 0 : i32
      %dma_wait3A_831 = tpu.memref_slice %arg10[%dma_wait3A_830] : memref<4096xf32, #tpu.memory_space<vmem>> -> memref<1024xf32, #tpu.memory_space<vmem>>
      tpu.wait_dma2 semaphore(%arg13 : memref<!tpu.dma_semaphore, #tpu.memory_space<semaphore_mem>>) src(%dma_wait3A_831 : memref<1024xf32, #tpu.memory_space<vmem>>) dst(%dma_wait3A_829 : memref<1024xf32, #tpu.memory_space<hbm>>)
      %parallel_loop3A_832 = arith.constant 0 : i32
      %parallel_loop3A_833 = arith.constant 16 : i32
      %parallel_loop3A_834 = arith.constant 1 : i32
      scf.for %parallel_loop3A_1173 = %parallel_loop3A_832 to %parallel_loop3A_833 step %parallel_loop3A_834  : i32 {
        %parallel_loop3A_1174 = vector.broadcast %parallel_loop3A_1173 : i32 to vector<16xi32>
        %parallel_loop3A_1175 = arith.addi %mul3A_33, %parallel_loop3A_1174 : vector<16xi32>
        %parallel_loop3A_1176 = arith.constant 16 : i32
        %parallel_loop3A_1177 = vector.broadcast %parallel_loop3A_1176 : i32 to vector<16xi32>
        %parallel_loop3A_1178 = arith.addi %parallel_loop3A_1175, %parallel_loop3A_1177 : vector<16xi32>
        %parallel_loop3A_1179 = tpu.vector_load_idx %arg8[%add3A_9, %parallel_loop3A_1175] : memref<128x32xf32, #tpu.memory_space<vmem>>[vector<16xi32>, vector<16xi32>], vector<16xf32>,
        %parallel_loop3A_1180 = tpu.vector_load_idx %arg8[%add3A_9, %parallel_loop3A_1178] : memref<128x32xf32, #tpu.memory_space<vmem>>[vector<16xi32>, vector<16xi32>], vector<16xf32>,
        %parallel_loop3A_1181 = arith.constant 128 : i32
        %parallel_loop3A_1182 = arith.muli %parallel_loop3A_1173, %parallel_loop3A_1181 : i32
        %parallel_loop3A_1183 = arith.constant 0 : i32
        %parallel_loop3A_1184 = arith.addi %parallel_loop3A_1182, %parallel_loop3A_1183 : i32
        %parallel_loop3A_1185 = arith.index_cast %parallel_loop3A_1184 : i32 to index
        %parallel_loop3A_1186 = tpu.vector_load %arg10[%parallel_loop3A_1185] {strides = array<i32>} : memref<4096xf32, #tpu.memory_space<vmem>>, vector<16xf32>,
        tpu.vector_store %arg10[%parallel_loop3A_1185], %parallel_loop3A_1179 {strides = array<i32>} : memref<4096xf32, #tpu.memory_space<vmem>>, vector<16xf32>,
        %parallel_loop3A_1187 = arith.constant 16 : i32
        %parallel_loop3A_1188 = arith.addi %parallel_loop3A_1173, %parallel_loop3A_1187 : i32
        %parallel_loop3A_1189 = arith.constant 128 : i32
        %parallel_loop3A_1190 = arith.muli %parallel_loop3A_1188, %parallel_loop3A_1189 : i32
        %parallel_loop3A_1191 = arith.constant 0 : i32
        %parallel_loop3A_1192 = arith.addi %parallel_loop3A_1190, %parallel_loop3A_1191 : i32
        %parallel_loop3A_1193 = arith.index_cast %parallel_loop3A_1192 : i32 to index
        %parallel_loop3A_1194 = tpu.vector_load %arg10[%parallel_loop3A_1193] {strides = array<i32>} : memref<4096xf32, #tpu.memory_space<vmem>>, vector<16xf32>,
        tpu.vector_store %arg10[%parallel_loop3A_1193], %parallel_loop3A_1180 {strides = array<i32>} : memref<4096xf32, #tpu.memory_space<vmem>>, vector<16xf32>,
        %parallel_loop3A_1195 = tpu.vector_load_idx %arg8[%add3A_12, %parallel_loop3A_1175] : memref<128x32xf32, #tpu.memory_space<vmem>>[vector<16xi32>, vector<16xi32>], vector<16xf32>,
        %parallel_loop3A_1196 = tpu.vector_load_idx %arg8[%add3A_12, %parallel_loop3A_1178] : memref<128x32xf32, #tpu.memory_space<vmem>>[vector<16xi32>, vector<16xi32>], vector<16xf32>,
        %parallel_loop3A_1197 = arith.constant 128 : i32
        %parallel_loop3A_1198 = arith.muli %parallel_loop3A_1173, %parallel_loop3A_1197 : i32
        %parallel_loop3A_1199 = arith.constant 16 : i32
        %parallel_loop3A_1200 = arith.addi %parallel_loop3A_1198, %parallel_loop3A_1199 : i32
        %parallel_loop3A_1201 = arith.index_cast %parallel_loop3A_1200 : i32 to index
        %parallel_loop3A_1202 = tpu.vector_load %arg10[%parallel_loop3A_1201] {strides = array<i32>} : memref<4096xf32, #tpu.memory_space<vmem>>, vector<16xf32>,
        tpu.vector_store %arg10[%parallel_loop3A_1201], %parallel_loop3A_1195 {strides = array<i32>} : memref<4096xf32, #tpu.memory_space<vmem>>, vector<16xf32>,
        %parallel_loop3A_1203 = arith.constant 16 : i32
        %parallel_loop3A_1204 = arith.addi %parallel_loop3A_1173, %parallel_loop3A_1203 : i32
        %parallel_loop3A_1205 = arith.constant 128 : i32
        %parallel_loop3A_1206 = arith.muli %parallel_loop3A_1204, %parallel_loop3A_1205 : i32
        %parallel_loop3A_1207 = arith.constant 16 : i32
        %parallel_loop3A_1208 = arith.addi %parallel_loop3A_1206, %parallel_loop3A_1207 : i32
        %parallel_loop3A_1209 = arith.index_cast %parallel_loop3A_1208 : i32 to index
        %parallel_loop3A_1210 = tpu.vector_load %arg10[%parallel_loop3A_1209] {strides = array<i32>} : memref<4096xf32, #tpu.memory_space<vmem>>, vector<16xf32>,
        tpu.vector_store %arg10[%parallel_loop3A_1209], %parallel_loop3A_1196 {strides = array<i32>} : memref<4096xf32, #tpu.memory_space<vmem>>, vector<16xf32>,
        %parallel_loop3A_1211 = tpu.vector_load_idx %arg8[%add3A_15, %parallel_loop3A_1175] : memref<128x32xf32, #tpu.memory_space<vmem>>[vector<16xi32>, vector<16xi32>], vector<16xf32>,
        %parallel_loop3A_1212 = tpu.vector_load_idx %arg8[%add3A_15, %parallel_loop3A_1178] : memref<128x32xf32, #tpu.memory_space<vmem>>[vector<16xi32>, vector<16xi32>], vector<16xf32>,
        %parallel_loop3A_1213 = arith.constant 128 : i32
        %parallel_loop3A_1214 = arith.muli %parallel_loop3A_1173, %parallel_loop3A_1213 : i32
        %parallel_loop3A_1215 = arith.constant 32 : i32
        %parallel_loop3A_1216 = arith.addi %parallel_loop3A_1214, %parallel_loop3A_1215 : i32
        %parallel_loop3A_1217 = arith.index_cast %parallel_loop3A_1216 : i32 to index
        %parallel_loop3A_1218 = tpu.vector_load %arg10[%parallel_loop3A_1217] {strides = array<i32>} : memref<4096xf32, #tpu.memory_space<vmem>>, vector<16xf32>,
        tpu.vector_store %arg10[%parallel_loop3A_1217], %parallel_loop3A_1211 {strides = array<i32>} : memref<4096xf32, #tpu.memory_space<vmem>>, vector<16xf32>,
        %parallel_loop3A_1219 = arith.constant 16 : i32
        %parallel_loop3A_1220 = arith.addi %parallel_loop3A_1173, %parallel_loop3A_1219 : i32
        %parallel_loop3A_1221 = arith.constant 128 : i32
        %parallel_loop3A_1222 = arith.muli %parallel_loop3A_1220, %parallel_loop3A_1221 : i32
        %parallel_loop3A_1223 = arith.constant 32 : i32
        %parallel_loop3A_1224 = arith.addi %parallel_loop3A_1222, %parallel_loop3A_1223 : i32
        %parallel_loop3A_1225 = arith.index_cast %parallel_loop3A_1224 : i32 to index
        %parallel_loop3A_1226 = tpu.vector_load %arg10[%parallel_loop3A_1225] {strides = array<i32>} : memref<4096xf32, #tpu.memory_space<vmem>>, vector<16xf32>,
        tpu.vector_store %arg10[%parallel_loop3A_1225], %parallel_loop3A_1212 {strides = array<i32>} : memref<4096xf32, #tpu.memory_space<vmem>>, vector<16xf32>,
        %parallel_loop3A_1227 = tpu.vector_load_idx %arg8[%add3A_18, %parallel_loop3A_1175] : memref<128x32xf32, #tpu.memory_space<vmem>>[vector<16xi32>, vector<16xi32>], vector<16xf32>,
        %parallel_loop3A_1228 = tpu.vector_load_idx %arg8[%add3A_18, %parallel_loop3A_1178] : memref<128x32xf32, #tpu.memory_space<vmem>>[vector<16xi32>, vector<16xi32>], vector<16xf32>,
        %parallel_loop3A_1229 = arith.constant 128 : i32
        %parallel_loop3A_1230 = arith.muli %parallel_loop3A_1173, %parallel_loop3A_1229 : i32
        %parallel_loop3A_1231 = arith.constant 48 : i32
        %parallel_loop3A_1232 = arith.addi %parallel_loop3A_1230, %parallel_loop3A_1231 : i32
        %parallel_loop3A_1233 = arith.index_cast %parallel_loop3A_1232 : i32 to index
        %parallel_loop3A_1234 = tpu.vector_load %arg10[%parallel_loop3A_1233] {strides = array<i32>} : memref<4096xf32, #tpu.memory_space<vmem>>, vector<16xf32>,
        tpu.vector_store %arg10[%parallel_loop3A_1233], %parallel_loop3A_1227 {strides = array<i32>} : memref<4096xf32, #tpu.memory_space<vmem>>, vector<16xf32>,
        %parallel_loop3A_1235 = arith.constant 16 : i32
        %parallel_loop3A_1236 = arith.addi %parallel_loop3A_1173, %parallel_loop3A_1235 : i32
        %parallel_loop3A_1237 = arith.constant 128 : i32
        %parallel_loop3A_1238 = arith.muli %parallel_loop3A_1236, %parallel_loop3A_1237 : i32
        %parallel_loop3A_1239 = arith.constant 48 : i32
        %parallel_loop3A_1240 = arith.addi %parallel_loop3A_1238, %parallel_loop3A_1239 : i32
        %parallel_loop3A_1241 = arith.index_cast %parallel_loop3A_1240 : i32 to index
        %parallel_loop3A_1242 = tpu.vector_load %arg10[%parallel_loop3A_1241] {strides = array<i32>} : memref<4096xf32, #tpu.memory_space<vmem>>, vector<16xf32>,
        tpu.vector_store %arg10[%parallel_loop3A_1241], %parallel_loop3A_1228 {strides = array<i32>} : memref<4096xf32, #tpu.memory_space<vmem>>, vector<16xf32>,
        %parallel_loop3A_1243 = tpu.vector_load_idx %arg8[%add3A_21, %parallel_loop3A_1175] : memref<128x32xf32, #tpu.memory_space<vmem>>[vector<16xi32>, vector<16xi32>], vector<16xf32>,
        %parallel_loop3A_1244 = tpu.vector_load_idx %arg8[%add3A_21, %parallel_loop3A_1178] : memref<128x32xf32, #tpu.memory_space<vmem>>[vector<16xi32>, vector<16xi32>], vector<16xf32>,
        %parallel_loop3A_1245 = arith.constant 128 : i32
        %parallel_loop3A_1246 = arith.muli %parallel_loop3A_1173, %parallel_loop3A_1245 : i32
        %parallel_loop3A_1247 = arith.constant 64 : i32
        %parallel_loop3A_1248 = arith.addi %parallel_loop3A_1246, %parallel_loop3A_1247 : i32
        %parallel_loop3A_1249 = arith.index_cast %parallel_loop3A_1248 : i32 to index
        %parallel_loop3A_1250 = tpu.vector_load %arg10[%parallel_loop3A_1249] {strides = array<i32>} : memref<4096xf32, #tpu.memory_space<vmem>>, vector<16xf32>,
        tpu.vector_store %arg10[%parallel_loop3A_1249], %parallel_loop3A_1243 {strides = array<i32>} : memref<4096xf32, #tpu.memory_space<vmem>>, vector<16xf32>,
        %parallel_loop3A_1251 = arith.constant 16 : i32
        %parallel_loop3A_1252 = arith.addi %parallel_loop3A_1173, %parallel_loop3A_1251 : i32
        %parallel_loop3A_1253 = arith.constant 128 : i32
        %parallel_loop3A_1254 = arith.muli %parallel_loop3A_1252, %parallel_loop3A_1253 : i32
        %parallel_loop3A_1255 = arith.constant 64 : i32
        %parallel_loop3A_1256 = arith.addi %parallel_loop3A_1254, %parallel_loop3A_1255 : i32
        %parallel_loop3A_1257 = arith.index_cast %parallel_loop3A_1256 : i32 to index
        %parallel_loop3A_1258 = tpu.vector_load %arg10[%parallel_loop3A_1257] {strides = array<i32>} : memref<4096xf32, #tpu.memory_space<vmem>>, vector<16xf32>,
        tpu.vector_store %arg10[%parallel_loop3A_1257], %parallel_loop3A_1244 {strides = array<i32>} : memref<4096xf32, #tpu.memory_space<vmem>>, vector<16xf32>,
        %parallel_loop3A_1259 = tpu.vector_load_idx %arg8[%add3A_24, %parallel_loop3A_1175] : memref<128x32xf32, #tpu.memory_space<vmem>>[vector<16xi32>, vector<16xi32>], vector<16xf32>,
        %parallel_loop3A_1260 = tpu.vector_load_idx %arg8[%add3A_24, %parallel_loop3A_1178] : memref<128x32xf32, #tpu.memory_space<vmem>>[vector<16xi32>, vector<16xi32>], vector<16xf32>,
        %parallel_loop3A_1261 = arith.constant 128 : i32
        %parallel_loop3A_1262 = arith.muli %parallel_loop3A_1173, %parallel_loop3A_1261 : i32
        %parallel_loop3A_1263 = arith.constant 80 : i32
        %parallel_loop3A_1264 = arith.addi %parallel_loop3A_1262, %parallel_loop3A_1263 : i32
        %parallel_loop3A_1265 = arith.index_cast %parallel_loop3A_1264 : i32 to index
        %parallel_loop3A_1266 = tpu.vector_load %arg10[%parallel_loop3A_1265] {strides = array<i32>} : memref<4096xf32, #tpu.memory_space<vmem>>, vector<16xf32>,
        tpu.vector_store %arg10[%parallel_loop3A_1265], %parallel_loop3A_1259 {strides = array<i32>} : memref<4096xf32, #tpu.memory_space<vmem>>, vector<16xf32>,
        %parallel_loop3A_1267 = arith.constant 16 : i32
        %parallel_loop3A_1268 = arith.addi %parallel_loop3A_1173, %parallel_loop3A_1267 : i32
        %parallel_loop3A_1269 = arith.constant 128 : i32
        %parallel_loop3A_1270 = arith.muli %parallel_loop3A_1268, %parallel_loop3A_1269 : i32
        %parallel_loop3A_1271 = arith.constant 80 : i32
        %parallel_loop3A_1272 = arith.addi %parallel_loop3A_1270, %parallel_loop3A_1271 : i32
        %parallel_loop3A_1273 = arith.index_cast %parallel_loop3A_1272 : i32 to index
        %parallel_loop3A_1274 = tpu.vector_load %arg10[%parallel_loop3A_1273] {strides = array<i32>} : memref<4096xf32, #tpu.memory_space<vmem>>, vector<16xf32>,
        tpu.vector_store %arg10[%parallel_loop3A_1273], %parallel_loop3A_1260 {strides = array<i32>} : memref<4096xf32, #tpu.memory_space<vmem>>, vector<16xf32>,
        %parallel_loop3A_1275 = tpu.vector_load_idx %arg8[%add3A_27, %parallel_loop3A_1175] : memref<128x32xf32, #tpu.memory_space<vmem>>[vector<16xi32>, vector<16xi32>], vector<16xf32>,
        %parallel_loop3A_1276 = tpu.vector_load_idx %arg8[%add3A_27, %parallel_loop3A_1178] : memref<128x32xf32, #tpu.memory_space<vmem>>[vector<16xi32>, vector<16xi32>], vector<16xf32>,
        %parallel_loop3A_1277 = arith.constant 128 : i32
        %parallel_loop3A_1278 = arith.muli %parallel_loop3A_1173, %parallel_loop3A_1277 : i32
        %parallel_loop3A_1279 = arith.constant 96 : i32
        %parallel_loop3A_1280 = arith.addi %parallel_loop3A_1278, %parallel_loop3A_1279 : i32
        %parallel_loop3A_1281 = arith.index_cast %parallel_loop3A_1280 : i32 to index
        %parallel_loop3A_1282 = tpu.vector_load %arg10[%parallel_loop3A_1281] {strides = array<i32>} : memref<4096xf32, #tpu.memory_space<vmem>>, vector<16xf32>,
        tpu.vector_store %arg10[%parallel_loop3A_1281], %parallel_loop3A_1275 {strides = array<i32>} : memref<4096xf32, #tpu.memory_space<vmem>>, vector<16xf32>,
        %parallel_loop3A_1283 = arith.constant 16 : i32
        %parallel_loop3A_1284 = arith.addi %parallel_loop3A_1173, %parallel_loop3A_1283 : i32
        %parallel_loop3A_1285 = arith.constant 128 : i32
        %parallel_loop3A_1286 = arith.muli %parallel_loop3A_1284, %parallel_loop3A_1285 : i32
        %parallel_loop3A_1287 = arith.constant 96 : i32
        %parallel_loop3A_1288 = arith.addi %parallel_loop3A_1286, %parallel_loop3A_1287 : i32
        %parallel_loop3A_1289 = arith.index_cast %parallel_loop3A_1288 : i32 to index
        %parallel_loop3A_1290 = tpu.vector_load %arg10[%parallel_loop3A_1289] {strides = array<i32>} : memref<4096xf32, #tpu.memory_space<vmem>>, vector<16xf32>,
        tpu.vector_store %arg10[%parallel_loop3A_1289], %parallel_loop3A_1276 {strides = array<i32>} : memref<4096xf32, #tpu.memory_space<vmem>>, vector<16xf32>,
        %parallel_loop3A_1291 = tpu.vector_load_idx %arg8[%add3A_30, %parallel_loop3A_1175] : memref<128x32xf32, #tpu.memory_space<vmem>>[vector<16xi32>, vector<16xi32>], vector<16xf32>,
        %parallel_loop3A_1292 = tpu.vector_load_idx %arg8[%add3A_30, %parallel_loop3A_1178] : memref<128x32xf32, #tpu.memory_space<vmem>>[vector<16xi32>, vector<16xi32>], vector<16xf32>,
        %parallel_loop3A_1293 = arith.constant 128 : i32
        %parallel_loop3A_1294 = arith.muli %parallel_loop3A_1173, %parallel_loop3A_1293 : i32
        %parallel_loop3A_1295 = arith.constant 112 : i32
        %parallel_loop3A_1296 = arith.addi %parallel_loop3A_1294, %parallel_loop3A_1295 : i32
        %parallel_loop3A_1297 = arith.index_cast %parallel_loop3A_1296 : i32 to index
        %parallel_loop3A_1298 = tpu.vector_load %arg10[%parallel_loop3A_1297] {strides = array<i32>} : memref<4096xf32, #tpu.memory_space<vmem>>, vector<16xf32>,
        tpu.vector_store %arg10[%parallel_loop3A_1297], %parallel_loop3A_1291 {strides = array<i32>} : memref<4096xf32, #tpu.memory_space<vmem>>, vector<16xf32>,
        %parallel_loop3A_1299 = arith.constant 16 : i32
        %parallel_loop3A_1300 = arith.addi %parallel_loop3A_1173, %parallel_loop3A_1299 : i32
        %parallel_loop3A_1301 = arith.constant 128 : i32
        %parallel_loop3A_1302 = arith.muli %parallel_loop3A_1300, %parallel_loop3A_1301 : i32
        %parallel_loop3A_1303 = arith.constant 112 : i32
        %parallel_loop3A_1304 = arith.addi %parallel_loop3A_1302, %parallel_loop3A_1303 : i32
        %parallel_loop3A_1305 = arith.index_cast %parallel_loop3A_1304 : i32 to index
        %parallel_loop3A_1306 = tpu.vector_load %arg10[%parallel_loop3A_1305] {strides = array<i32>} : memref<4096xf32, #tpu.memory_space<vmem>>, vector<16xf32>,
        tpu.vector_store %arg10[%parallel_loop3A_1305], %parallel_loop3A_1292 {strides = array<i32>} : memref<4096xf32, #tpu.memory_space<vmem>>, vector<16xf32>,
      } {sc.loop_unroll_factor = 4 : i64, sc.parallel_access}
      %jit3A_835 = arith.constant 4 : i32
      %eq3A_836 = arith.constant 0 : i32
      %eq3A_837 = arith.cmpi eq, %jit3A_835, %eq3A_836 : i32
      %jit3A_838 = arith.constant 1 : i32
      %select_n3A_839 = arith.select %eq3A_837, %jit3A_838, %jit3A_835 : i32
      %rem3A_840 = arith.remsi %add3A_682, %select_n3A_839 : i32
      %ne3A_841 = arith.constant 0 : i32
      %ne3A_842 = arith.cmpi ne, %rem3A_840, %ne3A_841 : i32
      %lt3A_843 = arith.constant 0 : i32
      %lt3A_844 = arith.cmpi slt, %rem3A_840, %lt3A_843 : i32
      %lt3A_845 = arith.constant 0 : i32
      %lt3A_846 = arith.cmpi slt, %select_n3A_839, %lt3A_845 : i32
      %ne3A_847 = arith.xori %lt3A_844, %lt3A_846 : i1
      %and3A_848 = arith.andi %ne3A_847, %ne3A_842 : i1
      %add3A_849 = arith.addi %rem3A_840, %select_n3A_839 : i32
      %select_n3A_850 = arith.select %and3A_848, %add3A_849, %rem3A_840 : i32
      %jit3A_851 = arith.constant 4 : i32
      %div3A_852 = arith.divsi %add3A_682, %jit3A_851 : i32
      %sign3A_853 = arith.constant 0 : i32
      %sign3A_854 = arith.cmpi sgt, %add3A_682, %sign3A_853 : i32
      %sign3A_855 = arith.extui %sign3A_854 : i1 to i32
      %sign3A_856 = arith.constant 0 : i32
      %sign3A_857 = arith.cmpi slt, %add3A_682, %sign3A_856 : i32
      %sign3A_858 = arith.extui %sign3A_857 : i1 to i32
      %sign3A_859 = arith.subi %sign3A_855, %sign3A_858 : i32
      %sign3A_860 = arith.constant 0 : i32
      %sign3A_861 = arith.cmpi sgt, %jit3A_851, %sign3A_860 : i32
      %sign3A_862 = arith.extui %sign3A_861 : i1 to i32
      %sign3A_863 = arith.constant 0 : i32
      %sign3A_864 = arith.cmpi slt, %jit3A_851, %sign3A_863 : i32
      %sign3A_865 = arith.extui %sign3A_864 : i1 to i32
      %sign3A_866 = arith.subi %sign3A_862, %sign3A_865 : i32
      %ne3A_867 = arith.cmpi ne, %sign3A_859, %sign3A_866 : i32
      %rem3A_868 = arith.remsi %add3A_682, %jit3A_851 : i32
      %ne3A_869 = arith.constant 0 : i32
      %ne3A_870 = arith.cmpi ne, %rem3A_868, %ne3A_869 : i32
      %and3A_871 = arith.andi %ne3A_867, %ne3A_870 : i1
      %sub3A_872 = arith.constant 1 : i32
      %sub3A_873 = arith.subi %div3A_852, %sub3A_872 : i32
      %select_n3A_874 = arith.select %and3A_871, %sub3A_873, %div3A_852 : i32
      %mul3A_875 = arith.constant 4 : i32
      %mul3A_876 = arith.muli %add3A, %mul3A_875 : i32
      %add3A_877 = arith.addi %mul3A_876, %select_n3A_850 : i32
      %dma_start3A_878 = arith.constant 0 : i32
      %dma_start3A_879 = arith.constant 0 : i32
      %dma_start3A_880 = tpu.memref_slice %arg10[%dma_start3A_879] : memref<4096xf32, #tpu.memory_space<vmem>> -> memref<1024xf32, #tpu.memory_space<vmem>>
      %dma_start3A_881 = arith.constant 0 : i32
      %dma_start3A_882 = tpu.memref_slice %arg4[%select_n3A_874, %dma_start3A_878, %add3A_877, %dma_start3A_881] : memref<50x4x128x1024xf32, #tpu.memory_space<hbm>> -> memref<1x1x1x1024xf32, #tpu.memory_space<hbm>>
      %dma_start3A_883 = tpu.memref_squeeze %dma_start3A_882 : memref<1x1x1x1024xf32, #tpu.memory_space<hbm>> -> memref<1024xf32, #tpu.memory_space<hbm>>
      %dma_start3A_884 = arith.constant 0 : i32
      %dma_start3A_885 = tpu.memref_slice %arg4[%select_n3A_874, %dma_start3A_878, %add3A_877, %dma_start3A_884] : memref<50x4x128x1024xf32, #tpu.memory_space<hbm>> -> memref<1x1x1x1024xf32, #tpu.memory_space<hbm>>
      %dma_start3A_886 = tpu.memref_squeeze %dma_start3A_885 : memref<1x1x1x1024xf32, #tpu.memory_space<hbm>> -> memref<1024xf32, #tpu.memory_space<hbm>>
      %dma_start3A_887 = arith.constant 0 : i32
      %dma_start3A_888 = tpu.memref_slice %arg10[%dma_start3A_887] : memref<4096xf32, #tpu.memory_space<vmem>> -> memref<1024xf32, #tpu.memory_space<vmem>>
      tpu.enqueue_dma source(%dma_start3A_888 : memref<1024xf32, #tpu.memory_space<vmem>>) target(%dma_start3A_886 : memref<1024xf32, #tpu.memory_space<hbm>>) target_semaphore(%arg13 : memref<!tpu.dma_semaphore, #tpu.memory_space<semaphore_mem>>)
      %dma_start3A_889 = arith.constant 1 : i32
      %dma_start3A_890 = arith.constant 1024 : i32
      %dma_start3A_891 = tpu.memref_slice %arg10[%dma_start3A_890] : memref<4096xf32, #tpu.memory_space<vmem>> -> memref<1024xf32, #tpu.memory_space<vmem>>
      %dma_start3A_892 = arith.constant 0 : i32
      %dma_start3A_893 = tpu.memref_slice %arg4[%select_n3A_874, %dma_start3A_889, %add3A_877, %dma_start3A_892] : memref<50x4x128x1024xf32, #tpu.memory_space<hbm>> -> memref<1x1x1x1024xf32, #tpu.memory_space<hbm>>
      %dma_start3A_894 = tpu.memref_squeeze %dma_start3A_893 : memref<1x1x1x1024xf32, #tpu.memory_space<hbm>> -> memref<1024xf32, #tpu.memory_space<hbm>>
      %dma_start3A_895 = arith.constant 0 : i32
      %dma_start3A_896 = tpu.memref_slice %arg4[%select_n3A_874, %dma_start3A_889, %add3A_877, %dma_start3A_895] : memref<50x4x128x1024xf32, #tpu.memory_space<hbm>> -> memref<1x1x1x1024xf32, #tpu.memory_space<hbm>>
      %dma_start3A_897 = tpu.memref_squeeze %dma_start3A_896 : memref<1x1x1x1024xf32, #tpu.memory_space<hbm>> -> memref<1024xf32, #tpu.memory_space<hbm>>
      %dma_start3A_898 = arith.constant 1024 : i32
      %dma_start3A_899 = tpu.memref_slice %arg10[%dma_start3A_898] : memref<4096xf32, #tpu.memory_space<vmem>> -> memref<1024xf32, #tpu.memory_space<vmem>>
      tpu.enqueue_dma source(%dma_start3A_899 : memref<1024xf32, #tpu.memory_space<vmem>>) target(%dma_start3A_897 : memref<1024xf32, #tpu.memory_space<hbm>>) target_semaphore(%arg13 : memref<!tpu.dma_semaphore, #tpu.memory_space<semaphore_mem>>)
      %dma_start3A_900 = arith.constant 2 : i32
      %dma_start3A_901 = arith.constant 2048 : i32
      %dma_start3A_902 = tpu.memref_slice %arg10[%dma_start3A_901] : memref<4096xf32, #tpu.memory_space<vmem>> -> memref<1024xf32, #tpu.memory_space<vmem>>
      %dma_start3A_903 = arith.constant 0 : i32
      %dma_start3A_904 = tpu.memref_slice %arg4[%select_n3A_874, %dma_start3A_900, %add3A_877, %dma_start3A_903] : memref<50x4x128x1024xf32, #tpu.memory_space<hbm>> -> memref<1x1x1x1024xf32, #tpu.memory_space<hbm>>
      %dma_start3A_905 = tpu.memref_squeeze %dma_start3A_904 : memref<1x1x1x1024xf32, #tpu.memory_space<hbm>> -> memref<1024xf32, #tpu.memory_space<hbm>>
      %dma_start3A_906 = arith.constant 0 : i32
      %dma_start3A_907 = tpu.memref_slice %arg4[%select_n3A_874, %dma_start3A_900, %add3A_877, %dma_start3A_906] : memref<50x4x128x1024xf32, #tpu.memory_space<hbm>> -> memref<1x1x1x1024xf32, #tpu.memory_space<hbm>>
      %dma_start3A_908 = tpu.memref_squeeze %dma_start3A_907 : memref<1x1x1x1024xf32, #tpu.memory_space<hbm>> -> memref<1024xf32, #tpu.memory_space<hbm>>
      %dma_start3A_909 = arith.constant 2048 : i32
      %dma_start3A_910 = tpu.memref_slice %arg10[%dma_start3A_909] : memref<4096xf32, #tpu.memory_space<vmem>> -> memref<1024xf32, #tpu.memory_space<vmem>>
      tpu.enqueue_dma source(%dma_start3A_910 : memref<1024xf32, #tpu.memory_space<vmem>>) target(%dma_start3A_908 : memref<1024xf32, #tpu.memory_space<hbm>>) target_semaphore(%arg13 : memref<!tpu.dma_semaphore, #tpu.memory_space<semaphore_mem>>)
      %dma_start3A_911 = arith.constant 3 : i32
      %dma_start3A_912 = arith.constant 3072 : i32
      %dma_start3A_913 = tpu.memref_slice %arg10[%dma_start3A_912] : memref<4096xf32, #tpu.memory_space<vmem>> -> memref<1024xf32, #tpu.memory_space<vmem>>
      %dma_start3A_914 = arith.constant 0 : i32
      %dma_start3A_915 = tpu.memref_slice %arg4[%select_n3A_874, %dma_start3A_911, %add3A_877, %dma_start3A_914] : memref<50x4x128x1024xf32, #tpu.memory_space<hbm>> -> memref<1x1x1x1024xf32, #tpu.memory_space<hbm>>
      %dma_start3A_916 = tpu.memref_squeeze %dma_start3A_915 : memref<1x1x1x1024xf32, #tpu.memory_space<hbm>> -> memref<1024xf32, #tpu.memory_space<hbm>>
      %dma_start3A_917 = arith.constant 0 : i32
      %dma_start3A_918 = tpu.memref_slice %arg4[%select_n3A_874, %dma_start3A_911, %add3A_877, %dma_start3A_917] : memref<50x4x128x1024xf32, #tpu.memory_space<hbm>> -> memref<1x1x1x1024xf32, #tpu.memory_space<hbm>>
      %dma_start3A_919 = tpu.memref_squeeze %dma_start3A_918 : memref<1x1x1x1024xf32, #tpu.memory_space<hbm>> -> memref<1024xf32, #tpu.memory_space<hbm>>
      %dma_start3A_920 = arith.constant 3072 : i32
      %dma_start3A_921 = tpu.memref_slice %arg10[%dma_start3A_920] : memref<4096xf32, #tpu.memory_space<vmem>> -> memref<1024xf32, #tpu.memory_space<vmem>>
      tpu.enqueue_dma source(%dma_start3A_921 : memref<1024xf32, #tpu.memory_space<vmem>>) target(%dma_start3A_919 : memref<1024xf32, #tpu.memory_space<hbm>>) target_semaphore(%arg13 : memref<!tpu.dma_semaphore, #tpu.memory_space<semaphore_mem>>)
      %add3A_922 = arith.constant 2 : i32
      %add3A_923 = arith.addi %add3A_682, %add3A_922 : i32
      %jit3A_924 = arith.constant 4 : i32
      %eq3A_925 = arith.constant 0 : i32
      %eq3A_926 = arith.cmpi eq, %jit3A_924, %eq3A_925 : i32
      %jit3A_927 = arith.constant 1 : i32
      %select_n3A_928 = arith.select %eq3A_926, %jit3A_927, %jit3A_924 : i32
      %rem3A_929 = arith.remsi %add3A_923, %select_n3A_928 : i32
      %ne3A_930 = arith.constant 0 : i32
      %ne3A_931 = arith.cmpi ne, %rem3A_929, %ne3A_930 : i32
      %lt3A_932 = arith.constant 0 : i32
      %lt3A_933 = arith.cmpi slt, %rem3A_929, %lt3A_932 : i32
      %lt3A_934 = arith.constant 0 : i32
      %lt3A_935 = arith.cmpi slt, %select_n3A_928, %lt3A_934 : i32
      %ne3A_936 = arith.xori %lt3A_933, %lt3A_935 : i1
      %and3A_937 = arith.andi %ne3A_936, %ne3A_931 : i1
      %add3A_938 = arith.addi %rem3A_929, %select_n3A_928 : i32
      %select_n3A_939 = arith.select %and3A_937, %add3A_938, %rem3A_929 : i32
      %jit3A_940 = arith.constant 4 : i32
      %div3A_941 = arith.divsi %add3A_923, %jit3A_940 : i32
      %sign3A_942 = arith.constant 0 : i32
      %sign3A_943 = arith.cmpi sgt, %add3A_923, %sign3A_942 : i32
      %sign3A_944 = arith.extui %sign3A_943 : i1 to i32
      %sign3A_945 = arith.constant 0 : i32
      %sign3A_946 = arith.cmpi slt, %add3A_923, %sign3A_945 : i32
      %sign3A_947 = arith.extui %sign3A_946 : i1 to i32
      %sign3A_948 = arith.subi %sign3A_944, %sign3A_947 : i32
      %sign3A_949 = arith.constant 0 : i32
      %sign3A_950 = arith.cmpi sgt, %jit3A_940, %sign3A_949 : i32
      %sign3A_951 = arith.extui %sign3A_950 : i1 to i32
      %sign3A_952 = arith.constant 0 : i32
      %sign3A_953 = arith.cmpi slt, %jit3A_940, %sign3A_952 : i32
      %sign3A_954 = arith.extui %sign3A_953 : i1 to i32
      %sign3A_955 = arith.subi %sign3A_951, %sign3A_954 : i32
      %ne3A_956 = arith.cmpi ne, %sign3A_948, %sign3A_955 : i32
      %rem3A_957 = arith.remsi %add3A_923, %jit3A_940 : i32
      %ne3A_958 = arith.constant 0 : i32
      %ne3A_959 = arith.cmpi ne, %rem3A_957, %ne3A_958 : i32
      %and3A_960 = arith.andi %ne3A_956, %ne3A_959 : i1
      %sub3A_961 = arith.constant 1 : i32
      %sub3A_962 = arith.subi %div3A_941, %sub3A_961 : i32
      %select_n3A_963 = arith.select %and3A_960, %sub3A_962, %div3A_941 : i32
      %mul3A_964 = arith.constant 6400 : i32
      %mul3A_965 = arith.muli %select_n3A_939, %mul3A_964 : i32
      %add3A_966 = arith.addi %mul3A_965, %select_n3A_963 : i32
      %add3A_967 = arith.constant 0 : i32
      %add3A_968 = arith.addi %add3A_966, %add3A_967 : i32
      %add3A_969 = vector.broadcast %add3A_968 : i32 to vector<16xi32>
      %add3A_970 = arith.addi %mul3A_5, %add3A_969 : vector<16xi32>
      %gather3A_971 = tpu.vector_load_idx %arg5[%add3A_970] : memref<25600xi32, #tpu.memory_space<vmem>>[vector<16xi32>], vector<16xi32>,
      %swap3A_972 = arith.constant 0 : index
      %swap3A_973 = tpu.vector_load %arg6[%swap3A_972] {strides = array<i32>} : memref<128xi32, #tpu.memory_space<vmem>>, vector<16xi32>,
      tpu.vector_store %arg6[%swap3A_972], %gather3A_971 {strides = array<i32>} : memref<128xi32, #tpu.memory_space<vmem>>, vector<16xi32>,
      %add3A_974 = arith.constant 800 : i32
      %add3A_975 = arith.addi %add3A_966, %add3A_974 : i32
      %add3A_976 = vector.broadcast %add3A_975 : i32 to vector<16xi32>
      %add3A_977 = arith.addi %mul3A_5, %add3A_976 : vector<16xi32>
      %gather3A_978 = tpu.vector_load_idx %arg5[%add3A_977] : memref<25600xi32, #tpu.memory_space<vmem>>[vector<16xi32>], vector<16xi32>,
      %swap3A_979 = arith.constant 16 : index
      %swap3A_980 = tpu.vector_load %arg6[%swap3A_979] {strides = array<i32>} : memref<128xi32, #tpu.memory_space<vmem>>, vector<16xi32>,
      tpu.vector_store %arg6[%swap3A_979], %gather3A_978 {strides = array<i32>} : memref<128xi32, #tpu.memory_space<vmem>>, vector<16xi32>,
      %add3A_981 = arith.constant 1600 : i32
      %add3A_982 = arith.addi %add3A_966, %add3A_981 : i32
      %add3A_983 = vector.broadcast %add3A_982 : i32 to vector<16xi32>
      %add3A_984 = arith.addi %mul3A_5, %add3A_983 : vector<16xi32>
      %gather3A_985 = tpu.vector_load_idx %arg5[%add3A_984] : memref<25600xi32, #tpu.memory_space<vmem>>[vector<16xi32>], vector<16xi32>,
      %swap3A_986 = arith.constant 32 : index
      %swap3A_987 = tpu.vector_load %arg6[%swap3A_986] {strides = array<i32>} : memref<128xi32, #tpu.memory_space<vmem>>, vector<16xi32>,
      tpu.vector_store %arg6[%swap3A_986], %gather3A_985 {strides = array<i32>} : memref<128xi32, #tpu.memory_space<vmem>>, vector<16xi32>,
      %add3A_988 = arith.constant 2400 : i32
      %add3A_989 = arith.addi %add3A_966, %add3A_988 : i32
      %add3A_990 = vector.broadcast %add3A_989 : i32 to vector<16xi32>
      %add3A_991 = arith.addi %mul3A_5, %add3A_990 : vector<16xi32>
      %gather3A_992 = tpu.vector_load_idx %arg5[%add3A_991] : memref<25600xi32, #tpu.memory_space<vmem>>[vector<16xi32>], vector<16xi32>,
      %swap3A_993 = arith.constant 48 : index
      %swap3A_994 = tpu.vector_load %arg6[%swap3A_993] {strides = array<i32>} : memref<128xi32, #tpu.memory_space<vmem>>, vector<16xi32>,
      tpu.vector_store %arg6[%swap3A_993], %gather3A_992 {strides = array<i32>} : memref<128xi32, #tpu.memory_space<vmem>>, vector<16xi32>,
      %add3A_995 = arith.constant 3200 : i32
      %add3A_996 = arith.addi %add3A_966, %add3A_995 : i32
      %add3A_997 = vector.broadcast %add3A_996 : i32 to vector<16xi32>
      %add3A_998 = arith.addi %mul3A_5, %add3A_997 : vector<16xi32>
      %gather3A_999 = tpu.vector_load_idx %arg5[%add3A_998] : memref<25600xi32, #tpu.memory_space<vmem>>[vector<16xi32>], vector<16xi32>,
      %swap3A_1000 = arith.constant 64 : index
      %swap3A_1001 = tpu.vector_load %arg6[%swap3A_1000] {strides = array<i32>} : memref<128xi32, #tpu.memory_space<vmem>>, vector<16xi32>,
      tpu.vector_store %arg6[%swap3A_1000], %gather3A_999 {strides = array<i32>} : memref<128xi32, #tpu.memory_space<vmem>>, vector<16xi32>,
      %add3A_1002 = arith.constant 4000 : i32
      %add3A_1003 = arith.addi %add3A_966, %add3A_1002 : i32
      %add3A_1004 = vector.broadcast %add3A_1003 : i32 to vector<16xi32>
      %add3A_1005 = arith.addi %mul3A_5, %add3A_1004 : vector<16xi32>
      %gather3A_1006 = tpu.vector_load_idx %arg5[%add3A_1005] : memref<25600xi32, #tpu.memory_space<vmem>>[vector<16xi32>], vector<16xi32>,
      %swap3A_1007 = arith.constant 80 : index
      %swap3A_1008 = tpu.vector_load %arg6[%swap3A_1007] {strides = array<i32>} : memref<128xi32, #tpu.memory_space<vmem>>, vector<16xi32>,
      tpu.vector_store %arg6[%swap3A_1007], %gather3A_1006 {strides = array<i32>} : memref<128xi32, #tpu.memory_space<vmem>>, vector<16xi32>,
      %add3A_1009 = arith.constant 4800 : i32
      %add3A_1010 = arith.addi %add3A_966, %add3A_1009 : i32
      %add3A_1011 = vector.broadcast %add3A_1010 : i32 to vector<16xi32>
      %add3A_1012 = arith.addi %mul3A_5, %add3A_1011 : vector<16xi32>
      %gather3A_1013 = tpu.vector_load_idx %arg5[%add3A_1012] : memref<25600xi32, #tpu.memory_space<vmem>>[vector<16xi32>], vector<16xi32>,
      %swap3A_1014 = arith.constant 96 : index
      %swap3A_1015 = tpu.vector_load %arg6[%swap3A_1014] {strides = array<i32>} : memref<128xi32, #tpu.memory_space<vmem>>, vector<16xi32>,
      tpu.vector_store %arg6[%swap3A_1014], %gather3A_1013 {strides = array<i32>} : memref<128xi32, #tpu.memory_space<vmem>>, vector<16xi32>,
      %add3A_1016 = arith.constant 5600 : i32
      %add3A_1017 = arith.addi %add3A_966, %add3A_1016 : i32
      %add3A_1018 = vector.broadcast %add3A_1017 : i32 to vector<16xi32>
      %add3A_1019 = arith.addi %mul3A_5, %add3A_1018 : vector<16xi32>
      %gather3A_1020 = tpu.vector_load_idx %arg5[%add3A_1019] : memref<25600xi32, #tpu.memory_space<vmem>>[vector<16xi32>], vector<16xi32>,
      %swap3A_1021 = arith.constant 112 : index
      %swap3A_1022 = tpu.vector_load %arg6[%swap3A_1021] {strides = array<i32>} : memref<128xi32, #tpu.memory_space<vmem>>, vector<16xi32>,
      tpu.vector_store %arg6[%swap3A_1021], %gather3A_1020 {strides = array<i32>} : memref<128xi32, #tpu.memory_space<vmem>>, vector<16xi32>,
      %dma_start3A_1023 = arith.constant 0 : i32
      %dma_start3A_1024 = arith.constant 0 : i32
      %dma_start3A_1025 = tpu.memref_slice %arg3[%dma_start3A_1023, %dma_start3A_1024] : memref<1000000x32xf32, #tpu.memory_space<hbm>> -> memref<1000000x32xf32, #tpu.memory_space<hbm>>
      tpu.enqueue_indirect_dma source(%dma_start3A_1025 : memref<1000000x32xf32, #tpu.memory_space<hbm>>) target(%arg8 : memref<128x32xf32, #tpu.memory_space<vmem>>) offsets(%arg6 : memref<128xi32, #tpu.memory_space<vmem>>) semaphore(%arg12 : memref<!tpu.dma_semaphore, #tpu.memory_space<semaphore_mem>>)
      %dma_wait3A_1026 = arith.constant 0 : i32
      %dma_wait3A_1027 = arith.constant 0 : i32
      %dma_wait3A_1028 = tpu.memref_slice %arg3[%dma_wait3A_1026, %dma_wait3A_1027] : memref<1000000x32xf32, #tpu.memory_space<hbm>> -> memref<1000000x32xf32, #tpu.memory_space<hbm>>
      tpu.wait_indirect_dma semaphore(%arg12 : memref<!tpu.dma_semaphore, #tpu.memory_space<semaphore_mem>>) src(%dma_wait3A_1028 : memref<1000000x32xf32, #tpu.memory_space<hbm>>) dst(%arg8 : memref<128x32xf32, #tpu.memory_space<vmem>>)
      %dma_wait3A_1029 = arith.constant 0 : i32
      %dma_wait3A_1030 = arith.constant 0 : i32
      %dma_wait3A_1031 = arith.constant 0 : i32
      %dma_wait3A_1032 = arith.constant 0 : i32
      %dma_wait3A_1033 = tpu.memref_slice %arg11[%dma_wait3A_1032] : memref<4096xf32, #tpu.memory_space<vmem>> -> memref<1024xf32, #tpu.memory_space<vmem>>
      %dma_wait3A_1034 = arith.constant 0 : i32
      %dma_wait3A_1035 = tpu.memref_slice %arg4[%dma_wait3A_1029, %dma_wait3A_1030, %dma_wait3A_1031, %dma_wait3A_1034] : memref<50x4x128x1024xf32, #tpu.memory_space<hbm>> -> memref<1x1x1x1024xf32, #tpu.memory_space<hbm>>
      %dma_wait3A_1036 = tpu.memref_squeeze %dma_wait3A_1035 : memref<1x1x1x1024xf32, #tpu.memory_space<hbm>> -> memref<1024xf32, #tpu.memory_space<hbm>>
      %dma_wait3A_1037 = arith.constant 0 : i32
      %dma_wait3A_1038 = tpu.memref_slice %arg4[%dma_wait3A_1029, %dma_wait3A_1030, %dma_wait3A_1031, %dma_wait3A_1037] : memref<50x4x128x1024xf32, #tpu.memory_space<hbm>> -> memref<1x1x1x1024xf32, #tpu.memory_space<hbm>>
      %dma_wait3A_1039 = tpu.memref_squeeze %dma_wait3A_1038 : memref<1x1x1x1024xf32, #tpu.memory_space<hbm>> -> memref<1024xf32, #tpu.memory_space<hbm>>
      %dma_wait3A_1040 = arith.constant 0 : i32
      %dma_wait3A_1041 = tpu.memref_slice %arg11[%dma_wait3A_1040] : memref<4096xf32, #tpu.memory_space<vmem>> -> memref<1024xf32, #tpu.memory_space<vmem>>
      tpu.wait_dma2 semaphore(%arg14 : memref<!tpu.dma_semaphore, #tpu.memory_space<semaphore_mem>>) src(%dma_wait3A_1041 : memref<1024xf32, #tpu.memory_space<vmem>>) dst(%dma_wait3A_1039 : memref<1024xf32, #tpu.memory_space<hbm>>)
      %dma_wait3A_1042 = arith.constant 0 : i32
      %dma_wait3A_1043 = arith.constant 0 : i32
      %dma_wait3A_1044 = arith.constant 0 : i32
      %dma_wait3A_1045 = arith.constant 0 : i32
      %dma_wait3A_1046 = tpu.memref_slice %arg11[%dma_wait3A_1045] : memref<4096xf32, #tpu.memory_space<vmem>> -> memref<1024xf32, #tpu.memory_space<vmem>>
      %dma_wait3A_1047 = arith.constant 0 : i32
      %dma_wait3A_1048 = tpu.memref_slice %arg4[%dma_wait3A_1042, %dma_wait3A_1043, %dma_wait3A_1044, %dma_wait3A_1047] : memref<50x4x128x1024xf32, #tpu.memory_space<hbm>> -> memref<1x1x1x1024xf32, #tpu.memory_space<hbm>>
      %dma_wait3A_1049 = tpu.memref_squeeze %dma_wait3A_1048 : memref<1x1x1x1024xf32, #tpu.memory_space<hbm>> -> memref<1024xf32, #tpu.memory_space<hbm>>
      %dma_wait3A_1050 = arith.constant 0 : i32
      %dma_wait3A_1051 = tpu.memref_slice %arg4[%dma_wait3A_1042, %dma_wait3A_1043, %dma_wait3A_1044, %dma_wait3A_1050] : memref<50x4x128x1024xf32, #tpu.memory_space<hbm>> -> memref<1x1x1x1024xf32, #tpu.memory_space<hbm>>
      %dma_wait3A_1052 = tpu.memref_squeeze %dma_wait3A_1051 : memref<1x1x1x1024xf32, #tpu.memory_space<hbm>> -> memref<1024xf32, #tpu.memory_space<hbm>>
      %dma_wait3A_1053 = arith.constant 0 : i32
      %dma_wait3A_1054 = tpu.memref_slice %arg11[%dma_wait3A_1053] : memref<4096xf32, #tpu.memory_space<vmem>> -> memref<1024xf32, #tpu.memory_space<vmem>>
      tpu.wait_dma2 semaphore(%arg14 : memref<!tpu.dma_semaphore, #tpu.memory_space<semaphore_mem>>) src(%dma_wait3A_1054 : memref<1024xf32, #tpu.memory_space<vmem>>) dst(%dma_wait3A_1052 : memref<1024xf32, #tpu.memory_space<hbm>>)
      %dma_wait3A_1055 = arith.constant 0 : i32
      %dma_wait3A_1056 = arith.constant 0 : i32
      %dma_wait3A_1057 = arith.constant 0 : i32
      %dma_wait3A_1058 = arith.constant 0 : i32
      %dma_wait3A_1059 = tpu.memref_slice %arg11[%dma_wait3A_1058] : memref<4096xf32, #tpu.memory_space<vmem>> -> memref<1024xf32, #tpu.memory_space<vmem>>
      %dma_wait3A_1060 = arith.constant 0 : i32
      %dma_wait3A_1061 = tpu.memref_slice %arg4[%dma_wait3A_1055, %dma_wait3A_1056, %dma_wait3A_1057, %dma_wait3A_1060] : memref<50x4x128x1024xf32, #tpu.memory_space<hbm>> -> memref<1x1x1x1024xf32, #tpu.memory_space<hbm>>
      %dma_wait3A_1062 = tpu.memref_squeeze %dma_wait3A_1061 : memref<1x1x1x1024xf32, #tpu.memory_space<hbm>> -> memref<1024xf32, #tpu.memory_space<hbm>>
      %dma_wait3A_1063 = arith.constant 0 : i32
      %dma_wait3A_1064 = tpu.memref_slice %arg4[%dma_wait3A_1055, %dma_wait3A_1056, %dma_wait3A_1057, %dma_wait3A_1063] : memref<50x4x128x1024xf32, #tpu.memory_space<hbm>> -> memref<1x1x1x1024xf32, #tpu.memory_space<hbm>>
      %dma_wait3A_1065 = tpu.memref_squeeze %dma_wait3A_1064 : memref<1x1x1x1024xf32, #tpu.memory_space<hbm>> -> memref<1024xf32, #tpu.memory_space<hbm>>
      %dma_wait3A_1066 = arith.constant 0 : i32
      %dma_wait3A_1067 = tpu.memref_slice %arg11[%dma_wait3A_1066] : memref<4096xf32, #tpu.memory_space<vmem>> -> memref<1024xf32, #tpu.memory_space<vmem>>
      tpu.wait_dma2 semaphore(%arg14 : memref<!tpu.dma_semaphore, #tpu.memory_space<semaphore_mem>>) src(%dma_wait3A_1067 : memref<1024xf32, #tpu.memory_space<vmem>>) dst(%dma_wait3A_1065 : memref<1024xf32, #tpu.memory_space<hbm>>)
      %dma_wait3A_1068 = arith.constant 0 : i32
      %dma_wait3A_1069 = arith.constant 0 : i32
      %dma_wait3A_1070 = arith.constant 0 : i32
      %dma_wait3A_1071 = arith.constant 0 : i32
      %dma_wait3A_1072 = tpu.memref_slice %arg11[%dma_wait3A_1071] : memref<4096xf32, #tpu.memory_space<vmem>> -> memref<1024xf32, #tpu.memory_space<vmem>>
      %dma_wait3A_1073 = arith.constant 0 : i32
      %dma_wait3A_1074 = tpu.memref_slice %arg4[%dma_wait3A_1068, %dma_wait3A_1069, %dma_wait3A_1070, %dma_wait3A_1073] : memref<50x4x128x1024xf32, #tpu.memory_space<hbm>> -> memref<1x1x1x1024xf32, #tpu.memory_space<hbm>>
      %dma_wait3A_1075 = tpu.memref_squeeze %dma_wait3A_1074 : memref<1x1x1x1024xf32, #tpu.memory_space<hbm>> -> memref<1024xf32, #tpu.memory_space<hbm>>
      %dma_wait3A_1076 = arith.constant 0 : i32
      %dma_wait3A_1077 = tpu.memref_slice %arg4[%dma_wait3A_1068, %dma_wait3A_1069, %dma_wait3A_1070, %dma_wait3A_1076] : memref<50x4x128x1024xf32, #tpu.memory_space<hbm>> -> memref<1x1x1x1024xf32, #tpu.memory_space<hbm>>
      %dma_wait3A_1078 = tpu.memref_squeeze %dma_wait3A_1077 : memref<1x1x1x1024xf32, #tpu.memory_space<hbm>> -> memref<1024xf32, #tpu.memory_space<hbm>>
      %dma_wait3A_1079 = arith.constant 0 : i32
      %dma_wait3A_1080 = tpu.memref_slice %arg11[%dma_wait3A_1079] : memref<4096xf32, #tpu.memory_space<vmem>> -> memref<1024xf32, #tpu.memory_space<vmem>>
      tpu.wait_dma2 semaphore(%arg14 : memref<!tpu.dma_semaphore, #tpu.memory_space<semaphore_mem>>) src(%dma_wait3A_1080 : memref<1024xf32, #tpu.memory_space<vmem>>) dst(%dma_wait3A_1078 : memref<1024xf32, #tpu.memory_space<hbm>>)
      %parallel_loop3A_1081 = arith.constant 0 : i32
      %parallel_loop3A_1082 = arith.constant 16 : i32
      %parallel_loop3A_1083 = arith.constant 1 : i32
      scf.for %parallel_loop3A_1173 = %parallel_loop3A_1081 to %parallel_loop3A_1082 step %parallel_loop3A_1083  : i32 {
        %parallel_loop3A_1174 = vector.broadcast %parallel_loop3A_1173 : i32 to vector<16xi32>
        %parallel_loop3A_1175 = arith.addi %mul3A_33, %parallel_loop3A_1174 : vector<16xi32>
        %parallel_loop3A_1176 = arith.constant 16 : i32
        %parallel_loop3A_1177 = vector.broadcast %parallel_loop3A_1176 : i32 to vector<16xi32>
        %parallel_loop3A_1178 = arith.addi %parallel_loop3A_1175, %parallel_loop3A_1177 : vector<16xi32>
        %parallel_loop3A_1179 = tpu.vector_load_idx %arg9[%add3A_9, %parallel_loop3A_1175] : memref<128x32xf32, #tpu.memory_space<vmem>>[vector<16xi32>, vector<16xi32>], vector<16xf32>,
        %parallel_loop3A_1180 = tpu.vector_load_idx %arg9[%add3A_9, %parallel_loop3A_1178] : memref<128x32xf32, #tpu.memory_space<vmem>>[vector<16xi32>, vector<16xi32>], vector<16xf32>,
        %parallel_loop3A_1181 = arith.constant 128 : i32
        %parallel_loop3A_1182 = arith.muli %parallel_loop3A_1173, %parallel_loop3A_1181 : i32
        %parallel_loop3A_1183 = arith.constant 0 : i32
        %parallel_loop3A_1184 = arith.addi %parallel_loop3A_1182, %parallel_loop3A_1183 : i32
        %parallel_loop3A_1185 = arith.index_cast %parallel_loop3A_1184 : i32 to index
        %parallel_loop3A_1186 = tpu.vector_load %arg11[%parallel_loop3A_1185] {strides = array<i32>} : memref<4096xf32, #tpu.memory_space<vmem>>, vector<16xf32>,
        tpu.vector_store %arg11[%parallel_loop3A_1185], %parallel_loop3A_1179 {strides = array<i32>} : memref<4096xf32, #tpu.memory_space<vmem>>, vector<16xf32>,
        %parallel_loop3A_1187 = arith.constant 16 : i32
        %parallel_loop3A_1188 = arith.addi %parallel_loop3A_1173, %parallel_loop3A_1187 : i32
        %parallel_loop3A_1189 = arith.constant 128 : i32
        %parallel_loop3A_1190 = arith.muli %parallel_loop3A_1188, %parallel_loop3A_1189 : i32
        %parallel_loop3A_1191 = arith.constant 0 : i32
        %parallel_loop3A_1192 = arith.addi %parallel_loop3A_1190, %parallel_loop3A_1191 : i32
        %parallel_loop3A_1193 = arith.index_cast %parallel_loop3A_1192 : i32 to index
        %parallel_loop3A_1194 = tpu.vector_load %arg11[%parallel_loop3A_1193] {strides = array<i32>} : memref<4096xf32, #tpu.memory_space<vmem>>, vector<16xf32>,
        tpu.vector_store %arg11[%parallel_loop3A_1193], %parallel_loop3A_1180 {strides = array<i32>} : memref<4096xf32, #tpu.memory_space<vmem>>, vector<16xf32>,
        %parallel_loop3A_1195 = tpu.vector_load_idx %arg9[%add3A_12, %parallel_loop3A_1175] : memref<128x32xf32, #tpu.memory_space<vmem>>[vector<16xi32>, vector<16xi32>], vector<16xf32>,
        %parallel_loop3A_1196 = tpu.vector_load_idx %arg9[%add3A_12, %parallel_loop3A_1178] : memref<128x32xf32, #tpu.memory_space<vmem>>[vector<16xi32>, vector<16xi32>], vector<16xf32>,
        %parallel_loop3A_1197 = arith.constant 128 : i32
        %parallel_loop3A_1198 = arith.muli %parallel_loop3A_1173, %parallel_loop3A_1197 : i32
        %parallel_loop3A_1199 = arith.constant 16 : i32
        %parallel_loop3A_1200 = arith.addi %parallel_loop3A_1198, %parallel_loop3A_1199 : i32
        %parallel_loop3A_1201 = arith.index_cast %parallel_loop3A_1200 : i32 to index
        %parallel_loop3A_1202 = tpu.vector_load %arg11[%parallel_loop3A_1201] {strides = array<i32>} : memref<4096xf32, #tpu.memory_space<vmem>>, vector<16xf32>,
        tpu.vector_store %arg11[%parallel_loop3A_1201], %parallel_loop3A_1195 {strides = array<i32>} : memref<4096xf32, #tpu.memory_space<vmem>>, vector<16xf32>,
        %parallel_loop3A_1203 = arith.constant 16 : i32
        %parallel_loop3A_1204 = arith.addi %parallel_loop3A_1173, %parallel_loop3A_1203 : i32
        %parallel_loop3A_1205 = arith.constant 128 : i32
        %parallel_loop3A_1206 = arith.muli %parallel_loop3A_1204, %parallel_loop3A_1205 : i32
        %parallel_loop3A_1207 = arith.constant 16 : i32
        %parallel_loop3A_1208 = arith.addi %parallel_loop3A_1206, %parallel_loop3A_1207 : i32
        %parallel_loop3A_1209 = arith.index_cast %parallel_loop3A_1208 : i32 to index
        %parallel_loop3A_1210 = tpu.vector_load %arg11[%parallel_loop3A_1209] {strides = array<i32>} : memref<4096xf32, #tpu.memory_space<vmem>>, vector<16xf32>,
        tpu.vector_store %arg11[%parallel_loop3A_1209], %parallel_loop3A_1196 {strides = array<i32>} : memref<4096xf32, #tpu.memory_space<vmem>>, vector<16xf32>,
        %parallel_loop3A_1211 = tpu.vector_load_idx %arg9[%add3A_15, %parallel_loop3A_1175] : memref<128x32xf32, #tpu.memory_space<vmem>>[vector<16xi32>, vector<16xi32>], vector<16xf32>,
        %parallel_loop3A_1212 = tpu.vector_load_idx %arg9[%add3A_15, %parallel_loop3A_1178] : memref<128x32xf32, #tpu.memory_space<vmem>>[vector<16xi32>, vector<16xi32>], vector<16xf32>,
        %parallel_loop3A_1213 = arith.constant 128 : i32
        %parallel_loop3A_1214 = arith.muli %parallel_loop3A_1173, %parallel_loop3A_1213 : i32
        %parallel_loop3A_1215 = arith.constant 32 : i32
        %parallel_loop3A_1216 = arith.addi %parallel_loop3A_1214, %parallel_loop3A_1215 : i32
        %parallel_loop3A_1217 = arith.index_cast %parallel_loop3A_1216 : i32 to index
        %parallel_loop3A_1218 = tpu.vector_load %arg11[%parallel_loop3A_1217] {strides = array<i32>} : memref<4096xf32, #tpu.memory_space<vmem>>, vector<16xf32>,
        tpu.vector_store %arg11[%parallel_loop3A_1217], %parallel_loop3A_1211 {strides = array<i32>} : memref<4096xf32, #tpu.memory_space<vmem>>, vector<16xf32>,
        %parallel_loop3A_1219 = arith.constant 16 : i32
        %parallel_loop3A_1220 = arith.addi %parallel_loop3A_1173, %parallel_loop3A_1219 : i32
        %parallel_loop3A_1221 = arith.constant 128 : i32
        %parallel_loop3A_1222 = arith.muli %parallel_loop3A_1220, %parallel_loop3A_1221 : i32
        %parallel_loop3A_1223 = arith.constant 32 : i32
        %parallel_loop3A_1224 = arith.addi %parallel_loop3A_1222, %parallel_loop3A_1223 : i32
        %parallel_loop3A_1225 = arith.index_cast %parallel_loop3A_1224 : i32 to index
        %parallel_loop3A_1226 = tpu.vector_load %arg11[%parallel_loop3A_1225] {strides = array<i32>} : memref<4096xf32, #tpu.memory_space<vmem>>, vector<16xf32>,
        tpu.vector_store %arg11[%parallel_loop3A_1225], %parallel_loop3A_1212 {strides = array<i32>} : memref<4096xf32, #tpu.memory_space<vmem>>, vector<16xf32>,
        %parallel_loop3A_1227 = tpu.vector_load_idx %arg9[%add3A_18, %parallel_loop3A_1175] : memref<128x32xf32, #tpu.memory_space<vmem>>[vector<16xi32>, vector<16xi32>], vector<16xf32>,
        %parallel_loop3A_1228 = tpu.vector_load_idx %arg9[%add3A_18, %parallel_loop3A_1178] : memref<128x32xf32, #tpu.memory_space<vmem>>[vector<16xi32>, vector<16xi32>], vector<16xf32>,
        %parallel_loop3A_1229 = arith.constant 128 : i32
        %parallel_loop3A_1230 = arith.muli %parallel_loop3A_1173, %parallel_loop3A_1229 : i32
        %parallel_loop3A_1231 = arith.constant 48 : i32
        %parallel_loop3A_1232 = arith.addi %parallel_loop3A_1230, %parallel_loop3A_1231 : i32
        %parallel_loop3A_1233 = arith.index_cast %parallel_loop3A_1232 : i32 to index
        %parallel_loop3A_1234 = tpu.vector_load %arg11[%parallel_loop3A_1233] {strides = array<i32>} : memref<4096xf32, #tpu.memory_space<vmem>>, vector<16xf32>,
        tpu.vector_store %arg11[%parallel_loop3A_1233], %parallel_loop3A_1227 {strides = array<i32>} : memref<4096xf32, #tpu.memory_space<vmem>>, vector<16xf32>,
        %parallel_loop3A_1235 = arith.constant 16 : i32
        %parallel_loop3A_1236 = arith.addi %parallel_loop3A_1173, %parallel_loop3A_1235 : i32
        %parallel_loop3A_1237 = arith.constant 128 : i32
        %parallel_loop3A_1238 = arith.muli %parallel_loop3A_1236, %parallel_loop3A_1237 : i32
        %parallel_loop3A_1239 = arith.constant 48 : i32
        %parallel_loop3A_1240 = arith.addi %parallel_loop3A_1238, %parallel_loop3A_1239 : i32
        %parallel_loop3A_1241 = arith.index_cast %parallel_loop3A_1240 : i32 to index
        %parallel_loop3A_1242 = tpu.vector_load %arg11[%parallel_loop3A_1241] {strides = array<i32>} : memref<4096xf32, #tpu.memory_space<vmem>>, vector<16xf32>,
        tpu.vector_store %arg11[%parallel_loop3A_1241], %parallel_loop3A_1228 {strides = array<i32>} : memref<4096xf32, #tpu.memory_space<vmem>>, vector<16xf32>,
        %parallel_loop3A_1243 = tpu.vector_load_idx %arg9[%add3A_21, %parallel_loop3A_1175] : memref<128x32xf32, #tpu.memory_space<vmem>>[vector<16xi32>, vector<16xi32>], vector<16xf32>,
        %parallel_loop3A_1244 = tpu.vector_load_idx %arg9[%add3A_21, %parallel_loop3A_1178] : memref<128x32xf32, #tpu.memory_space<vmem>>[vector<16xi32>, vector<16xi32>], vector<16xf32>,
        %parallel_loop3A_1245 = arith.constant 128 : i32
        %parallel_loop3A_1246 = arith.muli %parallel_loop3A_1173, %parallel_loop3A_1245 : i32
        %parallel_loop3A_1247 = arith.constant 64 : i32
        %parallel_loop3A_1248 = arith.addi %parallel_loop3A_1246, %parallel_loop3A_1247 : i32
        %parallel_loop3A_1249 = arith.index_cast %parallel_loop3A_1248 : i32 to index
        %parallel_loop3A_1250 = tpu.vector_load %arg11[%parallel_loop3A_1249] {strides = array<i32>} : memref<4096xf32, #tpu.memory_space<vmem>>, vector<16xf32>,
        tpu.vector_store %arg11[%parallel_loop3A_1249], %parallel_loop3A_1243 {strides = array<i32>} : memref<4096xf32, #tpu.memory_space<vmem>>, vector<16xf32>,
        %parallel_loop3A_1251 = arith.constant 16 : i32
        %parallel_loop3A_1252 = arith.addi %parallel_loop3A_1173, %parallel_loop3A_1251 : i32
        %parallel_loop3A_1253 = arith.constant 128 : i32
        %parallel_loop3A_1254 = arith.muli %parallel_loop3A_1252, %parallel_loop3A_1253 : i32
        %parallel_loop3A_1255 = arith.constant 64 : i32
        %parallel_loop3A_1256 = arith.addi %parallel_loop3A_1254, %parallel_loop3A_1255 : i32
        %parallel_loop3A_1257 = arith.index_cast %parallel_loop3A_1256 : i32 to index
        %parallel_loop3A_1258 = tpu.vector_load %arg11[%parallel_loop3A_1257] {strides = array<i32>} : memref<4096xf32, #tpu.memory_space<vmem>>, vector<16xf32>,
        tpu.vector_store %arg11[%parallel_loop3A_1257], %parallel_loop3A_1244 {strides = array<i32>} : memref<4096xf32, #tpu.memory_space<vmem>>, vector<16xf32>,
        %parallel_loop3A_1259 = tpu.vector_load_idx %arg9[%add3A_24, %parallel_loop3A_1175] : memref<128x32xf32, #tpu.memory_space<vmem>>[vector<16xi32>, vector<16xi32>], vector<16xf32>,
        %parallel_loop3A_1260 = tpu.vector_load_idx %arg9[%add3A_24, %parallel_loop3A_1178] : memref<128x32xf32, #tpu.memory_space<vmem>>[vector<16xi32>, vector<16xi32>], vector<16xf32>,
        %parallel_loop3A_1261 = arith.constant 128 : i32
        %parallel_loop3A_1262 = arith.muli %parallel_loop3A_1173, %parallel_loop3A_1261 : i32
        %parallel_loop3A_1263 = arith.constant 80 : i32
        %parallel_loop3A_1264 = arith.addi %parallel_loop3A_1262, %parallel_loop3A_1263 : i32
        %parallel_loop3A_1265 = arith.index_cast %parallel_loop3A_1264 : i32 to index
        %parallel_loop3A_1266 = tpu.vector_load %arg11[%parallel_loop3A_1265] {strides = array<i32>} : memref<4096xf32, #tpu.memory_space<vmem>>, vector<16xf32>,
        tpu.vector_store %arg11[%parallel_loop3A_1265], %parallel_loop3A_1259 {strides = array<i32>} : memref<4096xf32, #tpu.memory_space<vmem>>, vector<16xf32>,
        %parallel_loop3A_1267 = arith.constant 16 : i32
        %parallel_loop3A_1268 = arith.addi %parallel_loop3A_1173, %parallel_loop3A_1267 : i32
        %parallel_loop3A_1269 = arith.constant 128 : i32
        %parallel_loop3A_1270 = arith.muli %parallel_loop3A_1268, %parallel_loop3A_1269 : i32
        %parallel_loop3A_1271 = arith.constant 80 : i32
        %parallel_loop3A_1272 = arith.addi %parallel_loop3A_1270, %parallel_loop3A_1271 : i32
        %parallel_loop3A_1273 = arith.index_cast %parallel_loop3A_1272 : i32 to index
        %parallel_loop3A_1274 = tpu.vector_load %arg11[%parallel_loop3A_1273] {strides = array<i32>} : memref<4096xf32, #tpu.memory_space<vmem>>, vector<16xf32>,
        tpu.vector_store %arg11[%parallel_loop3A_1273], %parallel_loop3A_1260 {strides = array<i32>} : memref<4096xf32, #tpu.memory_space<vmem>>, vector<16xf32>,
        %parallel_loop3A_1275 = tpu.vector_load_idx %arg9[%add3A_27, %parallel_loop3A_1175] : memref<128x32xf32, #tpu.memory_space<vmem>>[vector<16xi32>, vector<16xi32>], vector<16xf32>,
        %parallel_loop3A_1276 = tpu.vector_load_idx %arg9[%add3A_27, %parallel_loop3A_1178] : memref<128x32xf32, #tpu.memory_space<vmem>>[vector<16xi32>, vector<16xi32>], vector<16xf32>,
        %parallel_loop3A_1277 = arith.constant 128 : i32
        %parallel_loop3A_1278 = arith.muli %parallel_loop3A_1173, %parallel_loop3A_1277 : i32
        %parallel_loop3A_1279 = arith.constant 96 : i32
        %parallel_loop3A_1280 = arith.addi %parallel_loop3A_1278, %parallel_loop3A_1279 : i32
        %parallel_loop3A_1281 = arith.index_cast %parallel_loop3A_1280 : i32 to index
        %parallel_loop3A_1282 = tpu.vector_load %arg11[%parallel_loop3A_1281] {strides = array<i32>} : memref<4096xf32, #tpu.memory_space<vmem>>, vector<16xf32>,
        tpu.vector_store %arg11[%parallel_loop3A_1281], %parallel_loop3A_1275 {strides = array<i32>} : memref<4096xf32, #tpu.memory_space<vmem>>, vector<16xf32>,
        %parallel_loop3A_1283 = arith.constant 16 : i32
        %parallel_loop3A_1284 = arith.addi %parallel_loop3A_1173, %parallel_loop3A_1283 : i32
        %parallel_loop3A_1285 = arith.constant 128 : i32
        %parallel_loop3A_1286 = arith.muli %parallel_loop3A_1284, %parallel_loop3A_1285 : i32
        %parallel_loop3A_1287 = arith.constant 96 : i32
        %parallel_loop3A_1288 = arith.addi %parallel_loop3A_1286, %parallel_loop3A_1287 : i32
        %parallel_loop3A_1289 = arith.index_cast %parallel_loop3A_1288 : i32 to index
        %parallel_loop3A_1290 = tpu.vector_load %arg11[%parallel_loop3A_1289] {strides = array<i32>} : memref<4096xf32, #tpu.memory_space<vmem>>, vector<16xf32>,
        tpu.vector_store %arg11[%parallel_loop3A_1289], %parallel_loop3A_1276 {strides = array<i32>} : memref<4096xf32, #tpu.memory_space<vmem>>, vector<16xf32>,
        %parallel_loop3A_1291 = tpu.vector_load_idx %arg9[%add3A_30, %parallel_loop3A_1175] : memref<128x32xf32, #tpu.memory_space<vmem>>[vector<16xi32>, vector<16xi32>], vector<16xf32>,
        %parallel_loop3A_1292 = tpu.vector_load_idx %arg9[%add3A_30, %parallel_loop3A_1178] : memref<128x32xf32, #tpu.memory_space<vmem>>[vector<16xi32>, vector<16xi32>], vector<16xf32>,
        %parallel_loop3A_1293 = arith.constant 128 : i32
        %parallel_loop3A_1294 = arith.muli %parallel_loop3A_1173, %parallel_loop3A_1293 : i32
        %parallel_loop3A_1295 = arith.constant 112 : i32
        %parallel_loop3A_1296 = arith.addi %parallel_loop3A_1294, %parallel_loop3A_1295 : i32
        %parallel_loop3A_1297 = arith.index_cast %parallel_loop3A_1296 : i32 to index
        %parallel_loop3A_1298 = tpu.vector_load %arg11[%parallel_loop3A_1297] {strides = array<i32>} : memref<4096xf32, #tpu.memory_space<vmem>>, vector<16xf32>,
        tpu.vector_store %arg11[%parallel_loop3A_1297], %parallel_loop3A_1291 {strides = array<i32>} : memref<4096xf32, #tpu.memory_space<vmem>>, vector<16xf32>,
        %parallel_loop3A_1299 = arith.constant 16 : i32
        %parallel_loop3A_1300 = arith.addi %parallel_loop3A_1173, %parallel_loop3A_1299 : i32
        %parallel_loop3A_1301 = arith.constant 128 : i32
        %parallel_loop3A_1302 = arith.muli %parallel_loop3A_1300, %parallel_loop3A_1301 : i32
        %parallel_loop3A_1303 = arith.constant 112 : i32
        %parallel_loop3A_1304 = arith.addi %parallel_loop3A_1302, %parallel_loop3A_1303 : i32
        %parallel_loop3A_1305 = arith.index_cast %parallel_loop3A_1304 : i32 to index
        %parallel_loop3A_1306 = tpu.vector_load %arg11[%parallel_loop3A_1305] {strides = array<i32>} : memref<4096xf32, #tpu.memory_space<vmem>>, vector<16xf32>,
        tpu.vector_store %arg11[%parallel_loop3A_1305], %parallel_loop3A_1292 {strides = array<i32>} : memref<4096xf32, #tpu.memory_space<vmem>>, vector<16xf32>,
      } {sc.loop_unroll_factor = 4 : i64, sc.parallel_access}
      %add3A_1084 = arith.constant 1 : i32
      %add3A_1085 = arith.addi %add3A_682, %add3A_1084 : i32
      %jit3A_1086 = arith.constant 4 : i32
      %eq3A_1087 = arith.constant 0 : i32
      %eq3A_1088 = arith.cmpi eq, %jit3A_1086, %eq3A_1087 : i32
      %jit3A_1089 = arith.constant 1 : i32
      %select_n3A_1090 = arith.select %eq3A_1088, %jit3A_1089, %jit3A_1086 : i32
      %rem3A_1091 = arith.remsi %add3A_1085, %select_n3A_1090 : i32
      %ne3A_1092 = arith.constant 0 : i32
      %ne3A_1093 = arith.cmpi ne, %rem3A_1091, %ne3A_1092 : i32
      %lt3A_1094 = arith.constant 0 : i32
      %lt3A_1095 = arith.cmpi slt, %rem3A_1091, %lt3A_1094 : i32
      %lt3A_1096 = arith.constant 0 : i32
      %lt3A_1097 = arith.cmpi slt, %select_n3A_1090, %lt3A_1096 : i32
      %ne3A_1098 = arith.xori %lt3A_1095, %lt3A_1097 : i1
      %and3A_1099 = arith.andi %ne3A_1098, %ne3A_1093 : i1
      %add3A_1100 = arith.addi %rem3A_1091, %select_n3A_1090 : i32
      %select_n3A_1101 = arith.select %and3A_1099, %add3A_1100, %rem3A_1091 : i32
      %jit3A_1102 = arith.constant 4 : i32
      %div3A_1103 = arith.divsi %add3A_1085, %jit3A_1102 : i32
      %sign3A_1104 = arith.constant 0 : i32
      %sign3A_1105 = arith.cmpi sgt, %add3A_1085, %sign3A_1104 : i32
      %sign3A_1106 = arith.extui %sign3A_1105 : i1 to i32
      %sign3A_1107 = arith.constant 0 : i32
      %sign3A_1108 = arith.cmpi slt, %add3A_1085, %sign3A_1107 : i32
      %sign3A_1109 = arith.extui %sign3A_1108 : i1 to i32
      %sign3A_1110 = arith.subi %sign3A_1106, %sign3A_1109 : i32
      %sign3A_1111 = arith.constant 0 : i32
      %sign3A_1112 = arith.cmpi sgt, %jit3A_1102, %sign3A_1111 : i32
      %sign3A_1113 = arith.extui %sign3A_1112 : i1 to i32
      %sign3A_1114 = arith.constant 0 : i32
      %sign3A_1115 = arith.cmpi slt, %jit3A_1102, %sign3A_1114 : i32
      %sign3A_1116 = arith.extui %sign3A_1115 : i1 to i32
      %sign3A_1117 = arith.subi %sign3A_1113, %sign3A_1116 : i32
      %ne3A_1118 = arith.cmpi ne, %sign3A_1110, %sign3A_1117 : i32
      %rem3A_1119 = arith.remsi %add3A_1085, %jit3A_1102 : i32
      %ne3A_1120 = arith.constant 0 : i32
      %ne3A_1121 = arith.cmpi ne, %rem3A_1119, %ne3A_1120 : i32
      %and3A_1122 = arith.andi %ne3A_1118, %ne3A_1121 : i1
      %sub3A_1123 = arith.constant 1 : i32
      %sub3A_1124 = arith.subi %div3A_1103, %sub3A_1123 : i32
      %select_n3A_1125 = arith.select %and3A_1122, %sub3A_1124, %div3A_1103 : i32
      %mul3A_1126 = arith.constant 4 : i32
      %mul3A_1127 = arith.muli %add3A, %mul3A_1126 : i32
      %add3A_1128 = arith.addi %mul3A_1127, %select_n3A_1101 : i32
      %dma_start3A_1129 = arith.constant 0 : i32
      %dma_start3A_1130 = arith.constant 0 : i32
      %dma_start3A_1131 = tpu.memref_slice %arg11[%dma_start3A_1130] : memref<4096xf32, #tpu.memory_space<vmem>> -> memref<1024xf32, #tpu.memory_space<vmem>>
      %dma_start3A_1132 = arith.constant 0 : i32
      %dma_start3A_1133 = tpu.memref_slice %arg4[%select_n3A_1125, %dma_start3A_1129, %add3A_1128, %dma_start3A_1132] : memref<50x4x128x1024xf32, #tpu.memory_space<hbm>> -> memref<1x1x1x1024xf32, #tpu.memory_space<hbm>>
      %dma_start3A_1134 = tpu.memref_squeeze %dma_start3A_1133 : memref<1x1x1x1024xf32, #tpu.memory_space<hbm>> -> memref<1024xf32, #tpu.memory_space<hbm>>
      %dma_start3A_1135 = arith.constant 0 : i32
      %dma_start3A_1136 = tpu.memref_slice %arg4[%select_n3A_1125, %dma_start3A_1129, %add3A_1128, %dma_start3A_1135] : memref<50x4x128x1024xf32, #tpu.memory_space<hbm>> -> memref<1x1x1x1024xf32, #tpu.memory_space<hbm>>
      %dma_start3A_1137 = tpu.memref_squeeze %dma_start3A_1136 : memref<1x1x1x1024xf32, #tpu.memory_space<hbm>> -> memref<1024xf32, #tpu.memory_space<hbm>>
      %dma_start3A_1138 = arith.constant 0 : i32
      %dma_start3A_1139 = tpu.memref_slice %arg11[%dma_start3A_1138] : memref<4096xf32, #tpu.memory_space<vmem>> -> memref<1024xf32, #tpu.memory_space<vmem>>
      tpu.enqueue_dma source(%dma_start3A_1139 : memref<1024xf32, #tpu.memory_space<vmem>>) target(%dma_start3A_1137 : memref<1024xf32, #tpu.memory_space<hbm>>) target_semaphore(%arg14 : memref<!tpu.dma_semaphore, #tpu.memory_space<semaphore_mem>>)
      %dma_start3A_1140 = arith.constant 1 : i32
      %dma_start3A_1141 = arith.constant 1024 : i32
      %dma_start3A_1142 = tpu.memref_slice %arg11[%dma_start3A_1141] : memref<4096xf32, #tpu.memory_space<vmem>> -> memref<1024xf32, #tpu.memory_space<vmem>>
      %dma_start3A_1143 = arith.constant 0 : i32
      %dma_start3A_1144 = tpu.memref_slice %arg4[%select_n3A_1125, %dma_start3A_1140, %add3A_1128, %dma_start3A_1143] : memref<50x4x128x1024xf32, #tpu.memory_space<hbm>> -> memref<1x1x1x1024xf32, #tpu.memory_space<hbm>>
      %dma_start3A_1145 = tpu.memref_squeeze %dma_start3A_1144 : memref<1x1x1x1024xf32, #tpu.memory_space<hbm>> -> memref<1024xf32, #tpu.memory_space<hbm>>
      %dma_start3A_1146 = arith.constant 0 : i32
      %dma_start3A_1147 = tpu.memref_slice %arg4[%select_n3A_1125, %dma_start3A_1140, %add3A_1128, %dma_start3A_1146] : memref<50x4x128x1024xf32, #tpu.memory_space<hbm>> -> memref<1x1x1x1024xf32, #tpu.memory_space<hbm>>
      %dma_start3A_1148 = tpu.memref_squeeze %dma_start3A_1147 : memref<1x1x1x1024xf32, #tpu.memory_space<hbm>> -> memref<1024xf32, #tpu.memory_space<hbm>>
      %dma_start3A_1149 = arith.constant 1024 : i32
      %dma_start3A_1150 = tpu.memref_slice %arg11[%dma_start3A_1149] : memref<4096xf32, #tpu.memory_space<vmem>> -> memref<1024xf32, #tpu.memory_space<vmem>>
      tpu.enqueue_dma source(%dma_start3A_1150 : memref<1024xf32, #tpu.memory_space<vmem>>) target(%dma_start3A_1148 : memref<1024xf32, #tpu.memory_space<hbm>>) target_semaphore(%arg14 : memref<!tpu.dma_semaphore, #tpu.memory_space<semaphore_mem>>)
      %dma_start3A_1151 = arith.constant 2 : i32
      %dma_start3A_1152 = arith.constant 2048 : i32
      %dma_start3A_1153 = tpu.memref_slice %arg11[%dma_start3A_1152] : memref<4096xf32, #tpu.memory_space<vmem>> -> memref<1024xf32, #tpu.memory_space<vmem>>
      %dma_start3A_1154 = arith.constant 0 : i32
      %dma_start3A_1155 = tpu.memref_slice %arg4[%select_n3A_1125, %dma_start3A_1151, %add3A_1128, %dma_start3A_1154] : memref<50x4x128x1024xf32, #tpu.memory_space<hbm>> -> memref<1x1x1x1024xf32, #tpu.memory_space<hbm>>
      %dma_start3A_1156 = tpu.memref_squeeze %dma_start3A_1155 : memref<1x1x1x1024xf32, #tpu.memory_space<hbm>> -> memref<1024xf32, #tpu.memory_space<hbm>>
      %dma_start3A_1157 = arith.constant 0 : i32
      %dma_start3A_1158 = tpu.memref_slice %arg4[%select_n3A_1125, %dma_start3A_1151, %add3A_1128, %dma_start3A_1157] : memref<50x4x128x1024xf32, #tpu.memory_space<hbm>> -> memref<1x1x1x1024xf32, #tpu.memory_space<hbm>>
      %dma_start3A_1159 = tpu.memref_squeeze %dma_start3A_1158 : memref<1x1x1x1024xf32, #tpu.memory_space<hbm>> -> memref<1024xf32, #tpu.memory_space<hbm>>
      %dma_start3A_1160 = arith.constant 2048 : i32
      %dma_start3A_1161 = tpu.memref_slice %arg11[%dma_start3A_1160] : memref<4096xf32, #tpu.memory_space<vmem>> -> memref<1024xf32, #tpu.memory_space<vmem>>
      tpu.enqueue_dma source(%dma_start3A_1161 : memref<1024xf32, #tpu.memory_space<vmem>>) target(%dma_start3A_1159 : memref<1024xf32, #tpu.memory_space<hbm>>) target_semaphore(%arg14 : memref<!tpu.dma_semaphore, #tpu.memory_space<semaphore_mem>>)
      %dma_start3A_1162 = arith.constant 3 : i32
      %dma_start3A_1163 = arith.constant 3072 : i32
      %dma_start3A_1164 = tpu.memref_slice %arg11[%dma_start3A_1163] : memref<4096xf32, #tpu.memory_space<vmem>> -> memref<1024xf32, #tpu.memory_space<vmem>>
      %dma_start3A_1165 = arith.constant 0 : i32
      %dma_start3A_1166 = tpu.memref_slice %arg4[%select_n3A_1125, %dma_start3A_1162, %add3A_1128, %dma_start3A_1165] : memref<50x4x128x1024xf32, #tpu.memory_space<hbm>> -> memref<1x1x1x1024xf32, #tpu.memory_space<hbm>>
      %dma_start3A_1167 = tpu.memref_squeeze %dma_start3A_1166 : memref<1x1x1x1024xf32, #tpu.memory_space<hbm>> -> memref<1024xf32, #tpu.memory_space<hbm>>
      %dma_start3A_1168 = arith.constant 0 : i32
      %dma_start3A_1169 = tpu.memref_slice %arg4[%select_n3A_1125, %dma_start3A_1162, %add3A_1128, %dma_start3A_1168] : memref<50x4x128x1024xf32, #tpu.memory_space<hbm>> -> memref<1x1x1x1024xf32, #tpu.memory_space<hbm>>
      %dma_start3A_1170 = tpu.memref_squeeze %dma_start3A_1169 : memref<1x1x1x1024xf32, #tpu.memory_space<hbm>> -> memref<1024xf32, #tpu.memory_space<hbm>>
      %dma_start3A_1171 = arith.constant 3072 : i32
      %dma_start3A_1172 = tpu.memref_slice %arg11[%dma_start3A_1171] : memref<4096xf32, #tpu.memory_space<vmem>> -> memref<1024xf32, #tpu.memory_space<vmem>>
      tpu.enqueue_dma source(%dma_start3A_1172 : memref<1024xf32, #tpu.memory_space<vmem>>) target(%dma_start3A_1170 : memref<1024xf32, #tpu.memory_space<hbm>>) target_semaphore(%arg14 : memref<!tpu.dma_semaphore, #tpu.memory_space<semaphore_mem>>)
    }
    %scan3A_302 = arith.constant 98 : i32
    %add3A_303 = arith.constant 19249 : i32
    %add3A_304 = vector.broadcast %add3A_303 : i32 to vector<16xi32>
    %add3A_305 = arith.addi %mul3A_5, %add3A_304 : vector<16xi32>
    %gather3A_306 = tpu.vector_load_idx %arg5[%add3A_305] : memref<25600xi32, #tpu.memory_space<vmem>>[vector<16xi32>], vector<16xi32>,
    %swap3A_307 = arith.constant 0 : index
    %swap3A_308 = tpu.vector_load %arg7[%swap3A_307] {strides = array<i32>} : memref<128xi32, #tpu.memory_space<vmem>>, vector<16xi32>,
    tpu.vector_store %arg7[%swap3A_307], %gather3A_306 {strides = array<i32>} : memref<128xi32, #tpu.memory_space<vmem>>, vector<16xi32>,
    %add3A_309 = arith.constant 20049 : i32
    %add3A_310 = vector.broadcast %add3A_309 : i32 to vector<16xi32>
    %add3A_311 = arith.addi %mul3A_5, %add3A_310 : vector<16xi32>
    %gather3A_312 = tpu.vector_load_idx %arg5[%add3A_311] : memref<25600xi32, #tpu.memory_space<vmem>>[vector<16xi32>], vector<16xi32>,
    %swap3A_313 = arith.constant 16 : index
    %swap3A_314 = tpu.vector_load %arg7[%swap3A_313] {strides = array<i32>} : memref<128xi32, #tpu.memory_space<vmem>>, vector<16xi32>,
    tpu.vector_store %arg7[%swap3A_313], %gather3A_312 {strides = array<i32>} : memref<128xi32, #tpu.memory_space<vmem>>, vector<16xi32>,
    %add3A_315 = arith.constant 20849 : i32
    %add3A_316 = vector.broadcast %add3A_315 : i32 to vector<16xi32>
    %add3A_317 = arith.addi %mul3A_5, %add3A_316 : vector<16xi32>
    %gather3A_318 = tpu.vector_load_idx %arg5[%add3A_317] : memref<25600xi32, #tpu.memory_space<vmem>>[vector<16xi32>], vector<16xi32>,
    %swap3A_319 = arith.constant 32 : index
    %swap3A_320 = tpu.vector_load %arg7[%swap3A_319] {strides = array<i32>} : memref<128xi32, #tpu.memory_space<vmem>>, vector<16xi32>,
    tpu.vector_store %arg7[%swap3A_319], %gather3A_318 {strides = array<i32>} : memref<128xi32, #tpu.memory_space<vmem>>, vector<16xi32>,
    %add3A_321 = arith.constant 21649 : i32
    %add3A_322 = vector.broadcast %add3A_321 : i32 to vector<16xi32>
    %add3A_323 = arith.addi %mul3A_5, %add3A_322 : vector<16xi32>
    %gather3A_324 = tpu.vector_load_idx %arg5[%add3A_323] : memref<25600xi32, #tpu.memory_space<vmem>>[vector<16xi32>], vector<16xi32>,
    %swap3A_325 = arith.constant 48 : index
    %swap3A_326 = tpu.vector_load %arg7[%swap3A_325] {strides = array<i32>} : memref<128xi32, #tpu.memory_space<vmem>>, vector<16xi32>,
    tpu.vector_store %arg7[%swap3A_325], %gather3A_324 {strides = array<i32>} : memref<128xi32, #tpu.memory_space<vmem>>, vector<16xi32>,
    %add3A_327 = arith.constant 22449 : i32
    %add3A_328 = vector.broadcast %add3A_327 : i32 to vector<16xi32>
    %add3A_329 = arith.addi %mul3A_5, %add3A_328 : vector<16xi32>
    %gather3A_330 = tpu.vector_load_idx %arg5[%add3A_329] : memref<25600xi32, #tpu.memory_space<vmem>>[vector<16xi32>], vector<16xi32>,
    %swap3A_331 = arith.constant 64 : index
    %swap3A_332 = tpu.vector_load %arg7[%swap3A_331] {strides = array<i32>} : memref<128xi32, #tpu.memory_space<vmem>>, vector<16xi32>,
    tpu.vector_store %arg7[%swap3A_331], %gather3A_330 {strides = array<i32>} : memref<128xi32, #tpu.memory_space<vmem>>, vector<16xi32>,
    %add3A_333 = arith.constant 23249 : i32
    %add3A_334 = vector.broadcast %add3A_333 : i32 to vector<16xi32>
    %add3A_335 = arith.addi %mul3A_5, %add3A_334 : vector<16xi32>
    %gather3A_336 = tpu.vector_load_idx %arg5[%add3A_335] : memref<25600xi32, #tpu.memory_space<vmem>>[vector<16xi32>], vector<16xi32>,
    %swap3A_337 = arith.constant 80 : index
    %swap3A_338 = tpu.vector_load %arg7[%swap3A_337] {strides = array<i32>} : memref<128xi32, #tpu.memory_space<vmem>>, vector<16xi32>,
    tpu.vector_store %arg7[%swap3A_337], %gather3A_336 {strides = array<i32>} : memref<128xi32, #tpu.memory_space<vmem>>, vector<16xi32>,
    %add3A_339 = arith.constant 24049 : i32
    %add3A_340 = vector.broadcast %add3A_339 : i32 to vector<16xi32>
    %add3A_341 = arith.addi %mul3A_5, %add3A_340 : vector<16xi32>
    %gather3A_342 = tpu.vector_load_idx %arg5[%add3A_341] : memref<25600xi32, #tpu.memory_space<vmem>>[vector<16xi32>], vector<16xi32>,
    %swap3A_343 = arith.constant 96 : index
    %swap3A_344 = tpu.vector_load %arg7[%swap3A_343] {strides = array<i32>} : memref<128xi32, #tpu.memory_space<vmem>>, vector<16xi32>,
    tpu.vector_store %arg7[%swap3A_343], %gather3A_342 {strides = array<i32>} : memref<128xi32, #tpu.memory_space<vmem>>, vector<16xi32>,
    %add3A_345 = arith.constant 24849 : i32
    %add3A_346 = vector.broadcast %add3A_345 : i32 to vector<16xi32>
    %add3A_347 = arith.addi %mul3A_5, %add3A_346 : vector<16xi32>
    %gather3A_348 = tpu.vector_load_idx %arg5[%add3A_347] : memref<25600xi32, #tpu.memory_space<vmem>>[vector<16xi32>], vector<16xi32>,
    %swap3A_349 = arith.constant 112 : index
    %swap3A_350 = tpu.vector_load %arg7[%swap3A_349] {strides = array<i32>} : memref<128xi32, #tpu.memory_space<vmem>>, vector<16xi32>,
    tpu.vector_store %arg7[%swap3A_349], %gather3A_348 {strides = array<i32>} : memref<128xi32, #tpu.memory_space<vmem>>, vector<16xi32>,
    %dma_start3A_351 = arith.constant 0 : i32
    %dma_start3A_352 = arith.constant 0 : i32
    %dma_start3A_353 = tpu.memref_slice %arg3[%dma_start3A_351, %dma_start3A_352] : memref<1000000x32xf32, #tpu.memory_space<hbm>> -> memref<1000000x32xf32, #tpu.memory_space<hbm>>
    tpu.enqueue_indirect_dma source(%dma_start3A_353 : memref<1000000x32xf32, #tpu.memory_space<hbm>>) target(%arg9 : memref<128x32xf32, #tpu.memory_space<vmem>>) offsets(%arg7 : memref<128xi32, #tpu.memory_space<vmem>>) semaphore(%arg12 : memref<!tpu.dma_semaphore, #tpu.memory_space<semaphore_mem>>)
    %dma_wait3A_354 = arith.constant 0 : i32
    %dma_wait3A_355 = arith.constant 0 : i32
    %dma_wait3A_356 = tpu.memref_slice %arg3[%dma_wait3A_354, %dma_wait3A_355] : memref<1000000x32xf32, #tpu.memory_space<hbm>> -> memref<1000000x32xf32, #tpu.memory_space<hbm>>
    tpu.wait_indirect_dma semaphore(%arg12 : memref<!tpu.dma_semaphore, #tpu.memory_space<semaphore_mem>>) src(%dma_wait3A_356 : memref<1000000x32xf32, #tpu.memory_space<hbm>>) dst(%arg8 : memref<128x32xf32, #tpu.memory_space<vmem>>)
    %dma_wait3A_357 = arith.constant 0 : i32
    %dma_wait3A_358 = arith.constant 0 : i32
    %dma_wait3A_359 = arith.constant 0 : i32
    %dma_wait3A_360 = arith.constant 0 : i32
    %dma_wait3A_361 = tpu.memref_slice %arg10[%dma_wait3A_360] : memref<4096xf32, #tpu.memory_space<vmem>> -> memref<1024xf32, #tpu.memory_space<vmem>>
    %dma_wait3A_362 = arith.constant 0 : i32
    %dma_wait3A_363 = tpu.memref_slice %arg4[%dma_wait3A_357, %dma_wait3A_358, %dma_wait3A_359, %dma_wait3A_362] : memref<50x4x128x1024xf32, #tpu.memory_space<hbm>> -> memref<1x1x1x1024xf32, #tpu.memory_space<hbm>>
    %dma_wait3A_364 = tpu.memref_squeeze %dma_wait3A_363 : memref<1x1x1x1024xf32, #tpu.memory_space<hbm>> -> memref<1024xf32, #tpu.memory_space<hbm>>
    %dma_wait3A_365 = arith.constant 0 : i32
    %dma_wait3A_366 = tpu.memref_slice %arg4[%dma_wait3A_357, %dma_wait3A_358, %dma_wait3A_359, %dma_wait3A_365] : memref<50x4x128x1024xf32, #tpu.memory_space<hbm>> -> memref<1x1x1x1024xf32, #tpu.memory_space<hbm>>
    %dma_wait3A_367 = tpu.memref_squeeze %dma_wait3A_366 : memref<1x1x1x1024xf32, #tpu.memory_space<hbm>> -> memref<1024xf32, #tpu.memory_space<hbm>>
    %dma_wait3A_368 = arith.constant 0 : i32
    %dma_wait3A_369 = tpu.memref_slice %arg10[%dma_wait3A_368] : memref<4096xf32, #tpu.memory_space<vmem>> -> memref<1024xf32, #tpu.memory_space<vmem>>
    tpu.wait_dma2 semaphore(%arg13 : memref<!tpu.dma_semaphore, #tpu.memory_space<semaphore_mem>>) src(%dma_wait3A_369 : memref<1024xf32, #tpu.memory_space<vmem>>) dst(%dma_wait3A_367 : memref<1024xf32, #tpu.memory_space<hbm>>)
    %dma_wait3A_370 = arith.constant 0 : i32
    %dma_wait3A_371 = arith.constant 0 : i32
    %dma_wait3A_372 = arith.constant 0 : i32
    %dma_wait3A_373 = arith.constant 0 : i32
    %dma_wait3A_374 = tpu.memref_slice %arg10[%dma_wait3A_373] : memref<4096xf32, #tpu.memory_space<vmem>> -> memref<1024xf32, #tpu.memory_space<vmem>>
    %dma_wait3A_375 = arith.constant 0 : i32
    %dma_wait3A_376 = tpu.memref_slice %arg4[%dma_wait3A_370, %dma_wait3A_371, %dma_wait3A_372, %dma_wait3A_375] : memref<50x4x128x1024xf32, #tpu.memory_space<hbm>> -> memref<1x1x1x1024xf32, #tpu.memory_space<hbm>>
    %dma_wait3A_377 = tpu.memref_squeeze %dma_wait3A_376 : memref<1x1x1x1024xf32, #tpu.memory_space<hbm>> -> memref<1024xf32, #tpu.memory_space<hbm>>
    %dma_wait3A_378 = arith.constant 0 : i32
    %dma_wait3A_379 = tpu.memref_slice %arg4[%dma_wait3A_370, %dma_wait3A_371, %dma_wait3A_372, %dma_wait3A_378] : memref<50x4x128x1024xf32, #tpu.memory_space<hbm>> -> memref<1x1x1x1024xf32, #tpu.memory_space<hbm>>
    %dma_wait3A_380 = tpu.memref_squeeze %dma_wait3A_379 : memref<1x1x1x1024xf32, #tpu.memory_space<hbm>> -> memref<1024xf32, #tpu.memory_space<hbm>>
    %dma_wait3A_381 = arith.constant 0 : i32
    %dma_wait3A_382 = tpu.memref_slice %arg10[%dma_wait3A_381] : memref<4096xf32, #tpu.memory_space<vmem>> -> memref<1024xf32, #tpu.memory_space<vmem>>
    tpu.wait_dma2 semaphore(%arg13 : memref<!tpu.dma_semaphore, #tpu.memory_space<semaphore_mem>>) src(%dma_wait3A_382 : memref<1024xf32, #tpu.memory_space<vmem>>) dst(%dma_wait3A_380 : memref<1024xf32, #tpu.memory_space<hbm>>)
    %dma_wait3A_383 = arith.constant 0 : i32
    %dma_wait3A_384 = arith.constant 0 : i32
    %dma_wait3A_385 = arith.constant 0 : i32
    %dma_wait3A_386 = arith.constant 0 : i32
    %dma_wait3A_387 = tpu.memref_slice %arg10[%dma_wait3A_386] : memref<4096xf32, #tpu.memory_space<vmem>> -> memref<1024xf32, #tpu.memory_space<vmem>>
    %dma_wait3A_388 = arith.constant 0 : i32
    %dma_wait3A_389 = tpu.memref_slice %arg4[%dma_wait3A_383, %dma_wait3A_384, %dma_wait3A_385, %dma_wait3A_388] : memref<50x4x128x1024xf32, #tpu.memory_space<hbm>> -> memref<1x1x1x1024xf32, #tpu.memory_space<hbm>>
    %dma_wait3A_390 = tpu.memref_squeeze %dma_wait3A_389 : memref<1x1x1x1024xf32, #tpu.memory_space<hbm>> -> memref<1024xf32, #tpu.memory_space<hbm>>
    %dma_wait3A_391 = arith.constant 0 : i32
    %dma_wait3A_392 = tpu.memref_slice %arg4[%dma_wait3A_383, %dma_wait3A_384, %dma_wait3A_385, %dma_wait3A_391] : memref<50x4x128x1024xf32, #tpu.memory_space<hbm>> -> memref<1x1x1x1024xf32, #tpu.memory_space<hbm>>
    %dma_wait3A_393 = tpu.memref_squeeze %dma_wait3A_392 : memref<1x1x1x1024xf32, #tpu.memory_space<hbm>> -> memref<1024xf32, #tpu.memory_space<hbm>>
    %dma_wait3A_394 = arith.constant 0 : i32
    %dma_wait3A_395 = tpu.memref_slice %arg10[%dma_wait3A_394] : memref<4096xf32, #tpu.memory_space<vmem>> -> memref<1024xf32, #tpu.memory_space<vmem>>
    tpu.wait_dma2 semaphore(%arg13 : memref<!tpu.dma_semaphore, #tpu.memory_space<semaphore_mem>>) src(%dma_wait3A_395 : memref<1024xf32, #tpu.memory_space<vmem>>) dst(%dma_wait3A_393 : memref<1024xf32, #tpu.memory_space<hbm>>)
    %dma_wait3A_396 = arith.constant 0 : i32
    %dma_wait3A_397 = arith.constant 0 : i32
    %dma_wait3A_398 = arith.constant 0 : i32
    %dma_wait3A_399 = arith.constant 0 : i32
    %dma_wait3A_400 = tpu.memref_slice %arg10[%dma_wait3A_399] : memref<4096xf32, #tpu.memory_space<vmem>> -> memref<1024xf32, #tpu.memory_space<vmem>>
    %dma_wait3A_401 = arith.constant 0 : i32
    %dma_wait3A_402 = tpu.memref_slice %arg4[%dma_wait3A_396, %dma_wait3A_397, %dma_wait3A_398, %dma_wait3A_401] : memref<50x4x128x1024xf32, #tpu.memory_space<hbm>> -> memref<1x1x1x1024xf32, #tpu.memory_space<hbm>>
    %dma_wait3A_403 = tpu.memref_squeeze %dma_wait3A_402 : memref<1x1x1x1024xf32, #tpu.memory_space<hbm>> -> memref<1024xf32, #tpu.memory_space<hbm>>
    %dma_wait3A_404 = arith.constant 0 : i32
    %dma_wait3A_405 = tpu.memref_slice %arg4[%dma_wait3A_396, %dma_wait3A_397, %dma_wait3A_398, %dma_wait3A_404] : memref<50x4x128x1024xf32, #tpu.memory_space<hbm>> -> memref<1x1x1x1024xf32, #tpu.memory_space<hbm>>
    %dma_wait3A_406 = tpu.memref_squeeze %dma_wait3A_405 : memref<1x1x1x1024xf32, #tpu.memory_space<hbm>> -> memref<1024xf32, #tpu.memory_space<hbm>>
    %dma_wait3A_407 = arith.constant 0 : i32
    %dma_wait3A_408 = tpu.memref_slice %arg10[%dma_wait3A_407] : memref<4096xf32, #tpu.memory_space<vmem>> -> memref<1024xf32, #tpu.memory_space<vmem>>
    tpu.wait_dma2 semaphore(%arg13 : memref<!tpu.dma_semaphore, #tpu.memory_space<semaphore_mem>>) src(%dma_wait3A_408 : memref<1024xf32, #tpu.memory_space<vmem>>) dst(%dma_wait3A_406 : memref<1024xf32, #tpu.memory_space<hbm>>)
    %parallel_loop3A_409 = arith.constant 0 : i32
    %parallel_loop3A_410 = arith.constant 16 : i32
    %parallel_loop3A_411 = arith.constant 1 : i32
    scf.for %parallel_loop3A_678 = %parallel_loop3A_409 to %parallel_loop3A_410 step %parallel_loop3A_411  : i32 {
      %parallel_loop3A_679 = vector.broadcast %parallel_loop3A_678 : i32 to vector<16xi32>
      %parallel_loop3A_680 = arith.addi %mul3A_33, %parallel_loop3A_679 : vector<16xi32>
      %parallel_loop3A_681 = arith.constant 16 : i32
      %parallel_loop3A_682 = vector.broadcast %parallel_loop3A_681 : i32 to vector<16xi32>
      %parallel_loop3A_683 = arith.addi %parallel_loop3A_680, %parallel_loop3A_682 : vector<16xi32>
      %parallel_loop3A_684 = tpu.vector_load_idx %arg8[%add3A_9, %parallel_loop3A_680] : memref<128x32xf32, #tpu.memory_space<vmem>>[vector<16xi32>, vector<16xi32>], vector<16xf32>,
      %parallel_loop3A_685 = tpu.vector_load_idx %arg8[%add3A_9, %parallel_loop3A_683] : memref<128x32xf32, #tpu.memory_space<vmem>>[vector<16xi32>, vector<16xi32>], vector<16xf32>,
      %parallel_loop3A_686 = arith.constant 128 : i32
      %parallel_loop3A_687 = arith.muli %parallel_loop3A_678, %parallel_loop3A_686 : i32
      %parallel_loop3A_688 = arith.constant 0 : i32
      %parallel_loop3A_689 = arith.addi %parallel_loop3A_687, %parallel_loop3A_688 : i32
      %parallel_loop3A_690 = arith.index_cast %parallel_loop3A_689 : i32 to index
      %parallel_loop3A_691 = tpu.vector_load %arg10[%parallel_loop3A_690] {strides = array<i32>} : memref<4096xf32, #tpu.memory_space<vmem>>, vector<16xf32>,
      tpu.vector_store %arg10[%parallel_loop3A_690], %parallel_loop3A_684 {strides = array<i32>} : memref<4096xf32, #tpu.memory_space<vmem>>, vector<16xf32>,
      %parallel_loop3A_692 = arith.constant 16 : i32
      %parallel_loop3A_693 = arith.addi %parallel_loop3A_678, %parallel_loop3A_692 : i32
      %parallel_loop3A_694 = arith.constant 128 : i32
      %parallel_loop3A_695 = arith.muli %parallel_loop3A_693, %parallel_loop3A_694 : i32
      %parallel_loop3A_696 = arith.constant 0 : i32
      %parallel_loop3A_697 = arith.addi %parallel_loop3A_695, %parallel_loop3A_696 : i32
      %parallel_loop3A_698 = arith.index_cast %parallel_loop3A_697 : i32 to index
      %parallel_loop3A_699 = tpu.vector_load %arg10[%parallel_loop3A_698] {strides = array<i32>} : memref<4096xf32, #tpu.memory_space<vmem>>, vector<16xf32>,
      tpu.vector_store %arg10[%parallel_loop3A_698], %parallel_loop3A_685 {strides = array<i32>} : memref<4096xf32, #tpu.memory_space<vmem>>, vector<16xf32>,
      %parallel_loop3A_700 = tpu.vector_load_idx %arg8[%add3A_12, %parallel_loop3A_680] : memref<128x32xf32, #tpu.memory_space<vmem>>[vector<16xi32>, vector<16xi32>], vector<16xf32>,
      %parallel_loop3A_701 = tpu.vector_load_idx %arg8[%add3A_12, %parallel_loop3A_683] : memref<128x32xf32, #tpu.memory_space<vmem>>[vector<16xi32>, vector<16xi32>], vector<16xf32>,
      %parallel_loop3A_702 = arith.constant 128 : i32
      %parallel_loop3A_703 = arith.muli %parallel_loop3A_678, %parallel_loop3A_702 : i32
      %parallel_loop3A_704 = arith.constant 16 : i32
      %parallel_loop3A_705 = arith.addi %parallel_loop3A_703, %parallel_loop3A_704 : i32
      %parallel_loop3A_706 = arith.index_cast %parallel_loop3A_705 : i32 to index
      %parallel_loop3A_707 = tpu.vector_load %arg10[%parallel_loop3A_706] {strides = array<i32>} : memref<4096xf32, #tpu.memory_space<vmem>>, vector<16xf32>,
      tpu.vector_store %arg10[%parallel_loop3A_706], %parallel_loop3A_700 {strides = array<i32>} : memref<4096xf32, #tpu.memory_space<vmem>>, vector<16xf32>,
      %parallel_loop3A_708 = arith.constant 16 : i32
      %parallel_loop3A_709 = arith.addi %parallel_loop3A_678, %parallel_loop3A_708 : i32
      %parallel_loop3A_710 = arith.constant 128 : i32
      %parallel_loop3A_711 = arith.muli %parallel_loop3A_709, %parallel_loop3A_710 : i32
      %parallel_loop3A_712 = arith.constant 16 : i32
      %parallel_loop3A_713 = arith.addi %parallel_loop3A_711, %parallel_loop3A_712 : i32
      %parallel_loop3A_714 = arith.index_cast %parallel_loop3A_713 : i32 to index
      %parallel_loop3A_715 = tpu.vector_load %arg10[%parallel_loop3A_714] {strides = array<i32>} : memref<4096xf32, #tpu.memory_space<vmem>>, vector<16xf32>,
      tpu.vector_store %arg10[%parallel_loop3A_714], %parallel_loop3A_701 {strides = array<i32>} : memref<4096xf32, #tpu.memory_space<vmem>>, vector<16xf32>,
      %parallel_loop3A_716 = tpu.vector_load_idx %arg8[%add3A_15, %parallel_loop3A_680] : memref<128x32xf32, #tpu.memory_space<vmem>>[vector<16xi32>, vector<16xi32>], vector<16xf32>,
      %parallel_loop3A_717 = tpu.vector_load_idx %arg8[%add3A_15, %parallel_loop3A_683] : memref<128x32xf32, #tpu.memory_space<vmem>>[vector<16xi32>, vector<16xi32>], vector<16xf32>,
      %parallel_loop3A_718 = arith.constant 128 : i32
      %parallel_loop3A_719 = arith.muli %parallel_loop3A_678, %parallel_loop3A_718 : i32
      %parallel_loop3A_720 = arith.constant 32 : i32
      %parallel_loop3A_721 = arith.addi %parallel_loop3A_719, %parallel_loop3A_720 : i32
      %parallel_loop3A_722 = arith.index_cast %parallel_loop3A_721 : i32 to index
      %parallel_loop3A_723 = tpu.vector_load %arg10[%parallel_loop3A_722] {strides = array<i32>} : memref<4096xf32, #tpu.memory_space<vmem>>, vector<16xf32>,
      tpu.vector_store %arg10[%parallel_loop3A_722], %parallel_loop3A_716 {strides = array<i32>} : memref<4096xf32, #tpu.memory_space<vmem>>, vector<16xf32>,
      %parallel_loop3A_724 = arith.constant 16 : i32
      %parallel_loop3A_725 = arith.addi %parallel_loop3A_678, %parallel_loop3A_724 : i32
      %parallel_loop3A_726 = arith.constant 128 : i32
      %parallel_loop3A_727 = arith.muli %parallel_loop3A_725, %parallel_loop3A_726 : i32
      %parallel_loop3A_728 = arith.constant 32 : i32
      %parallel_loop3A_729 = arith.addi %parallel_loop3A_727, %parallel_loop3A_728 : i32
      %parallel_loop3A_730 = arith.index_cast %parallel_loop3A_729 : i32 to index
      %parallel_loop3A_731 = tpu.vector_load %arg10[%parallel_loop3A_730] {strides = array<i32>} : memref<4096xf32, #tpu.memory_space<vmem>>, vector<16xf32>,
      tpu.vector_store %arg10[%parallel_loop3A_730], %parallel_loop3A_717 {strides = array<i32>} : memref<4096xf32, #tpu.memory_space<vmem>>, vector<16xf32>,
      %parallel_loop3A_732 = tpu.vector_load_idx %arg8[%add3A_18, %parallel_loop3A_680] : memref<128x32xf32, #tpu.memory_space<vmem>>[vector<16xi32>, vector<16xi32>], vector<16xf32>,
      %parallel_loop3A_733 = tpu.vector_load_idx %arg8[%add3A_18, %parallel_loop3A_683] : memref<128x32xf32, #tpu.memory_space<vmem>>[vector<16xi32>, vector<16xi32>], vector<16xf32>,
      %parallel_loop3A_734 = arith.constant 128 : i32
      %parallel_loop3A_735 = arith.muli %parallel_loop3A_678, %parallel_loop3A_734 : i32
      %parallel_loop3A_736 = arith.constant 48 : i32
      %parallel_loop3A_737 = arith.addi %parallel_loop3A_735, %parallel_loop3A_736 : i32
      %parallel_loop3A_738 = arith.index_cast %parallel_loop3A_737 : i32 to index
      %parallel_loop3A_739 = tpu.vector_load %arg10[%parallel_loop3A_738] {strides = array<i32>} : memref<4096xf32, #tpu.memory_space<vmem>>, vector<16xf32>,
      tpu.vector_store %arg10[%parallel_loop3A_738], %parallel_loop3A_732 {strides = array<i32>} : memref<4096xf32, #tpu.memory_space<vmem>>, vector<16xf32>,
      %parallel_loop3A_740 = arith.constant 16 : i32
      %parallel_loop3A_741 = arith.addi %parallel_loop3A_678, %parallel_loop3A_740 : i32
      %parallel_loop3A_742 = arith.constant 128 : i32
      %parallel_loop3A_743 = arith.muli %parallel_loop3A_741, %parallel_loop3A_742 : i32
      %parallel_loop3A_744 = arith.constant 48 : i32
      %parallel_loop3A_745 = arith.addi %parallel_loop3A_743, %parallel_loop3A_744 : i32
      %parallel_loop3A_746 = arith.index_cast %parallel_loop3A_745 : i32 to index
      %parallel_loop3A_747 = tpu.vector_load %arg10[%parallel_loop3A_746] {strides = array<i32>} : memref<4096xf32, #tpu.memory_space<vmem>>, vector<16xf32>,
      tpu.vector_store %arg10[%parallel_loop3A_746], %parallel_loop3A_733 {strides = array<i32>} : memref<4096xf32, #tpu.memory_space<vmem>>, vector<16xf32>,
      %parallel_loop3A_748 = tpu.vector_load_idx %arg8[%add3A_21, %parallel_loop3A_680] : memref<128x32xf32, #tpu.memory_space<vmem>>[vector<16xi32>, vector<16xi32>], vector<16xf32>,
      %parallel_loop3A_749 = tpu.vector_load_idx %arg8[%add3A_21, %parallel_loop3A_683] : memref<128x32xf32, #tpu.memory_space<vmem>>[vector<16xi32>, vector<16xi32>], vector<16xf32>,
      %parallel_loop3A_750 = arith.constant 128 : i32
      %parallel_loop3A_751 = arith.muli %parallel_loop3A_678, %parallel_loop3A_750 : i32
      %parallel_loop3A_752 = arith.constant 64 : i32
      %parallel_loop3A_753 = arith.addi %parallel_loop3A_751, %parallel_loop3A_752 : i32
      %parallel_loop3A_754 = arith.index_cast %parallel_loop3A_753 : i32 to index
      %parallel_loop3A_755 = tpu.vector_load %arg10[%parallel_loop3A_754] {strides = array<i32>} : memref<4096xf32, #tpu.memory_space<vmem>>, vector<16xf32>,
      tpu.vector_store %arg10[%parallel_loop3A_754], %parallel_loop3A_748 {strides = array<i32>} : memref<4096xf32, #tpu.memory_space<vmem>>, vector<16xf32>,
      %parallel_loop3A_756 = arith.constant 16 : i32
      %parallel_loop3A_757 = arith.addi %parallel_loop3A_678, %parallel_loop3A_756 : i32
      %parallel_loop3A_758 = arith.constant 128 : i32
      %parallel_loop3A_759 = arith.muli %parallel_loop3A_757, %parallel_loop3A_758 : i32
      %parallel_loop3A_760 = arith.constant 64 : i32
      %parallel_loop3A_761 = arith.addi %parallel_loop3A_759, %parallel_loop3A_760 : i32
      %parallel_loop3A_762 = arith.index_cast %parallel_loop3A_761 : i32 to index
      %parallel_loop3A_763 = tpu.vector_load %arg10[%parallel_loop3A_762] {strides = array<i32>} : memref<4096xf32, #tpu.memory_space<vmem>>, vector<16xf32>,
      tpu.vector_store %arg10[%parallel_loop3A_762], %parallel_loop3A_749 {strides = array<i32>} : memref<4096xf32, #tpu.memory_space<vmem>>, vector<16xf32>,
      %parallel_loop3A_764 = tpu.vector_load_idx %arg8[%add3A_24, %parallel_loop3A_680] : memref<128x32xf32, #tpu.memory_space<vmem>>[vector<16xi32>, vector<16xi32>], vector<16xf32>,
      %parallel_loop3A_765 = tpu.vector_load_idx %arg8[%add3A_24, %parallel_loop3A_683] : memref<128x32xf32, #tpu.memory_space<vmem>>[vector<16xi32>, vector<16xi32>], vector<16xf32>,
      %parallel_loop3A_766 = arith.constant 128 : i32
      %parallel_loop3A_767 = arith.muli %parallel_loop3A_678, %parallel_loop3A_766 : i32
      %parallel_loop3A_768 = arith.constant 80 : i32
      %parallel_loop3A_769 = arith.addi %parallel_loop3A_767, %parallel_loop3A_768 : i32
      %parallel_loop3A_770 = arith.index_cast %parallel_loop3A_769 : i32 to index
      %parallel_loop3A_771 = tpu.vector_load %arg10[%parallel_loop3A_770] {strides = array<i32>} : memref<4096xf32, #tpu.memory_space<vmem>>, vector<16xf32>,
      tpu.vector_store %arg10[%parallel_loop3A_770], %parallel_loop3A_764 {strides = array<i32>} : memref<4096xf32, #tpu.memory_space<vmem>>, vector<16xf32>,
      %parallel_loop3A_772 = arith.constant 16 : i32
      %parallel_loop3A_773 = arith.addi %parallel_loop3A_678, %parallel_loop3A_772 : i32
      %parallel_loop3A_774 = arith.constant 128 : i32
      %parallel_loop3A_775 = arith.muli %parallel_loop3A_773, %parallel_loop3A_774 : i32
      %parallel_loop3A_776 = arith.constant 80 : i32
      %parallel_loop3A_777 = arith.addi %parallel_loop3A_775, %parallel_loop3A_776 : i32
      %parallel_loop3A_778 = arith.index_cast %parallel_loop3A_777 : i32 to index
      %parallel_loop3A_779 = tpu.vector_load %arg10[%parallel_loop3A_778] {strides = array<i32>} : memref<4096xf32, #tpu.memory_space<vmem>>, vector<16xf32>,
      tpu.vector_store %arg10[%parallel_loop3A_778], %parallel_loop3A_765 {strides = array<i32>} : memref<4096xf32, #tpu.memory_space<vmem>>, vector<16xf32>,
      %parallel_loop3A_780 = tpu.vector_load_idx %arg8[%add3A_27, %parallel_loop3A_680] : memref<128x32xf32, #tpu.memory_space<vmem>>[vector<16xi32>, vector<16xi32>], vector<16xf32>,
      %parallel_loop3A_781 = tpu.vector_load_idx %arg8[%add3A_27, %parallel_loop3A_683] : memref<128x32xf32, #tpu.memory_space<vmem>>[vector<16xi32>, vector<16xi32>], vector<16xf32>,
      %parallel_loop3A_782 = arith.constant 128 : i32
      %parallel_loop3A_783 = arith.muli %parallel_loop3A_678, %parallel_loop3A_782 : i32
      %parallel_loop3A_784 = arith.constant 96 : i32
      %parallel_loop3A_785 = arith.addi %parallel_loop3A_783, %parallel_loop3A_784 : i32
      %parallel_loop3A_786 = arith.index_cast %parallel_loop3A_785 : i32 to index
      %parallel_loop3A_787 = tpu.vector_load %arg10[%parallel_loop3A_786] {strides = array<i32>} : memref<4096xf32, #tpu.memory_space<vmem>>, vector<16xf32>,
      tpu.vector_store %arg10[%parallel_loop3A_786], %parallel_loop3A_780 {strides = array<i32>} : memref<4096xf32, #tpu.memory_space<vmem>>, vector<16xf32>,
      %parallel_loop3A_788 = arith.constant 16 : i32
      %parallel_loop3A_789 = arith.addi %parallel_loop3A_678, %parallel_loop3A_788 : i32
      %parallel_loop3A_790 = arith.constant 128 : i32
      %parallel_loop3A_791 = arith.muli %parallel_loop3A_789, %parallel_loop3A_790 : i32
      %parallel_loop3A_792 = arith.constant 96 : i32
      %parallel_loop3A_793 = arith.addi %parallel_loop3A_791, %parallel_loop3A_792 : i32
      %parallel_loop3A_794 = arith.index_cast %parallel_loop3A_793 : i32 to index
      %parallel_loop3A_795 = tpu.vector_load %arg10[%parallel_loop3A_794] {strides = array<i32>} : memref<4096xf32, #tpu.memory_space<vmem>>, vector<16xf32>,
      tpu.vector_store %arg10[%parallel_loop3A_794], %parallel_loop3A_781 {strides = array<i32>} : memref<4096xf32, #tpu.memory_space<vmem>>, vector<16xf32>,
      %parallel_loop3A_796 = tpu.vector_load_idx %arg8[%add3A_30, %parallel_loop3A_680] : memref<128x32xf32, #tpu.memory_space<vmem>>[vector<16xi32>, vector<16xi32>], vector<16xf32>,
      %parallel_loop3A_797 = tpu.vector_load_idx %arg8[%add3A_30, %parallel_loop3A_683] : memref<128x32xf32, #tpu.memory_space<vmem>>[vector<16xi32>, vector<16xi32>], vector<16xf32>,
      %parallel_loop3A_798 = arith.constant 128 : i32
      %parallel_loop3A_799 = arith.muli %parallel_loop3A_678, %parallel_loop3A_798 : i32
      %parallel_loop3A_800 = arith.constant 112 : i32
      %parallel_loop3A_801 = arith.addi %parallel_loop3A_799, %parallel_loop3A_800 : i32
      %parallel_loop3A_802 = arith.index_cast %parallel_loop3A_801 : i32 to index
      %parallel_loop3A_803 = tpu.vector_load %arg10[%parallel_loop3A_802] {strides = array<i32>} : memref<4096xf32, #tpu.memory_space<vmem>>, vector<16xf32>,
      tpu.vector_store %arg10[%parallel_loop3A_802], %parallel_loop3A_796 {strides = array<i32>} : memref<4096xf32, #tpu.memory_space<vmem>>, vector<16xf32>,
      %parallel_loop3A_804 = arith.constant 16 : i32
      %parallel_loop3A_805 = arith.addi %parallel_loop3A_678, %parallel_loop3A_804 : i32
      %parallel_loop3A_806 = arith.constant 128 : i32
      %parallel_loop3A_807 = arith.muli %parallel_loop3A_805, %parallel_loop3A_806 : i32
      %parallel_loop3A_808 = arith.constant 112 : i32
      %parallel_loop3A_809 = arith.addi %parallel_loop3A_807, %parallel_loop3A_808 : i32
      %parallel_loop3A_810 = arith.index_cast %parallel_loop3A_809 : i32 to index
      %parallel_loop3A_811 = tpu.vector_load %arg10[%parallel_loop3A_810] {strides = array<i32>} : memref<4096xf32, #tpu.memory_space<vmem>>, vector<16xf32>,
      tpu.vector_store %arg10[%parallel_loop3A_810], %parallel_loop3A_797 {strides = array<i32>} : memref<4096xf32, #tpu.memory_space<vmem>>, vector<16xf32>,
    } {sc.loop_unroll_factor = 4 : i64, sc.parallel_access}
    %mul3A_412 = arith.constant 4 : i32
    %mul3A_413 = arith.muli %add3A, %mul3A_412 : i32
    %add3A_414 = arith.constant 2 : i32
    %add3A_415 = arith.addi %mul3A_413, %add3A_414 : i32
    %dma_start3A_416 = arith.constant 49 : i32
    %dma_start3A_417 = arith.constant 0 : i32
    %dma_start3A_418 = arith.constant 0 : i32
    %dma_start3A_419 = tpu.memref_slice %arg10[%dma_start3A_418] : memref<4096xf32, #tpu.memory_space<vmem>> -> memref<1024xf32, #tpu.memory_space<vmem>>
    %dma_start3A_420 = arith.constant 0 : i32
    %dma_start3A_421 = tpu.memref_slice %arg4[%dma_start3A_416, %dma_start3A_417, %add3A_415, %dma_start3A_420] : memref<50x4x128x1024xf32, #tpu.memory_space<hbm>> -> memref<1x1x1x1024xf32, #tpu.memory_space<hbm>>
    %dma_start3A_422 = tpu.memref_squeeze %dma_start3A_421 : memref<1x1x1x1024xf32, #tpu.memory_space<hbm>> -> memref<1024xf32, #tpu.memory_space<hbm>>
    %dma_start3A_423 = arith.constant 0 : i32
    %dma_start3A_424 = tpu.memref_slice %arg4[%dma_start3A_416, %dma_start3A_417, %add3A_415, %dma_start3A_423] : memref<50x4x128x1024xf32, #tpu.memory_space<hbm>> -> memref<1x1x1x1024xf32, #tpu.memory_space<hbm>>
    %dma_start3A_425 = tpu.memref_squeeze %dma_start3A_424 : memref<1x1x1x1024xf32, #tpu.memory_space<hbm>> -> memref<1024xf32, #tpu.memory_space<hbm>>
    %dma_start3A_426 = arith.constant 0 : i32
    %dma_start3A_427 = tpu.memref_slice %arg10[%dma_start3A_426] : memref<4096xf32, #tpu.memory_space<vmem>> -> memref<1024xf32, #tpu.memory_space<vmem>>
    tpu.enqueue_dma source(%dma_start3A_427 : memref<1024xf32, #tpu.memory_space<vmem>>) target(%dma_start3A_425 : memref<1024xf32, #tpu.memory_space<hbm>>) target_semaphore(%arg13 : memref<!tpu.dma_semaphore, #tpu.memory_space<semaphore_mem>>)
    %dma_start3A_428 = arith.constant 49 : i32
    %dma_start3A_429 = arith.constant 1 : i32
    %dma_start3A_430 = arith.constant 1024 : i32
    %dma_start3A_431 = tpu.memref_slice %arg10[%dma_start3A_430] : memref<4096xf32, #tpu.memory_space<vmem>> -> memref<1024xf32, #tpu.memory_space<vmem>>
    %dma_start3A_432 = arith.constant 0 : i32
    %dma_start3A_433 = tpu.memref_slice %arg4[%dma_start3A_428, %dma_start3A_429, %add3A_415, %dma_start3A_432] : memref<50x4x128x1024xf32, #tpu.memory_space<hbm>> -> memref<1x1x1x1024xf32, #tpu.memory_space<hbm>>
    %dma_start3A_434 = tpu.memref_squeeze %dma_start3A_433 : memref<1x1x1x1024xf32, #tpu.memory_space<hbm>> -> memref<1024xf32, #tpu.memory_space<hbm>>
    %dma_start3A_435 = arith.constant 0 : i32
    %dma_start3A_436 = tpu.memref_slice %arg4[%dma_start3A_428, %dma_start3A_429, %add3A_415, %dma_start3A_435] : memref<50x4x128x1024xf32, #tpu.memory_space<hbm>> -> memref<1x1x1x1024xf32, #tpu.memory_space<hbm>>
    %dma_start3A_437 = tpu.memref_squeeze %dma_start3A_436 : memref<1x1x1x1024xf32, #tpu.memory_space<hbm>> -> memref<1024xf32, #tpu.memory_space<hbm>>
    %dma_start3A_438 = arith.constant 1024 : i32
    %dma_start3A_439 = tpu.memref_slice %arg10[%dma_start3A_438] : memref<4096xf32, #tpu.memory_space<vmem>> -> memref<1024xf32, #tpu.memory_space<vmem>>
    tpu.enqueue_dma source(%dma_start3A_439 : memref<1024xf32, #tpu.memory_space<vmem>>) target(%dma_start3A_437 : memref<1024xf32, #tpu.memory_space<hbm>>) target_semaphore(%arg13 : memref<!tpu.dma_semaphore, #tpu.memory_space<semaphore_mem>>)
    %dma_start3A_440 = arith.constant 49 : i32
    %dma_start3A_441 = arith.constant 2 : i32
    %dma_start3A_442 = arith.constant 2048 : i32
    %dma_start3A_443 = tpu.memref_slice %arg10[%dma_start3A_442] : memref<4096xf32, #tpu.memory_space<vmem>> -> memref<1024xf32, #tpu.memory_space<vmem>>
    %dma_start3A_444 = arith.constant 0 : i32
    %dma_start3A_445 = tpu.memref_slice %arg4[%dma_start3A_440, %dma_start3A_441, %add3A_415, %dma_start3A_444] : memref<50x4x128x1024xf32, #tpu.memory_space<hbm>> -> memref<1x1x1x1024xf32, #tpu.memory_space<hbm>>
    %dma_start3A_446 = tpu.memref_squeeze %dma_start3A_445 : memref<1x1x1x1024xf32, #tpu.memory_space<hbm>> -> memref<1024xf32, #tpu.memory_space<hbm>>
    %dma_start3A_447 = arith.constant 0 : i32
    %dma_start3A_448 = tpu.memref_slice %arg4[%dma_start3A_440, %dma_start3A_441, %add3A_415, %dma_start3A_447] : memref<50x4x128x1024xf32, #tpu.memory_space<hbm>> -> memref<1x1x1x1024xf32, #tpu.memory_space<hbm>>
    %dma_start3A_449 = tpu.memref_squeeze %dma_start3A_448 : memref<1x1x1x1024xf32, #tpu.memory_space<hbm>> -> memref<1024xf32, #tpu.memory_space<hbm>>
    %dma_start3A_450 = arith.constant 2048 : i32
    %dma_start3A_451 = tpu.memref_slice %arg10[%dma_start3A_450] : memref<4096xf32, #tpu.memory_space<vmem>> -> memref<1024xf32, #tpu.memory_space<vmem>>
    tpu.enqueue_dma source(%dma_start3A_451 : memref<1024xf32, #tpu.memory_space<vmem>>) target(%dma_start3A_449 : memref<1024xf32, #tpu.memory_space<hbm>>) target_semaphore(%arg13 : memref<!tpu.dma_semaphore, #tpu.memory_space<semaphore_mem>>)
    %dma_start3A_452 = arith.constant 49 : i32
    %dma_start3A_453 = arith.constant 3 : i32
    %dma_start3A_454 = arith.constant 3072 : i32
    %dma_start3A_455 = tpu.memref_slice %arg10[%dma_start3A_454] : memref<4096xf32, #tpu.memory_space<vmem>> -> memref<1024xf32, #tpu.memory_space<vmem>>
    %dma_start3A_456 = arith.constant 0 : i32
    %dma_start3A_457 = tpu.memref_slice %arg4[%dma_start3A_452, %dma_start3A_453, %add3A_415, %dma_start3A_456] : memref<50x4x128x1024xf32, #tpu.memory_space<hbm>> -> memref<1x1x1x1024xf32, #tpu.memory_space<hbm>>
    %dma_start3A_458 = tpu.memref_squeeze %dma_start3A_457 : memref<1x1x1x1024xf32, #tpu.memory_space<hbm>> -> memref<1024xf32, #tpu.memory_space<hbm>>
    %dma_start3A_459 = arith.constant 0 : i32
    %dma_start3A_460 = tpu.memref_slice %arg4[%dma_start3A_452, %dma_start3A_453, %add3A_415, %dma_start3A_459] : memref<50x4x128x1024xf32, #tpu.memory_space<hbm>> -> memref<1x1x1x1024xf32, #tpu.memory_space<hbm>>
    %dma_start3A_461 = tpu.memref_squeeze %dma_start3A_460 : memref<1x1x1x1024xf32, #tpu.memory_space<hbm>> -> memref<1024xf32, #tpu.memory_space<hbm>>
    %dma_start3A_462 = arith.constant 3072 : i32
    %dma_start3A_463 = tpu.memref_slice %arg10[%dma_start3A_462] : memref<4096xf32, #tpu.memory_space<vmem>> -> memref<1024xf32, #tpu.memory_space<vmem>>
    tpu.enqueue_dma source(%dma_start3A_463 : memref<1024xf32, #tpu.memory_space<vmem>>) target(%dma_start3A_461 : memref<1024xf32, #tpu.memory_space<hbm>>) target_semaphore(%arg13 : memref<!tpu.dma_semaphore, #tpu.memory_space<semaphore_mem>>)
    %dma_wait3A_464 = arith.constant 0 : i32
    %dma_wait3A_465 = arith.constant 0 : i32
    %dma_wait3A_466 = tpu.memref_slice %arg3[%dma_wait3A_464, %dma_wait3A_465] : memref<1000000x32xf32, #tpu.memory_space<hbm>> -> memref<1000000x32xf32, #tpu.memory_space<hbm>>
    tpu.wait_indirect_dma semaphore(%arg12 : memref<!tpu.dma_semaphore, #tpu.memory_space<semaphore_mem>>) src(%dma_wait3A_466 : memref<1000000x32xf32, #tpu.memory_space<hbm>>) dst(%arg8 : memref<128x32xf32, #tpu.memory_space<vmem>>)
    %dma_wait3A_467 = arith.constant 0 : i32
    %dma_wait3A_468 = arith.constant 0 : i32
    %dma_wait3A_469 = arith.constant 0 : i32
    %dma_wait3A_470 = arith.constant 0 : i32
    %dma_wait3A_471 = tpu.memref_slice %arg11[%dma_wait3A_470] : memref<4096xf32, #tpu.memory_space<vmem>> -> memref<1024xf32, #tpu.memory_space<vmem>>
    %dma_wait3A_472 = arith.constant 0 : i32
    %dma_wait3A_473 = tpu.memref_slice %arg4[%dma_wait3A_467, %dma_wait3A_468, %dma_wait3A_469, %dma_wait3A_472] : memref<50x4x128x1024xf32, #tpu.memory_space<hbm>> -> memref<1x1x1x1024xf32, #tpu.memory_space<hbm>>
    %dma_wait3A_474 = tpu.memref_squeeze %dma_wait3A_473 : memref<1x1x1x1024xf32, #tpu.memory_space<hbm>> -> memref<1024xf32, #tpu.memory_space<hbm>>
    %dma_wait3A_475 = arith.constant 0 : i32
    %dma_wait3A_476 = tpu.memref_slice %arg4[%dma_wait3A_467, %dma_wait3A_468, %dma_wait3A_469, %dma_wait3A_475] : memref<50x4x128x1024xf32, #tpu.memory_space<hbm>> -> memref<1x1x1x1024xf32, #tpu.memory_space<hbm>>
    %dma_wait3A_477 = tpu.memref_squeeze %dma_wait3A_476 : memref<1x1x1x1024xf32, #tpu.memory_space<hbm>> -> memref<1024xf32, #tpu.memory_space<hbm>>
    %dma_wait3A_478 = arith.constant 0 : i32
    %dma_wait3A_479 = tpu.memref_slice %arg11[%dma_wait3A_478] : memref<4096xf32, #tpu.memory_space<vmem>> -> memref<1024xf32, #tpu.memory_space<vmem>>
    tpu.wait_dma2 semaphore(%arg14 : memref<!tpu.dma_semaphore, #tpu.memory_space<semaphore_mem>>) src(%dma_wait3A_479 : memref<1024xf32, #tpu.memory_space<vmem>>) dst(%dma_wait3A_477 : memref<1024xf32, #tpu.memory_space<hbm>>)
    %dma_wait3A_480 = arith.constant 0 : i32
    %dma_wait3A_481 = arith.constant 0 : i32
    %dma_wait3A_482 = arith.constant 0 : i32
    %dma_wait3A_483 = arith.constant 0 : i32
    %dma_wait3A_484 = tpu.memref_slice %arg11[%dma_wait3A_483] : memref<4096xf32, #tpu.memory_space<vmem>> -> memref<1024xf32, #tpu.memory_space<vmem>>
    %dma_wait3A_485 = arith.constant 0 : i32
    %dma_wait3A_486 = tpu.memref_slice %arg4[%dma_wait3A_480, %dma_wait3A_481, %dma_wait3A_482, %dma_wait3A_485] : memref<50x4x128x1024xf32, #tpu.memory_space<hbm>> -> memref<1x1x1x1024xf32, #tpu.memory_space<hbm>>
    %dma_wait3A_487 = tpu.memref_squeeze %dma_wait3A_486 : memref<1x1x1x1024xf32, #tpu.memory_space<hbm>> -> memref<1024xf32, #tpu.memory_space<hbm>>
    %dma_wait3A_488 = arith.constant 0 : i32
    %dma_wait3A_489 = tpu.memref_slice %arg4[%dma_wait3A_480, %dma_wait3A_481, %dma_wait3A_482, %dma_wait3A_488] : memref<50x4x128x1024xf32, #tpu.memory_space<hbm>> -> memref<1x1x1x1024xf32, #tpu.memory_space<hbm>>
    %dma_wait3A_490 = tpu.memref_squeeze %dma_wait3A_489 : memref<1x1x1x1024xf32, #tpu.memory_space<hbm>> -> memref<1024xf32, #tpu.memory_space<hbm>>
    %dma_wait3A_491 = arith.constant 0 : i32
    %dma_wait3A_492 = tpu.memref_slice %arg11[%dma_wait3A_491] : memref<4096xf32, #tpu.memory_space<vmem>> -> memref<1024xf32, #tpu.memory_space<vmem>>
    tpu.wait_dma2 semaphore(%arg14 : memref<!tpu.dma_semaphore, #tpu.memory_space<semaphore_mem>>) src(%dma_wait3A_492 : memref<1024xf32, #tpu.memory_space<vmem>>) dst(%dma_wait3A_490 : memref<1024xf32, #tpu.memory_space<hbm>>)
    %dma_wait3A_493 = arith.constant 0 : i32
    %dma_wait3A_494 = arith.constant 0 : i32
    %dma_wait3A_495 = arith.constant 0 : i32
    %dma_wait3A_496 = arith.constant 0 : i32
    %dma_wait3A_497 = tpu.memref_slice %arg11[%dma_wait3A_496] : memref<4096xf32, #tpu.memory_space<vmem>> -> memref<1024xf32, #tpu.memory_space<vmem>>
    %dma_wait3A_498 = arith.constant 0 : i32
    %dma_wait3A_499 = tpu.memref_slice %arg4[%dma_wait3A_493, %dma_wait3A_494, %dma_wait3A_495, %dma_wait3A_498] : memref<50x4x128x1024xf32, #tpu.memory_space<hbm>> -> memref<1x1x1x1024xf32, #tpu.memory_space<hbm>>
    %dma_wait3A_500 = tpu.memref_squeeze %dma_wait3A_499 : memref<1x1x1x1024xf32, #tpu.memory_space<hbm>> -> memref<1024xf32, #tpu.memory_space<hbm>>
    %dma_wait3A_501 = arith.constant 0 : i32
    %dma_wait3A_502 = tpu.memref_slice %arg4[%dma_wait3A_493, %dma_wait3A_494, %dma_wait3A_495, %dma_wait3A_501] : memref<50x4x128x1024xf32, #tpu.memory_space<hbm>> -> memref<1x1x1x1024xf32, #tpu.memory_space<hbm>>
    %dma_wait3A_503 = tpu.memref_squeeze %dma_wait3A_502 : memref<1x1x1x1024xf32, #tpu.memory_space<hbm>> -> memref<1024xf32, #tpu.memory_space<hbm>>
    %dma_wait3A_504 = arith.constant 0 : i32
    %dma_wait3A_505 = tpu.memref_slice %arg11[%dma_wait3A_504] : memref<4096xf32, #tpu.memory_space<vmem>> -> memref<1024xf32, #tpu.memory_space<vmem>>
    tpu.wait_dma2 semaphore(%arg14 : memref<!tpu.dma_semaphore, #tpu.memory_space<semaphore_mem>>) src(%dma_wait3A_505 : memref<1024xf32, #tpu.memory_space<vmem>>) dst(%dma_wait3A_503 : memref<1024xf32, #tpu.memory_space<hbm>>)
    %dma_wait3A_506 = arith.constant 0 : i32
    %dma_wait3A_507 = arith.constant 0 : i32
    %dma_wait3A_508 = arith.constant 0 : i32
    %dma_wait3A_509 = arith.constant 0 : i32
    %dma_wait3A_510 = tpu.memref_slice %arg11[%dma_wait3A_509] : memref<4096xf32, #tpu.memory_space<vmem>> -> memref<1024xf32, #tpu.memory_space<vmem>>
    %dma_wait3A_511 = arith.constant 0 : i32
    %dma_wait3A_512 = tpu.memref_slice %arg4[%dma_wait3A_506, %dma_wait3A_507, %dma_wait3A_508, %dma_wait3A_511] : memref<50x4x128x1024xf32, #tpu.memory_space<hbm>> -> memref<1x1x1x1024xf32, #tpu.memory_space<hbm>>
    %dma_wait3A_513 = tpu.memref_squeeze %dma_wait3A_512 : memref<1x1x1x1024xf32, #tpu.memory_space<hbm>> -> memref<1024xf32, #tpu.memory_space<hbm>>
    %dma_wait3A_514 = arith.constant 0 : i32
    %dma_wait3A_515 = tpu.memref_slice %arg4[%dma_wait3A_506, %dma_wait3A_507, %dma_wait3A_508, %dma_wait3A_514] : memref<50x4x128x1024xf32, #tpu.memory_space<hbm>> -> memref<1x1x1x1024xf32, #tpu.memory_space<hbm>>
    %dma_wait3A_516 = tpu.memref_squeeze %dma_wait3A_515 : memref<1x1x1x1024xf32, #tpu.memory_space<hbm>> -> memref<1024xf32, #tpu.memory_space<hbm>>
    %dma_wait3A_517 = arith.constant 0 : i32
    %dma_wait3A_518 = tpu.memref_slice %arg11[%dma_wait3A_517] : memref<4096xf32, #tpu.memory_space<vmem>> -> memref<1024xf32, #tpu.memory_space<vmem>>
    tpu.wait_dma2 semaphore(%arg14 : memref<!tpu.dma_semaphore, #tpu.memory_space<semaphore_mem>>) src(%dma_wait3A_518 : memref<1024xf32, #tpu.memory_space<vmem>>) dst(%dma_wait3A_516 : memref<1024xf32, #tpu.memory_space<hbm>>)
    %parallel_loop3A_519 = arith.constant 0 : i32
    %parallel_loop3A_520 = arith.constant 16 : i32
    %parallel_loop3A_521 = arith.constant 1 : i32
    scf.for %parallel_loop3A_678 = %parallel_loop3A_519 to %parallel_loop3A_520 step %parallel_loop3A_521  : i32 {
      %parallel_loop3A_679 = vector.broadcast %parallel_loop3A_678 : i32 to vector<16xi32>
      %parallel_loop3A_680 = arith.addi %mul3A_33, %parallel_loop3A_679 : vector<16xi32>
      %parallel_loop3A_681 = arith.constant 16 : i32
      %parallel_loop3A_682 = vector.broadcast %parallel_loop3A_681 : i32 to vector<16xi32>
      %parallel_loop3A_683 = arith.addi %parallel_loop3A_680, %parallel_loop3A_682 : vector<16xi32>
      %parallel_loop3A_684 = tpu.vector_load_idx %arg9[%add3A_9, %parallel_loop3A_680] : memref<128x32xf32, #tpu.memory_space<vmem>>[vector<16xi32>, vector<16xi32>], vector<16xf32>,
      %parallel_loop3A_685 = tpu.vector_load_idx %arg9[%add3A_9, %parallel_loop3A_683] : memref<128x32xf32, #tpu.memory_space<vmem>>[vector<16xi32>, vector<16xi32>], vector<16xf32>,
      %parallel_loop3A_686 = arith.constant 128 : i32
      %parallel_loop3A_687 = arith.muli %parallel_loop3A_678, %parallel_loop3A_686 : i32
      %parallel_loop3A_688 = arith.constant 0 : i32
      %parallel_loop3A_689 = arith.addi %parallel_loop3A_687, %parallel_loop3A_688 : i32
      %parallel_loop3A_690 = arith.index_cast %parallel_loop3A_689 : i32 to index
      %parallel_loop3A_691 = tpu.vector_load %arg11[%parallel_loop3A_690] {strides = array<i32>} : memref<4096xf32, #tpu.memory_space<vmem>>, vector<16xf32>,
      tpu.vector_store %arg11[%parallel_loop3A_690], %parallel_loop3A_684 {strides = array<i32>} : memref<4096xf32, #tpu.memory_space<vmem>>, vector<16xf32>,
      %parallel_loop3A_692 = arith.constant 16 : i32
      %parallel_loop3A_693 = arith.addi %parallel_loop3A_678, %parallel_loop3A_692 : i32
      %parallel_loop3A_694 = arith.constant 128 : i32
      %parallel_loop3A_695 = arith.muli %parallel_loop3A_693, %parallel_loop3A_694 : i32
      %parallel_loop3A_696 = arith.constant 0 : i32
      %parallel_loop3A_697 = arith.addi %parallel_loop3A_695, %parallel_loop3A_696 : i32
      %parallel_loop3A_698 = arith.index_cast %parallel_loop3A_697 : i32 to index
      %parallel_loop3A_699 = tpu.vector_load %arg11[%parallel_loop3A_698] {strides = array<i32>} : memref<4096xf32, #tpu.memory_space<vmem>>, vector<16xf32>,
      tpu.vector_store %arg11[%parallel_loop3A_698], %parallel_loop3A_685 {strides = array<i32>} : memref<4096xf32, #tpu.memory_space<vmem>>, vector<16xf32>,
      %parallel_loop3A_700 = tpu.vector_load_idx %arg9[%add3A_12, %parallel_loop3A_680] : memref<128x32xf32, #tpu.memory_space<vmem>>[vector<16xi32>, vector<16xi32>], vector<16xf32>,
      %parallel_loop3A_701 = tpu.vector_load_idx %arg9[%add3A_12, %parallel_loop3A_683] : memref<128x32xf32, #tpu.memory_space<vmem>>[vector<16xi32>, vector<16xi32>], vector<16xf32>,
      %parallel_loop3A_702 = arith.constant 128 : i32
      %parallel_loop3A_703 = arith.muli %parallel_loop3A_678, %parallel_loop3A_702 : i32
      %parallel_loop3A_704 = arith.constant 16 : i32
      %parallel_loop3A_705 = arith.addi %parallel_loop3A_703, %parallel_loop3A_704 : i32
      %parallel_loop3A_706 = arith.index_cast %parallel_loop3A_705 : i32 to index
      %parallel_loop3A_707 = tpu.vector_load %arg11[%parallel_loop3A_706] {strides = array<i32>} : memref<4096xf32, #tpu.memory_space<vmem>>, vector<16xf32>,
      tpu.vector_store %arg11[%parallel_loop3A_706], %parallel_loop3A_700 {strides = array<i32>} : memref<4096xf32, #tpu.memory_space<vmem>>, vector<16xf32>,
      %parallel_loop3A_708 = arith.constant 16 : i32
      %parallel_loop3A_709 = arith.addi %parallel_loop3A_678, %parallel_loop3A_708 : i32
      %parallel_loop3A_710 = arith.constant 128 : i32
      %parallel_loop3A_711 = arith.muli %parallel_loop3A_709, %parallel_loop3A_710 : i32
      %parallel_loop3A_712 = arith.constant 16 : i32
      %parallel_loop3A_713 = arith.addi %parallel_loop3A_711, %parallel_loop3A_712 : i32
      %parallel_loop3A_714 = arith.index_cast %parallel_loop3A_713 : i32 to index
      %parallel_loop3A_715 = tpu.vector_load %arg11[%parallel_loop3A_714] {strides = array<i32>} : memref<4096xf32, #tpu.memory_space<vmem>>, vector<16xf32>,
      tpu.vector_store %arg11[%parallel_loop3A_714], %parallel_loop3A_701 {strides = array<i32>} : memref<4096xf32, #tpu.memory_space<vmem>>, vector<16xf32>,
      %parallel_loop3A_716 = tpu.vector_load_idx %arg9[%add3A_15, %parallel_loop3A_680] : memref<128x32xf32, #tpu.memory_space<vmem>>[vector<16xi32>, vector<16xi32>], vector<16xf32>,
      %parallel_loop3A_717 = tpu.vector_load_idx %arg9[%add3A_15, %parallel_loop3A_683] : memref<128x32xf32, #tpu.memory_space<vmem>>[vector<16xi32>, vector<16xi32>], vector<16xf32>,
      %parallel_loop3A_718 = arith.constant 128 : i32
      %parallel_loop3A_719 = arith.muli %parallel_loop3A_678, %parallel_loop3A_718 : i32
      %parallel_loop3A_720 = arith.constant 32 : i32
      %parallel_loop3A_721 = arith.addi %parallel_loop3A_719, %parallel_loop3A_720 : i32
      %parallel_loop3A_722 = arith.index_cast %parallel_loop3A_721 : i32 to index
      %parallel_loop3A_723 = tpu.vector_load %arg11[%parallel_loop3A_722] {strides = array<i32>} : memref<4096xf32, #tpu.memory_space<vmem>>, vector<16xf32>,
      tpu.vector_store %arg11[%parallel_loop3A_722], %parallel_loop3A_716 {strides = array<i32>} : memref<4096xf32, #tpu.memory_space<vmem>>, vector<16xf32>,
      %parallel_loop3A_724 = arith.constant 16 : i32
      %parallel_loop3A_725 = arith.addi %parallel_loop3A_678, %parallel_loop3A_724 : i32
      %parallel_loop3A_726 = arith.constant 128 : i32
      %parallel_loop3A_727 = arith.muli %parallel_loop3A_725, %parallel_loop3A_726 : i32
      %parallel_loop3A_728 = arith.constant 32 : i32
      %parallel_loop3A_729 = arith.addi %parallel_loop3A_727, %parallel_loop3A_728 : i32
      %parallel_loop3A_730 = arith.index_cast %parallel_loop3A_729 : i32 to index
      %parallel_loop3A_731 = tpu.vector_load %arg11[%parallel_loop3A_730] {strides = array<i32>} : memref<4096xf32, #tpu.memory_space<vmem>>, vector<16xf32>,
      tpu.vector_store %arg11[%parallel_loop3A_730], %parallel_loop3A_717 {strides = array<i32>} : memref<4096xf32, #tpu.memory_space<vmem>>, vector<16xf32>,
      %parallel_loop3A_732 = tpu.vector_load_idx %arg9[%add3A_18, %parallel_loop3A_680] : memref<128x32xf32, #tpu.memory_space<vmem>>[vector<16xi32>, vector<16xi32>], vector<16xf32>,
      %parallel_loop3A_733 = tpu.vector_load_idx %arg9[%add3A_18, %parallel_loop3A_683] : memref<128x32xf32, #tpu.memory_space<vmem>>[vector<16xi32>, vector<16xi32>], vector<16xf32>,
      %parallel_loop3A_734 = arith.constant 128 : i32
      %parallel_loop3A_735 = arith.muli %parallel_loop3A_678, %parallel_loop3A_734 : i32
      %parallel_loop3A_736 = arith.constant 48 : i32
      %parallel_loop3A_737 = arith.addi %parallel_loop3A_735, %parallel_loop3A_736 : i32
      %parallel_loop3A_738 = arith.index_cast %parallel_loop3A_737 : i32 to index
      %parallel_loop3A_739 = tpu.vector_load %arg11[%parallel_loop3A_738] {strides = array<i32>} : memref<4096xf32, #tpu.memory_space<vmem>>, vector<16xf32>,
      tpu.vector_store %arg11[%parallel_loop3A_738], %parallel_loop3A_732 {strides = array<i32>} : memref<4096xf32, #tpu.memory_space<vmem>>, vector<16xf32>,
      %parallel_loop3A_740 = arith.constant 16 : i32
      %parallel_loop3A_741 = arith.addi %parallel_loop3A_678, %parallel_loop3A_740 : i32
      %parallel_loop3A_742 = arith.constant 128 : i32
      %parallel_loop3A_743 = arith.muli %parallel_loop3A_741, %parallel_loop3A_742 : i32
      %parallel_loop3A_744 = arith.constant 48 : i32
      %parallel_loop3A_745 = arith.addi %parallel_loop3A_743, %parallel_loop3A_744 : i32
      %parallel_loop3A_746 = arith.index_cast %parallel_loop3A_745 : i32 to index
      %parallel_loop3A_747 = tpu.vector_load %arg11[%parallel_loop3A_746] {strides = array<i32>} : memref<4096xf32, #tpu.memory_space<vmem>>, vector<16xf32>,
      tpu.vector_store %arg11[%parallel_loop3A_746], %parallel_loop3A_733 {strides = array<i32>} : memref<4096xf32, #tpu.memory_space<vmem>>, vector<16xf32>,
      %parallel_loop3A_748 = tpu.vector_load_idx %arg9[%add3A_21, %parallel_loop3A_680] : memref<128x32xf32, #tpu.memory_space<vmem>>[vector<16xi32>, vector<16xi32>], vector<16xf32>,
      %parallel_loop3A_749 = tpu.vector_load_idx %arg9[%add3A_21, %parallel_loop3A_683] : memref<128x32xf32, #tpu.memory_space<vmem>>[vector<16xi32>, vector<16xi32>], vector<16xf32>,
      %parallel_loop3A_750 = arith.constant 128 : i32
      %parallel_loop3A_751 = arith.muli %parallel_loop3A_678, %parallel_loop3A_750 : i32
      %parallel_loop3A_752 = arith.constant 64 : i32
      %parallel_loop3A_753 = arith.addi %parallel_loop3A_751, %parallel_loop3A_752 : i32
      %parallel_loop3A_754 = arith.index_cast %parallel_loop3A_753 : i32 to index
      %parallel_loop3A_755 = tpu.vector_load %arg11[%parallel_loop3A_754] {strides = array<i32>} : memref<4096xf32, #tpu.memory_space<vmem>>, vector<16xf32>,
      tpu.vector_store %arg11[%parallel_loop3A_754], %parallel_loop3A_748 {strides = array<i32>} : memref<4096xf32, #tpu.memory_space<vmem>>, vector<16xf32>,
      %parallel_loop3A_756 = arith.constant 16 : i32
      %parallel_loop3A_757 = arith.addi %parallel_loop3A_678, %parallel_loop3A_756 : i32
      %parallel_loop3A_758 = arith.constant 128 : i32
      %parallel_loop3A_759 = arith.muli %parallel_loop3A_757, %parallel_loop3A_758 : i32
      %parallel_loop3A_760 = arith.constant 64 : i32
      %parallel_loop3A_761 = arith.addi %parallel_loop3A_759, %parallel_loop3A_760 : i32
      %parallel_loop3A_762 = arith.index_cast %parallel_loop3A_761 : i32 to index
      %parallel_loop3A_763 = tpu.vector_load %arg11[%parallel_loop3A_762] {strides = array<i32>} : memref<4096xf32, #tpu.memory_space<vmem>>, vector<16xf32>,
      tpu.vector_store %arg11[%parallel_loop3A_762], %parallel_loop3A_749 {strides = array<i32>} : memref<4096xf32, #tpu.memory_space<vmem>>, vector<16xf32>,
      %parallel_loop3A_764 = tpu.vector_load_idx %arg9[%add3A_24, %parallel_loop3A_680] : memref<128x32xf32, #tpu.memory_space<vmem>>[vector<16xi32>, vector<16xi32>], vector<16xf32>,
      %parallel_loop3A_765 = tpu.vector_load_idx %arg9[%add3A_24, %parallel_loop3A_683] : memref<128x32xf32, #tpu.memory_space<vmem>>[vector<16xi32>, vector<16xi32>], vector<16xf32>,
      %parallel_loop3A_766 = arith.constant 128 : i32
      %parallel_loop3A_767 = arith.muli %parallel_loop3A_678, %parallel_loop3A_766 : i32
      %parallel_loop3A_768 = arith.constant 80 : i32
      %parallel_loop3A_769 = arith.addi %parallel_loop3A_767, %parallel_loop3A_768 : i32
      %parallel_loop3A_770 = arith.index_cast %parallel_loop3A_769 : i32 to index
      %parallel_loop3A_771 = tpu.vector_load %arg11[%parallel_loop3A_770] {strides = array<i32>} : memref<4096xf32, #tpu.memory_space<vmem>>, vector<16xf32>,
      tpu.vector_store %arg11[%parallel_loop3A_770], %parallel_loop3A_764 {strides = array<i32>} : memref<4096xf32, #tpu.memory_space<vmem>>, vector<16xf32>,
      %parallel_loop3A_772 = arith.constant 16 : i32
      %parallel_loop3A_773 = arith.addi %parallel_loop3A_678, %parallel_loop3A_772 : i32
      %parallel_loop3A_774 = arith.constant 128 : i32
      %parallel_loop3A_775 = arith.muli %parallel_loop3A_773, %parallel_loop3A_774 : i32
      %parallel_loop3A_776 = arith.constant 80 : i32
      %parallel_loop3A_777 = arith.addi %parallel_loop3A_775, %parallel_loop3A_776 : i32
      %parallel_loop3A_778 = arith.index_cast %parallel_loop3A_777 : i32 to index
      %parallel_loop3A_779 = tpu.vector_load %arg11[%parallel_loop3A_778] {strides = array<i32>} : memref<4096xf32, #tpu.memory_space<vmem>>, vector<16xf32>,
      tpu.vector_store %arg11[%parallel_loop3A_778], %parallel_loop3A_765 {strides = array<i32>} : memref<4096xf32, #tpu.memory_space<vmem>>, vector<16xf32>,
      %parallel_loop3A_780 = tpu.vector_load_idx %arg9[%add3A_27, %parallel_loop3A_680] : memref<128x32xf32, #tpu.memory_space<vmem>>[vector<16xi32>, vector<16xi32>], vector<16xf32>,
      %parallel_loop3A_781 = tpu.vector_load_idx %arg9[%add3A_27, %parallel_loop3A_683] : memref<128x32xf32, #tpu.memory_space<vmem>>[vector<16xi32>, vector<16xi32>], vector<16xf32>,
      %parallel_loop3A_782 = arith.constant 128 : i32
      %parallel_loop3A_783 = arith.muli %parallel_loop3A_678, %parallel_loop3A_782 : i32
      %parallel_loop3A_784 = arith.constant 96 : i32
      %parallel_loop3A_785 = arith.addi %parallel_loop3A_783, %parallel_loop3A_784 : i32
      %parallel_loop3A_786 = arith.index_cast %parallel_loop3A_785 : i32 to index
      %parallel_loop3A_787 = tpu.vector_load %arg11[%parallel_loop3A_786] {strides = array<i32>} : memref<4096xf32, #tpu.memory_space<vmem>>, vector<16xf32>,
      tpu.vector_store %arg11[%parallel_loop3A_786], %parallel_loop3A_780 {strides = array<i32>} : memref<4096xf32, #tpu.memory_space<vmem>>, vector<16xf32>,
      %parallel_loop3A_788 = arith.constant 16 : i32
      %parallel_loop3A_789 = arith.addi %parallel_loop3A_678, %parallel_loop3A_788 : i32
      %parallel_loop3A_790 = arith.constant 128 : i32
      %parallel_loop3A_791 = arith.muli %parallel_loop3A_789, %parallel_loop3A_790 : i32
      %parallel_loop3A_792 = arith.constant 96 : i32
      %parallel_loop3A_793 = arith.addi %parallel_loop3A_791, %parallel_loop3A_792 : i32
      %parallel_loop3A_794 = arith.index_cast %parallel_loop3A_793 : i32 to index
      %parallel_loop3A_795 = tpu.vector_load %arg11[%parallel_loop3A_794] {strides = array<i32>} : memref<4096xf32, #tpu.memory_space<vmem>>, vector<16xf32>,
      tpu.vector_store %arg11[%parallel_loop3A_794], %parallel_loop3A_781 {strides = array<i32>} : memref<4096xf32, #tpu.memory_space<vmem>>, vector<16xf32>,
      %parallel_loop3A_796 = tpu.vector_load_idx %arg9[%add3A_30, %parallel_loop3A_680] : memref<128x32xf32, #tpu.memory_space<vmem>>[vector<16xi32>, vector<16xi32>], vector<16xf32>,
      %parallel_loop3A_797 = tpu.vector_load_idx %arg9[%add3A_30, %parallel_loop3A_683] : memref<128x32xf32, #tpu.memory_space<vmem>>[vector<16xi32>, vector<16xi32>], vector<16xf32>,
      %parallel_loop3A_798 = arith.constant 128 : i32
      %parallel_loop3A_799 = arith.muli %parallel_loop3A_678, %parallel_loop3A_798 : i32
      %parallel_loop3A_800 = arith.constant 112 : i32
      %parallel_loop3A_801 = arith.addi %parallel_loop3A_799, %parallel_loop3A_800 : i32
      %parallel_loop3A_802 = arith.index_cast %parallel_loop3A_801 : i32 to index
      %parallel_loop3A_803 = tpu.vector_load %arg11[%parallel_loop3A_802] {strides = array<i32>} : memref<4096xf32, #tpu.memory_space<vmem>>, vector<16xf32>,
      tpu.vector_store %arg11[%parallel_loop3A_802], %parallel_loop3A_796 {strides = array<i32>} : memref<4096xf32, #tpu.memory_space<vmem>>, vector<16xf32>,
      %parallel_loop3A_804 = arith.constant 16 : i32
      %parallel_loop3A_805 = arith.addi %parallel_loop3A_678, %parallel_loop3A_804 : i32
      %parallel_loop3A_806 = arith.constant 128 : i32
      %parallel_loop3A_807 = arith.muli %parallel_loop3A_805, %parallel_loop3A_806 : i32
      %parallel_loop3A_808 = arith.constant 112 : i32
      %parallel_loop3A_809 = arith.addi %parallel_loop3A_807, %parallel_loop3A_808 : i32
      %parallel_loop3A_810 = arith.index_cast %parallel_loop3A_809 : i32 to index
      %parallel_loop3A_811 = tpu.vector_load %arg11[%parallel_loop3A_810] {strides = array<i32>} : memref<4096xf32, #tpu.memory_space<vmem>>, vector<16xf32>,
      tpu.vector_store %arg11[%parallel_loop3A_810], %parallel_loop3A_797 {strides = array<i32>} : memref<4096xf32, #tpu.memory_space<vmem>>, vector<16xf32>,
    } {sc.loop_unroll_factor = 4 : i64, sc.parallel_access}
    %mul3A_522 = arith.constant 4 : i32
    %mul3A_523 = arith.muli %add3A, %mul3A_522 : i32
    %add3A_524 = arith.constant 3 : i32
    %add3A_525 = arith.addi %mul3A_523, %add3A_524 : i32
    %dma_start3A_526 = arith.constant 49 : i32
    %dma_start3A_527 = arith.constant 0 : i32
    %dma_start3A_528 = arith.constant 0 : i32
    %dma_start3A_529 = tpu.memref_slice %arg11[%dma_start3A_528] : memref<4096xf32, #tpu.memory_space<vmem>> -> memref<1024xf32, #tpu.memory_space<vmem>>
    %dma_start3A_530 = arith.constant 0 : i32
    %dma_start3A_531 = tpu.memref_slice %arg4[%dma_start3A_526, %dma_start3A_527, %add3A_525, %dma_start3A_530] : memref<50x4x128x1024xf32, #tpu.memory_space<hbm>> -> memref<1x1x1x1024xf32, #tpu.memory_space<hbm>>
    %dma_start3A_532 = tpu.memref_squeeze %dma_start3A_531 : memref<1x1x1x1024xf32, #tpu.memory_space<hbm>> -> memref<1024xf32, #tpu.memory_space<hbm>>
    %dma_start3A_533 = arith.constant 0 : i32
    %dma_start3A_534 = tpu.memref_slice %arg4[%dma_start3A_526, %dma_start3A_527, %add3A_525, %dma_start3A_533] : memref<50x4x128x1024xf32, #tpu.memory_space<hbm>> -> memref<1x1x1x1024xf32, #tpu.memory_space<hbm>>
    %dma_start3A_535 = tpu.memref_squeeze %dma_start3A_534 : memref<1x1x1x1024xf32, #tpu.memory_space<hbm>> -> memref<1024xf32, #tpu.memory_space<hbm>>
    %dma_start3A_536 = arith.constant 0 : i32
    %dma_start3A_537 = tpu.memref_slice %arg11[%dma_start3A_536] : memref<4096xf32, #tpu.memory_space<vmem>> -> memref<1024xf32, #tpu.memory_space<vmem>>
    tpu.enqueue_dma source(%dma_start3A_537 : memref<1024xf32, #tpu.memory_space<vmem>>) target(%dma_start3A_535 : memref<1024xf32, #tpu.memory_space<hbm>>) target_semaphore(%arg14 : memref<!tpu.dma_semaphore, #tpu.memory_space<semaphore_mem>>)
    %dma_start3A_538 = arith.constant 49 : i32
    %dma_start3A_539 = arith.constant 1 : i32
    %dma_start3A_540 = arith.constant 1024 : i32
    %dma_start3A_541 = tpu.memref_slice %arg11[%dma_start3A_540] : memref<4096xf32, #tpu.memory_space<vmem>> -> memref<1024xf32, #tpu.memory_space<vmem>>
    %dma_start3A_542 = arith.constant 0 : i32
    %dma_start3A_543 = tpu.memref_slice %arg4[%dma_start3A_538, %dma_start3A_539, %add3A_525, %dma_start3A_542] : memref<50x4x128x1024xf32, #tpu.memory_space<hbm>> -> memref<1x1x1x1024xf32, #tpu.memory_space<hbm>>
    %dma_start3A_544 = tpu.memref_squeeze %dma_start3A_543 : memref<1x1x1x1024xf32, #tpu.memory_space<hbm>> -> memref<1024xf32, #tpu.memory_space<hbm>>
    %dma_start3A_545 = arith.constant 0 : i32
    %dma_start3A_546 = tpu.memref_slice %arg4[%dma_start3A_538, %dma_start3A_539, %add3A_525, %dma_start3A_545] : memref<50x4x128x1024xf32, #tpu.memory_space<hbm>> -> memref<1x1x1x1024xf32, #tpu.memory_space<hbm>>
    %dma_start3A_547 = tpu.memref_squeeze %dma_start3A_546 : memref<1x1x1x1024xf32, #tpu.memory_space<hbm>> -> memref<1024xf32, #tpu.memory_space<hbm>>
    %dma_start3A_548 = arith.constant 1024 : i32
    %dma_start3A_549 = tpu.memref_slice %arg11[%dma_start3A_548] : memref<4096xf32, #tpu.memory_space<vmem>> -> memref<1024xf32, #tpu.memory_space<vmem>>
    tpu.enqueue_dma source(%dma_start3A_549 : memref<1024xf32, #tpu.memory_space<vmem>>) target(%dma_start3A_547 : memref<1024xf32, #tpu.memory_space<hbm>>) target_semaphore(%arg14 : memref<!tpu.dma_semaphore, #tpu.memory_space<semaphore_mem>>)
    %dma_start3A_550 = arith.constant 49 : i32
    %dma_start3A_551 = arith.constant 2 : i32
    %dma_start3A_552 = arith.constant 2048 : i32
    %dma_start3A_553 = tpu.memref_slice %arg11[%dma_start3A_552] : memref<4096xf32, #tpu.memory_space<vmem>> -> memref<1024xf32, #tpu.memory_space<vmem>>
    %dma_start3A_554 = arith.constant 0 : i32
    %dma_start3A_555 = tpu.memref_slice %arg4[%dma_start3A_550, %dma_start3A_551, %add3A_525, %dma_start3A_554] : memref<50x4x128x1024xf32, #tpu.memory_space<hbm>> -> memref<1x1x1x1024xf32, #tpu.memory_space<hbm>>
    %dma_start3A_556 = tpu.memref_squeeze %dma_start3A_555 : memref<1x1x1x1024xf32, #tpu.memory_space<hbm>> -> memref<1024xf32, #tpu.memory_space<hbm>>
    %dma_start3A_557 = arith.constant 0 : i32
    %dma_start3A_558 = tpu.memref_slice %arg4[%dma_start3A_550, %dma_start3A_551, %add3A_525, %dma_start3A_557] : memref<50x4x128x1024xf32, #tpu.memory_space<hbm>> -> memref<1x1x1x1024xf32, #tpu.memory_space<hbm>>
    %dma_start3A_559 = tpu.memref_squeeze %dma_start3A_558 : memref<1x1x1x1024xf32, #tpu.memory_space<hbm>> -> memref<1024xf32, #tpu.memory_space<hbm>>
    %dma_start3A_560 = arith.constant 2048 : i32
    %dma_start3A_561 = tpu.memref_slice %arg11[%dma_start3A_560] : memref<4096xf32, #tpu.memory_space<vmem>> -> memref<1024xf32, #tpu.memory_space<vmem>>
    tpu.enqueue_dma source(%dma_start3A_561 : memref<1024xf32, #tpu.memory_space<vmem>>) target(%dma_start3A_559 : memref<1024xf32, #tpu.memory_space<hbm>>) target_semaphore(%arg14 : memref<!tpu.dma_semaphore, #tpu.memory_space<semaphore_mem>>)
    %dma_start3A_562 = arith.constant 49 : i32
    %dma_start3A_563 = arith.constant 3 : i32
    %dma_start3A_564 = arith.constant 3072 : i32
    %dma_start3A_565 = tpu.memref_slice %arg11[%dma_start3A_564] : memref<4096xf32, #tpu.memory_space<vmem>> -> memref<1024xf32, #tpu.memory_space<vmem>>
    %dma_start3A_566 = arith.constant 0 : i32
    %dma_start3A_567 = tpu.memref_slice %arg4[%dma_start3A_562, %dma_start3A_563, %add3A_525, %dma_start3A_566] : memref<50x4x128x1024xf32, #tpu.memory_space<hbm>> -> memref<1x1x1x1024xf32, #tpu.memory_space<hbm>>
    %dma_start3A_568 = tpu.memref_squeeze %dma_start3A_567 : memref<1x1x1x1024xf32, #tpu.memory_space<hbm>> -> memref<1024xf32, #tpu.memory_space<hbm>>
    %dma_start3A_569 = arith.constant 0 : i32
    %dma_start3A_570 = tpu.memref_slice %arg4[%dma_start3A_562, %dma_start3A_563, %add3A_525, %dma_start3A_569] : memref<50x4x128x1024xf32, #tpu.memory_space<hbm>> -> memref<1x1x1x1024xf32, #tpu.memory_space<hbm>>
    %dma_start3A_571 = tpu.memref_squeeze %dma_start3A_570 : memref<1x1x1x1024xf32, #tpu.memory_space<hbm>> -> memref<1024xf32, #tpu.memory_space<hbm>>
    %dma_start3A_572 = arith.constant 3072 : i32
    %dma_start3A_573 = tpu.memref_slice %arg11[%dma_start3A_572] : memref<4096xf32, #tpu.memory_space<vmem>> -> memref<1024xf32, #tpu.memory_space<vmem>>
    tpu.enqueue_dma source(%dma_start3A_573 : memref<1024xf32, #tpu.memory_space<vmem>>) target(%dma_start3A_571 : memref<1024xf32, #tpu.memory_space<hbm>>) target_semaphore(%arg14 : memref<!tpu.dma_semaphore, #tpu.memory_space<semaphore_mem>>)
    %dma_wait3A_574 = arith.constant 0 : i32
    %dma_wait3A_575 = arith.constant 0 : i32
    %dma_wait3A_576 = arith.constant 0 : i32
    %dma_wait3A_577 = arith.constant 0 : i32
    %dma_wait3A_578 = tpu.memref_slice %arg10[%dma_wait3A_577] : memref<4096xf32, #tpu.memory_space<vmem>> -> memref<1024xf32, #tpu.memory_space<vmem>>
    %dma_wait3A_579 = arith.constant 0 : i32
    %dma_wait3A_580 = tpu.memref_slice %arg4[%dma_wait3A_574, %dma_wait3A_575, %dma_wait3A_576, %dma_wait3A_579] : memref<50x4x128x1024xf32, #tpu.memory_space<hbm>> -> memref<1x1x1x1024xf32, #tpu.memory_space<hbm>>
    %dma_wait3A_581 = tpu.memref_squeeze %dma_wait3A_580 : memref<1x1x1x1024xf32, #tpu.memory_space<hbm>> -> memref<1024xf32, #tpu.memory_space<hbm>>
    %dma_wait3A_582 = arith.constant 0 : i32
    %dma_wait3A_583 = tpu.memref_slice %arg4[%dma_wait3A_574, %dma_wait3A_575, %dma_wait3A_576, %dma_wait3A_582] : memref<50x4x128x1024xf32, #tpu.memory_space<hbm>> -> memref<1x1x1x1024xf32, #tpu.memory_space<hbm>>
    %dma_wait3A_584 = tpu.memref_squeeze %dma_wait3A_583 : memref<1x1x1x1024xf32, #tpu.memory_space<hbm>> -> memref<1024xf32, #tpu.memory_space<hbm>>
    %dma_wait3A_585 = arith.constant 0 : i32
    %dma_wait3A_586 = tpu.memref_slice %arg10[%dma_wait3A_585] : memref<4096xf32, #tpu.memory_space<vmem>> -> memref<1024xf32, #tpu.memory_space<vmem>>
    tpu.wait_dma2 semaphore(%arg13 : memref<!tpu.dma_semaphore, #tpu.memory_space<semaphore_mem>>) src(%dma_wait3A_586 : memref<1024xf32, #tpu.memory_space<vmem>>) dst(%dma_wait3A_584 : memref<1024xf32, #tpu.memory_space<hbm>>)
    %dma_wait3A_587 = arith.constant 0 : i32
    %dma_wait3A_588 = arith.constant 0 : i32
    %dma_wait3A_589 = arith.constant 0 : i32
    %dma_wait3A_590 = arith.constant 0 : i32
    %dma_wait3A_591 = tpu.memref_slice %arg10[%dma_wait3A_590] : memref<4096xf32, #tpu.memory_space<vmem>> -> memref<1024xf32, #tpu.memory_space<vmem>>
    %dma_wait3A_592 = arith.constant 0 : i32
    %dma_wait3A_593 = tpu.memref_slice %arg4[%dma_wait3A_587, %dma_wait3A_588, %dma_wait3A_589, %dma_wait3A_592] : memref<50x4x128x1024xf32, #tpu.memory_space<hbm>> -> memref<1x1x1x1024xf32, #tpu.memory_space<hbm>>
    %dma_wait3A_594 = tpu.memref_squeeze %dma_wait3A_593 : memref<1x1x1x1024xf32, #tpu.memory_space<hbm>> -> memref<1024xf32, #tpu.memory_space<hbm>>
    %dma_wait3A_595 = arith.constant 0 : i32
    %dma_wait3A_596 = tpu.memref_slice %arg4[%dma_wait3A_587, %dma_wait3A_588, %dma_wait3A_589, %dma_wait3A_595] : memref<50x4x128x1024xf32, #tpu.memory_space<hbm>> -> memref<1x1x1x1024xf32, #tpu.memory_space<hbm>>
    %dma_wait3A_597 = tpu.memref_squeeze %dma_wait3A_596 : memref<1x1x1x1024xf32, #tpu.memory_space<hbm>> -> memref<1024xf32, #tpu.memory_space<hbm>>
    %dma_wait3A_598 = arith.constant 0 : i32
    %dma_wait3A_599 = tpu.memref_slice %arg10[%dma_wait3A_598] : memref<4096xf32, #tpu.memory_space<vmem>> -> memref<1024xf32, #tpu.memory_space<vmem>>
    tpu.wait_dma2 semaphore(%arg13 : memref<!tpu.dma_semaphore, #tpu.memory_space<semaphore_mem>>) src(%dma_wait3A_599 : memref<1024xf32, #tpu.memory_space<vmem>>) dst(%dma_wait3A_597 : memref<1024xf32, #tpu.memory_space<hbm>>)
    %dma_wait3A_600 = arith.constant 0 : i32
    %dma_wait3A_601 = arith.constant 0 : i32
    %dma_wait3A_602 = arith.constant 0 : i32
    %dma_wait3A_603 = arith.constant 0 : i32
    %dma_wait3A_604 = tpu.memref_slice %arg10[%dma_wait3A_603] : memref<4096xf32, #tpu.memory_space<vmem>> -> memref<1024xf32, #tpu.memory_space<vmem>>
    %dma_wait3A_605 = arith.constant 0 : i32
    %dma_wait3A_606 = tpu.memref_slice %arg4[%dma_wait3A_600, %dma_wait3A_601, %dma_wait3A_602, %dma_wait3A_605] : memref<50x4x128x1024xf32, #tpu.memory_space<hbm>> -> memref<1x1x1x1024xf32, #tpu.memory_space<hbm>>
    %dma_wait3A_607 = tpu.memref_squeeze %dma_wait3A_606 : memref<1x1x1x1024xf32, #tpu.memory_space<hbm>> -> memref<1024xf32, #tpu.memory_space<hbm>>
    %dma_wait3A_608 = arith.constant 0 : i32
    %dma_wait3A_609 = tpu.memref_slice %arg4[%dma_wait3A_600, %dma_wait3A_601, %dma_wait3A_602, %dma_wait3A_608] : memref<50x4x128x1024xf32, #tpu.memory_space<hbm>> -> memref<1x1x1x1024xf32, #tpu.memory_space<hbm>>
    %dma_wait3A_610 = tpu.memref_squeeze %dma_wait3A_609 : memref<1x1x1x1024xf32, #tpu.memory_space<hbm>> -> memref<1024xf32, #tpu.memory_space<hbm>>
    %dma_wait3A_611 = arith.constant 0 : i32
    %dma_wait3A_612 = tpu.memref_slice %arg10[%dma_wait3A_611] : memref<4096xf32, #tpu.memory_space<vmem>> -> memref<1024xf32, #tpu.memory_space<vmem>>
    tpu.wait_dma2 semaphore(%arg13 : memref<!tpu.dma_semaphore, #tpu.memory_space<semaphore_mem>>) src(%dma_wait3A_612 : memref<1024xf32, #tpu.memory_space<vmem>>) dst(%dma_wait3A_610 : memref<1024xf32, #tpu.memory_space<hbm>>)
    %dma_wait3A_613 = arith.constant 0 : i32
    %dma_wait3A_614 = arith.constant 0 : i32
    %dma_wait3A_615 = arith.constant 0 : i32
    %dma_wait3A_616 = arith.constant 0 : i32
    %dma_wait3A_617 = tpu.memref_slice %arg10[%dma_wait3A_616] : memref<4096xf32, #tpu.memory_space<vmem>> -> memref<1024xf32, #tpu.memory_space<vmem>>
    %dma_wait3A_618 = arith.constant 0 : i32
    %dma_wait3A_619 = tpu.memref_slice %arg4[%dma_wait3A_613, %dma_wait3A_614, %dma_wait3A_615, %dma_wait3A_618] : memref<50x4x128x1024xf32, #tpu.memory_space<hbm>> -> memref<1x1x1x1024xf32, #tpu.memory_space<hbm>>
    %dma_wait3A_620 = tpu.memref_squeeze %dma_wait3A_619 : memref<1x1x1x1024xf32, #tpu.memory_space<hbm>> -> memref<1024xf32, #tpu.memory_space<hbm>>
    %dma_wait3A_621 = arith.constant 0 : i32
    %dma_wait3A_622 = tpu.memref_slice %arg4[%dma_wait3A_613, %dma_wait3A_614, %dma_wait3A_615, %dma_wait3A_621] : memref<50x4x128x1024xf32, #tpu.memory_space<hbm>> -> memref<1x1x1x1024xf32, #tpu.memory_space<hbm>>
    %dma_wait3A_623 = tpu.memref_squeeze %dma_wait3A_622 : memref<1x1x1x1024xf32, #tpu.memory_space<hbm>> -> memref<1024xf32, #tpu.memory_space<hbm>>
    %dma_wait3A_624 = arith.constant 0 : i32
    %dma_wait3A_625 = tpu.memref_slice %arg10[%dma_wait3A_624] : memref<4096xf32, #tpu.memory_space<vmem>> -> memref<1024xf32, #tpu.memory_space<vmem>>
    tpu.wait_dma2 semaphore(%arg13 : memref<!tpu.dma_semaphore, #tpu.memory_space<semaphore_mem>>) src(%dma_wait3A_625 : memref<1024xf32, #tpu.memory_space<vmem>>) dst(%dma_wait3A_623 : memref<1024xf32, #tpu.memory_space<hbm>>)
    %dma_wait3A_626 = arith.constant 0 : i32
    %dma_wait3A_627 = arith.constant 0 : i32
    %dma_wait3A_628 = arith.constant 0 : i32
    %dma_wait3A_629 = arith.constant 0 : i32
    %dma_wait3A_630 = tpu.memref_slice %arg11[%dma_wait3A_629] : memref<4096xf32, #tpu.memory_space<vmem>> -> memref<1024xf32, #tpu.memory_space<vmem>>
    %dma_wait3A_631 = arith.constant 0 : i32
    %dma_wait3A_632 = tpu.memref_slice %arg4[%dma_wait3A_626, %dma_wait3A_627, %dma_wait3A_628, %dma_wait3A_631] : memref<50x4x128x1024xf32, #tpu.memory_space<hbm>> -> memref<1x1x1x1024xf32, #tpu.memory_space<hbm>>
    %dma_wait3A_633 = tpu.memref_squeeze %dma_wait3A_632 : memref<1x1x1x1024xf32, #tpu.memory_space<hbm>> -> memref<1024xf32, #tpu.memory_space<hbm>>
    %dma_wait3A_634 = arith.constant 0 : i32
    %dma_wait3A_635 = tpu.memref_slice %arg4[%dma_wait3A_626, %dma_wait3A_627, %dma_wait3A_628, %dma_wait3A_634] : memref<50x4x128x1024xf32, #tpu.memory_space<hbm>> -> memref<1x1x1x1024xf32, #tpu.memory_space<hbm>>
    %dma_wait3A_636 = tpu.memref_squeeze %dma_wait3A_635 : memref<1x1x1x1024xf32, #tpu.memory_space<hbm>> -> memref<1024xf32, #tpu.memory_space<hbm>>
    %dma_wait3A_637 = arith.constant 0 : i32
    %dma_wait3A_638 = tpu.memref_slice %arg11[%dma_wait3A_637] : memref<4096xf32, #tpu.memory_space<vmem>> -> memref<1024xf32, #tpu.memory_space<vmem>>
    tpu.wait_dma2 semaphore(%arg14 : memref<!tpu.dma_semaphore, #tpu.memory_space<semaphore_mem>>) src(%dma_wait3A_638 : memref<1024xf32, #tpu.memory_space<vmem>>) dst(%dma_wait3A_636 : memref<1024xf32, #tpu.memory_space<hbm>>)
    %dma_wait3A_639 = arith.constant 0 : i32
    %dma_wait3A_640 = arith.constant 0 : i32
    %dma_wait3A_641 = arith.constant 0 : i32
    %dma_wait3A_642 = arith.constant 0 : i32
    %dma_wait3A_643 = tpu.memref_slice %arg11[%dma_wait3A_642] : memref<4096xf32, #tpu.memory_space<vmem>> -> memref<1024xf32, #tpu.memory_space<vmem>>
    %dma_wait3A_644 = arith.constant 0 : i32
    %dma_wait3A_645 = tpu.memref_slice %arg4[%dma_wait3A_639, %dma_wait3A_640, %dma_wait3A_641, %dma_wait3A_644] : memref<50x4x128x1024xf32, #tpu.memory_space<hbm>> -> memref<1x1x1x1024xf32, #tpu.memory_space<hbm>>
    %dma_wait3A_646 = tpu.memref_squeeze %dma_wait3A_645 : memref<1x1x1x1024xf32, #tpu.memory_space<hbm>> -> memref<1024xf32, #tpu.memory_space<hbm>>
    %dma_wait3A_647 = arith.constant 0 : i32
    %dma_wait3A_648 = tpu.memref_slice %arg4[%dma_wait3A_639, %dma_wait3A_640, %dma_wait3A_641, %dma_wait3A_647] : memref<50x4x128x1024xf32, #tpu.memory_space<hbm>> -> memref<1x1x1x1024xf32, #tpu.memory_space<hbm>>
    %dma_wait3A_649 = tpu.memref_squeeze %dma_wait3A_648 : memref<1x1x1x1024xf32, #tpu.memory_space<hbm>> -> memref<1024xf32, #tpu.memory_space<hbm>>
    %dma_wait3A_650 = arith.constant 0 : i32
    %dma_wait3A_651 = tpu.memref_slice %arg11[%dma_wait3A_650] : memref<4096xf32, #tpu.memory_space<vmem>> -> memref<1024xf32, #tpu.memory_space<vmem>>
    tpu.wait_dma2 semaphore(%arg14 : memref<!tpu.dma_semaphore, #tpu.memory_space<semaphore_mem>>) src(%dma_wait3A_651 : memref<1024xf32, #tpu.memory_space<vmem>>) dst(%dma_wait3A_649 : memref<1024xf32, #tpu.memory_space<hbm>>)
    %dma_wait3A_652 = arith.constant 0 : i32
    %dma_wait3A_653 = arith.constant 0 : i32
    %dma_wait3A_654 = arith.constant 0 : i32
    %dma_wait3A_655 = arith.constant 0 : i32
    %dma_wait3A_656 = tpu.memref_slice %arg11[%dma_wait3A_655] : memref<4096xf32, #tpu.memory_space<vmem>> -> memref<1024xf32, #tpu.memory_space<vmem>>
    %dma_wait3A_657 = arith.constant 0 : i32
    %dma_wait3A_658 = tpu.memref_slice %arg4[%dma_wait3A_652, %dma_wait3A_653, %dma_wait3A_654, %dma_wait3A_657] : memref<50x4x128x1024xf32, #tpu.memory_space<hbm>> -> memref<1x1x1x1024xf32, #tpu.memory_space<hbm>>
    %dma_wait3A_659 = tpu.memref_squeeze %dma_wait3A_658 : memref<1x1x1x1024xf32, #tpu.memory_space<hbm>> -> memref<1024xf32, #tpu.memory_space<hbm>>
    %dma_wait3A_660 = arith.constant 0 : i32
    %dma_wait3A_661 = tpu.memref_slice %arg4[%dma_wait3A_652, %dma_wait3A_653, %dma_wait3A_654, %dma_wait3A_660] : memref<50x4x128x1024xf32, #tpu.memory_space<hbm>> -> memref<1x1x1x1024xf32, #tpu.memory_space<hbm>>
    %dma_wait3A_662 = tpu.memref_squeeze %dma_wait3A_661 : memref<1x1x1x1024xf32, #tpu.memory_space<hbm>> -> memref<1024xf32, #tpu.memory_space<hbm>>
    %dma_wait3A_663 = arith.constant 0 : i32
    %dma_wait3A_664 = tpu.memref_slice %arg11[%dma_wait3A_663] : memref<4096xf32, #tpu.memory_space<vmem>> -> memref<1024xf32, #tpu.memory_space<vmem>>
    tpu.wait_dma2 semaphore(%arg14 : memref<!tpu.dma_semaphore, #tpu.memory_space<semaphore_mem>>) src(%dma_wait3A_664 : memref<1024xf32, #tpu.memory_space<vmem>>) dst(%dma_wait3A_662 : memref<1024xf32, #tpu.memory_space<hbm>>)
    %dma_wait3A_665 = arith.constant 0 : i32
    %dma_wait3A_666 = arith.constant 0 : i32
    %dma_wait3A_667 = arith.constant 0 : i32
    %dma_wait3A_668 = arith.constant 0 : i32
    %dma_wait3A_669 = tpu.memref_slice %arg11[%dma_wait3A_668] : memref<4096xf32, #tpu.memory_space<vmem>> -> memref<1024xf32, #tpu.memory_space<vmem>>
    %dma_wait3A_670 = arith.constant 0 : i32
    %dma_wait3A_671 = tpu.memref_slice %arg4[%dma_wait3A_665, %dma_wait3A_666, %dma_wait3A_667, %dma_wait3A_670] : memref<50x4x128x1024xf32, #tpu.memory_space<hbm>> -> memref<1x1x1x1024xf32, #tpu.memory_space<hbm>>
    %dma_wait3A_672 = tpu.memref_squeeze %dma_wait3A_671 : memref<1x1x1x1024xf32, #tpu.memory_space<hbm>> -> memref<1024xf32, #tpu.memory_space<hbm>>
    %dma_wait3A_673 = arith.constant 0 : i32
    %dma_wait3A_674 = tpu.memref_slice %arg4[%dma_wait3A_665, %dma_wait3A_666, %dma_wait3A_667, %dma_wait3A_673] : memref<50x4x128x1024xf32, #tpu.memory_space<hbm>> -> memref<1x1x1x1024xf32, #tpu.memory_space<hbm>>
    %dma_wait3A_675 = tpu.memref_squeeze %dma_wait3A_674 : memref<1x1x1x1024xf32, #tpu.memory_space<hbm>> -> memref<1024xf32, #tpu.memory_space<hbm>>
    %dma_wait3A_676 = arith.constant 0 : i32
    %dma_wait3A_677 = tpu.memref_slice %arg11[%dma_wait3A_676] : memref<4096xf32, #tpu.memory_space<vmem>> -> memref<1024xf32, #tpu.memory_space<vmem>>
    tpu.wait_dma2 semaphore(%arg14 : memref<!tpu.dma_semaphore, #tpu.memory_space<semaphore_mem>>) src(%dma_wait3A_677 : memref<1024xf32, #tpu.memory_space<vmem>>) dst(%dma_wait3A_675 : memref<1024xf32, #tpu.memory_space<hbm>>)
    return
  }
}

</mosaic_0001>

<sc_bundles>
// kernel: kernel.3.cloned.1.call-start
scs
__scs_entry_jumppad:
0x0: {  	(pc) =	sbr.rel $0x88, $3  }
0x1: {  	(tag) =	ssettag $0x0;
	lr =	simm.s32 $0x1  }
0x2: {  	[smem:$0x3F9F] =	sst lr;
	_ =	strace $0xD0000000  }
0x3: {  	_ = 	snop  }
0x4: {  	_ = 	snop  }
0x5: {  	_ = 	snop  }
0x6: {  	_ = 	snop  }
0x7: {  	_ = 	snop  }
__scs_overlays_trampoline_lowered:
0x8: {  	[smem:$0x3FAE] =	sst s0  }
0x9: {  	[smem:$0x3FAF] =	sst s1  }
0xa: {  	[smem:$0x3FB0] =	sst s2  }
0xb: {  	[smem:$0x3FB1] =	sst s3  }
0xc: {  	[smem:$0x3FB2] =	sst s4  }
0xd: {  	[smem:$0x3FB3] =	sst s5  }
0xe: {  	[smem:$0x3FB4] =	sst s6  }
0xf: {  	[smem:$0x3FB5] =	sst s7  }
0x10: {  	[smem:$0x3FB6] =	sst s8  }
0x11: {  	[smem:$0x3FB7] =	sst s9;
	s0 =	simm.s32 @!p0 $0x0  }
0x12: {  	s1 =	sld [smem:$0x3F9D];
	s0 =	simm.s32 @p0 $0x1  }
0x13: {  	[smem:$0x3FB8] =	sst s0;
	s0 =	simm.s32 @!p1 $0x0  }
0x14: {  	s2 =	sld [smem:$0x3F9C];
	s0 =	simm.s32 @p1 $0x1  }
0x15: {  	[smem:$0x3FB9] =	sst s0;
	s0 =	simm.s32 @!p2 $0x0  }
0x16: {  	s3 =	sld [smem:$0x3FDB];
	s0 =	simm.s32 @p2 $0x1  }
0x17: {  	s4 =	simm.s32 $0x1BF5;
	[smem:$0x3FBB] =	sst s0  }
0x18: {  	s0 =	sld [smem:$0x3F9E];
	_ =	swait.ge [sflag:s4], $0x0  }
0x19: {  	s7 =	sld [smem:$0x3F9F]  }
0x1a: {  	s8 =	sadd.s32 $0xFFFFE003, lr  }
0x1b: {  	s9 =	sadd.s32 $0xFFFFFEF7, lr;
	s5 =	simm.s32 $0xFFFFFFFF;
	p2 =	slt.u32 s8, $0xFFFFF086  }
0x1c: {  	p1 =	slt.u32 s9, $0xF7A;
	s5 =	simm.s32 @!p2 $0x0  }
0x1d: {  	s5 =	simm.s32 @p1 $0x1;
	p0 =	seq.s32 s7, s2  }
0x1e: {  	s7 =	smul.u32 @!p0 $0xF7A, s2;
	p2 =	seq.s32 @!p0 s5, $0x0  }
0x1f: {  	s9 =	smul.u32 $0xF7A, s1;
	s8 =	simm.s32 @!p0 $0x1BF5;
	p2 =	por !p2, p0  }
0x20: {  	[sflag:s8] =	ssyncset.s32 @!p0 $0xFFFFF086;
	s6 =	sadd.s32 @!p0 s3, s7;
	s7 =	simm.s32 @!p0 $0x108  }
0x21: {  	s3 =	sadd.s32 s3, s9;
	s6 =	sadd.s32 @!p0 $0x88, s6;
	s7 =	simm.s32 @p2 $0x1082  }
0x22: {  	[simem:s7], [sflag:s8] =	dma.local @!p0 [hbm:s6], $0xF7A  }
0x23: {  	s9 =	sor.u32 $0xD0000000, s2;
	s6 =	simm.s32 $0x108;
	_ =	swait.ge @!p0 [sflag:s8], $0x0  }
0x24: {  	s3 =	sadd.s32 $0x88, s3;
	s6 =	simm.s32 @!p1 $0x1082;
	[sflag:s4] =	ssyncset.s32 $0xFFFFF086  }
0x25: {  	[simem:s6], [sflag:s4] =	dma.local [hbm:s3], $0xF7A  }
0x26: {  	[smem:$0x3F9F] =	sst s1;
	(tag) =	ssettag s2;
	_ =	strace s9  }
0x27: {  	s1 =	sld [smem:$0x3FAF]  }
0x28: {  	s2 =	sld [smem:$0x3FB0]  }
0x29: {  	s4 =	sld [smem:$0x3FB2]  }
0x2a: {  	p0 =	seq.s32 s5, $0x0;
	s5 =	sld [smem:$0x3FB3]  }
0x2b: {  	s6 =	sld [smem:$0x3FB4]  }
0x2c: {  	s7 =	sld [smem:$0x3FB5]  }
0x2d: {  	s3 =	simm.s32 $0x108;
	s8 =	sld [smem:$0x3FB6]  }
0x2e: {  	s3 =	simm.s32 @!p0 $0x1082;
	s9 =	sld [smem:$0x3FB7]  }
0x2f: {  	lr =	sadd.s32 s0, s3;
	s0 =	sld [smem:$0x3FAE]  }
0x30: {  	s3 =	sld [smem:$0x3FB1]  }
0x31: {  	[smem:$0x3FBA] =	sst s10  }
0x32: {  	s10 =	sld [smem:$0x3FB8];
	_ =	sdelay $0x3  }
0x33: {  	p0 =	seq.s32 s10, $0x1;
	s10 =	sld [smem:$0x3FBA];
	_ =	sdelay $0x3  }
0x34: {  	[smem:$0x3FBA] =	sst s10  }
0x35: {  	s10 =	sld [smem:$0x3FB9];
	_ =	sdelay $0x3  }
0x36: {  	p1 =	seq.s32 s10, $0x1;
	s10 =	sld [smem:$0x3FBA];
	_ =	sdelay $0x3  }
0x37: {  	[smem:$0x3FBA] =	sst s10  }
0x38: {  	s10 =	sld [smem:$0x3FBB]  }
0x39: {  	_ = 	snop;
	(pc) =	sbr.ind lr, $3  }
0x3a: {  	_ = 	snop  }
0x3b: {  	_ = 	snop  }
0x3c: {  	p2 =	seq.s32 s10, $0x1;
	s10 =	sld [smem:$0x3FBA]  }
0x3d: {  	_ =	shalt  }
0x3e: {  	_ =	shalt  }
0x3f: {  	_ =	shalt  }
0x40: {  	_ =	shalt  }
0x41: {  	_ =	shalt  }
0x42: {  	_ =	shalt  }
0x43: {  	_ =	shalt  }
0x44: {  	_ =	shalt  }
0x45: {  	_ =	shalt  }
0x46: {  	_ =	shalt  }
0x47: {  	_ =	shalt  }
0x48: {  	_ =	shalt  }
0x49: {  	_ =	shalt  }
0x4a: {  	_ =	shalt  }
0x4b: {  	_ =	shalt  }
0x4c: {  	_ =	shalt  }
0x4d: {  	_ =	shalt  }
0x4e: {  	_ =	shalt  }
0x4f: {  	_ =	shalt  }
0x50: {  	_ =	shalt  }
0x51: {  	_ =	shalt  }
0x52: {  	_ =	shalt  }
0x53: {  	_ =	shalt  }
0x54: {  	_ =	shalt  }
0x55: {  	_ =	shalt  }
0x56: {  	_ =	shalt  }
0x57: {  	_ =	shalt  }
0x58: {  	_ =	shalt  }
0x59: {  	_ =	shalt  }
0x5a: {  	_ =	shalt  }
0x5b: {  	_ =	shalt  }
0x5c: {  	_ =	shalt  }
0x5d: {  	_ =	shalt  }
0x5e: {  	_ =	shalt  }
0x5f: {  	_ =	shalt  }
0x60: {  	_ =	shalt  }
0x61: {  	_ =	shalt  }
0x62: {  	_ =	shalt  }
0x63: {  	_ =	shalt  }
0x64: {  	_ =	shalt  }
0x65: {  	_ =	shalt  }
0x66: {  	_ =	shalt  }
0x67: {  	_ =	shalt  }
0x68: {  	_ =	shalt  }
0x69: {  	_ =	shalt  }
0x6a: {  	_ =	shalt  }
0x6b: {  	_ =	shalt  }
0x6c: {  	_ =	shalt  }
0x6d: {  	_ =	shalt  }
0x6e: {  	_ =	shalt  }
0x6f: {  	_ =	shalt  }
0x70: {  	_ =	shalt  }
0x71: {  	_ =	shalt  }
0x72: {  	_ =	shalt  }
0x73: {  	_ =	shalt  }
0x74: {  	_ =	shalt  }
0x75: {  	_ =	shalt  }
0x76: {  	_ =	shalt  }
0x77: {  	_ =	shalt  }
0x78: {  	_ =	shalt  }
0x79: {  	_ =	shalt  }
0x7a: {  	_ =	shalt  }
0x7b: {  	_ =	shalt  }
0x7c: {  	_ =	shalt  }
0x7d: {  	_ =	shalt  }
0x7e: {  	_ =	shalt  }
0x7f: {  	_ =	shalt  }
0x80: {  	_ =	shalt  }
0x81: {  	_ =	shalt  }
0x82: {  	_ =	shalt  }
0x83: {  	_ =	shalt  }
0x84: {  	_ =	shalt  }
0x85: {  	_ =	shalt  }
0x86: {  	_ =	shalt  }
0x87: {  	_ =	shalt  }
.Lfunc_end0:
.L_simem_size_0:
called_computation_lowered:
.L_overlay_start_0:
0x88: {  	s2 =	sld [smem:$0x3FD9]  }
0x89: {  	s3 =	sld [smem:$0x3FFE];
	_ =	sdelay $0x1  }
0x8a: {  	s1 =	srdreg.scid  }
0x8b: {  	s0 =	sand.u32 $0x1, s1  }
0x8c: {  	s17 =	sshll.u32 s0, $0xA;
	s2 =	sadd.s32 s3, s2  }
0x8d: {  	s2 =	sadd.s32 s2, s17  }
0x8e: {  	[smem:$0x3FC6] =	sst s2  }
0x8f: {  	_ = 	snop  }
0x90: {  	s2 =	sld [smem:$0x3FD0];
	(tm) =	ssettm $0x1  }
0x91: {  	s18 =	sld [smem:$0x3FFB];
	_ =	sdelay $0x3  }
0x92: {  	_ =	strace s18  }
0x93: {  	s3 =	sld [smem:$0x3FFC];
	_ =	sdelay $0x3  }
0x94: {  	_ =	strace s3  }
0x95: {  	s3 =	sld [smem:$0x3FFD];
	_ =	sdelay $0x3  }
0x96: {  	_ =	strace s3  }
0x97: {  	_ =	strace $0x8FFFFFFF  }
0x98: {  	s19 =	sld [smem:$0x3FDB];
	_ =	sdelay $0x1  }
0x99: {  	s4 =	simm.s32 $_scs_section_size  }
0x9a: {  	s5 =	simm.s32 $_size__tile_overlayer_lowered;
	s6 =	simm.s32 $_tile_overlayer_lowered  }
0x9b: {  	s22 =	simm.s32 $0x1BFF;
	s21 =	sshll.u32 s6, $0x1;
	s3 =	sadd.s32 s4, s19  }
0x9c: {  	s7 =	simm.s32 $0x0;
	s20 =	sshll.u32 s5, $0x1;
	s5 =	sadd.s32 s21, s3  }
0x9d: {  	[timem:s7], [sflag:s22] =	dma.local [hbm:s5], s20  }
0x9e: {  	_ =	swait.ge [sflag:s22], s20  }
0x9f: {  	s4 =	ssub.s32 $0x0, s20;
	[sflag:s22] =	ssyncset.done $0x0  }
0xa0: {  	[sflag:s22] =	ssyncadd.s32 s4;
	_ =	sdelay $0x1  }
0xa1: {  	s23 =	simm.s32 $0x1B8B  }
0xa2: {  	_ =	swait.ge [sflag:s23], $0x1  }
0xa3: {  	[sflag:s23] =	ssyncset.done $0x0  }
0xa4: {  	s25 =	simm.s32 $0x1B8E;
	s24 =	sld [smem:$0x3FFE];
	[sflag:s23] =	ssyncadd.s32 $0xFFFFFFFF  }
0xa5: {  	s26 =	simm.s32 $execute0_lowered;
	[smem:$0x3FD2] =	sst s25  }
0xa6: {  	s5 =	sshll.u32 s26, $0x1;
	_ =	strace $0x80000046;
	[dreg:$0x1] =	wrdreg $0xFFFFFFFF  }
0xa7: {  	s28 =	simm.s32 $_size_execute0_lowered;
	s3 =	sadd.s32 s3, s5;
	[dreg:$0x0] =	wrdreg $0x0  }
0xa8: {  	s5 =	sshll.u32 s28, $0x1;
	[dreg:$0x2] =	wrdreg s3  }
0xa9: {  	[dreg:$0x3] =	wrdreg s5  }
0xaa: {  	[dreg:$0x4] =	wrdreg $0xC0  }
0xab: {  	_ =	task [dreg:s7], $0x5FFFF  }
0xac: {  	[dreg:$0x1] =	wrdreg $0xFFFFFFFF  }
0xad: {  	[dreg:$0x0] =	wrdreg $0x60  }
0xae: {  	[dreg:$0x2] =	wrdreg s24  }
0xaf: {  	[dreg:$0x3] =	wrdreg s2  }
0xb0: {  	[dreg:$0x4] =	wrdreg $0x9  }
0xb1: {  	_ =	task.clear_ibuf [dreg:s7], $0x5FFFF;
	_ =	strace $0x90000046  }
0xb2: {  	s29 =	simm.s32 $0x9;
	_ =	strace $0x80000048  }
0xb3: {  	_ =	swait.ge [sflag:s29], $0x1  }
0xb4: {  	[sflag:s29] =	ssyncadd.s32 $0xFFFFFFFF  }
0xb5: {  	_ =	strace $0x90000048  }
0xb6: {  	_ =	sfence  }
0xb7: {  	s30 =	sld [smem:$0x0];
	_ =	sdelay $0x2  }
0xb8: {  	s31 =	sshll.u32 s1, $0xD;
	s1 =	sshrl.u32 s1, $0x2  }
0xb9: {  	s3 =	sand.u32 $0x4000, s31;
	s1 =	sadd.s32 s1, s30  }
0xba: {  	s0 =	sor.u32 s3, s0;
	s1 =	sshll.u32 s1, $0x11  }
0xbb: {  	s0 =	sor.u32 s1, s0  }
0xbc: {  	s0 =	sadd.s32 $0x8F2B, s0  }
0xbd: {  	[sflag:s0] =	ssyncadd.remote.s32 $0x1  }
0xbe: {  	_ =	sfence.sel $0xFFFF  }
0xbf: {  	[dreg:$0x0] =	wrdreg $0xFFFFFFFF;
	(pc) =	sbr.abs _section_cstart, $3  }
0xc0: {  	[dreg:$0x1] =	wrdreg $0xFFFFFFFF  }
0xc1: {  	_ =	task.clear_ibuf [dreg:s7], $0x2FFFF;
	_ =	strace $0x9FFFFFFF  }
0xc2: {  	(tm) =	ssettm $0x7FFFFFFF  }
0xc3: {  	_ =	shalt  }
tec
execute0_lowered:
.L_overlay_start_1:
0x0: {  	(tag) =	ssettag $0x1  }
0x1: {  	s1 =	srdreg.scid;
	s4 =	stileid.u32  }
0x2: {  	s1 =	sand.u32 $0x1, s1;
	s4 =	sshll.u32 s4, $0x1  }
0x3: {  	s0 =	rddreg [dreg:$0x0];
	v1 =	vlaneseq.u32;
	s5 =	sor.u32 s1, s4  }
0x4: {  	s2 =	rddreg [dreg:$0x1];
	s3 =	simm.s32 $0x0;
	v0 =	vmul.u32 $0x32, v1;
	s7 =	sshll.u32 s5, $0x9  }
0x5: {  	[smem:$0x7FF] =	sst s3;
	s7 =	sadd.s32 s2, s7  }
0x6: {  	_ =	strace $0x80000047;
	v2 =	vadd.s32 $0x320, v0;
	s10 =	sadd.s32 $0x310100, s7;
	[dreg:$0x3] =	wrdreg s7  }
0x7: {  	s28 =	simm.s32 $0x6500;
	v11 =	vmul.u32 $0x20, v1;
	v1 =	vadd.s32 $0x2260, v0;
	[tilespmem:$0x1FED0] =	vst v2;
	s11 =	sadd.s32 $0x314100, s7;
	[dreg:$0x4] =	wrdreg s10  }
0x8: {  	s29 =	simm.s32 $0x6480;
	v2 =	vadd.s32 $0x640, v0;
	[tilespmem:$0x1FF70] =	vst v1;
	s13 =	sadd.s32 $0x4000, s7;
	[dreg:$0x6] =	wrdreg s11  }
0x9: {  	s30 =	simm.s32 $0x7500;
	v1 =	vadd.s32 $0x2580, v0;
	[tilespmem:$0x1FEE0] =	vst v2;
	s14 =	sadd.s32 $0x318100, s7;
	[dreg:$0x7] =	wrdreg s13  }
0xa: {  	s8 =	simm.s32 $0x9500;
	v2 =	vadd.s32 $0x960, v0;
	[tilespmem:$0x1FF80] =	vst v1;
	s16 =	sadd.s32 $0x8000, s7;
	[dreg:$0x8] =	wrdreg s14  }
0xb: {  	s4 =	sadd.s32 $0xF42A00, s0;
	v1 =	vadd.s32 $0x28A0, v0;
	s17 =	sadd.s32 $0x31C100, s7;
	[tilespmem:$0x1FEF0] =	vst v2;
	[dreg:$0x9] =	wrdreg s16  }
0xc: {  	s9 =	simm.s32 $0x9900;
	v17 =	vor.u32 $0x10, v11;
	v18 =	vor.u32 $0x200, v11;
	s18 =	sadd.s32 $0xC000, s7;
	v2 =	vadd.s32 $0xC80, v0;
	[tilespmem:$0x1FF90] =	vst v1;
	[dreg:$0xa] =	wrdreg s17  }
0xd: {  	s12 =	ssub.s32 $0x2, s1;
	v19 =	vor.u32 $0x210, v11;
	v20 =	vor.u32 $0x400, v11;
	s19 =	sadd.s32 $0x310180, s7;
	v1 =	vadd.s32 $0x2BC0, v0;
	[dreg:$0xb] =	wrdreg s18;
	[tilespmem:$0x1FF00] =	vst v2  }
0xe: {  	s1 =	simm.s32 $0x8900;
	v21 =	vor.u32 $0x410, v11;
	v22 =	vor.u32 $0x600, v11;
	s20 =	sadd.s32 $0x4080, s7;
	[dreg:$0xc] =	wrdreg s19;
	v2 =	vadd.s32 $0xFA0, v0;
	[tilespmem:$0x1FFA0] =	vst v1  }
0xf: {  	s31 =	simm.s32 $0x1;
	v23 =	vor.u32 $0x610, v11;
	v24 =	vor.u32 $0x800, v11;
	s21 =	sadd.s32 $0x314180, s7;
	[dreg:$0xd] =	wrdreg s20;
	v1 =	vadd.s32 $0x2EE0, v0;
	[tilespmem:$0x1FF10] =	vst v2  }
0x10: {  	s6 =	smul.u32 $0xC80, s5;
	v25 =	vor.u32 $0x810, v11;
	v26 =	vor.u32 $0xA00, v11;
	s22 =	sadd.s32 $0x80, s7;
	[dreg:$0xe] =	wrdreg s21;
	v2 =	vadd.s32 $0x12C0, v0;
	[tilespmem:$0x1FFB0] =	vst v1  }
0x11: {  	s15 =	sshrl.u32 s12, $0x1;
	v27 =	vor.u32 $0xA10, v11;
	v28 =	vor.u32 $0xC00, v11;
	s23 =	sadd.s32 $0x8080, s7;
	[dreg:$0xf] =	wrdreg s22;
	v1 =	vadd.s32 $0x3200, v0;
	[tilespmem:$0x1FF20] =	vst v2  }
0x12: {  	v29 =	vor.u32 $0xC10, v11;
	v30 =	vor.u32 $0xE00, v11;
	s0 =	sadd.s32 s6, s0;
	s24 =	sadd.s32 $0x318180, s7;
	[dreg:$0x10] =	wrdreg s23;
	v2 =	vadd.s32 $0x15E0, v0;
	[tilespmem:$0x1FFC0] =	vst v1  }
0x13: {  	v31 =	vor.u32 $0xE10, v11;
	s25 =	sadd.s32 $0xC080, s7;
	s26 =	sadd.s32 $0x31C180, s7;
	[dreg:$0x11] =	wrdreg s24;
	v1 =	vadd.s32 $0x3520, v0;
	[tilespmem:$0x1FF30] =	vst v2  }
0x14: {  	v36 =	vadd.s32 $0x3E80, v0;
	v37 =	vadd.s32 $0x41A0, v0;
	s6 =	simm.s32 $0x8D00;
	s7 =	simm.s32 $0x9100;
	[dreg:$0x12] =	wrdreg s25;
	v2 =	vadd.s32 $0x1900, v0;
	[tilespmem:$0x1FFD0] =	vst v1  }
0x15: {  	v38 =	vadd.s32 $0x44C0, v0;
	v39 =	vadd.s32 $0x47E0, v0;
	s0 =	sadd.s32 $0x600, s0;
	[dreg:$0x13] =	wrdreg s26;
	s25 =	simm.s32 $0x80;
	v1 =	vadd.s32 $0x3840, v0;
	[tilespmem:$0x1FF40] =	vst v2  }
0x16: {  	v40 =	vadd.s32 $0x4B31, v0;
	s26 =	simm.s32 $0x6400;
	s10 =	simm.s32 $0x9D00;
	s11 =	simm.s32 $0xA100;
	v2 =	vadd.s32 $0x1C20, v0;
	[tilespmem:$0x1FFE0] =	vst v1  }
0x17: {  	v41 =	vadd.s32 $0x4E51, v0;
	v42 =	vadd.s32 $0x5171, v0;
	s13 =	simm.s32 $0x3;
	[dreg:$0x5] =	wrdreg s0;
	s0 =	ssub.s32 s12, s15;
	v1 =	vadd.s32 $0x3B60, v0;
	[tilespmem:$0x1FF50] =	vst v2  }
0x18: {  	v43 =	vadd.s32 $0x5491, v0;
	v44 =	vadd.s32 $0x57B1, v0;
	s14 =	simm.s32 $0x0;
	s15 =	sshll.u32 s5, $0x2;
	s0 =	smax.u32 s0, $0x1;
	v2 =	vadd.s32 $0x1F40, v0;
	[tilespmem:$0x1FFF0] =	vst v1  }
0x19: {  	v45 =	vadd.s32 $0x5AD1, v0;
	v46 =	vadd.s32 $0x5DF1, v0;
	v47 =	vadd.s32 $0x6111, v0;
	s12 =	simm.s32 $0x2;
	[dreg:$0x14] =	wrdreg s0;
	s0 =	simm.s32 $0x8500;
	[tilespmem:$0x1FF60] =	vst v2  }
.LBB2_1:
0x1a: {  	[dreg:$0x15] =	wrdreg s14  }
0x1b: {  	s5 =	rddreg [dreg:$0x5];
	s17 =	simm.s32 $0x4  }
0x1c: {  	[tilespmem:s3], [sflag:$0x4] =	stream.linear.gather [hbm4b:s5+s3], $0x6400, $0x38;
	[tilespmem:$0xA500] =	vst v63  }
0x1d: {  	_ =	swait.ge [sflag:s17], $0x6400  }
0x1e: {  	[sflag:s17] =	ssyncset.done $0x0  }
0x1f: {  	[sflag:s17] =	ssyncadd.s32 $0xFFFF9C00  }
0x20: {  	v1 =	vld.idx.msk [tilespmem:v0+s3+$0x0], $0xffff;
	_ =	sdelay $0x4  }
0x21: {  	[tilespmem:$0x6400] =	vst v1;
	v1 =	vld [tilespmem:$0x1FED0];
	_ =	sdelay $0x7  }
0x22: {  	v1 =	vld.idx.msk [tilespmem:v1+s3+$0x0], $0xffff;
	_ =	sdelay $0x4  }
0x23: {  	[tilespmem:$0x6410] =	vst v1;
	v1 =	vld [tilespmem:$0x1FEE0];
	_ =	sdelay $0x7  }
0x24: {  	v1 =	vld.idx.msk [tilespmem:v1+s3+$0x0], $0xffff;
	_ =	sdelay $0x4  }
0x25: {  	[tilespmem:$0x6420] =	vst v1;
	v1 =	vld [tilespmem:$0x1FEF0];
	_ =	sdelay $0x7  }
0x26: {  	v1 =	vld.idx.msk [tilespmem:v1+s3+$0x0], $0xffff;
	_ =	sdelay $0x4  }
0x27: {  	[tilespmem:$0x6430] =	vst v1;
	v1 =	vld [tilespmem:$0x1FF00];
	_ =	sdelay $0x7  }
0x28: {  	v1 =	vld.idx.msk [tilespmem:v1+s3+$0x0], $0xffff;
	_ =	sdelay $0x4  }
0x29: {  	[tilespmem:$0x6440] =	vst v1;
	v1 =	vld [tilespmem:$0x1FF10];
	_ =	sdelay $0x7  }
0x2a: {  	v1 =	vld.idx.msk [tilespmem:v1+s3+$0x0], $0xffff;
	_ =	sdelay $0x4  }
0x2b: {  	[tilespmem:$0x6450] =	vst v1;
	v1 =	vld [tilespmem:$0x1FF20];
	_ =	sdelay $0x7  }
0x2c: {  	v1 =	vld.idx.msk [tilespmem:v1+s3+$0x0], $0xffff;
	_ =	sdelay $0x4  }
0x2d: {  	[tilespmem:$0x6460] =	vst v1;
	v1 =	vld [tilespmem:$0x1FF30];
	_ =	sdelay $0x7  }
0x2e: {  	v1 =	vld.idx.msk [tilespmem:v1+s3+$0x0], $0xffff;
	_ =	sdelay $0x4  }
0x2f: {  	[tilespmem:$0x6470] =	vst v1;
	v1 =	vld [tilespmem:$0x1FF40];
	_ =	sdelay $0x6  }
0x30: {  	[tilespmem:s28], [sflag:$0x1] =	stream.indirect.gather [hbm4b:s4+s25], $0x20, s26, s25, $0xb8;
	[tilespmem:$0xA500] =	vst v63  }
0x31: {  	v1 =	vld.idx.msk [tilespmem:v1+s3+$0x0], $0xffff;
	_ =	sdelay $0x4  }
0x32: {  	[tilespmem:$0x6480] =	vst v1;
	v1 =	vld [tilespmem:$0x1FF50];
	_ =	sdelay $0x7  }
0x33: {  	v1 =	vld.idx.msk [tilespmem:v1+s3+$0x0], $0xffff;
	_ =	sdelay $0x4  }
0x34: {  	[tilespmem:$0x6490] =	vst v1;
	v1 =	vld [tilespmem:$0x1FF60];
	_ =	sdelay $0x7  }
0x35: {  	v1 =	vld.idx.msk [tilespmem:v1+s3+$0x0], $0xffff;
	_ =	sdelay $0x4  }
0x36: {  	[tilespmem:$0x64A0] =	vst v1;
	v1 =	vld [tilespmem:$0x1FF70];
	_ =	sdelay $0x7  }
0x37: {  	v1 =	vld.idx.msk [tilespmem:v1+s3+$0x0], $0xffff;
	_ =	sdelay $0x4  }
0x38: {  	[tilespmem:$0x64B0] =	vst v1;
	v1 =	vld [tilespmem:$0x1FF80];
	_ =	sdelay $0x7  }
0x39: {  	v1 =	vld.idx.msk [tilespmem:v1+s3+$0x0], $0xffff;
	_ =	sdelay $0x4  }
0x3a: {  	[tilespmem:$0x64C0] =	vst v1;
	v1 =	vld [tilespmem:$0x1FF90];
	_ =	sdelay $0x7  }
0x3b: {  	v1 =	vld.idx.msk [tilespmem:v1+s3+$0x0], $0xffff;
	_ =	sdelay $0x4  }
0x3c: {  	[tilespmem:$0x64D0] =	vst v1;
	v1 =	vld [tilespmem:$0x1FFA0];
	_ =	sdelay $0x7  }
0x3d: {  	v1 =	vld.idx.msk [tilespmem:v1+s3+$0x0], $0xffff;
	_ =	sdelay $0x4  }
0x3e: {  	[tilespmem:$0x64E0] =	vst v1;
	v1 =	vld [tilespmem:$0x1FFB0];
	_ =	sdelay $0x7  }
0x3f: {  	s18 =	simm.s32 $0x3;
	v1 =	vld.idx.msk [tilespmem:v1+s3+$0x0], $0xffff  }
0x40: {  	v2 =	vmov s18  }
0x41: {  	v2 =	vand.u32 $0xF, v2  }
0x42: {  	v54 =	vbroadcast v2, $0x0  }
0x43: {  	s19 =	simm.s32 $0x1  }
0x44: {  	s20 =	simm.s32 $0x2;
	v2 =	vor.u32 v17, v54;
	[tilespmem:$0x64F0] =	vst v1;
	v1 =	vmov s19  }
0x45: {  	v3 =	vor.u32 v11, v54;
	[tilespmem:s30], [sflag:$0x1] =	stream.indirect.gather [hbm4b:s4+s25], $0x20, s29, s25, $0xb8;
	v1 =	vand.u32 $0xD, v1;
	[tilespmem:$0xA500] =	vst v63  }
0x46: {  	_ =	swait.ge [sflag:s31], $0x1000;
	v49 =	vbroadcast v1, $0x0;
	v1 =	vmov s20  }
0x47: {  	[sflag:s31] =	ssyncset.done $0x0;
	v1 =	vand.u32 $0xE, v1  }
0x48: {  	[sflag:s31] =	ssyncadd.s32 $0xFFFFF000;
	v4 =	vor.u32 v11, v49;
	v48 =	vbroadcast v1, $0x0  }
0x49: {  	v1 =	vmov s3;
	v5 =	vor.u32 v17, v49;
	v2 =	vld.idx.msk [tilespmem:v2+s28+$0x0], $0xffff  }
0x4a: {  	v1 =	vand.u32 $0xC, v1;
	v3 =	vld.idx.msk [tilespmem:v3+s28+$0x0], $0xffff;
	v6 =	vor.u32 v17, v48  }
0x4b: {  	v56 =	vbroadcast v1, $0x0;
	v1 =	vor.u32 v18, v54  }
0x4c: {  	v7 =	vor.u32 v19, v54  }
0x4d: {  	v50 =	vor.u32 v17, v56;
	v4 =	vld.idx.msk [tilespmem:v4+s28+$0x0], $0xffff  }
0x4e: {  	v51 =	vor.u32 v11, v48;
	v5 =	vld.idx.msk [tilespmem:v5+s28+$0x0], $0xffff;
	[tilespmem:s6+$0x180] =	vst v2  }
0x4f: {  	[tilespmem:s6+$0xFFFFF980] =	vst v3;
	v2 =	vld.idx.msk [tilespmem:v6+s28+$0x0], $0xffff;
	v6 =	vor.u32 v19, v49  }
0x50: {  	v3 =	vor.u32 v11, v56;
	v1 =	vld.idx.msk [tilespmem:v1+s28+$0x0], $0xffff  }
0x51: {  	v52 =	vor.u32 v18, v49;
	v7 =	vld.idx.msk [tilespmem:v7+s28+$0x0], $0xffff  }
0x52: {  	v58 =	vor.u32 v20, v54;
	[tilespmem:s6+$0xFFFFF880] =	vst v4;
	v4 =	vld.idx.msk [tilespmem:v50+s28+$0x0], $0xffff  }
0x53: {  	v51 =	vld.idx.msk [tilespmem:v51+s28+$0x0], $0xffff;
	[tilespmem:s6+$0x80] =	vst v5;
	v5 =	vor.u32 v21, v54  }
0x54: {  	v53 =	vor.u32 v19, v48;
	v6 =	vld.idx.msk [tilespmem:v6+s28+$0x0], $0xffff;
	[tilespmem:s6+$0x100] =	vst v2  }
0x55: {  	v3 =	vld.idx.msk [tilespmem:v3+s28+$0x0], $0xffff;
	v2 =	vor.u32 v18, v48;
	[tilespmem:s6+$0xFFFFF990] =	vst v1  }
0x56: {  	v52 =	vld.idx.msk [tilespmem:v52+s28+$0x0], $0xffff;
	v1 =	vor.u32 v18, v56;
	[tilespmem:s6+$0x190] =	vst v7  }
0x57: {  	v7 =	vor.u32 v20, v49;
	[tilespmem:s6+$0x0] =	vst v4;
	v4 =	vld.idx.msk [tilespmem:v58+s28+$0x0], $0xffff  }
0x58: {  	v59 =	vor.u32 v21, v49;
	[tilespmem:s6+$0xFFFFF900] =	vst v51;
	v5 =	vld.idx.msk [tilespmem:v5+s28+$0x0], $0xffff  }
0x59: {  	v60 =	vor.u32 v22, v54;
	[tilespmem:s6+$0x90] =	vst v6;
	v6 =	vld.idx.msk [tilespmem:v53+s28+$0x0], $0xffff  }
0x5a: {  	[tilespmem:s6+$0xFFFFF800] =	vst v3;
	v3 =	vor.u32 v23, v54;
	v2 =	vld.idx.msk [tilespmem:v2+s28+$0x0], $0xffff  }
0x5b: {  	v61 =	vor.u32 v19, v56;
	[tilespmem:s6+$0xFFFFF890] =	vst v52;
	v1 =	vld.idx.msk [tilespmem:v1+s28+$0x0], $0xffff  }
0x5c: {  	v62 =	vor.u32 v20, v48;
	v7 =	vld.idx.msk [tilespmem:v7+s28+$0x0], $0xffff;
	[tilespmem:s6+$0xFFFFF9A0] =	vst v4  }
0x5d: {  	v4 =	vor.u32 v21, v48;
	[tilespmem:s6+$0x1A0] =	vst v5;
	v5 =	vld.idx.msk [tilespmem:v59+s28+$0x0], $0xffff  }
0x5e: {  	v63 =	vor.u32 v22, v49;
	v51 =	vld.idx.msk [tilespmem:v60+s28+$0x0], $0xffff;
	[tilespmem:s6+$0x110] =	vst v6  }
0x5f: {  	v55 =	vor.u32 v23, v49;
	v3 =	vld.idx.msk [tilespmem:v3+s28+$0x0], $0xffff;
	[tilespmem:s6+$0xFFFFF910] =	vst v2  }
0x60: {  	v6 =	vld.idx.msk [tilespmem:v61+s28+$0x0], $0xffff;
	v2 =	vor.u32 v24, v54;
	[tilespmem:s6+$0xFFFFF810] =	vst v1  }
0x61: {  	v52 =	vld.idx.msk [tilespmem:v62+s28+$0x0], $0xffff;
	[tilespmem:s6+$0xFFFFF8A0] =	vst v7;
	v7 =	vor.u32 v25, v54  }
0x62: {  	v12 =	vor.u32 v20, v56;
	v4 =	vld.idx.msk [tilespmem:v4+s28+$0x0], $0xffff;
	[tilespmem:s6+$0xA0] =	vst v5  }
0x63: {  	v5 =	vor.u32 v21, v56;
	[tilespmem:s6+$0xFFFFF9B0] =	vst v51;
	v50 =	vld.idx.msk [tilespmem:v63+s28+$0x0], $0xffff  }
0x64: {  	v32 =	vor.u32 v22, v48;
	[tilespmem:s6+$0x1B0] =	vst v3;
	v3 =	vld.idx.msk [tilespmem:v55+s28+$0x0], $0xffff  }
0x65: {  	[tilespmem:s6+$0x10] =	vst v6;
	v2 =	vld.idx.msk [tilespmem:v2+s28+$0x0], $0xffff;
	v6 =	vor.u32 v25, v49  }
0x66: {  	s21 =	simm.s32 $0x5;
	v1 =	vld.idx.msk [tilespmem:v7+s28+$0x0], $0xffff;
	v7 =	vor.u32 v24, v49;
	[tilespmem:s6+$0xFFFFF920] =	vst v52  }
0x67: {  	s23 =	simm.s32 $0x7;
	v33 =	vmov s21;
	v13 =	vor.u32 v26, v54;
	v51 =	vld.idx.msk [tilespmem:v12+s28+$0x0], $0xffff;
	[tilespmem:s6+$0x120] =	vst v4  }
0x68: {  	v35 =	vand.u32 $0xD, v33;
	v14 =	vor.u32 v27, v54;
	v63 =	vmov s23;
	v5 =	vld.idx.msk [tilespmem:v5+s28+$0x0], $0xffff;
	[tilespmem:s6+$0xFFFFF8B0] =	vst v50  }
0x69: {  	s22 =	simm.s32 $0x6;
	v52 =	vand.u32 $0xF, v63;
	[tilespmem:s6+$0xB0] =	vst v3;
	v3 =	vor.u32 v23, v48;
	v57 =	vld.idx.msk [tilespmem:v32+s28+$0x0], $0xffff;
	v50 =	vbroadcast v35, $0x0  }
0x6a: {  	v60 =	vmov s22;
	v53 =	vbroadcast v52, $0x0;
	[tilespmem:s6+$0xFFFFF9C0] =	vst v2;
	v2 =	vld.idx.msk [tilespmem:v6+s28+$0x0], $0xffff;
	v6 =	vor.u32 v22, v56  }
0x6b: {  	v62 =	vand.u32 $0xE, v60;
	v7 =	vld.idx.msk [tilespmem:v7+s28+$0x0], $0xffff;
	[tilespmem:s6+$0x1C0] =	vst v1;
	v58 =	vor.u32 v17, v50  }
0x6c: {  	[tilespmem:s6+$0xFFFFF820] =	vst v51;
	v51 =	vbroadcast v62, $0x0;
	v62 =	vor.u32 v17, v53;
	v4 =	vld.idx.msk [tilespmem:v13+s28+$0x0], $0xffff  }
0x6d: {  	v1 =	vor.u32 v26, v49;
	v34 =	vld.idx.msk [tilespmem:v14+s28+$0x0], $0xffff  }
0x6e: {  	[tilespmem:s6+$0x20] =	vst v5;
	v5 =	vor.u32 v27, v49;
	v3 =	vld.idx.msk [tilespmem:v3+s28+$0x0], $0xffff  }
0x6f: {  	s24 =	simm.s32 $0x4;
	v61 =	vor.u32 v29, v54;
	v6 =	vld.idx.msk [tilespmem:v6+s28+$0x0], $0xffff  }
0x70: {  	v59 =	vor.u32 v28, v54;
	v60 =	vmov s24;
	[tilespmem:s6+$0xC0] =	vst v2;
	v58 =	vld.idx.msk [tilespmem:v58+s28+$0x0], $0xffff  }
0x71: {  	v12 =	vand.u32 $0xC, v60;
	v13 =	vor.u32 v11, v51;
	[tilespmem:s6+$0xFFFFF8C0] =	vst v7;
	v62 =	vld.idx.msk [tilespmem:v62+s28+$0x0], $0xffff  }
0x72: {  	v52 =	vbroadcast v12, $0x0;
	v2 =	vor.u32 v23, v56;
	v1 =	vld.idx.msk [tilespmem:v1+s28+$0x0], $0xffff;
	[tilespmem:s6+$0xFFFFF9D0] =	vst v4  }
0x73: {  	v7 =	vor.u32 v11, v50;
	[tilespmem:s6+$0x1D0] =	vst v34;
	v5 =	vld.idx.msk [tilespmem:v5+s28+$0x0], $0xffff  }
0x74: {  	v32 =	vor.u32 v11, v52;
	v55 =	vld.idx.msk [tilespmem:v61+s28+$0x0], $0xffff  }
0x75: {  	[tilespmem:s6+$0xFFFFF930] =	vst v57;
	v4 =	vor.u32 v17, v51;
	v59 =	vld.idx.msk [tilespmem:v59+s28+$0x0], $0xffff  }
0x76: {  	v61 =	vor.u32 v28, v49;
	v60 =	vld.idx.msk [tilespmem:v13+s28+$0x0], $0xffff;
	[tilespmem:s6+$0x130] =	vst v3  }
0x77: {  	s16 =	simm.s32 $0x8F00;
	v33 =	vor.u32 v29, v49;
	v2 =	vld.idx.msk [tilespmem:v2+s28+$0x0], $0xffff;
	[tilespmem:s6+$0xFFFFF830] =	vst v6  }
0x78: {  	v3 =	vor.u32 v24, v56;
	v7 =	vld.idx.msk [tilespmem:v7+s28+$0x0], $0xffff;
	[tilespmem:s16+$0x80] =	vst v58  }
0x79: {  	v58 =	vld.idx.msk [tilespmem:v32+s28+$0x0], $0xffff;
	[tilespmem:s6+$0xFFFFF8D0] =	vst v1;
	v1 =	vor.u32 v11, v53  }
0x7a: {  	v14 =	vor.u32 v19, v50;
	v4 =	vld.idx.msk [tilespmem:v4+s28+$0x0], $0xffff;
	[tilespmem:s6+$0xD0] =	vst v5  }
0x7b: {  	v6 =	vor.u32 v18, v50;
	[tilespmem:s6+$0xFFFFF9E0] =	vst v59;
	v61 =	vld.idx.msk [tilespmem:v61+s28+$0x0], $0xffff  }
0x7c: {  	v5 =	vor.u32 v17, v52;
	v59 =	vld.idx.msk [tilespmem:v33+s28+$0x0], $0xffff;
	[tilespmem:s6+$0x30] =	vst v2  }
0x7d: {  	v34 =	vor.u32 v19, v51;
	[tilespmem:s6+$0x1E0] =	vst v55;
	v3 =	vld.idx.msk [tilespmem:v3+s28+$0x0], $0xffff  }
0x7e: {  	[tilespmem:s16+$0xFFFFF880] =	vst v7;
	v7 =	vor.u32 v25, v56;
	v1 =	vld.idx.msk [tilespmem:v1+s28+$0x0], $0xffff  }
0x7f: {  	[tilespmem:s16+$0x100] =	vst v4;
	v4 =	vor.u32 v18, v53;
	v57 =	vld.idx.msk [tilespmem:v14+s28+$0x0], $0xffff  }
0x80: {  	[tilespmem:s16+$0xFFFFF900] =	vst v60;
	v2 =	vor.u32 v19, v53;
	v6 =	vld.idx.msk [tilespmem:v6+s28+$0x0], $0xffff  }
0x81: {  	v35 =	vor.u32 v18, v51;
	[tilespmem:s16+$0x180] =	vst v62;
	v5 =	vld.idx.msk [tilespmem:v5+s28+$0x0], $0xffff  }
0x82: {  	v12 =	vor.u32 v18, v52;
	v14 =	vld.idx.msk [tilespmem:v34+s28+$0x0], $0xffff;
	[tilespmem:s16+$0xFFFFF800] =	vst v58  }
0x83: {  	v13 =	vor.u32 v19, v52;
	v7 =	vld.idx.msk [tilespmem:v7+s28+$0x0], $0xffff;
	[tilespmem:s16+$0xFFFFF980] =	vst v1  }
0x84: {  	v33 =	vor.u32 v20, v50;
	[tilespmem:s6+$0xFFFFF8E0] =	vst v61;
	v4 =	vld.idx.msk [tilespmem:v4+s28+$0x0], $0xffff  }
0x85: {  	[tilespmem:s6+$0xFFFFF840] =	vst v3;
	v1 =	vor.u32 v30, v54;
	v2 =	vld.idx.msk [tilespmem:v2+s28+$0x0], $0xffff  }
0x86: {  	[tilespmem:s16+$0x0] =	vst v5;
	v5 =	vor.u32 v31, v54;
	v54 =	vld.idx.msk [tilespmem:v35+s28+$0x0], $0xffff  }
0x87: {  	v32 =	vor.u32 v20, v53;
	[tilespmem:s16+$0x90] =	vst v57;
	v55 =	vld.idx.msk [tilespmem:v12+s28+$0x0], $0xffff  }
0x88: {  	v3 =	vor.u32 v21, v53;
	[tilespmem:s16+$0xFFFFF890] =	vst v6;
	v58 =	vld.idx.msk [tilespmem:v13+s28+$0x0], $0xffff  }
0x89: {  	v63 =	vor.u32 v20, v51;
	v12 =	vld.idx.msk [tilespmem:v33+s28+$0x0], $0xffff;
	[tilespmem:s6+$0x40] =	vst v7  }
0x8a: {  	v34 =	vor.u32 v21, v51;
	v1 =	vld.idx.msk [tilespmem:v1+s28+$0x0], $0xffff;
	[tilespmem:s16+$0xFFFFF990] =	vst v4  }
0x8b: {  	v7 =	vor.u32 v25, v48;
	v5 =	vld.idx.msk [tilespmem:v5+s28+$0x0], $0xffff;
	[tilespmem:s16+$0x190] =	vst v2  }
0x8c: {  	[tilespmem:s16+$0x110] =	vst v14;
	v13 =	vor.u32 v20, v52;
	v62 =	vld.idx.msk [tilespmem:v32+s28+$0x0], $0xffff  }
0x8d: {  	v4 =	vor.u32 v26, v56;
	[tilespmem:s16+$0xFFFFF910] =	vst v54;
	v3 =	vld.idx.msk [tilespmem:v3+s28+$0x0], $0xffff  }
0x8e: {  	[tilespmem:s6+$0xE0] =	vst v59;
	v2 =	vor.u32 v30, v49;
	v14 =	vld.idx.msk [tilespmem:v63+s28+$0x0], $0xffff  }
0x8f: {  	[tilespmem:s16+$0x10] =	vst v58;
	v32 =	vor.u32 v24, v48;
	v61 =	vld.idx.msk [tilespmem:v34+s28+$0x0], $0xffff  }
0x90: {  	v35 =	vor.u32 v22, v53;
	[tilespmem:s16+$0xFFFFF810] =	vst v55;
	v6 =	vld.idx.msk [tilespmem:v7+s28+$0x0], $0xffff  }
0x91: {  	v7 =	vor.u32 v21, v50;
	[tilespmem:s6+$0xFFFFF9F0] =	vst v1;
	v1 =	vld.idx.msk [tilespmem:v13+s28+$0x0], $0xffff  }
0x92: {  	v34 =	vor.u32 v22, v51;
	v4 =	vld.idx.msk [tilespmem:v4+s28+$0x0], $0xffff;
	[tilespmem:s6+$0x1F0] =	vst v5  }
0x93: {  	v57 =	vld.idx.msk [tilespmem:v2+s28+$0x0], $0xffff;
	v2 =	vor.u32 v23, v53;
	[tilespmem:s16+$0xFFFFF9A0] =	vst v62  }
0x94: {  	v5 =	vor.u32 v23, v51;
	[tilespmem:s16+$0x1A0] =	vst v3;
	v62 =	vld.idx.msk [tilespmem:v32+s28+$0x0], $0xffff  }
0x95: {  	v3 =	vor.u32 v21, v52;
	[tilespmem:s16+$0xFFFFF920] =	vst v14;
	v33 =	vld.idx.msk [tilespmem:v35+s28+$0x0], $0xffff  }
0x96: {  	[tilespmem:s16+$0x120] =	vst v61;
	v35 =	vor.u32 v27, v56;
	v7 =	vld.idx.msk [tilespmem:v7+s28+$0x0], $0xffff  }
0x97: {  	v60 =	vld.idx.msk [tilespmem:v34+s28+$0x0], $0xffff;
	[tilespmem:s6+$0x140] =	vst v6;
	v6 =	vor.u32 v26, v48  }
0x98: {  	v8 =	vor.u32 v22, v50;
	v2 =	vld.idx.msk [tilespmem:v2+s28+$0x0], $0xffff  }
0x99: {  	[tilespmem:s16+$0xFFFFF8A0] =	vst v12;
	v12 =	vor.u32 v24, v53;
	v58 =	vld.idx.msk [tilespmem:v5+s28+$0x0], $0xffff  }
0x9a: {  	v13 =	vor.u32 v23, v50;
	v3 =	vld.idx.msk [tilespmem:v3+s28+$0x0], $0xffff;
	[tilespmem:s6+$0xFFFFF940] =	vst v62  }
0x9b: {  	v5 =	vor.u32 v25, v53;
	[tilespmem:s16+$0xA0] =	vst v7;
	v7 =	vld.idx.msk [tilespmem:v35+s28+$0x0], $0xffff  }
0x9c: {  	v32 =	vor.u32 v22, v52;
	[tilespmem:s16+$0xFFFFF9B0] =	vst v33;
	v9 =	vld.idx.msk [tilespmem:v6+s28+$0x0], $0xffff  }
0x9d: {  	v8 =	vld.idx.msk [tilespmem:v8+s28+$0x0], $0xffff;
	[tilespmem:s16+$0x1B0] =	vst v2;
	v2 =	vor.u32 v27, v48  }
0x9e: {  	[tilespmem:s16+$0xFFFFF820] =	vst v1;
	v33 =	vor.u32 v28, v56;
	v14 =	vld.idx.msk [tilespmem:v12+s28+$0x0], $0xffff  }
0x9f: {  	v34 =	vor.u32 v29, v56;
	[tilespmem:s16+$0x20] =	vst v3;
	v3 =	vld.idx.msk [tilespmem:v13+s28+$0x0], $0xffff  }
0xa0: {  	v35 =	vor.u32 v25, v50;
	[tilespmem:s6+$0xFFFFF850] =	vst v4;
	v5 =	vld.idx.msk [tilespmem:v5+s28+$0x0], $0xffff  }
0xa1: {  	v4 =	vor.u32 v24, v50;
	v59 =	vld.idx.msk [tilespmem:v32+s28+$0x0], $0xffff;
	[tilespmem:s6+$0x50] =	vst v7  }
0xa2: {  	v10 =	vor.u32 v26, v53;
	[tilespmem:s16+$0xFFFFF8B0] =	vst v8;
	v2 =	vld.idx.msk [tilespmem:v2+s28+$0x0], $0xffff  }
0xa3: {  	v1 =	vld.idx.msk [tilespmem:v33+s28+$0x0], $0xffff;
	[tilespmem:s6+$0xFFFFF950] =	vst v9  }
0xa4: {  	v7 =	vor.u32 v29, v48;
	[tilespmem:s16+$0xB0] =	vst v3;
	v3 =	vld.idx.msk [tilespmem:v34+s28+$0x0], $0xffff  }
0xa5: {  	v54 =	vor.u32 v24, v51;
	v6 =	vor.u32 v27, v53;
	[tilespmem:s16+$0xFFFFF9C0] =	vst v14;
	v62 =	vld.idx.msk [tilespmem:v35+s28+$0x0], $0xffff  }
0xa6: {  	v55 =	vor.u32 v26, v50;
	[tilespmem:s16+$0x1C0] =	vst v5;
	v5 =	vor.u32 v28, v48;
	v63 =	vld.idx.msk [tilespmem:v4+s28+$0x0], $0xffff  }
0xa7: {  	s18 =	simm.s32 $0x8D00;
	s17 =	simm.s32 $0x8F00;
	s19 =	simm.s32 $0x8;
	v4 =	vor.u32 v30, v56;
	v61 =	vld.idx.msk [tilespmem:v10+s28+$0x0], $0xffff;
	[tilespmem:s6+$0x150] =	vst v2;
	v2 =	vor.u32 v31, v56  }
.LBB2_2:
0xa8: {  	s5 =	sadd.s32 $0x1, s19  }
0xa9: {  	v8 =	vmov s19;
	p0 =	slt.u32 s19, $0xC;
	[tilespmem:s16+$0xFFFFF930] =	vst v60;
	v7 =	vld.idx.msk [tilespmem:v7+s28+$0x0], $0xffff;
	v9 =	vor.u32 v30, v48;
	v10 =	vor.u32 v31, v48;
	v48 =	vmovc v51;
	s20 =	smov.u32 s19;
	s19 =	sadd.s32 $0x4, s19  }
0xaa: {  	v60 =	vor.u32 v27, v50;
	v8 =	vand.u32 $0xC, v8;
	v51 =	vmov s5;
	v6 =	vld.idx.msk [tilespmem:v6+s28+$0x0], $0xffff;
	[tilespmem:s18+$0xFFFFF860] =	vst v1  }
0xab: {  	s5 =	sadd.s32 $0x2, s20;
	v56 =	vbroadcast v8, $0x0;
	v1 =	vand.u32 $0xD, v51;
	[tilespmem:s18+$0x60] =	vst v3;
	v3 =	vor.u32 v31, v49;
	v5 =	vld.idx.msk [tilespmem:v5+s28+$0x0], $0xffff;
	v49 =	vmovc v50  }
0xac: {  	v8 =	vor.u32 v29, v53;
	v50 =	vbroadcast v1, $0x0;
	v1 =	vmov s5;
	[tilespmem:s16+$0xC0] =	vst v62;
	v4 =	vld.idx.msk [tilespmem:v4+s28+$0x0], $0xffff  }
0xad: {  	v12 =	vor.u32 v23, v52;
	s5 =	sadd.s32 $0x3, s20;
	v62 =	vor.u32 v11, v56;
	v1 =	vand.u32 $0xE, v1;
	[tilespmem:s16+$0xFFFFF8C0] =	vst v63;
	v2 =	vld.idx.msk [tilespmem:v2+s28+$0x0], $0xffff  }
0xae: {  	v63 =	vor.u32 v11, v50;
	v51 =	vbroadcast v1, $0x0;
	v1 =	vmov s5;
	v13 =	vld.idx.msk [tilespmem:v55+s28+$0x0], $0xffff;
	[tilespmem:s16+$0xFFFFF9D0] =	vst v61  }
0xaf: {  	v61 =	vor.u32 v17, v50;
	v55 =	vor.u32 v26, v50;
	v1 =	vand.u32 $0xF, v1;
	v60 =	vld.idx.msk [tilespmem:v60+s28+$0x0], $0xffff;
	[tilespmem:s18+$0x160] =	vst v7  }
0xb0: {  	v7 =	vor.u32 v11, v51;
	v1 =	vbroadcast v1, $0x0;
	[tilespmem:s16+$0x1D0] =	vst v6;
	v3 =	vld.idx.msk [tilespmem:v3+s28+$0x0], $0xffff  }
0xb1: {  	v6 =	vor.u32 v17, v51;
	v8 =	vld.idx.msk [tilespmem:v8+s28+$0x0], $0xffff;
	[tilespmem:s18+$0xFFFFF960] =	vst v5  }
0xb2: {  	v5 =	vor.u32 v11, v1;
	[tilespmem:s18+$0xFFFFF8F0] =	vst v57;
	v9 =	vld.idx.msk [tilespmem:v9+s28+$0x0], $0xffff  }
0xb3: {  	v14 =	vor.u32 v28, v53;
	v57 =	vor.u32 v17, v1;
	[tilespmem:s18+$0xFFFFF870] =	vst v4;
	v4 =	vld.idx.msk [tilespmem:v10+s28+$0x0], $0xffff  }
0xb4: {  	v15 =	vor.u32 v28, v49;
	v10 =	vor.u32 v17, v56;
	v12 =	vld.idx.msk [tilespmem:v12+s28+$0x0], $0xffff;
	[tilespmem:s18+$0x70] =	vst v2  }
0xb5: {  	v2 =	vld.idx.msk [tilespmem:v63+s28+$0x0], $0xffff;
	[tilespmem:s16+$0xFFFFF830] =	vst v59  }
0xb6: {  	v59 =	vor.u32 v18, v50;
	v6 =	vld.idx.msk [tilespmem:v6+s28+$0x0], $0xffff;
	[tilespmem:s16+$0xFFFFF8D0] =	vst v13  }
0xb7: {  	v13 =	vld.idx.msk [tilespmem:v61+s28+$0x0], $0xffff;
	v61 =	vor.u32 v19, v50;
	[tilespmem:s16+$0xD0] =	vst v60  }
0xb8: {  	v60 =	vor.u32 v18, v51;
	s16 =	sadd.s32 $0x200, s16;
	v14 =	vld.idx.msk [tilespmem:v14+s28+$0x0], $0xffff;
	[tilespmem:s18+$0xF0] =	vst v3  }
0xb9: {  	v3 =	vor.u32 v19, v51;
	v15 =	vld.idx.msk [tilespmem:v15+s28+$0x0], $0xffff;
	[tilespmem:s18+$0x170] =	vst v4  }
0xba: {  	v4 =	vld.idx.msk [tilespmem:v7+s28+$0x0], $0xffff;
	v7 =	vor.u32 v19, v1;
	[tilespmem:s18+$0xFFFFF970] =	vst v9;
	s18 =	smov.u32 s17;
	s17 =	smov.u32 s16  }
0xbb: {  	v63 =	vor.u32 v24, v52;
	v9 =	vld.idx.msk [tilespmem:v57+s28+$0x0], $0xffff;
	v57 =	vor.u32 v18, v1;
	[tilespmem:s18+$0x130] =	vst v58  }
0xbc: {  	v58 =	vor.u32 v19, v56;
	[tilespmem:s16+$0xFFFFF880] =	vst v2;
	v2 =	vld.idx.msk [tilespmem:v5+s28+$0x0], $0xffff;
	v5 =	vor.u32 v25, v52  }
0xbd: {  	v16 =	vor.u32 v18, v56;
	v10 =	vld.idx.msk [tilespmem:v10+s28+$0x0], $0xffff;
	[tilespmem:s16+$0x80] =	vst v13  }
0xbe: {  	v13 =	vld.idx.msk [tilespmem:v61+s28+$0x0], $0xffff;
	v61 =	vor.u32 v20, v50;
	[tilespmem:s16+$0x100] =	vst v6  }
0xbf: {  	v6 =	vld.idx.msk [tilespmem:v59+s28+$0x0], $0xffff;
	v59 =	vor.u32 v21, v50;
	[tilespmem:s18+$0x30] =	vst v12  }
0xc0: {  	v32 =	vor.u32 v29, v49;
	v12 =	vor.u32 v20, v51;
	v63 =	vld.idx.msk [tilespmem:v63+s28+$0x0], $0xffff;
	[tilespmem:s18+$0xFFFFF9E0] =	vst v14  }
0xc1: {  	v14 =	vor.u32 v21, v51;
	[tilespmem:s16+$0x180] =	vst v9;
	v5 =	vld.idx.msk [tilespmem:v5+s28+$0x0], $0xffff  }
0xc2: {  	v9 =	vld.idx.msk [tilespmem:v62+s28+$0x0], $0xffff;
	[tilespmem:s16+$0xFFFFF980] =	vst v2;
	v2 =	vor.u32 v20, v1;
	v62 =	vor.u32 v30, v53  }
0xc3: {  	v33 =	vor.u32 v31, v53;
	v53 =	vmov v1;
	[tilespmem:s16+$0x0] =	vst v10;
	v10 =	vld.idx.msk [tilespmem:v57+s28+$0x0], $0xffff;
	v57 =	vor.u32 v21, v1  }
0xc4: {  	v1 =	vor.u32 v20, v56;
	v7 =	vld.idx.msk [tilespmem:v7+s28+$0x0], $0xffff;
	[tilespmem:s18+$0x1E0] =	vst v8  }
0xc5: {  	v8 =	vor.u32 v21, v56;
	[tilespmem:s16+$0xFFFFF900] =	vst v4;
	v4 =	vld.idx.msk [tilespmem:v32+s28+$0x0], $0xffff  }
0xc6: {  	[tilespmem:s16+$0x90] =	vst v13;
	v13 =	vor.u32 v22, v50;
	v3 =	vld.idx.msk [tilespmem:v3+s28+$0x0], $0xffff  }
0xc7: {  	v32 =	vor.u32 v23, v50;
	[tilespmem:s18+$0xFFFFF840] =	vst v63;
	v62 =	vld.idx.msk [tilespmem:v62+s28+$0x0], $0xffff  }
0xc8: {  	[tilespmem:s16+$0xFFFFF800] =	vst v9;
	v9 =	vor.u32 v22, v51;
	v33 =	vld.idx.msk [tilespmem:v33+s28+$0x0], $0xffff  }
0xc9: {  	v63 =	vor.u32 v23, v51;
	v60 =	vld.idx.msk [tilespmem:v60+s28+$0x0], $0xffff;
	[tilespmem:s16+$0xFFFFF990] =	vst v10;
	v10 =	vor.u32 v26, v52  }
0xca: {  	v34 =	vor.u32 v30, v49;
	v16 =	vld.idx.msk [tilespmem:v16+s28+$0x0], $0xffff;
	[tilespmem:s16+$0x190] =	vst v7;
	v7 =	vor.u32 v22, v53  }
0xcb: {  	v35 =	vor.u32 v23, v53;
	v58 =	vld.idx.msk [tilespmem:v58+s28+$0x0], $0xffff;
	[tilespmem:s18+$0x40] =	vst v5;
	v5 =	vor.u32 v25, v48  }
0xcc: {  	[tilespmem:s16+$0x110] =	vst v3;
	v2 =	vld.idx.msk [tilespmem:v2+s28+$0x0], $0xffff  }
0xcd: {  	v3 =	vld.idx.msk [tilespmem:v57+s28+$0x0], $0xffff;
	[tilespmem:s18+$0xFFFFF8E0] =	vst v15  }
0xce: {  	v10 =	vld.idx.msk [tilespmem:v10+s28+$0x0], $0xffff;
	[tilespmem:s18+$0xE0] =	vst v4  }
0xcf: {  	[tilespmem:s16+$0xFFFFF890] =	vst v6;
	v57 =	vld.idx.msk [tilespmem:v34+s28+$0x0], $0xffff  }
0xd0: {  	v4 =	vor.u32 v24, v51;
	[tilespmem:s16+$0xFFFFF910] =	vst v60;
	v5 =	vld.idx.msk [tilespmem:v5+s28+$0x0], $0xffff  }
0xd1: {  	[tilespmem:s16+$0x10] =	vst v58;
	v6 =	vld.idx.msk [tilespmem:v61+s28+$0x0], $0xffff  }
0xd2: {  	v12 =	vld.idx.msk [tilespmem:v12+s28+$0x0], $0xffff;
	[tilespmem:s16+$0xFFFFF9A0] =	vst v2;
	v2 =	vor.u32 v24, v53  }
0xd3: {  	v14 =	vld.idx.msk [tilespmem:v14+s28+$0x0], $0xffff;
	[tilespmem:s16+$0x1A0] =	vst v3  }
0xd4: {  	[tilespmem:s16+$0xFFFFF810] =	vst v16;
	v3 =	vld.idx.msk [tilespmem:v7+s28+$0x0], $0xffff  }
0xd5: {  	v7 =	vld.idx.msk [tilespmem:v35+s28+$0x0], $0xffff;
	[tilespmem:s18+$0x1F0] =	vst v33  }
0xd6: {  	v15 =	vld.idx.msk [tilespmem:v59+s28+$0x0], $0xffff;
	[tilespmem:s18+$0xFFFFF9F0] =	vst v62  }
0xd7: {  	v1 =	vld.idx.msk [tilespmem:v1+s28+$0x0], $0xffff;
	[tilespmem:s16+$0xFFFFF8A0] =	vst v6;
	v6 =	vor.u32 v27, v52  }
0xd8: {  	[tilespmem:s16+$0xFFFFF920] =	vst v12;
	v12 =	vld.idx.msk [tilespmem:v54+s28+$0x0], $0xffff;
	v54 =	vmov v4  }
0xd9: {  	v4 =	vld.idx.msk [tilespmem:v8+s28+$0x0], $0xffff;
	[tilespmem:s16+$0x120] =	vst v14  }
0xda: {  	v60 =	vld.idx.msk [tilespmem:v9+s28+$0x0], $0xffff;
	[tilespmem:s16+$0xFFFFF9B0] =	vst v3  }
0xdb: {  	v3 =	vor.u32 v27, v48;
	v58 =	vld.idx.msk [tilespmem:v63+s28+$0x0], $0xffff;
	[tilespmem:s16+$0x1B0] =	vst v7  }
0xdc: {  	v7 =	vor.u32 v25, v53;
	[tilespmem:s16+$0xA0] =	vst v15;
	v6 =	vld.idx.msk [tilespmem:v6+s28+$0x0], $0xffff  }
0xdd: {  	v2 =	vld.idx.msk [tilespmem:v2+s28+$0x0], $0xffff;
	[tilespmem:s18+$0x140] =	vst v5;
	v5 =	vor.u32 v26, v48  }
0xde: {  	v8 =	vor.u32 v22, v56;
	v9 =	vld.idx.msk [tilespmem:v13+s28+$0x0], $0xffff;
	[tilespmem:s18+$0xFFFFF940] =	vst v12  }
0xdf: {  	v12 =	vor.u32 v28, v52;
	[tilespmem:s16+$0x20] =	vst v4;
	v4 =	vld.idx.msk [tilespmem:v32+s28+$0x0], $0xffff  }
0xe0: {  	v13 =	vor.u32 v29, v52;
	[tilespmem:s16+$0xFFFFF820] =	vst v1;
	v14 =	vld.idx.msk [tilespmem:v3+s28+$0x0], $0xffff  }
0xe1: {  	v15 =	vor.u32 v25, v50;
	v16 =	vld.idx.msk [tilespmem:v7+s28+$0x0], $0xffff;
	[tilespmem:s18+$0xFFFFF850] =	vst v10  }
0xe2: {  	v10 =	vor.u32 v24, v50;
	[tilespmem:s18+$0x50] =	vst v6;
	v32 =	vld.idx.msk [tilespmem:v5+s28+$0x0], $0xffff  }
0xe3: {  	v59 =	vld.idx.msk [tilespmem:v8+s28+$0x0], $0xffff;
	[tilespmem:s16+$0xFFFFF9C0] =	vst v2;
	v2 =	vor.u32 v26, v53  }
.Ltmp0:
0xe4: {  	v7 =	vor.u32 v29, v48;
	[tilespmem:s16+$0xFFFFF8B0] =	vst v9;
	v1 =	vld.idx.msk [tilespmem:v12+s28+$0x0], $0xffff;
	(pc) =	sbr.rel @p0 .LBB2_2-.Ltmp0, $4  }
0xe5: {  	v6 =	vor.u32 v27, v53;
	[tilespmem:s16+$0xB0] =	vst v4;
	v3 =	vld.idx.msk [tilespmem:v13+s28+$0x0], $0xffff  }
0xe6: {  	v5 =	vor.u32 v28, v48;
	v62 =	vld.idx.msk [tilespmem:v15+s28+$0x0], $0xffff;
	[tilespmem:s18+$0x150] =	vst v14  }
0xe7: {  	v4 =	vor.u32 v30, v52;
	v63 =	vld.idx.msk [tilespmem:v10+s28+$0x0], $0xffff;
	[tilespmem:s16+$0x1C0] =	vst v16  }
0xe8: {  	v61 =	vld.idx.msk [tilespmem:v2+s28+$0x0], $0xffff;
	v2 =	vor.u32 v31, v52;
	[tilespmem:s18+$0xFFFFF950] =	vst v32;
	v52 =	vmov v56  }
0xe9: {  	_ =	sdelay $0x2  }
0xea: {  	[tilespmem:s18+$0xFFFFF860] =	vst v1  }
0xeb: {  	v1 =	vld.idx.msk [tilespmem:v6+s28+$0x0], $0xffff;
	[tilespmem:s18+$0x60] =	vst v3;
	v3 =	vor.u32 v23, v52  }
0xec: {  	[tilespmem:s16+$0xFFFFF930] =	vst v60;
	v7 =	vld.idx.msk [tilespmem:v7+s28+$0x0], $0xffff;
	v6 =	vor.u32 v31, v49  }
0xed: {  	v5 =	vld.idx.msk [tilespmem:v5+s28+$0x0], $0xffff;
	[tilespmem:s17+$0x130] =	vst v58  }
0xee: {  	[tilespmem:s16+$0xC0] =	vst v62  }
0xef: {  	v4 =	vld.idx.msk [tilespmem:v4+s28+$0x0], $0xffff;
	[tilespmem:s16+$0xFFFFF8C0] =	vst v63  }
0xf0: {  	v8 =	vor.u32 v27, v50;
	[tilespmem:s16+$0x1D0] =	vst v1;
	v1 =	vld.idx.msk [tilespmem:v3+s28+$0x0], $0xffff  }
0xf1: {  	[tilespmem:s18+$0x160] =	vst v7;
	v3 =	vld.idx.msk [tilespmem:v6+s28+$0x0], $0xffff  }
0xf2: {  	v2 =	vld.idx.msk [tilespmem:v2+s28+$0x0], $0xffff;
	[tilespmem:s18+$0xFFFFF960] =	vst v5;
	v5 =	vor.u32 v24, v52  }
0xf3: {  	v7 =	vor.u32 v25, v52;
	v6 =	vld.idx.msk [tilespmem:v55+s28+$0x0], $0xffff;
	[tilespmem:s16+$0xFFFFF830] =	vst v59  }
0xf4: {  	v9 =	vor.u32 v31, v48;
	[tilespmem:s18+$0xFFFFF870] =	vst v4  }
0xf5: {  	v4 =	vld.idx.msk [tilespmem:v8+s28+$0x0], $0xffff;
	v8 =	vor.u32 v25, v51;
	[tilespmem:s17+$0x30] =	vst v1  }
0xf6: {  	[tilespmem:s18+$0xF0] =	vst v3;
	v3 =	vld.idx.msk [tilespmem:v54+s28+$0x0], $0xffff  }
0xf7: {  	[tilespmem:s18+$0x70] =	vst v2;
	v1 =	vor.u32 v30, v48;
	v2 =	vld.idx.msk [tilespmem:v5+s28+$0x0], $0xffff  }
0xf8: {  	[tilespmem:s16+$0xFFFFF8D0] =	vst v6;
	v5 =	vor.u32 v28, v53;
	v6 =	vld.idx.msk [tilespmem:v7+s28+$0x0], $0xffff  }
0xf9: {  	[tilespmem:s16+$0xFFFFF9D0] =	vst v61;
	v7 =	vld.idx.msk [tilespmem:v9+s28+$0x0], $0xffff;
	v9 =	vor.u32 v26, v52  }
0xfa: {  	[tilespmem:s16+$0xD0] =	vst v4;
	v4 =	vld.idx.msk [tilespmem:v8+s28+$0x0], $0xffff;
	v8 =	vor.u32 v27, v52  }
0xfb: {  	v10 =	vor.u32 v29, v53;
	[tilespmem:s18+$0xFFFFF8F0] =	vst v57  }
0xfc: {  	v1 =	vld.idx.msk [tilespmem:v1+s28+$0x0], $0xffff;
	[tilespmem:s17+$0xFFFFF840] =	vst v2;
	v2 =	vor.u32 v27, v51  }
0xfd: {  	v5 =	vld.idx.msk [tilespmem:v5+s28+$0x0], $0xffff;
	[tilespmem:s17+$0x40] =	vst v6;
	v6 =	vor.u32 v26, v51  }
0xfe: {  	v12 =	vor.u32 v28, v50;
	[tilespmem:s18+$0x170] =	vst v7;
	v7 =	vld.idx.msk [tilespmem:v9+s28+$0x0], $0xffff  }
0xff: {  	[tilespmem:s17+$0xFFFFF940] =	vst v3;
	v9 =	vor.u32 v29, v50;
	v8 =	vld.idx.msk [tilespmem:v8+s28+$0x0], $0xffff  }
0x100: {  	v3 =	vor.u32 v28, v52;
	[tilespmem:s17+$0x140] =	vst v4;
	v4 =	vld.idx.msk [tilespmem:v10+s28+$0x0], $0xffff  }
0x101: {  	[tilespmem:s18+$0xFFFFF970] =	vst v1;
	v1 =	vor.u32 v29, v52;
	v2 =	vld.idx.msk [tilespmem:v2+s28+$0x0], $0xffff  }
0x102: {  	[tilespmem:s17+$0xFFFFF9E0] =	vst v5;
	v5 =	vor.u32 v31, v53;
	v6 =	vld.idx.msk [tilespmem:v6+s28+$0x0], $0xffff  }
0x103: {  	v10 =	vld.idx.msk [tilespmem:v12+s28+$0x0], $0xffff;
	[tilespmem:s17+$0xFFFFF850] =	vst v7;
	v7 =	vor.u32 v29, v51  }
0x104: {  	v9 =	vld.idx.msk [tilespmem:v9+s28+$0x0], $0xffff;
	[tilespmem:s17+$0x50] =	vst v8;
	v8 =	vor.u32 v28, v51  }
0x105: {  	v33 =	vor.u32 v30, v53;
	[tilespmem:s17+$0x1E0] =	vst v4;
	v3 =	vld.idx.msk [tilespmem:v3+s28+$0x0], $0xffff  }
0x106: {  	v4 =	vor.u32 v30, v50;
	v1 =	vld.idx.msk [tilespmem:v1+s28+$0x0], $0xffff;
	[tilespmem:s17+$0x150] =	vst v2  }
0x107: {  	v2 =	vld.idx.msk [tilespmem:v5+s28+$0x0], $0xffff;
	v5 =	vor.u32 v30, v52;
	[tilespmem:s17+$0xFFFFF950] =	vst v6  }
0x108: {  	[tilespmem:s17+$0xFFFFF8E0] =	vst v10;
	v6 =	vor.u32 v31, v52;
	v7 =	vld.idx.msk [tilespmem:v7+s28+$0x0], $0xffff  }
0x109: {  	[tilespmem:s17+$0xE0] =	vst v9;
	v9 =	vor.u32 v31, v50;
	v8 =	vld.idx.msk [tilespmem:v8+s28+$0x0], $0xffff  }
0x10a: {  	v34 =	vor.u32 v31, v51;
	v10 =	vld.idx.msk [tilespmem:v33+s28+$0x0], $0xffff;
	[tilespmem:s17+$0xFFFFF860] =	vst v3  }
0x10b: {  	v3 =	vld.idx.msk [tilespmem:v4+s28+$0x0], $0xffff;
	v4 =	vor.u32 v30, v51;
	[tilespmem:s17+$0x60] =	vst v1  }
0x10c: {  	[tilespmem:s17+$0x1F0] =	vst v2;
	v1 =	vld.idx.msk [tilespmem:v5+s28+$0x0], $0xffff  }
0x10d: {  	v2 =	vld.idx.msk [tilespmem:v6+s28+$0x0], $0xffff;
	[tilespmem:s17+$0x160] =	vst v7  }
0x10e: {  	v5 =	vld.idx.msk [tilespmem:v9+s28+$0x0], $0xffff;
	[tilespmem:s17+$0xFFFFF960] =	vst v8  }
0x10f: {  	[tilespmem:s17+$0xFFFFF9F0] =	vst v10;
	v6 =	vld.idx.msk [tilespmem:v34+s28+$0x0], $0xffff  }
0x110: {  	[tilespmem:s17+$0xFFFFF8F0] =	vst v3;
	v3 =	vld.idx.msk [tilespmem:v4+s28+$0x0], $0xffff  }
0x111: {  	[tilespmem:s17+$0xFFFFF870] =	vst v1  }
0x112: {  	[tilespmem:s17+$0x70] =	vst v2  }
0x113: {  	[tilespmem:s17+$0xF0] =	vst v5  }
0x114: {  	[tilespmem:s17+$0x170] =	vst v6  }
0x115: {  	[tilespmem:s17+$0xFFFFF970] =	vst v3  }
0x116: {  	s5 =	simm.s32 $0x0;
	s14 =	rddreg [dreg:$0x3];
	v1 =	vld [tilespmem:$0x1FFC0]  }
0x117: {  	[hbm4b:s14+s5] =	stream.linear.scatter [tilespmem:s0], [sflag:$0x2], $0x400, $0x38;
	[tilespmem:$0xA500] =	vst v63  }
0x118: {  	s24 =	rddreg [dreg:$0x7]  }
0x119: {  	[hbm4b:s24+s5] =	stream.linear.scatter [tilespmem:s1], [sflag:$0x2], $0x400, $0x38;
	[tilespmem:$0xA500] =	vst v63  }
0x11a: {  	s16 =	rddreg [dreg:$0x9]  }
0x11b: {  	[hbm4b:s16+s5] =	stream.linear.scatter [tilespmem:s6], [sflag:$0x2], $0x400, $0x38;
	[tilespmem:$0xA500] =	vst v63  }
0x11c: {  	s17 =	rddreg [dreg:$0xb]  }
0x11d: {  	[hbm4b:s17+s5] =	stream.linear.scatter [tilespmem:s7], [sflag:$0x2], $0x400, $0x38;
	[tilespmem:$0xA500] =	vst v63  }
0x11e: {  	v1 =	vld.idx.msk [tilespmem:v1+s5+$0x0], $0xffff;
	_ =	sdelay $0x4  }
0x11f: {  	[tilespmem:$0x6400] =	vst v1;
	v1 =	vld [tilespmem:$0x1FFD0];
	_ =	sdelay $0x7  }
0x120: {  	v1 =	vld.idx.msk [tilespmem:v1+s5+$0x0], $0xffff;
	_ =	sdelay $0x4  }
0x121: {  	[tilespmem:$0x6410] =	vst v1;
	v1 =	vld [tilespmem:$0x1FFE0];
	_ =	sdelay $0x7  }
0x122: {  	v1 =	vld.idx.msk [tilespmem:v1+s5+$0x0], $0xffff;
	_ =	sdelay $0x4  }
0x123: {  	[tilespmem:$0x6420] =	vst v1;
	v1 =	vld [tilespmem:$0x1FFF0];
	_ =	sdelay $0x7  }
0x124: {  	v1 =	vld.idx.msk [tilespmem:v1+s5+$0x0], $0xffff;
	_ =	sdelay $0x4  }
0x125: {  	[tilespmem:$0x6430] =	vst v1  }
0x126: {  	v1 =	vld.idx.msk [tilespmem:v36+s5+$0x0], $0xffff;
	_ =	sdelay $0x4  }
0x127: {  	[tilespmem:$0x6440] =	vst v1  }
0x128: {  	v1 =	vld.idx.msk [tilespmem:v37+s5+$0x0], $0xffff;
	_ =	sdelay $0x4  }
0x129: {  	[tilespmem:$0x6450] =	vst v1  }
0x12a: {  	v1 =	vld.idx.msk [tilespmem:v38+s5+$0x0], $0xffff;
	_ =	sdelay $0x4  }
0x12b: {  	[tilespmem:$0x6460] =	vst v1  }
0x12c: {  	s18 =	simm.s32 $0x3;
	v1 =	vld.idx.msk [tilespmem:v39+s5+$0x0], $0xffff  }
0x12d: {  	v2 =	vmov s18  }
0x12e: {  	v2 =	vand.u32 $0xF, v2  }
0x12f: {  	v35 =	vbroadcast v2, $0x0  }
0x130: {  	s19 =	simm.s32 $0x1  }
0x131: {  	s20 =	simm.s32 $0x2;
	v2 =	vor.u32 v17, v35;
	[tilespmem:$0x6470] =	vst v1;
	v1 =	vmov s19  }
0x132: {  	v3 =	vor.u32 v11, v35;
	[tilespmem:s28], [sflag:$0x1] =	stream.indirect.gather [hbm4b:s4+s25], $0x20, s26, s25, $0xb8;
	v1 =	vand.u32 $0xD, v1;
	[tilespmem:$0xA500] =	vst v63  }
0x133: {  	_ =	swait.ge [sflag:s31], $0x1000;
	v49 =	vbroadcast v1, $0x0;
	v1 =	vmov s20  }
0x134: {  	[sflag:s31] =	ssyncset.done $0x0;
	v1 =	vand.u32 $0xE, v1  }
0x135: {  	[sflag:s31] =	ssyncadd.s32 $0xFFFFF000;
	v4 =	vor.u32 v11, v49;
	v48 =	vbroadcast v1, $0x0  }
0x136: {  	v1 =	vmov s5;
	v5 =	vor.u32 v17, v49;
	v2 =	vld.idx.msk [tilespmem:v2+s30+$0x0], $0xffff  }
0x137: {  	v1 =	vand.u32 $0xC, v1;
	v3 =	vld.idx.msk [tilespmem:v3+s30+$0x0], $0xffff;
	v6 =	vor.u32 v17, v48  }
0x138: {  	v56 =	vbroadcast v1, $0x0;
	v1 =	vor.u32 v18, v35  }
0x139: {  	v7 =	vor.u32 v19, v35  }
0x13a: {  	s16 =	simm.s32 $0x9D00;
	v8 =	vor.u32 v17, v56;
	v4 =	vld.idx.msk [tilespmem:v4+s30+$0x0], $0xffff  }
0x13b: {  	v9 =	vor.u32 v11, v48;
	v5 =	vld.idx.msk [tilespmem:v5+s30+$0x0], $0xffff;
	[tilespmem:s16+$0x180] =	vst v2  }
0x13c: {  	[tilespmem:s16+$0xFFFFF980] =	vst v3;
	v2 =	vld.idx.msk [tilespmem:v6+s30+$0x0], $0xffff;
	v6 =	vor.u32 v19, v49  }
0x13d: {  	v3 =	vor.u32 v11, v56;
	v1 =	vld.idx.msk [tilespmem:v1+s30+$0x0], $0xffff  }
0x13e: {  	v10 =	vor.u32 v18, v49;
	v7 =	vld.idx.msk [tilespmem:v7+s30+$0x0], $0xffff  }
0x13f: {  	[tilespmem:s16+$0xFFFFF880] =	vst v4;
	v4 =	vld.idx.msk [tilespmem:v8+s30+$0x0], $0xffff;
	v8 =	vor.u32 v20, v35  }
0x140: {  	v9 =	vld.idx.msk [tilespmem:v9+s30+$0x0], $0xffff;
	[tilespmem:s16+$0x80] =	vst v5;
	v5 =	vor.u32 v21, v35  }
0x141: {  	v51 =	vor.u32 v19, v48;
	v6 =	vld.idx.msk [tilespmem:v6+s30+$0x0], $0xffff;
	[tilespmem:s16+$0x100] =	vst v2  }
0x142: {  	v3 =	vld.idx.msk [tilespmem:v3+s30+$0x0], $0xffff;
	v2 =	vor.u32 v18, v48;
	[tilespmem:s16+$0xFFFFF990] =	vst v1  }
0x143: {  	v10 =	vld.idx.msk [tilespmem:v10+s30+$0x0], $0xffff;
	v1 =	vor.u32 v18, v56;
	[tilespmem:s16+$0x190] =	vst v7  }
0x144: {  	v7 =	vor.u32 v20, v49;
	[tilespmem:s16+$0x0] =	vst v4;
	v4 =	vld.idx.msk [tilespmem:v8+s30+$0x0], $0xffff  }
0x145: {  	[tilespmem:s16+$0xFFFFF900] =	vst v9;
	v8 =	vor.u32 v21, v49;
	v5 =	vld.idx.msk [tilespmem:v5+s30+$0x0], $0xffff  }
0x146: {  	v9 =	vor.u32 v22, v35;
	[tilespmem:s16+$0x90] =	vst v6;
	v6 =	vld.idx.msk [tilespmem:v51+s30+$0x0], $0xffff  }
0x147: {  	[tilespmem:s16+$0xFFFFF800] =	vst v3;
	v3 =	vor.u32 v23, v35;
	v2 =	vld.idx.msk [tilespmem:v2+s30+$0x0], $0xffff  }
0x148: {  	v52 =	vor.u32 v19, v56;
	[tilespmem:s16+$0xFFFFF890] =	vst v10;
	v1 =	vld.idx.msk [tilespmem:v1+s30+$0x0], $0xffff  }
0x149: {  	v10 =	vor.u32 v20, v48;
	v7 =	vld.idx.msk [tilespmem:v7+s30+$0x0], $0xffff;
	[tilespmem:s16+$0xFFFFF9A0] =	vst v4  }
0x14a: {  	s24 =	simm.s32 $0x4;
	v4 =	vor.u32 v21, v48;
	[tilespmem:s16+$0x1A0] =	vst v5;
	v5 =	vld.idx.msk [tilespmem:v8+s30+$0x0], $0xffff  }
0x14b: {  	v14 =	vmov s24;
	v8 =	vor.u32 v22, v49;
	v9 =	vld.idx.msk [tilespmem:v9+s30+$0x0], $0xffff  }
0x14c: {  	v14 =	vand.u32 $0xC, v14;
	v13 =	vor.u32 v23, v49;
	v3 =	vld.idx.msk [tilespmem:v3+s30+$0x0], $0xffff;
	[tilespmem:s16+$0x110] =	vst v6  }
0x14d: {  	v6 =	vld.idx.msk [tilespmem:v52+s30+$0x0], $0xffff;
	[tilespmem:s16+$0xFFFFF910] =	vst v2;
	v2 =	vor.u32 v24, v35;
	v52 =	vbroadcast v14, $0x0  }
0x14e: {  	v10 =	vld.idx.msk [tilespmem:v10+s30+$0x0], $0xffff;
	[tilespmem:s16+$0xFFFFF8A0] =	vst v7;
	v7 =	vor.u32 v25, v35  }
0x14f: {  	v59 =	vor.u32 v17, v52;
	v4 =	vld.idx.msk [tilespmem:v4+s30+$0x0], $0xffff;
	[tilespmem:s16+$0xA0] =	vst v5  }
0x150: {  	v5 =	vor.u32 v21, v56;
	[tilespmem:s16+$0xFFFFF9B0] =	vst v9;
	v8 =	vld.idx.msk [tilespmem:v8+s30+$0x0], $0xffff  }
0x151: {  	v9 =	vor.u32 v20, v56;
	[tilespmem:s16+$0x1B0] =	vst v3;
	v3 =	vld.idx.msk [tilespmem:v13+s30+$0x0], $0xffff  }
0x152: {  	[tilespmem:s16+$0x10] =	vst v6;
	v2 =	vld.idx.msk [tilespmem:v2+s30+$0x0], $0xffff;
	v6 =	vor.u32 v25, v49  }
0x153: {  	[tilespmem:s16+$0xFFFFF810] =	vst v1;
	v1 =	vld.idx.msk [tilespmem:v7+s30+$0x0], $0xffff;
	v7 =	vor.u32 v24, v49  }
0x154: {  	[tilespmem:s16+$0xFFFFF920] =	vst v10;
	v10 =	vor.u32 v26, v35;
	v13 =	vld.idx.msk [tilespmem:v59+s30+$0x0], $0xffff  }
0x155: {  	v5 =	vld.idx.msk [tilespmem:v5+s30+$0x0], $0xffff;
	[tilespmem:s16+$0xFFFFF8B0] =	vst v8;
	v8 =	vor.u32 v27, v35  }
0x156: {  	v53 =	vor.u32 v22, v48;
	v9 =	vld.idx.msk [tilespmem:v9+s30+$0x0], $0xffff;
	[tilespmem:s16+$0xB0] =	vst v3  }
0x157: {  	v3 =	vor.u32 v23, v48;
	[tilespmem:s16+$0xFFFFF9C0] =	vst v2;
	v2 =	vld.idx.msk [tilespmem:v6+s30+$0x0], $0xffff  }
0x158: {  	s21 =	simm.s32 $0x5;
	v6 =	vor.u32 v22, v56;
	v7 =	vld.idx.msk [tilespmem:v7+s30+$0x0], $0xffff;
	[tilespmem:s16+$0x1C0] =	vst v1  }
0x159: {  	s22 =	simm.s32 $0x6;
	[tilespmem:s16+$0x120] =	vst v4;
	v1 =	vor.u32 v26, v49;
	v4 =	vld.idx.msk [tilespmem:v10+s30+$0x0], $0xffff;
	v10 =	vmov s21  }
0x15a: {  	v55 =	vmov s22;
	[tilespmem:s16+$0x20] =	vst v5;
	v5 =	vor.u32 v27, v49;
	v10 =	vand.u32 $0xD, v10;
	v8 =	vld.idx.msk [tilespmem:v8+s30+$0x0], $0xffff  }
0x15b: {  	v12 =	vld.idx.msk [tilespmem:v53+s30+$0x0], $0xffff;
	[tilespmem:s16+$0xFFFFF820] =	vst v9;
	v50 =	vbroadcast v10, $0x0;
	v9 =	vor.u32 v29, v35;
	v10 =	vand.u32 $0xE, v55  }
0x15c: {  	v3 =	vld.idx.msk [tilespmem:v3+s30+$0x0], $0xffff;
	[tilespmem:s16+$0xC0] =	vst v2;
	v2 =	vor.u32 v23, v56;
	v51 =	vbroadcast v10, $0x0  }
0x15d: {  	v6 =	vld.idx.msk [tilespmem:v6+s30+$0x0], $0xffff;
	[tilespmem:s16+$0xFFFFF8C0] =	vst v7;
	v7 =	vor.u32 v11, v50  }
0x15e: {  	s23 =	simm.s32 $0x7;
	v1 =	vld.idx.msk [tilespmem:v1+s30+$0x0], $0xffff;
	[tilespmem:s16+$0xFFFFF9D0] =	vst v4;
	v4 =	vor.u32 v17, v51  }
0x15f: {  	v10 =	vmov s23;
	v57 =	vor.u32 v17, v50;
	v5 =	vld.idx.msk [tilespmem:v5+s30+$0x0], $0xffff;
	[tilespmem:s16+$0x1D0] =	vst v8  }
0x160: {  	v15 =	vor.u32 v11, v51;
	v8 =	vand.u32 $0xF, v10;
	v9 =	vld.idx.msk [tilespmem:v9+s30+$0x0], $0xffff  }
0x161: {  	v10 =	vor.u32 v28, v35;
	v53 =	vbroadcast v8, $0x0;
	v2 =	vld.idx.msk [tilespmem:v2+s30+$0x0], $0xffff  }
0x162: {  	[tilespmem:s16+$0xFFFFF930] =	vst v12;
	v8 =	vor.u32 v28, v49;
	v7 =	vld.idx.msk [tilespmem:v7+s30+$0x0], $0xffff  }
0x163: {  	[tilespmem:s16+$0x130] =	vst v3;
	v58 =	vor.u32 v17, v53;
	v4 =	vld.idx.msk [tilespmem:v4+s30+$0x0], $0xffff  }
0x164: {  	v16 =	vor.u32 v11, v53;
	[tilespmem:s16+$0xFFFFF8D0] =	vst v1;
	v1 =	vld.idx.msk [tilespmem:v57+s30+$0x0], $0xffff  }
0x165: {  	[tilespmem:s16+$0xFFFFF830] =	vst v6;
	v60 =	vld.idx.msk [tilespmem:v15+s30+$0x0], $0xffff;
	v15 =	vor.u32 v24, v56  }
0x166: {  	v6 =	vor.u32 v18, v50;
	[tilespmem:s16+$0xD0] =	vst v5;
	v5 =	vld.idx.msk [tilespmem:v10+s30+$0x0], $0xffff  }
0x167: {  	s17 =	simm.s32 $0x9F00;
	v10 =	vor.u32 v19, v50;
	v8 =	vld.idx.msk [tilespmem:v8+s30+$0x0], $0xffff;
	[tilespmem:s16+$0x30] =	vst v2  }
0x168: {  	[tilespmem:s17+$0xFFFFF880] =	vst v7;
	v7 =	vor.u32 v25, v56;
	v14 =	vld.idx.msk [tilespmem:v58+s30+$0x0], $0xffff  }
0x169: {  	[tilespmem:s16+$0x1E0] =	vst v9;
	v3 =	vld.idx.msk [tilespmem:v16+s30+$0x0], $0xffff;
	v16 =	vor.u32 v11, v52  }
0x16a: {  	[tilespmem:s17+$0x80] =	vst v1;
	v2 =	vld.idx.msk [tilespmem:v15+s30+$0x0], $0xffff;
	v15 =	vor.u32 v29, v49  }
0x16b: {  	v62 =	vor.u32 v31, v35;
	[tilespmem:s17+$0x100] =	vst v4;
	v6 =	vld.idx.msk [tilespmem:v6+s30+$0x0], $0xffff  }
0x16c: {  	v1 =	vor.u32 v18, v53;
	[tilespmem:s17+$0xFFFFF900] =	vst v60;
	v10 =	vld.idx.msk [tilespmem:v10+s30+$0x0], $0xffff  }
0x16d: {  	v4 =	vor.u32 v19, v53;
	[tilespmem:s16+$0xFFFFF9E0] =	vst v5;
	v7 =	vld.idx.msk [tilespmem:v7+s30+$0x0], $0xffff  }
0x16e: {  	v5 =	vor.u32 v19, v51;
	[tilespmem:s17+$0x180] =	vst v14;
	v61 =	vld.idx.msk [tilespmem:v16+s30+$0x0], $0xffff  }
0x16f: {  	[tilespmem:s17+$0xFFFFF980] =	vst v3;
	v3 =	vor.u32 v30, v35;
	v63 =	vld.idx.msk [tilespmem:v15+s30+$0x0], $0xffff  }
0x170: {  	[tilespmem:s17+$0x0] =	vst v13;
	v16 =	vor.u32 v18, v51;
	v13 =	vld.idx.msk [tilespmem:v62+s30+$0x0], $0xffff  }
0x171: {  	v9 =	vor.u32 v18, v52;
	[tilespmem:s16+$0xFFFFF840] =	vst v2;
	v1 =	vld.idx.msk [tilespmem:v1+s30+$0x0], $0xffff  }
0x172: {  	v15 =	vor.u32 v19, v52;
	[tilespmem:s16+$0xFFFFF8E0] =	vst v8;
	v4 =	vld.idx.msk [tilespmem:v4+s30+$0x0], $0xffff  }
0x173: {  	[tilespmem:s17+$0x90] =	vst v10;
	v5 =	vld.idx.msk [tilespmem:v5+s30+$0x0], $0xffff;
	v10 =	vor.u32 v20, v53  }
0x174: {  	[tilespmem:s16+$0x40] =	vst v7;
	v7 =	vor.u32 v25, v48;
	v2 =	vld.idx.msk [tilespmem:v3+s30+$0x0], $0xffff  }
0x175: {  	v3 =	vor.u32 v21, v53;
	[tilespmem:s17+$0xFFFFF800] =	vst v61;
	v32 =	vld.idx.msk [tilespmem:v16+s30+$0x0], $0xffff  }
0x176: {  	v16 =	vor.u32 v20, v50;
	[tilespmem:s17+$0xFFFFF990] =	vst v1;
	v9 =	vld.idx.msk [tilespmem:v9+s30+$0x0], $0xffff  }
0x177: {  	v1 =	vor.u32 v26, v56;
	[tilespmem:s17+$0x190] =	vst v4;
	v15 =	vld.idx.msk [tilespmem:v15+s30+$0x0], $0xffff  }
0x178: {  	v4 =	vor.u32 v30, v49;
	[tilespmem:s17+$0x110] =	vst v5;
	v5 =	vld.idx.msk [tilespmem:v10+s30+$0x0], $0xffff  }
0x179: {  	v8 =	vor.u32 v21, v51;
	[tilespmem:s17+$0xFFFFF890] =	vst v6;
	v6 =	vld.idx.msk [tilespmem:v7+s30+$0x0], $0xffff  }
0x17a: {  	v10 =	vor.u32 v20, v51;
	v3 =	vld.idx.msk [tilespmem:v3+s30+$0x0], $0xffff  }
0x17b: {  	[tilespmem:s16+$0xE0] =	vst v63;
	v7 =	vor.u32 v21, v50;
	v34 =	vld.idx.msk [tilespmem:v16+s30+$0x0], $0xffff  }
0x17c: {  	v33 =	vor.u32 v22, v53;
	[tilespmem:s16+$0x1F0] =	vst v13;
	v1 =	vld.idx.msk [tilespmem:v1+s30+$0x0], $0xffff  }
0x17d: {  	[tilespmem:s17+$0xFFFFF910] =	vst v32;
	v57 =	vld.idx.msk [tilespmem:v4+s30+$0x0], $0xffff;
	v4 =	vor.u32 v23, v53  }
0x17e: {  	[tilespmem:s17+$0x10] =	vst v15;
	v15 =	vor.u32 v20, v52;
	v8 =	vld.idx.msk [tilespmem:v8+s30+$0x0], $0xffff  }
0x17f: {  	v10 =	vld.idx.msk [tilespmem:v10+s30+$0x0], $0xffff;
	[tilespmem:s17+$0xFFFFF9A0] =	vst v5;
	v5 =	vor.u32 v24, v48  }
0x180: {  	v35 =	vor.u32 v22, v51;
	v7 =	vld.idx.msk [tilespmem:v7+s30+$0x0], $0xffff;
	[tilespmem:s17+$0x1A0] =	vst v3  }
0x181: {  	v54 =	vor.u32 v23, v51;
	[tilespmem:s17+$0xFFFFF810] =	vst v9;
	v9 =	vld.idx.msk [tilespmem:v33+s30+$0x0], $0xffff  }
0x182: {  	[tilespmem:s16+$0xFFFFF9F0] =	vst v2;
	v3 =	vor.u32 v21, v52;
	v4 =	vld.idx.msk [tilespmem:v4+s30+$0x0], $0xffff  }
0x183: {  	v55 =	vor.u32 v27, v56;
	v2 =	vld.idx.msk [tilespmem:v15+s30+$0x0], $0xffff;
	[tilespmem:s17+$0x120] =	vst v8  }
0x184: {  	v15 =	vor.u32 v24, v53;
	[tilespmem:s17+$0xFFFFF920] =	vst v10;
	v5 =	vld.idx.msk [tilespmem:v5+s30+$0x0], $0xffff  }
0x185: {  	[tilespmem:s17+$0xFFFFF8A0] =	vst v34;
	v10 =	vor.u32 v22, v50;
	v60 =	vld.idx.msk [tilespmem:v35+s30+$0x0], $0xffff  }
0x186: {  	v58 =	vld.idx.msk [tilespmem:v54+s30+$0x0], $0xffff;
	[tilespmem:s17+$0xA0] =	vst v7;
	v7 =	vor.u32 v25, v53  }
0x187: {  	v8 =	vor.u32 v23, v50;
	v3 =	vld.idx.msk [tilespmem:v3+s30+$0x0], $0xffff;
	[tilespmem:s17+$0xFFFFF9B0] =	vst v9  }
0x188: {  	[tilespmem:s17+$0x1B0] =	vst v4;
	v4 =	vor.u32 v27, v48;
	v9 =	vld.idx.msk [tilespmem:v55+s30+$0x0], $0xffff  }
0x189: {  	[tilespmem:s16+$0x140] =	vst v6;
	v6 =	vor.u32 v26, v48;
	v32 =	vld.idx.msk [tilespmem:v15+s30+$0x0], $0xffff  }
0x18a: {  	v33 =	vor.u32 v22, v52;
	[tilespmem:s17+$0xFFFFF820] =	vst v2;
	v10 =	vld.idx.msk [tilespmem:v10+s30+$0x0], $0xffff  }
0x18b: {  	[tilespmem:s16+$0xFFFFF940] =	vst v5;
	v5 =	vor.u32 v28, v56;
	v15 =	vld.idx.msk [tilespmem:v7+s30+$0x0], $0xffff  }
0x18c: {  	[tilespmem:s17+$0x20] =	vst v3;
	v3 =	vld.idx.msk [tilespmem:v8+s30+$0x0], $0xffff;
	v8 =	vor.u32 v29, v56  }
0x18d: {  	v35 =	vor.u32 v26, v53;
	[tilespmem:s16+$0xFFFFF850] =	vst v1;
	v4 =	vld.idx.msk [tilespmem:v4+s30+$0x0], $0xffff  }
0x18e: {  	v34 =	vor.u32 v25, v50;
	[tilespmem:s16+$0x50] =	vst v9;
	v9 =	vld.idx.msk [tilespmem:v6+s30+$0x0], $0xffff  }
0x18f: {  	v1 =	vor.u32 v24, v50;
	v59 =	vld.idx.msk [tilespmem:v33+s30+$0x0], $0xffff;
	[tilespmem:s17+$0xFFFFF9C0] =	vst v32  }
0x190: {  	v2 =	vld.idx.msk [tilespmem:v5+s30+$0x0], $0xffff;
	[tilespmem:s17+$0x1C0] =	vst v15  }
0x191: {  	v7 =	vor.u32 v29, v48;
	[tilespmem:s17+$0xB0] =	vst v3;
	v3 =	vld.idx.msk [tilespmem:v8+s30+$0x0], $0xffff  }
0x192: {  	v54 =	vor.u32 v24, v51;
	v6 =	vor.u32 v27, v53;
	[tilespmem:s17+$0xFFFFF8B0] =	vst v10;
	v61 =	vld.idx.msk [tilespmem:v35+s30+$0x0], $0xffff  }
0x193: {  	v55 =	vor.u32 v26, v50;
	v5 =	vor.u32 v28, v48;
	v63 =	vld.idx.msk [tilespmem:v34+s30+$0x0], $0xffff;
	[tilespmem:s16+$0x150] =	vst v4  }
0x194: {  	s18 =	simm.s32 $0x9F00;
	s19 =	simm.s32 $0x8;
	v62 =	vld.idx.msk [tilespmem:v1+s30+$0x0], $0xffff;
	v4 =	vor.u32 v30, v56;
	v1 =	vor.u32 v31, v56;
	[tilespmem:s16+$0xFFFFF950] =	vst v9  }
.LBB2_4:
0x195: {  	s5 =	sadd.s32 $0x1, s19  }
0x196: {  	v8 =	vmov s19;
	p0 =	slt.u32 s19, $0xC;
	[tilespmem:s17+$0xFFFFF930] =	vst v60;
	v7 =	vld.idx.msk [tilespmem:v7+s30+$0x0], $0xffff;
	v9 =	vor.u32 v30, v48;
	v10 =	vor.u32 v31, v48;
	v48 =	vmovc v51;
	s20 =	smov.u32 s19;
	s19 =	sadd.s32 $0x4, s19  }
0x197: {  	v13 =	vor.u32 v27, v50;
	v8 =	vand.u32 $0xC, v8;
	v12 =	vmov s5;
	v6 =	vld.idx.msk [tilespmem:v6+s30+$0x0], $0xffff;
	[tilespmem:s16+$0xFFFFF860] =	vst v2  }
0x198: {  	s5 =	sadd.s32 $0x2, s20;
	v56 =	vbroadcast v8, $0x0;
	v2 =	vand.u32 $0xD, v12;
	[tilespmem:s16+$0x60] =	vst v3;
	v3 =	vor.u32 v31, v49;
	v5 =	vld.idx.msk [tilespmem:v5+s30+$0x0], $0xffff;
	v49 =	vmovc v50  }
0x199: {  	v8 =	vor.u32 v29, v53;
	v50 =	vbroadcast v2, $0x0;
	v2 =	vmov s5;
	[tilespmem:s17+$0xC0] =	vst v63;
	v4 =	vld.idx.msk [tilespmem:v4+s30+$0x0], $0xffff  }
0x19a: {  	v14 =	vor.u32 v23, v52;
	s5 =	sadd.s32 $0x3, s20;
	v12 =	vor.u32 v11, v56;
	v2 =	vand.u32 $0xE, v2;
	[tilespmem:s17+$0xFFFFF8C0] =	vst v62;
	v1 =	vld.idx.msk [tilespmem:v1+s30+$0x0], $0xffff  }
0x19b: {  	v15 =	vor.u32 v11, v50;
	v51 =	vbroadcast v2, $0x0;
	v2 =	vmov s5;
	v16 =	vld.idx.msk [tilespmem:v55+s30+$0x0], $0xffff;
	[tilespmem:s17+$0xFFFFF9D0] =	vst v61  }
0x19c: {  	v32 =	vor.u32 v17, v50;
	v55 =	vor.u32 v26, v50;
	v2 =	vand.u32 $0xF, v2;
	v13 =	vld.idx.msk [tilespmem:v13+s30+$0x0], $0xffff;
	[tilespmem:s16+$0x160] =	vst v7  }
0x19d: {  	v7 =	vor.u32 v11, v51;
	v2 =	vbroadcast v2, $0x0;
	[tilespmem:s17+$0x1D0] =	vst v6;
	v3 =	vld.idx.msk [tilespmem:v3+s30+$0x0], $0xffff  }
0x19e: {  	v6 =	vor.u32 v17, v51;
	v8 =	vld.idx.msk [tilespmem:v8+s30+$0x0], $0xffff;
	[tilespmem:s16+$0xFFFFF960] =	vst v5  }
0x19f: {  	v5 =	vor.u32 v11, v2;
	[tilespmem:s16+$0xFFFFF8F0] =	vst v57;
	v9 =	vld.idx.msk [tilespmem:v9+s30+$0x0], $0xffff  }
0x1a0: {  	v34 =	vor.u32 v28, v53;
	v33 =	vor.u32 v17, v2;
	[tilespmem:s16+$0xFFFFF870] =	vst v4;
	v4 =	vld.idx.msk [tilespmem:v10+s30+$0x0], $0xffff  }
0x1a1: {  	v35 =	vor.u32 v28, v49;
	v10 =	vor.u32 v17, v56;
	v14 =	vld.idx.msk [tilespmem:v14+s30+$0x0], $0xffff;
	[tilespmem:s16+$0x70] =	vst v1  }
0x1a2: {  	v1 =	vld.idx.msk [tilespmem:v15+s30+$0x0], $0xffff;
	[tilespmem:s17+$0xFFFFF830] =	vst v59  }
0x1a3: {  	v15 =	vor.u32 v18, v50;
	v6 =	vld.idx.msk [tilespmem:v6+s30+$0x0], $0xffff;
	[tilespmem:s17+$0xFFFFF8D0] =	vst v16  }
0x1a4: {  	v16 =	vld.idx.msk [tilespmem:v32+s30+$0x0], $0xffff;
	v32 =	vor.u32 v19, v50;
	[tilespmem:s17+$0xD0] =	vst v13  }
0x1a5: {  	v13 =	vor.u32 v18, v51;
	s17 =	sadd.s32 $0x200, s17;
	v34 =	vld.idx.msk [tilespmem:v34+s30+$0x0], $0xffff;
	[tilespmem:s16+$0xF0] =	vst v3  }
0x1a6: {  	v3 =	vor.u32 v19, v51;
	v35 =	vld.idx.msk [tilespmem:v35+s30+$0x0], $0xffff;
	[tilespmem:s16+$0x170] =	vst v4  }
0x1a7: {  	v4 =	vld.idx.msk [tilespmem:v7+s30+$0x0], $0xffff;
	v7 =	vor.u32 v19, v2;
	[tilespmem:s16+$0xFFFFF970] =	vst v9;
	s16 =	smov.u32 s18;
	s18 =	smov.u32 s17  }
0x1a8: {  	v57 =	vor.u32 v24, v52;
	v9 =	vld.idx.msk [tilespmem:v33+s30+$0x0], $0xffff;
	v33 =	vor.u32 v18, v2;
	[tilespmem:s16+$0x130] =	vst v58  }
0x1a9: {  	v58 =	vor.u32 v19, v56;
	[tilespmem:s17+$0xFFFFF880] =	vst v1;
	v1 =	vld.idx.msk [tilespmem:v5+s30+$0x0], $0xffff;
	v5 =	vor.u32 v25, v52  }
0x1aa: {  	v59 =	vor.u32 v18, v56;
	v10 =	vld.idx.msk [tilespmem:v10+s30+$0x0], $0xffff;
	[tilespmem:s17+$0x80] =	vst v16  }
0x1ab: {  	v16 =	vld.idx.msk [tilespmem:v32+s30+$0x0], $0xffff;
	v32 =	vor.u32 v20, v50;
	[tilespmem:s17+$0x100] =	vst v6  }
0x1ac: {  	v6 =	vld.idx.msk [tilespmem:v15+s30+$0x0], $0xffff;
	v15 =	vor.u32 v21, v50;
	[tilespmem:s16+$0x30] =	vst v14  }
0x1ad: {  	v60 =	vor.u32 v29, v49;
	v14 =	vor.u32 v20, v51;
	v57 =	vld.idx.msk [tilespmem:v57+s30+$0x0], $0xffff;
	[tilespmem:s16+$0xFFFFF9E0] =	vst v34  }
0x1ae: {  	v34 =	vor.u32 v21, v51;
	[tilespmem:s17+$0x180] =	vst v9;
	v5 =	vld.idx.msk [tilespmem:v5+s30+$0x0], $0xffff  }
0x1af: {  	v9 =	vld.idx.msk [tilespmem:v12+s30+$0x0], $0xffff;
	[tilespmem:s17+$0xFFFFF980] =	vst v1;
	v1 =	vor.u32 v20, v2;
	v12 =	vor.u32 v30, v53  }
0x1b0: {  	v61 =	vor.u32 v31, v53;
	v53 =	vmov v2;
	[tilespmem:s17+$0x0] =	vst v10;
	v10 =	vld.idx.msk [tilespmem:v33+s30+$0x0], $0xffff;
	v33 =	vor.u32 v21, v2  }
0x1b1: {  	v2 =	vor.u32 v20, v56;
	v7 =	vld.idx.msk [tilespmem:v7+s30+$0x0], $0xffff;
	[tilespmem:s16+$0x1E0] =	vst v8  }
0x1b2: {  	v8 =	vor.u32 v21, v56;
	[tilespmem:s17+$0xFFFFF900] =	vst v4;
	v4 =	vld.idx.msk [tilespmem:v60+s30+$0x0], $0xffff  }
0x1b3: {  	[tilespmem:s17+$0x90] =	vst v16;
	v16 =	vor.u32 v22, v50;
	v3 =	vld.idx.msk [tilespmem:v3+s30+$0x0], $0xffff  }
0x1b4: {  	v62 =	vor.u32 v23, v50;
	[tilespmem:s16+$0xFFFFF840] =	vst v57;
	v12 =	vld.idx.msk [tilespmem:v12+s30+$0x0], $0xffff  }
0x1b5: {  	[tilespmem:s17+$0xFFFFF800] =	vst v9;
	v9 =	vor.u32 v22, v51;
	v60 =	vld.idx.msk [tilespmem:v61+s30+$0x0], $0xffff  }
0x1b6: {  	v61 =	vor.u32 v23, v51;
	v13 =	vld.idx.msk [tilespmem:v13+s30+$0x0], $0xffff;
	[tilespmem:s17+$0xFFFFF990] =	vst v10;
	v10 =	vor.u32 v26, v52  }
0x1b7: {  	v57 =	vor.u32 v30, v49;
	v59 =	vld.idx.msk [tilespmem:v59+s30+$0x0], $0xffff;
	[tilespmem:s17+$0x190] =	vst v7;
	v7 =	vor.u32 v22, v53  }
0x1b8: {  	v63 =	vor.u32 v23, v53;
	v58 =	vld.idx.msk [tilespmem:v58+s30+$0x0], $0xffff;
	[tilespmem:s16+$0x40] =	vst v5;
	v5 =	vor.u32 v25, v48  }
0x1b9: {  	[tilespmem:s17+$0x110] =	vst v3;
	v1 =	vld.idx.msk [tilespmem:v1+s30+$0x0], $0xffff  }
0x1ba: {  	v3 =	vld.idx.msk [tilespmem:v33+s30+$0x0], $0xffff;
	[tilespmem:s16+$0xFFFFF8E0] =	vst v35  }
0x1bb: {  	v10 =	vld.idx.msk [tilespmem:v10+s30+$0x0], $0xffff;
	[tilespmem:s16+$0xE0] =	vst v4  }
0x1bc: {  	[tilespmem:s17+$0xFFFFF890] =	vst v6;
	v57 =	vld.idx.msk [tilespmem:v57+s30+$0x0], $0xffff  }
0x1bd: {  	v4 =	vor.u32 v24, v51;
	[tilespmem:s17+$0xFFFFF910] =	vst v13;
	v5 =	vld.idx.msk [tilespmem:v5+s30+$0x0], $0xffff  }
0x1be: {  	[tilespmem:s17+$0x10] =	vst v58;
	v6 =	vld.idx.msk [tilespmem:v32+s30+$0x0], $0xffff  }
0x1bf: {  	v13 =	vld.idx.msk [tilespmem:v14+s30+$0x0], $0xffff;
	[tilespmem:s17+$0xFFFFF9A0] =	vst v1;
	v1 =	vor.u32 v24, v53  }
0x1c0: {  	v14 =	vld.idx.msk [tilespmem:v34+s30+$0x0], $0xffff;
	[tilespmem:s17+$0x1A0] =	vst v3  }
0x1c1: {  	[tilespmem:s17+$0xFFFFF810] =	vst v59;
	v3 =	vld.idx.msk [tilespmem:v7+s30+$0x0], $0xffff  }
0x1c2: {  	v7 =	vld.idx.msk [tilespmem:v63+s30+$0x0], $0xffff;
	[tilespmem:s16+$0x1F0] =	vst v60  }
0x1c3: {  	v15 =	vld.idx.msk [tilespmem:v15+s30+$0x0], $0xffff;
	[tilespmem:s16+$0xFFFFF9F0] =	vst v12  }
0x1c4: {  	v2 =	vld.idx.msk [tilespmem:v2+s30+$0x0], $0xffff;
	[tilespmem:s17+$0xFFFFF8A0] =	vst v6;
	v6 =	vor.u32 v27, v52  }
0x1c5: {  	[tilespmem:s17+$0xFFFFF920] =	vst v13;
	v12 =	vld.idx.msk [tilespmem:v54+s30+$0x0], $0xffff;
	v54 =	vmov v4  }
0x1c6: {  	v4 =	vld.idx.msk [tilespmem:v8+s30+$0x0], $0xffff;
	[tilespmem:s17+$0x120] =	vst v14  }
0x1c7: {  	v60 =	vld.idx.msk [tilespmem:v9+s30+$0x0], $0xffff;
	[tilespmem:s17+$0xFFFFF9B0] =	vst v3  }
0x1c8: {  	v3 =	vor.u32 v27, v48;
	v58 =	vld.idx.msk [tilespmem:v61+s30+$0x0], $0xffff;
	[tilespmem:s17+$0x1B0] =	vst v7  }
0x1c9: {  	v7 =	vor.u32 v25, v53;
	[tilespmem:s17+$0xA0] =	vst v15;
	v6 =	vld.idx.msk [tilespmem:v6+s30+$0x0], $0xffff  }
0x1ca: {  	v1 =	vld.idx.msk [tilespmem:v1+s30+$0x0], $0xffff;
	[tilespmem:s16+$0x140] =	vst v5;
	v5 =	vor.u32 v26, v48  }
0x1cb: {  	v8 =	vor.u32 v22, v56;
	v9 =	vld.idx.msk [tilespmem:v16+s30+$0x0], $0xffff;
	[tilespmem:s16+$0xFFFFF940] =	vst v12  }
0x1cc: {  	v12 =	vor.u32 v28, v52;
	[tilespmem:s17+$0x20] =	vst v4;
	v4 =	vld.idx.msk [tilespmem:v62+s30+$0x0], $0xffff  }
0x1cd: {  	v13 =	vor.u32 v29, v52;
	[tilespmem:s17+$0xFFFFF820] =	vst v2;
	v14 =	vld.idx.msk [tilespmem:v3+s30+$0x0], $0xffff  }
0x1ce: {  	v15 =	vor.u32 v25, v50;
	v16 =	vld.idx.msk [tilespmem:v7+s30+$0x0], $0xffff;
	[tilespmem:s16+$0xFFFFF850] =	vst v10  }
0x1cf: {  	v10 =	vor.u32 v24, v50;
	[tilespmem:s16+$0x50] =	vst v6;
	v32 =	vld.idx.msk [tilespmem:v5+s30+$0x0], $0xffff  }
0x1d0: {  	v59 =	vld.idx.msk [tilespmem:v8+s30+$0x0], $0xffff;
	[tilespmem:s17+$0xFFFFF9C0] =	vst v1;
	v1 =	vor.u32 v26, v53  }
.Ltmp1:
0x1d1: {  	v7 =	vor.u32 v29, v48;
	[tilespmem:s17+$0xFFFFF8B0] =	vst v9;
	v2 =	vld.idx.msk [tilespmem:v12+s30+$0x0], $0xffff;
	(pc) =	sbr.rel @p0 .LBB2_4-.Ltmp1, $4  }
0x1d2: {  	v6 =	vor.u32 v27, v53;
	[tilespmem:s17+$0xB0] =	vst v4;
	v3 =	vld.idx.msk [tilespmem:v13+s30+$0x0], $0xffff  }
0x1d3: {  	v5 =	vor.u32 v28, v48;
	v63 =	vld.idx.msk [tilespmem:v15+s30+$0x0], $0xffff;
	[tilespmem:s16+$0x150] =	vst v14  }
0x1d4: {  	v4 =	vor.u32 v30, v52;
	v62 =	vld.idx.msk [tilespmem:v10+s30+$0x0], $0xffff;
	[tilespmem:s17+$0x1C0] =	vst v16  }
0x1d5: {  	v61 =	vld.idx.msk [tilespmem:v1+s30+$0x0], $0xffff;
	v1 =	vor.u32 v31, v52;
	[tilespmem:s16+$0xFFFFF950] =	vst v32;
	v52 =	vmov v56  }
0x1d6: {  	_ =	sdelay $0x1  }
0x1d7: {  	[tilespmem:s17+$0xFFFFF930] =	vst v60  }
0x1d8: {  	[tilespmem:s16+$0xFFFFF860] =	vst v2  }
0x1d9: {  	v2 =	vld.idx.msk [tilespmem:v6+s30+$0x0], $0xffff;
	[tilespmem:s16+$0x60] =	vst v3;
	v3 =	vor.u32 v23, v52  }
0x1da: {  	v7 =	vld.idx.msk [tilespmem:v7+s30+$0x0], $0xffff;
	[tilespmem:s18+$0x130] =	vst v58  }
0x1db: {  	v5 =	vld.idx.msk [tilespmem:v5+s30+$0x0], $0xffff;
	[tilespmem:s17+$0xC0] =	vst v63  }
0x1dc: {  	v60 =	vor.u32 v31, v49;
	[tilespmem:s17+$0xFFFFF8C0] =	vst v62  }
0x1dd: {  	v8 =	vor.u32 v27, v50;
	v4 =	vld.idx.msk [tilespmem:v4+s30+$0x0], $0xffff;
	[tilespmem:s17+$0xFFFFF9D0] =	vst v61  }
0x1de: {  	v9 =	vor.u32 v31, v48;
	[tilespmem:s17+$0x1D0] =	vst v2;
	v2 =	vld.idx.msk [tilespmem:v3+s30+$0x0], $0xffff  }
0x1df: {  	v1 =	vld.idx.msk [tilespmem:v1+s30+$0x0], $0xffff;
	v62 =	vor.u32 v24, v52;
	[tilespmem:s16+$0x160] =	vst v7  }
0x1e0: {  	v12 =	vor.u32 v25, v52;
	v63 =	vld.idx.msk [tilespmem:v55+s30+$0x0], $0xffff;
	[tilespmem:s16+$0xFFFFF960] =	vst v5  }
0x1e1: {  	v14 =	vor.u32 v28, v53;
	v3 =	vld.idx.msk [tilespmem:v60+s30+$0x0], $0xffff;
	[tilespmem:s16+$0xFFFFF8F0] =	vst v57  }
0x1e2: {  	v13 =	vld.idx.msk [tilespmem:v8+s30+$0x0], $0xffff;
	v8 =	vor.u32 v25, v51;
	[tilespmem:s17+$0xFFFFF830] =	vst v59  }
0x1e3: {  	v33 =	vld.idx.msk [tilespmem:v9+s30+$0x0], $0xffff;
	[tilespmem:s18+$0x30] =	vst v2  }
0x1e4: {  	[tilespmem:s16+$0x70] =	vst v1;
	v2 =	vor.u32 v30, v48;
	v1 =	vld.idx.msk [tilespmem:v62+s30+$0x0], $0xffff  }
0x1e5: {  	v10 =	vor.u32 v29, v53;
	[tilespmem:s16+$0xFFFFF870] =	vst v4;
	v32 =	vld.idx.msk [tilespmem:v12+s30+$0x0], $0xffff  }
0x1e6: {  	v9 =	vor.u32 v26, v52;
	v5 =	vld.idx.msk [tilespmem:v14+s30+$0x0], $0xffff;
	[tilespmem:s17+$0xFFFFF8D0] =	vst v63  }
0x1e7: {  	[tilespmem:s17+$0xD0] =	vst v13;
	v34 =	vld.idx.msk [tilespmem:v8+s30+$0x0], $0xffff;
	v8 =	vor.u32 v27, v52  }
0x1e8: {  	[tilespmem:s16+$0xF0] =	vst v3;
	v3 =	vld.idx.msk [tilespmem:v54+s30+$0x0], $0xffff  }
0x1e9: {  	v35 =	vor.u32 v26, v51;
	v2 =	vld.idx.msk [tilespmem:v2+s30+$0x0], $0xffff;
	[tilespmem:s18+$0xFFFFF840] =	vst v1  }
0x1ea: {  	v49 =	vld.idx.msk [tilespmem:v10+s30+$0x0], $0xffff;
	v1 =	vor.u32 v27, v51;
	[tilespmem:s18+$0x40] =	vst v32  }
0x1eb: {  	[tilespmem:s18+$0xFFFFF9E0] =	vst v5;
	v12 =	vor.u32 v28, v50;
	v48 =	vld.idx.msk [tilespmem:v9+s30+$0x0], $0xffff  }
0x1ec: {  	[tilespmem:s18+$0x140] =	vst v34;
	v9 =	vor.u32 v29, v50;
	v8 =	vld.idx.msk [tilespmem:v8+s30+$0x0], $0xffff  }
0x1ed: {  	[tilespmem:s18+$0xFFFFF940] =	vst v3;
	v3 =	vor.u32 v28, v52  }
0x1ee: {  	v6 =	vld.idx.msk [tilespmem:v35+s30+$0x0], $0xffff;
	[tilespmem:s16+$0xFFFFF970] =	vst v2;
	v2 =	vor.u32 v29, v52  }
0x1ef: {  	v54 =	vor.u32 v31, v53;
	[tilespmem:s18+$0x1E0] =	vst v49;
	v1 =	vld.idx.msk [tilespmem:v1+s30+$0x0], $0xffff  }
0x1f0: {  	v55 =	vor.u32 v29, v51;
	v10 =	vld.idx.msk [tilespmem:v12+s30+$0x0], $0xffff;
	[tilespmem:s18+$0xFFFFF850] =	vst v48  }
0x1f1: {  	v9 =	vld.idx.msk [tilespmem:v9+s30+$0x0], $0xffff;
	[tilespmem:s18+$0x50] =	vst v8;
	v8 =	vor.u32 v28, v51  }
0x1f2: {  	v56 =	vor.u32 v30, v53;
	[tilespmem:s16+$0x170] =	vst v33;
	v3 =	vld.idx.msk [tilespmem:v3+s30+$0x0], $0xffff  }
0x1f3: {  	v57 =	vor.u32 v30, v50;
	[tilespmem:s18+$0xFFFFF950] =	vst v6;
	v2 =	vld.idx.msk [tilespmem:v2+s30+$0x0], $0xffff  }
0x1f4: {  	v58 =	vor.u32 v30, v52;
	[tilespmem:s18+$0x150] =	vst v1;
	v1 =	vld.idx.msk [tilespmem:v54+s30+$0x0], $0xffff  }
0x1f5: {  	v59 =	vor.u32 v31, v52;
	[tilespmem:s18+$0xFFFFF8E0] =	vst v10;
	v7 =	vld.idx.msk [tilespmem:v55+s30+$0x0], $0xffff  }
0x1f6: {  	[tilespmem:s18+$0xE0] =	vst v9;
	v9 =	vor.u32 v31, v50;
	v8 =	vld.idx.msk [tilespmem:v8+s30+$0x0], $0xffff  }
0x1f7: {  	v60 =	vor.u32 v31, v51;
	v10 =	vld.idx.msk [tilespmem:v56+s30+$0x0], $0xffff;
	[tilespmem:s18+$0xFFFFF860] =	vst v3  }
0x1f8: {  	v61 =	vor.u32 v30, v51;
	v3 =	vld.idx.msk [tilespmem:v57+s30+$0x0], $0xffff;
	[tilespmem:s18+$0x60] =	vst v2  }
0x1f9: {  	[tilespmem:s18+$0x1F0] =	vst v1;
	v1 =	vld.idx.msk [tilespmem:v58+s30+$0x0], $0xffff  }
0x1fa: {  	v2 =	vld.idx.msk [tilespmem:v59+s30+$0x0], $0xffff;
	[tilespmem:s18+$0x160] =	vst v7  }
0x1fb: {  	v62 =	vld.idx.msk [tilespmem:v9+s30+$0x0], $0xffff;
	[tilespmem:s18+$0xFFFFF960] =	vst v8  }
0x1fc: {  	[tilespmem:s18+$0xFFFFF9F0] =	vst v10;
	v63 =	vld.idx.msk [tilespmem:v60+s30+$0x0], $0xffff  }
0x1fd: {  	[tilespmem:s18+$0xFFFFF8F0] =	vst v3;
	v3 =	vld.idx.msk [tilespmem:v61+s30+$0x0], $0xffff  }
0x1fe: {  	[tilespmem:s18+$0xFFFFF870] =	vst v1  }
0x1ff: {  	[tilespmem:s18+$0x70] =	vst v2  }
0x200: {  	[tilespmem:s18+$0xF0] =	vst v62  }
0x201: {  	[tilespmem:s18+$0x170] =	vst v63  }
0x202: {  	[tilespmem:s18+$0xFFFFF970] =	vst v3  }
0x203: {  	s16 =	simm.s32 $0x0;
	s5 =	rddreg [dreg:$0xf]  }
0x204: {  	[hbm4b:s5+s16] =	stream.linear.scatter [tilespmem:s8], [sflag:$0x3], $0x400, $0x38;
	[tilespmem:$0xA500] =	vst v63  }
0x205: {  	s22 =	rddreg [dreg:$0xd]  }
0x206: {  	[hbm4b:s22+s16] =	stream.linear.scatter [tilespmem:s9], [sflag:$0x3], $0x400, $0x38;
	[tilespmem:$0xA500] =	vst v63  }
0x207: {  	s23 =	rddreg [dreg:$0x10]  }
0x208: {  	[hbm4b:s23+s16] =	stream.linear.scatter [tilespmem:s10], [sflag:$0x3], $0x400, $0x38;
	[tilespmem:$0xA500] =	vst v63  }
0x209: {  	s17 =	simm.s32 $0x0;
	s24 =	rddreg [dreg:$0x12]  }
0x20a: {  	[hbm4b:s24+s16] =	stream.linear.scatter [tilespmem:s11], [sflag:$0x3], $0x400, $0x38;
	[tilespmem:$0xA500] =	vst v63  }
.LBB2_6:
0x20b: {  	s20 =	sshll.u32 s17, $0x1  }
0x20c: {  	s5 =	sadd.s32 $0x3, s20  }
0x20d: {  	s18 =	sand.u32 $0x3, s5  }
0x20e: {  	s21 =	smul.u32 $0x1900, s18  }
0x20f: {  	s19 =	sshrl.u32 s5, $0x2  }
0x210: {  	s5 =	sadd.s32 s19, s21  }
0x211: {  	v1 =	vadd.s32 s5, v0;
	_ =	sdelay $0x4  }
0x212: {  	s21 =	sadd.s32 $0x320, s5;
	v1 =	vld.idx.msk [tilespmem:v1+s16+$0x0], $0xffff  }
0x213: {  	v2 =	vadd.s32 s21, v0;
	_ =	sdelay $0x3  }
0x214: {  	[tilespmem:$0x6480] =	vst v1  }
0x215: {  	s14 =	sadd.s32 $0x640, s5;
	v1 =	vld.idx.msk [tilespmem:v2+s16+$0x0], $0xffff  }
0x216: {  	v2 =	vadd.s32 s14, v0;
	_ =	sdelay $0x3  }
0x217: {  	[tilespmem:$0x6490] =	vst v1  }
0x218: {  	s22 =	sadd.s32 $0x960, s5;
	v1 =	vld.idx.msk [tilespmem:v2+s16+$0x0], $0xffff  }
0x219: {  	v2 =	vadd.s32 s22, v0;
	_ =	sdelay $0x3  }
0x21a: {  	[tilespmem:$0x64A0] =	vst v1  }
0x21b: {  	s23 =	sadd.s32 $0xC80, s5;
	v1 =	vld.idx.msk [tilespmem:v2+s16+$0x0], $0xffff  }
0x21c: {  	v2 =	vadd.s32 s23, v0;
	_ =	sdelay $0x3  }
0x21d: {  	[tilespmem:$0x64B0] =	vst v1  }
0x21e: {  	s24 =	sadd.s32 $0xFA0, s5;
	v1 =	vld.idx.msk [tilespmem:v2+s16+$0x0], $0xffff  }
0x21f: {  	v2 =	vadd.s32 s24, v0;
	_ =	sdelay $0x3  }
0x220: {  	[tilespmem:$0x64C0] =	vst v1  }
0x221: {  	s14 =	sadd.s32 $0x12C0, s5;
	v1 =	vld.idx.msk [tilespmem:v2+s16+$0x0], $0xffff  }
0x222: {  	v2 =	vadd.s32 s14, v0;
	_ =	sdelay $0x3  }
0x223: {  	[tilespmem:$0x64D0] =	vst v1  }
0x224: {  	s5 =	sadd.s32 $0x15E0, s5;
	v1 =	vld.idx.msk [tilespmem:v2+s16+$0x0], $0xffff  }
0x225: {  	v2 =	vadd.s32 s5, v0;
	_ =	sdelay $0x3  }
0x226: {  	[tilespmem:$0x64E0] =	vst v1  }
0x227: {  	v1 =	vld.idx.msk [tilespmem:v2+s16+$0x0], $0xffff;
	_ =	sdelay $0x4  }
0x228: {  	[tilespmem:$0x64F0] =	vst v1  }
0x229: {  	[tilespmem:s30], [sflag:$0x1] =	stream.indirect.gather [hbm4b:s4+s25], $0x20, s29, s25, $0xb8;
	[tilespmem:$0xA500] =	vst v63  }
0x22a: {  	_ =	swait.ge [sflag:s31], $0x1000  }
0x22b: {  	[sflag:s31] =	ssyncset.done $0x0  }
0x22c: {  	[sflag:s31] =	ssyncadd.s32 $0xFFFFF000  }
0x22d: {  	_ =	swait.ge [sflag:s12], $0x400  }
0x22e: {  	[sflag:s12] =	ssyncset.done $0x0  }
0x22f: {  	s22 =	simm.s32 $0x3;
	[sflag:s12] =	ssyncadd.s32 $0xFFFFFC00  }
0x230: {  	v1 =	vmov s22;
	_ =	swait.ge [sflag:s12], $0x400  }
0x231: {  	v1 =	vand.u32 $0xF, v1;
	[sflag:s12] =	ssyncset.done $0x0  }
0x232: {  	v54 =	vbroadcast v1, $0x0;
	[sflag:s12] =	ssyncadd.s32 $0xFFFFFC00  }
0x233: {  	s23 =	simm.s32 $0x1;
	_ =	swait.ge [sflag:s12], $0x400  }
0x234: {  	v1 =	vmov s23;
	v2 =	vor.u32 v17, v54;
	[sflag:s12] =	ssyncset.done $0x0  }
0x235: {  	s24 =	simm.s32 $0x2;
	v1 =	vand.u32 $0xD, v1;
	v3 =	vor.u32 v11, v54;
	[sflag:s12] =	ssyncadd.s32 $0xFFFFFC00  }
0x236: {  	v49 =	vbroadcast v1, $0x0;
	v1 =	vmov s24;
	_ =	swait.ge [sflag:s12], $0x400  }
0x237: {  	v1 =	vand.u32 $0xE, v1;
	[sflag:s12] =	ssyncset.done $0x0  }
0x238: {  	v4 =	vor.u32 v11, v49;
	v48 =	vbroadcast v1, $0x0;
	[sflag:s12] =	ssyncadd.s32 $0xFFFFFC00  }
0x239: {  	v1 =	vmov s16;
	v5 =	vor.u32 v17, v49;
	v2 =	vld.idx.msk [tilespmem:v2+s28+$0x0], $0xffff  }
0x23a: {  	v1 =	vand.u32 $0xC, v1;
	v6 =	vor.u32 v17, v48;
	v3 =	vld.idx.msk [tilespmem:v3+s28+$0x0], $0xffff  }
0x23b: {  	v56 =	vbroadcast v1, $0x0;
	v1 =	vor.u32 v18, v54  }
0x23c: {  	v7 =	vor.u32 v19, v54  }
0x23d: {  	s21 =	simm.s32 $0x8D00;
	v8 =	vor.u32 v17, v56;
	v4 =	vld.idx.msk [tilespmem:v4+s28+$0x0], $0xffff  }
0x23e: {  	v9 =	vor.u32 v11, v48;
	v5 =	vld.idx.msk [tilespmem:v5+s28+$0x0], $0xffff;
	[tilespmem:s21+$0x180] =	vst v2  }
0x23f: {  	v2 =	vld.idx.msk [tilespmem:v6+s28+$0x0], $0xffff;
	v6 =	vor.u32 v19, v49;
	[tilespmem:s21+$0xFFFFF980] =	vst v3  }
0x240: {  	v3 =	vor.u32 v11, v56;
	v1 =	vld.idx.msk [tilespmem:v1+s28+$0x0], $0xffff  }
0x241: {  	v10 =	vor.u32 v18, v49;
	v7 =	vld.idx.msk [tilespmem:v7+s28+$0x0], $0xffff  }
0x242: {  	[tilespmem:s21+$0xFFFFF880] =	vst v4;
	v4 =	vld.idx.msk [tilespmem:v8+s28+$0x0], $0xffff;
	v8 =	vor.u32 v20, v54  }
0x243: {  	v9 =	vld.idx.msk [tilespmem:v9+s28+$0x0], $0xffff;
	[tilespmem:s21+$0x80] =	vst v5;
	v5 =	vor.u32 v21, v54  }
0x244: {  	v12 =	vor.u32 v19, v48;
	v6 =	vld.idx.msk [tilespmem:v6+s28+$0x0], $0xffff;
	[tilespmem:s21+$0x100] =	vst v2  }
0x245: {  	v2 =	vor.u32 v18, v48;
	v3 =	vld.idx.msk [tilespmem:v3+s28+$0x0], $0xffff;
	[tilespmem:s21+$0xFFFFF990] =	vst v1  }
0x246: {  	v10 =	vld.idx.msk [tilespmem:v10+s28+$0x0], $0xffff;
	v1 =	vor.u32 v18, v56;
	[tilespmem:s21+$0x190] =	vst v7  }
0x247: {  	[tilespmem:s21+$0x0] =	vst v4;
	v7 =	vor.u32 v20, v49;
	v4 =	vld.idx.msk [tilespmem:v8+s28+$0x0], $0xffff  }
0x248: {  	[tilespmem:s21+$0xFFFFF900] =	vst v9;
	v8 =	vor.u32 v21, v49;
	v5 =	vld.idx.msk [tilespmem:v5+s28+$0x0], $0xffff  }
0x249: {  	v9 =	vor.u32 v22, v54;
	[tilespmem:s21+$0x90] =	vst v6;
	v6 =	vld.idx.msk [tilespmem:v12+s28+$0x0], $0xffff  }
0x24a: {  	[tilespmem:s21+$0xFFFFF800] =	vst v3;
	v2 =	vld.idx.msk [tilespmem:v2+s28+$0x0], $0xffff;
	v3 =	vor.u32 v23, v54  }
0x24b: {  	v52 =	vor.u32 v19, v56;
	[tilespmem:s21+$0xFFFFF890] =	vst v10;
	v1 =	vld.idx.msk [tilespmem:v1+s28+$0x0], $0xffff  }
0x24c: {  	v10 =	vor.u32 v20, v48;
	v7 =	vld.idx.msk [tilespmem:v7+s28+$0x0], $0xffff;
	[tilespmem:s21+$0xFFFFF9A0] =	vst v4  }
0x24d: {  	v4 =	vor.u32 v21, v48;
	[tilespmem:s21+$0x1A0] =	vst v5;
	v5 =	vld.idx.msk [tilespmem:v8+s28+$0x0], $0xffff  }
0x24e: {  	s24 =	simm.s32 $0x4;
	v8 =	vor.u32 v22, v49;
	v9 =	vld.idx.msk [tilespmem:v9+s28+$0x0], $0xffff  }
0x24f: {  	v14 =	vmov s24;
	v13 =	vor.u32 v23, v49;
	[tilespmem:s21+$0x110] =	vst v6;
	v3 =	vld.idx.msk [tilespmem:v3+s28+$0x0], $0xffff  }
0x250: {  	v14 =	vand.u32 $0xC, v14;
	v6 =	vld.idx.msk [tilespmem:v52+s28+$0x0], $0xffff;
	[tilespmem:s21+$0xFFFFF910] =	vst v2;
	v2 =	vor.u32 v24, v54  }
0x251: {  	v52 =	vbroadcast v14, $0x0;
	v10 =	vld.idx.msk [tilespmem:v10+s28+$0x0], $0xffff;
	[tilespmem:s21+$0xFFFFF8A0] =	vst v7;
	v7 =	vor.u32 v25, v54  }
0x252: {  	v4 =	vld.idx.msk [tilespmem:v4+s28+$0x0], $0xffff;
	[tilespmem:s21+$0xA0] =	vst v5;
	v5 =	vor.u32 v21, v56  }
0x253: {  	v59 =	vor.u32 v17, v52;
	[tilespmem:s21+$0xFFFFF9B0] =	vst v9;
	v8 =	vld.idx.msk [tilespmem:v8+s28+$0x0], $0xffff  }
0x254: {  	v9 =	vor.u32 v20, v56;
	[tilespmem:s21+$0x1B0] =	vst v3;
	v3 =	vld.idx.msk [tilespmem:v13+s28+$0x0], $0xffff  }
0x255: {  	[tilespmem:s21+$0x10] =	vst v6;
	v6 =	vor.u32 v25, v49;
	v2 =	vld.idx.msk [tilespmem:v2+s28+$0x0], $0xffff  }
0x256: {  	[tilespmem:s21+$0xFFFFF810] =	vst v1;
	v1 =	vld.idx.msk [tilespmem:v7+s28+$0x0], $0xffff;
	v7 =	vor.u32 v24, v49  }
0x257: {  	[tilespmem:s21+$0xFFFFF920] =	vst v10;
	v10 =	vor.u32 v26, v54;
	v5 =	vld.idx.msk [tilespmem:v5+s28+$0x0], $0xffff  }
0x258: {  	v13 =	vld.idx.msk [tilespmem:v59+s28+$0x0], $0xffff;
	[tilespmem:s21+$0xFFFFF8B0] =	vst v8;
	v8 =	vor.u32 v27, v54  }
0x259: {  	v53 =	vor.u32 v22, v48;
	v9 =	vld.idx.msk [tilespmem:v9+s28+$0x0], $0xffff;
	[tilespmem:s21+$0xB0] =	vst v3  }
0x25a: {  	v3 =	vor.u32 v23, v48;
	[tilespmem:s21+$0xFFFFF9C0] =	vst v2;
	v2 =	vld.idx.msk [tilespmem:v6+s28+$0x0], $0xffff  }
0x25b: {  	s14 =	simm.s32 $0x5;
	v6 =	vor.u32 v22, v56;
	v7 =	vld.idx.msk [tilespmem:v7+s28+$0x0], $0xffff;
	[tilespmem:s21+$0x1C0] =	vst v1  }
0x25c: {  	s22 =	simm.s32 $0x6;
	[tilespmem:s21+$0x120] =	vst v4;
	v1 =	vor.u32 v26, v49;
	v4 =	vld.idx.msk [tilespmem:v10+s28+$0x0], $0xffff;
	v10 =	vmov s14  }
0x25d: {  	v55 =	vmov s22;
	[tilespmem:s21+$0x20] =	vst v5;
	v5 =	vor.u32 v27, v49;
	v8 =	vld.idx.msk [tilespmem:v8+s28+$0x0], $0xffff;
	v10 =	vand.u32 $0xD, v10  }
0x25e: {  	v12 =	vld.idx.msk [tilespmem:v53+s28+$0x0], $0xffff;
	[tilespmem:s21+$0xFFFFF820] =	vst v9;
	v9 =	vor.u32 v29, v54;
	v50 =	vbroadcast v10, $0x0;
	v10 =	vand.u32 $0xE, v55  }
0x25f: {  	v3 =	vld.idx.msk [tilespmem:v3+s28+$0x0], $0xffff;
	v51 =	vbroadcast v10, $0x0;
	[tilespmem:s21+$0xC0] =	vst v2;
	v2 =	vor.u32 v23, v56  }
0x260: {  	v6 =	vld.idx.msk [tilespmem:v6+s28+$0x0], $0xffff;
	[tilespmem:s21+$0xFFFFF8C0] =	vst v7;
	v7 =	vor.u32 v11, v50  }
0x261: {  	s23 =	simm.s32 $0x7;
	v1 =	vld.idx.msk [tilespmem:v1+s28+$0x0], $0xffff;
	[tilespmem:s21+$0xFFFFF9D0] =	vst v4;
	v4 =	vor.u32 v17, v51  }
0x262: {  	v10 =	vmov s23;
	v57 =	vor.u32 v17, v50;
	v5 =	vld.idx.msk [tilespmem:v5+s28+$0x0], $0xffff;
	[tilespmem:s21+$0x1D0] =	vst v8  }
0x263: {  	v15 =	vor.u32 v11, v51;
	v8 =	vand.u32 $0xF, v10;
	v9 =	vld.idx.msk [tilespmem:v9+s28+$0x0], $0xffff  }
0x264: {  	v10 =	vor.u32 v28, v54;
	v53 =	vbroadcast v8, $0x0;
	v2 =	vld.idx.msk [tilespmem:v2+s28+$0x0], $0xffff  }
0x265: {  	v8 =	vor.u32 v28, v49;
	v7 =	vld.idx.msk [tilespmem:v7+s28+$0x0], $0xffff  }
0x266: {  	[tilespmem:s21+$0x130] =	vst v3;
	v58 =	vor.u32 v17, v53;
	v4 =	vld.idx.msk [tilespmem:v4+s28+$0x0], $0xffff  }
0x267: {  	v16 =	vor.u32 v11, v53;
	[tilespmem:s21+$0xFFFFF8D0] =	vst v1;
	v1 =	vld.idx.msk [tilespmem:v57+s28+$0x0], $0xffff  }
0x268: {  	[tilespmem:s21+$0xFFFFF830] =	vst v6;
	v60 =	vld.idx.msk [tilespmem:v15+s28+$0x0], $0xffff;
	v15 =	vor.u32 v24, v56  }
0x269: {  	[tilespmem:s21+$0xD0] =	vst v5;
	v5 =	vld.idx.msk [tilespmem:v10+s28+$0x0], $0xffff;
	v10 =	vor.u32 v19, v50  }
0x26a: {  	s22 =	simm.s32 $0x8F00;
	v6 =	vor.u32 v18, v50;
	v8 =	vld.idx.msk [tilespmem:v8+s28+$0x0], $0xffff;
	[tilespmem:s21+$0x1E0] =	vst v9  }
0x26b: {  	v14 =	vld.idx.msk [tilespmem:v58+s28+$0x0], $0xffff;
	[tilespmem:s22+$0xFFFFF880] =	vst v7;
	v7 =	vor.u32 v25, v56  }
0x26c: {  	v3 =	vld.idx.msk [tilespmem:v16+s28+$0x0], $0xffff;
	v16 =	vor.u32 v11, v52;
	[tilespmem:s21+$0x30] =	vst v2  }
0x26d: {  	v62 =	vor.u32 v31, v54;
	[tilespmem:s22+$0x80] =	vst v1;
	v2 =	vld.idx.msk [tilespmem:v15+s28+$0x0], $0xffff  }
0x26e: {  	v1 =	vor.u32 v18, v53;
	[tilespmem:s22+$0x100] =	vst v4;
	v10 =	vld.idx.msk [tilespmem:v10+s28+$0x0], $0xffff  }
0x26f: {  	v4 =	vor.u32 v19, v53;
	v6 =	vld.idx.msk [tilespmem:v6+s28+$0x0], $0xffff;
	[tilespmem:s21+$0xFFFFF9E0] =	vst v5  }
0x270: {  	v15 =	vor.u32 v29, v49;
	[tilespmem:s22+$0x180] =	vst v14;
	v7 =	vld.idx.msk [tilespmem:v7+s28+$0x0], $0xffff  }
0x271: {  	v5 =	vor.u32 v19, v51;
	v61 =	vld.idx.msk [tilespmem:v16+s28+$0x0], $0xffff;
	[tilespmem:s22+$0xFFFFF980] =	vst v3  }
0x272: {  	v3 =	vor.u32 v30, v54;
	[tilespmem:s22+$0x0] =	vst v13;
	v13 =	vld.idx.msk [tilespmem:v62+s28+$0x0], $0xffff  }
0x273: {  	[tilespmem:s21+$0xFFFFF930] =	vst v12;
	v16 =	vor.u32 v18, v51;
	v1 =	vld.idx.msk [tilespmem:v1+s28+$0x0], $0xffff  }
0x274: {  	v9 =	vor.u32 v18, v52;
	[tilespmem:s22+$0xFFFFF900] =	vst v60;
	v4 =	vld.idx.msk [tilespmem:v4+s28+$0x0], $0xffff  }
0x275: {  	v63 =	vld.idx.msk [tilespmem:v15+s28+$0x0], $0xffff;
	v15 =	vor.u32 v19, v52;
	[tilespmem:s21+$0xFFFFF840] =	vst v2  }
0x276: {  	[tilespmem:s22+$0x90] =	vst v10;
	v5 =	vld.idx.msk [tilespmem:v5+s28+$0x0], $0xffff;
	v10 =	vor.u32 v20, v53  }
0x277: {  	v2 =	vld.idx.msk [tilespmem:v3+s28+$0x0], $0xffff;
	v3 =	vor.u32 v21, v53;
	[tilespmem:s22+$0xFFFFF800] =	vst v61  }
0x278: {  	v32 =	vld.idx.msk [tilespmem:v16+s28+$0x0], $0xffff;
	[tilespmem:s21+$0x40] =	vst v7;
	v7 =	vor.u32 v25, v48  }
0x279: {  	v16 =	vor.u32 v20, v50;
	[tilespmem:s22+$0xFFFFF990] =	vst v1;
	v9 =	vld.idx.msk [tilespmem:v9+s28+$0x0], $0xffff  }
0x27a: {  	v1 =	vor.u32 v26, v56;
	[tilespmem:s22+$0x190] =	vst v4;
	v15 =	vld.idx.msk [tilespmem:v15+s28+$0x0], $0xffff  }
0x27b: {  	v4 =	vor.u32 v30, v49;
	[tilespmem:s22+$0x110] =	vst v5;
	v5 =	vld.idx.msk [tilespmem:v10+s28+$0x0], $0xffff  }
0x27c: {  	[tilespmem:s21+$0xFFFFF8E0] =	vst v8;
	v8 =	vor.u32 v21, v51;
	v3 =	vld.idx.msk [tilespmem:v3+s28+$0x0], $0xffff  }
0x27d: {  	[tilespmem:s22+$0xFFFFF890] =	vst v6;
	v10 =	vor.u32 v20, v51;
	v6 =	vld.idx.msk [tilespmem:v7+s28+$0x0], $0xffff  }
0x27e: {  	[tilespmem:s21+$0x1F0] =	vst v13;
	v7 =	vor.u32 v21, v50;
	v34 =	vld.idx.msk [tilespmem:v16+s28+$0x0], $0xffff  }
0x27f: {  	v33 =	vor.u32 v22, v53;
	[tilespmem:s21+$0xE0] =	vst v63;
	v1 =	vld.idx.msk [tilespmem:v1+s28+$0x0], $0xffff  }
0x280: {  	[tilespmem:s22+$0xFFFFF910] =	vst v32;
	v57 =	vld.idx.msk [tilespmem:v4+s28+$0x0], $0xffff;
	v4 =	vor.u32 v23, v53  }
0x281: {  	[tilespmem:s22+$0x10] =	vst v15;
	v15 =	vor.u32 v20, v52;
	v8 =	vld.idx.msk [tilespmem:v8+s28+$0x0], $0xffff  }
0x282: {  	v10 =	vld.idx.msk [tilespmem:v10+s28+$0x0], $0xffff;
	[tilespmem:s22+$0xFFFFF9A0] =	vst v5;
	v5 =	vor.u32 v24, v48  }
0x283: {  	v35 =	vor.u32 v22, v51;
	[tilespmem:s22+$0x1A0] =	vst v3;
	v7 =	vld.idx.msk [tilespmem:v7+s28+$0x0], $0xffff  }
0x284: {  	[tilespmem:s22+$0xFFFFF810] =	vst v9;
	v3 =	vor.u32 v21, v52;
	v9 =	vld.idx.msk [tilespmem:v33+s28+$0x0], $0xffff  }
0x285: {  	v54 =	vor.u32 v23, v51;
	[tilespmem:s21+$0xFFFFF9F0] =	vst v2;
	v4 =	vld.idx.msk [tilespmem:v4+s28+$0x0], $0xffff  }
0x286: {  	v55 =	vor.u32 v27, v56;
	v2 =	vld.idx.msk [tilespmem:v15+s28+$0x0], $0xffff;
	[tilespmem:s22+$0x120] =	vst v8  }
0x287: {  	v15 =	vor.u32 v24, v53;
	[tilespmem:s22+$0xFFFFF920] =	vst v10;
	v5 =	vld.idx.msk [tilespmem:v5+s28+$0x0], $0xffff  }
0x288: {  	[tilespmem:s22+$0xFFFFF8A0] =	vst v34;
	v10 =	vor.u32 v22, v50;
	v60 =	vld.idx.msk [tilespmem:v35+s28+$0x0], $0xffff  }
0x289: {  	v8 =	vor.u32 v23, v50;
	v3 =	vld.idx.msk [tilespmem:v3+s28+$0x0], $0xffff;
	[tilespmem:s22+$0xA0] =	vst v7  }
0x28a: {  	v58 =	vld.idx.msk [tilespmem:v54+s28+$0x0], $0xffff;
	v7 =	vor.u32 v25, v53;
	[tilespmem:s22+$0xFFFFF9B0] =	vst v9  }
0x28b: {  	[tilespmem:s22+$0x1B0] =	vst v4;
	v4 =	vor.u32 v27, v48;
	v9 =	vld.idx.msk [tilespmem:v55+s28+$0x0], $0xffff  }
0x28c: {  	[tilespmem:s21+$0x140] =	vst v6;
	v6 =	vor.u32 v26, v48;
	v32 =	vld.idx.msk [tilespmem:v15+s28+$0x0], $0xffff  }
0x28d: {  	v33 =	vor.u32 v22, v52;
	v10 =	vld.idx.msk [tilespmem:v10+s28+$0x0], $0xffff;
	[tilespmem:s21+$0xFFFFF940] =	vst v5  }
0x28e: {  	v5 =	vor.u32 v28, v56;
	[tilespmem:s22+$0x20] =	vst v3;
	v3 =	vld.idx.msk [tilespmem:v8+s28+$0x0], $0xffff  }
0x28f: {  	[tilespmem:s22+$0xFFFFF820] =	vst v2;
	v8 =	vor.u32 v29, v56;
	v15 =	vld.idx.msk [tilespmem:v7+s28+$0x0], $0xffff  }
0x290: {  	v34 =	vor.u32 v25, v50;
	[tilespmem:s21+$0xFFFFF850] =	vst v1;
	v4 =	vld.idx.msk [tilespmem:v4+s28+$0x0], $0xffff  }
0x291: {  	v1 =	vor.u32 v24, v50;
	[tilespmem:s21+$0x50] =	vst v9;
	v9 =	vld.idx.msk [tilespmem:v6+s28+$0x0], $0xffff  }
0x292: {  	v35 =	vor.u32 v26, v53;
	v59 =	vld.idx.msk [tilespmem:v33+s28+$0x0], $0xffff;
	[tilespmem:s22+$0xFFFFF9C0] =	vst v32  }
0x293: {  	[tilespmem:s22+$0xFFFFF8B0] =	vst v10;
	v2 =	vld.idx.msk [tilespmem:v5+s28+$0x0], $0xffff  }
0x294: {  	v7 =	vor.u32 v29, v48;
	[tilespmem:s22+$0xB0] =	vst v3;
	v3 =	vld.idx.msk [tilespmem:v8+s28+$0x0], $0xffff  }
0x295: {  	v54 =	vor.u32 v24, v51;
	v6 =	vor.u32 v27, v53;
	[tilespmem:s22+$0x1C0] =	vst v15;
	v63 =	vld.idx.msk [tilespmem:v34+s28+$0x0], $0xffff  }
0x296: {  	v55 =	vor.u32 v26, v50;
	v5 =	vor.u32 v28, v48;
	[tilespmem:s21+$0x150] =	vst v4;
	v62 =	vld.idx.msk [tilespmem:v1+s28+$0x0], $0xffff  }
0x297: {  	s5 =	simm.s32 $0x8;
	s23 =	simm.s32 $0x8F00;
	v4 =	vor.u32 v30, v56;
	v61 =	vld.idx.msk [tilespmem:v35+s28+$0x0], $0xffff;
	v1 =	vor.u32 v31, v56;
	[tilespmem:s21+$0xFFFFF950] =	vst v9  }
.LBB2_7:
0x298: {  	s24 =	sadd.s32 $0x1, s5  }
0x299: {  	v8 =	vmov s5;
	p0 =	slt.u32 s5, $0xC;
	[tilespmem:s22+$0xFFFFF930] =	vst v60;
	v7 =	vld.idx.msk [tilespmem:v7+s28+$0x0], $0xffff;
	v9 =	vor.u32 v30, v48;
	v10 =	vor.u32 v31, v48;
	v48 =	vmovc v51;
	s14 =	smov.u32 s5;
	s5 =	sadd.s32 $0x4, s5  }
0x29a: {  	v13 =	vor.u32 v27, v50;
	v8 =	vand.u32 $0xC, v8;
	v12 =	vmov s24;
	v6 =	vld.idx.msk [tilespmem:v6+s28+$0x0], $0xffff;
	[tilespmem:s21+$0xFFFFF860] =	vst v2  }
0x29b: {  	s24 =	sadd.s32 $0x2, s14;
	v56 =	vbroadcast v8, $0x0;
	v2 =	vand.u32 $0xD, v12;
	[tilespmem:s21+$0x60] =	vst v3;
	v3 =	vor.u32 v31, v49;
	v5 =	vld.idx.msk [tilespmem:v5+s28+$0x0], $0xffff;
	v49 =	vmovc v50  }
0x29c: {  	v8 =	vor.u32 v29, v53;
	v50 =	vbroadcast v2, $0x0;
	v2 =	vmov s24;
	[tilespmem:s22+$0xC0] =	vst v63;
	v4 =	vld.idx.msk [tilespmem:v4+s28+$0x0], $0xffff  }
0x29d: {  	v14 =	vor.u32 v23, v52;
	s14 =	sadd.s32 $0x3, s14;
	v12 =	vor.u32 v11, v56;
	v2 =	vand.u32 $0xE, v2;
	[tilespmem:s22+$0xFFFFF8C0] =	vst v62;
	v1 =	vld.idx.msk [tilespmem:v1+s28+$0x0], $0xffff  }
0x29e: {  	v15 =	vor.u32 v11, v50;
	v51 =	vbroadcast v2, $0x0;
	v2 =	vmov s14;
	v16 =	vld.idx.msk [tilespmem:v55+s28+$0x0], $0xffff;
	[tilespmem:s22+$0xFFFFF9D0] =	vst v61  }
0x29f: {  	v32 =	vor.u32 v17, v50;
	v55 =	vor.u32 v26, v50;
	v2 =	vand.u32 $0xF, v2;
	v13 =	vld.idx.msk [tilespmem:v13+s28+$0x0], $0xffff;
	[tilespmem:s21+$0x160] =	vst v7  }
0x2a0: {  	v7 =	vor.u32 v11, v51;
	v2 =	vbroadcast v2, $0x0;
	[tilespmem:s22+$0x1D0] =	vst v6;
	v3 =	vld.idx.msk [tilespmem:v3+s28+$0x0], $0xffff  }
0x2a1: {  	v6 =	vor.u32 v17, v51;
	v8 =	vld.idx.msk [tilespmem:v8+s28+$0x0], $0xffff;
	[tilespmem:s21+$0xFFFFF960] =	vst v5  }
0x2a2: {  	v5 =	vor.u32 v11, v2;
	[tilespmem:s21+$0xFFFFF8F0] =	vst v57;
	v9 =	vld.idx.msk [tilespmem:v9+s28+$0x0], $0xffff  }
0x2a3: {  	v34 =	vor.u32 v28, v53;
	v33 =	vor.u32 v17, v2;
	[tilespmem:s21+$0xFFFFF870] =	vst v4;
	v4 =	vld.idx.msk [tilespmem:v10+s28+$0x0], $0xffff  }
0x2a4: {  	v35 =	vor.u32 v28, v49;
	v10 =	vor.u32 v17, v56;
	v14 =	vld.idx.msk [tilespmem:v14+s28+$0x0], $0xffff;
	[tilespmem:s21+$0x70] =	vst v1  }
0x2a5: {  	v1 =	vld.idx.msk [tilespmem:v15+s28+$0x0], $0xffff;
	[tilespmem:s22+$0xFFFFF830] =	vst v59  }
0x2a6: {  	v15 =	vor.u32 v18, v50;
	v6 =	vld.idx.msk [tilespmem:v6+s28+$0x0], $0xffff;
	[tilespmem:s22+$0xFFFFF8D0] =	vst v16  }
0x2a7: {  	v16 =	vld.idx.msk [tilespmem:v32+s28+$0x0], $0xffff;
	v32 =	vor.u32 v19, v50;
	[tilespmem:s22+$0xD0] =	vst v13  }
0x2a8: {  	v13 =	vor.u32 v18, v51;
	s22 =	sadd.s32 $0x200, s22;
	v34 =	vld.idx.msk [tilespmem:v34+s28+$0x0], $0xffff;
	[tilespmem:s21+$0xF0] =	vst v3  }
0x2a9: {  	v3 =	vor.u32 v19, v51;
	v35 =	vld.idx.msk [tilespmem:v35+s28+$0x0], $0xffff;
	[tilespmem:s21+$0x170] =	vst v4  }
0x2aa: {  	v4 =	vld.idx.msk [tilespmem:v7+s28+$0x0], $0xffff;
	v7 =	vor.u32 v19, v2;
	[tilespmem:s21+$0xFFFFF970] =	vst v9;
	s21 =	smov.u32 s23;
	s23 =	smov.u32 s22  }
0x2ab: {  	v57 =	vor.u32 v24, v52;
	v9 =	vld.idx.msk [tilespmem:v33+s28+$0x0], $0xffff;
	v33 =	vor.u32 v18, v2;
	[tilespmem:s21+$0x130] =	vst v58  }
0x2ac: {  	v58 =	vor.u32 v19, v56;
	[tilespmem:s22+$0xFFFFF880] =	vst v1;
	v1 =	vld.idx.msk [tilespmem:v5+s28+$0x0], $0xffff;
	v5 =	vor.u32 v25, v52  }
0x2ad: {  	v59 =	vor.u32 v18, v56;
	v10 =	vld.idx.msk [tilespmem:v10+s28+$0x0], $0xffff;
	[tilespmem:s22+$0x80] =	vst v16  }
0x2ae: {  	v16 =	vld.idx.msk [tilespmem:v32+s28+$0x0], $0xffff;
	v32 =	vor.u32 v20, v50;
	[tilespmem:s22+$0x100] =	vst v6  }
0x2af: {  	v6 =	vld.idx.msk [tilespmem:v15+s28+$0x0], $0xffff;
	v15 =	vor.u32 v21, v50;
	[tilespmem:s21+$0x30] =	vst v14  }
0x2b0: {  	v60 =	vor.u32 v29, v49;
	v14 =	vor.u32 v20, v51;
	v57 =	vld.idx.msk [tilespmem:v57+s28+$0x0], $0xffff;
	[tilespmem:s21+$0xFFFFF9E0] =	vst v34  }
0x2b1: {  	v34 =	vor.u32 v21, v51;
	[tilespmem:s22+$0x180] =	vst v9;
	v5 =	vld.idx.msk [tilespmem:v5+s28+$0x0], $0xffff  }
0x2b2: {  	v9 =	vld.idx.msk [tilespmem:v12+s28+$0x0], $0xffff;
	[tilespmem:s22+$0xFFFFF980] =	vst v1;
	v1 =	vor.u32 v20, v2;
	v12 =	vor.u32 v30, v53  }
0x2b3: {  	v61 =	vor.u32 v31, v53;
	v53 =	vmov v2;
	[tilespmem:s22+$0x0] =	vst v10;
	v10 =	vld.idx.msk [tilespmem:v33+s28+$0x0], $0xffff;
	v33 =	vor.u32 v21, v2  }
0x2b4: {  	v2 =	vor.u32 v20, v56;
	v7 =	vld.idx.msk [tilespmem:v7+s28+$0x0], $0xffff;
	[tilespmem:s21+$0x1E0] =	vst v8  }
0x2b5: {  	v8 =	vor.u32 v21, v56;
	[tilespmem:s22+$0xFFFFF900] =	vst v4;
	v4 =	vld.idx.msk [tilespmem:v60+s28+$0x0], $0xffff  }
0x2b6: {  	[tilespmem:s22+$0x90] =	vst v16;
	v16 =	vor.u32 v22, v50;
	v3 =	vld.idx.msk [tilespmem:v3+s28+$0x0], $0xffff  }
0x2b7: {  	v62 =	vor.u32 v23, v50;
	[tilespmem:s21+$0xFFFFF840] =	vst v57;
	v12 =	vld.idx.msk [tilespmem:v12+s28+$0x0], $0xffff  }
0x2b8: {  	[tilespmem:s22+$0xFFFFF800] =	vst v9;
	v9 =	vor.u32 v22, v51;
	v60 =	vld.idx.msk [tilespmem:v61+s28+$0x0], $0xffff  }
0x2b9: {  	v61 =	vor.u32 v23, v51;
	v13 =	vld.idx.msk [tilespmem:v13+s28+$0x0], $0xffff;
	[tilespmem:s22+$0xFFFFF990] =	vst v10;
	v10 =	vor.u32 v26, v52  }
0x2ba: {  	v57 =	vor.u32 v30, v49;
	v59 =	vld.idx.msk [tilespmem:v59+s28+$0x0], $0xffff;
	[tilespmem:s22+$0x190] =	vst v7;
	v7 =	vor.u32 v22, v53  }
0x2bb: {  	v63 =	vor.u32 v23, v53;
	v58 =	vld.idx.msk [tilespmem:v58+s28+$0x0], $0xffff;
	[tilespmem:s21+$0x40] =	vst v5;
	v5 =	vor.u32 v25, v48  }
0x2bc: {  	[tilespmem:s22+$0x110] =	vst v3;
	v1 =	vld.idx.msk [tilespmem:v1+s28+$0x0], $0xffff  }
0x2bd: {  	v3 =	vld.idx.msk [tilespmem:v33+s28+$0x0], $0xffff;
	[tilespmem:s21+$0xFFFFF8E0] =	vst v35  }
0x2be: {  	v10 =	vld.idx.msk [tilespmem:v10+s28+$0x0], $0xffff;
	[tilespmem:s21+$0xE0] =	vst v4  }
0x2bf: {  	[tilespmem:s22+$0xFFFFF890] =	vst v6;
	v57 =	vld.idx.msk [tilespmem:v57+s28+$0x0], $0xffff  }
0x2c0: {  	v4 =	vor.u32 v24, v51;
	[tilespmem:s22+$0xFFFFF910] =	vst v13;
	v5 =	vld.idx.msk [tilespmem:v5+s28+$0x0], $0xffff  }
0x2c1: {  	[tilespmem:s22+$0x10] =	vst v58;
	v6 =	vld.idx.msk [tilespmem:v32+s28+$0x0], $0xffff  }
0x2c2: {  	v13 =	vld.idx.msk [tilespmem:v14+s28+$0x0], $0xffff;
	[tilespmem:s22+$0xFFFFF9A0] =	vst v1;
	v1 =	vor.u32 v24, v53  }
0x2c3: {  	v14 =	vld.idx.msk [tilespmem:v34+s28+$0x0], $0xffff;
	[tilespmem:s22+$0x1A0] =	vst v3  }
0x2c4: {  	[tilespmem:s22+$0xFFFFF810] =	vst v59;
	v3 =	vld.idx.msk [tilespmem:v7+s28+$0x0], $0xffff  }
0x2c5: {  	v7 =	vld.idx.msk [tilespmem:v63+s28+$0x0], $0xffff;
	[tilespmem:s21+$0x1F0] =	vst v60  }
0x2c6: {  	v15 =	vld.idx.msk [tilespmem:v15+s28+$0x0], $0xffff;
	[tilespmem:s21+$0xFFFFF9F0] =	vst v12  }
0x2c7: {  	v2 =	vld.idx.msk [tilespmem:v2+s28+$0x0], $0xffff;
	[tilespmem:s22+$0xFFFFF8A0] =	vst v6;
	v6 =	vor.u32 v27, v52  }
0x2c8: {  	[tilespmem:s22+$0xFFFFF920] =	vst v13;
	v12 =	vld.idx.msk [tilespmem:v54+s28+$0x0], $0xffff;
	v54 =	vmov v4  }
0x2c9: {  	v4 =	vld.idx.msk [tilespmem:v8+s28+$0x0], $0xffff;
	[tilespmem:s22+$0x120] =	vst v14  }
0x2ca: {  	v60 =	vld.idx.msk [tilespmem:v9+s28+$0x0], $0xffff;
	[tilespmem:s22+$0xFFFFF9B0] =	vst v3  }
0x2cb: {  	v3 =	vor.u32 v27, v48;
	v58 =	vld.idx.msk [tilespmem:v61+s28+$0x0], $0xffff;
	[tilespmem:s22+$0x1B0] =	vst v7  }
0x2cc: {  	v7 =	vor.u32 v25, v53;
	[tilespmem:s22+$0xA0] =	vst v15;
	v6 =	vld.idx.msk [tilespmem:v6+s28+$0x0], $0xffff  }
0x2cd: {  	v1 =	vld.idx.msk [tilespmem:v1+s28+$0x0], $0xffff;
	[tilespmem:s21+$0x140] =	vst v5;
	v5 =	vor.u32 v26, v48  }
0x2ce: {  	v8 =	vor.u32 v22, v56;
	v9 =	vld.idx.msk [tilespmem:v16+s28+$0x0], $0xffff;
	[tilespmem:s21+$0xFFFFF940] =	vst v12  }
0x2cf: {  	v12 =	vor.u32 v28, v52;
	[tilespmem:s22+$0x20] =	vst v4;
	v4 =	vld.idx.msk [tilespmem:v62+s28+$0x0], $0xffff  }
0x2d0: {  	v13 =	vor.u32 v29, v52;
	[tilespmem:s22+$0xFFFFF820] =	vst v2;
	v14 =	vld.idx.msk [tilespmem:v3+s28+$0x0], $0xffff  }
0x2d1: {  	v15 =	vor.u32 v25, v50;
	v16 =	vld.idx.msk [tilespmem:v7+s28+$0x0], $0xffff;
	[tilespmem:s21+$0xFFFFF850] =	vst v10  }
0x2d2: {  	v10 =	vor.u32 v24, v50;
	[tilespmem:s21+$0x50] =	vst v6;
	v32 =	vld.idx.msk [tilespmem:v5+s28+$0x0], $0xffff  }
0x2d3: {  	v59 =	vld.idx.msk [tilespmem:v8+s28+$0x0], $0xffff;
	[tilespmem:s22+$0xFFFFF9C0] =	vst v1;
	v1 =	vor.u32 v26, v53  }
.Ltmp2:
0x2d4: {  	v7 =	vor.u32 v29, v48;
	[tilespmem:s22+$0xFFFFF8B0] =	vst v9;
	v2 =	vld.idx.msk [tilespmem:v12+s28+$0x0], $0xffff;
	(pc) =	sbr.rel @p0 .LBB2_7-.Ltmp2, $4  }
0x2d5: {  	v6 =	vor.u32 v27, v53;
	[tilespmem:s22+$0xB0] =	vst v4;
	v3 =	vld.idx.msk [tilespmem:v13+s28+$0x0], $0xffff  }
0x2d6: {  	v5 =	vor.u32 v28, v48;
	v63 =	vld.idx.msk [tilespmem:v15+s28+$0x0], $0xffff;
	[tilespmem:s21+$0x150] =	vst v14  }
0x2d7: {  	v4 =	vor.u32 v30, v52;
	v62 =	vld.idx.msk [tilespmem:v10+s28+$0x0], $0xffff;
	[tilespmem:s22+$0x1C0] =	vst v16  }
0x2d8: {  	v61 =	vld.idx.msk [tilespmem:v1+s28+$0x0], $0xffff;
	v1 =	vor.u32 v31, v52;
	[tilespmem:s21+$0xFFFFF950] =	vst v32;
	v52 =	vmov v56  }
0x2d9: {  	_ =	sdelay $0x2  }
0x2da: {  	[tilespmem:s21+$0xFFFFF860] =	vst v2  }
0x2db: {  	v2 =	vld.idx.msk [tilespmem:v6+s28+$0x0], $0xffff;
	[tilespmem:s21+$0x60] =	vst v3;
	v3 =	vor.u32 v23, v52  }
0x2dc: {  	[tilespmem:s22+$0xFFFFF930] =	vst v60;
	v7 =	vld.idx.msk [tilespmem:v7+s28+$0x0], $0xffff;
	v6 =	vor.u32 v31, v49  }
0x2dd: {  	v5 =	vld.idx.msk [tilespmem:v5+s28+$0x0], $0xffff;
	[tilespmem:s23+$0x130] =	vst v58  }
0x2de: {  	[tilespmem:s22+$0xC0] =	vst v63  }
0x2df: {  	v4 =	vld.idx.msk [tilespmem:v4+s28+$0x0], $0xffff;
	[tilespmem:s22+$0xFFFFF8C0] =	vst v62  }
0x2e0: {  	v8 =	vor.u32 v27, v50;
	[tilespmem:s22+$0x1D0] =	vst v2;
	v2 =	vld.idx.msk [tilespmem:v3+s28+$0x0], $0xffff  }
0x2e1: {  	[tilespmem:s21+$0x160] =	vst v7;
	v3 =	vld.idx.msk [tilespmem:v6+s28+$0x0], $0xffff  }
0x2e2: {  	v1 =	vld.idx.msk [tilespmem:v1+s28+$0x0], $0xffff;
	[tilespmem:s21+$0xFFFFF960] =	vst v5;
	v5 =	vor.u32 v24, v52  }
0x2e3: {  	v7 =	vor.u32 v25, v52;
	v6 =	vld.idx.msk [tilespmem:v55+s28+$0x0], $0xffff;
	[tilespmem:s22+$0xFFFFF830] =	vst v59  }
0x2e4: {  	v9 =	vor.u32 v31, v48;
	[tilespmem:s21+$0xFFFFF870] =	vst v4  }
0x2e5: {  	v4 =	vld.idx.msk [tilespmem:v8+s28+$0x0], $0xffff;
	v8 =	vor.u32 v25, v51;
	[tilespmem:s23+$0x30] =	vst v2  }
0x2e6: {  	[tilespmem:s21+$0xF0] =	vst v3;
	v3 =	vld.idx.msk [tilespmem:v54+s28+$0x0], $0xffff  }
0x2e7: {  	[tilespmem:s21+$0x70] =	vst v1;
	v2 =	vor.u32 v30, v48;
	v1 =	vld.idx.msk [tilespmem:v5+s28+$0x0], $0xffff  }
0x2e8: {  	[tilespmem:s22+$0xFFFFF8D0] =	vst v6;
	v5 =	vor.u32 v28, v53;
	v6 =	vld.idx.msk [tilespmem:v7+s28+$0x0], $0xffff  }
0x2e9: {  	v7 =	vld.idx.msk [tilespmem:v9+s28+$0x0], $0xffff;
	v9 =	vor.u32 v26, v52  }
0x2ea: {  	[tilespmem:s22+$0xD0] =	vst v4;
	v4 =	vld.idx.msk [tilespmem:v8+s28+$0x0], $0xffff;
	v8 =	vor.u32 v27, v52  }
0x2eb: {  	v10 =	vor.u32 v29, v53;
	[tilespmem:s22+$0xFFFFF9D0] =	vst v61  }
0x2ec: {  	v2 =	vld.idx.msk [tilespmem:v2+s28+$0x0], $0xffff;
	[tilespmem:s23+$0xFFFFF840] =	vst v1;
	v1 =	vor.u32 v27, v51  }
0x2ed: {  	v5 =	vld.idx.msk [tilespmem:v5+s28+$0x0], $0xffff;
	[tilespmem:s23+$0x40] =	vst v6;
	v6 =	vor.u32 v26, v51  }
0x2ee: {  	v12 =	vor.u32 v28, v50;
	[tilespmem:s21+$0x170] =	vst v7;
	v7 =	vld.idx.msk [tilespmem:v9+s28+$0x0], $0xffff  }
0x2ef: {  	[tilespmem:s23+$0xFFFFF940] =	vst v3;
	v9 =	vor.u32 v29, v50;
	v8 =	vld.idx.msk [tilespmem:v8+s28+$0x0], $0xffff  }
0x2f0: {  	v3 =	vor.u32 v28, v52;
	[tilespmem:s23+$0x140] =	vst v4;
	v4 =	vld.idx.msk [tilespmem:v10+s28+$0x0], $0xffff  }
0x2f1: {  	[tilespmem:s21+$0xFFFFF970] =	vst v2;
	v2 =	vor.u32 v29, v52;
	v1 =	vld.idx.msk [tilespmem:v1+s28+$0x0], $0xffff  }
0x2f2: {  	[tilespmem:s23+$0xFFFFF9E0] =	vst v5;
	v5 =	vor.u32 v31, v53;
	v6 =	vld.idx.msk [tilespmem:v6+s28+$0x0], $0xffff  }
0x2f3: {  	v10 =	vld.idx.msk [tilespmem:v12+s28+$0x0], $0xffff;
	[tilespmem:s23+$0xFFFFF850] =	vst v7;
	v7 =	vor.u32 v29, v51  }
0x2f4: {  	v9 =	vld.idx.msk [tilespmem:v9+s28+$0x0], $0xffff;
	[tilespmem:s23+$0x50] =	vst v8;
	v8 =	vor.u32 v28, v51  }
0x2f5: {  	v33 =	vor.u32 v30, v53;
	[tilespmem:s23+$0x1E0] =	vst v4;
	v3 =	vld.idx.msk [tilespmem:v3+s28+$0x0], $0xffff  }
0x2f6: {  	v4 =	vor.u32 v30, v50;
	v2 =	vld.idx.msk [tilespmem:v2+s28+$0x0], $0xffff;
	[tilespmem:s23+$0x150] =	vst v1  }
0x2f7: {  	v1 =	vld.idx.msk [tilespmem:v5+s28+$0x0], $0xffff;
	v5 =	vor.u32 v30, v52;
	[tilespmem:s23+$0xFFFFF950] =	vst v6  }
0x2f8: {  	[tilespmem:s23+$0xFFFFF8E0] =	vst v10;
	v6 =	vor.u32 v31, v52;
	v7 =	vld.idx.msk [tilespmem:v7+s28+$0x0], $0xffff  }
0x2f9: {  	[tilespmem:s23+$0xE0] =	vst v9;
	v9 =	vor.u32 v31, v50;
	v8 =	vld.idx.msk [tilespmem:v8+s28+$0x0], $0xffff  }
0x2fa: {  	v34 =	vor.u32 v31, v51;
	v10 =	vld.idx.msk [tilespmem:v33+s28+$0x0], $0xffff;
	[tilespmem:s23+$0xFFFFF860] =	vst v3  }
0x2fb: {  	v3 =	vld.idx.msk [tilespmem:v4+s28+$0x0], $0xffff;
	v4 =	vor.u32 v30, v51;
	[tilespmem:s23+$0x60] =	vst v2  }
0x2fc: {  	[tilespmem:s23+$0x1F0] =	vst v1;
	v1 =	vld.idx.msk [tilespmem:v5+s28+$0x0], $0xffff  }
0x2fd: {  	v2 =	vld.idx.msk [tilespmem:v6+s28+$0x0], $0xffff;
	[tilespmem:s23+$0x160] =	vst v7  }
0x2fe: {  	v5 =	vld.idx.msk [tilespmem:v9+s28+$0x0], $0xffff;
	[tilespmem:s23+$0xFFFFF960] =	vst v8  }
0x2ff: {  	s5 =	sadd.s32 $0x2, s20;
	[tilespmem:s23+$0xFFFFF9F0] =	vst v10;
	v6 =	vld.idx.msk [tilespmem:v34+s28+$0x0], $0xffff  }
0x300: {  	s14 =	sand.u32 $0x2, s5;
	[tilespmem:s23+$0xFFFFF8F0] =	vst v3;
	v3 =	vld.idx.msk [tilespmem:v4+s28+$0x0], $0xffff  }
0x301: {  	s5 =	sshll.u32 s5, $0x11;
	s14 =	sor.u32 s15, s14;
	[tilespmem:s23+$0xFFFFF870] =	vst v1  }
0x302: {  	s5 =	sand.u32 $0x3F80000, s5;
	s14 =	sshll.u32 s14, $0xA;
	[tilespmem:s23+$0x70] =	vst v2  }
0x303: {  	s5 =	sor.u32 s5, s14;
	[tilespmem:s23+$0xF0] =	vst v5  }
0x304: {  	s5 =	sshrl.u32 s5, $0x3;
	[tilespmem:s23+$0x170] =	vst v6  }
0x305: {  	s24 =	sadd.s32 $0x4, s20;
	s14 =	sadd.s32 s2, s5;
	[tilespmem:s23+$0xFFFFF970] =	vst v3;
	s23 =	sand.u32 $0x2, s20  }
0x306: {  	[tilespmem:s21+$0xFFFFF8F0] =	vst v57;
	s5 =	simm.s32 $0x0;
	s20 =	sshrl.u32 s24, $0x2;
	s21 =	smul.u32 $0x1900, s23  }
0x307: {  	[hbm4b:s14+s5] =	stream.linear.scatter [tilespmem:s0], [sflag:$0x2], $0x400, $0x38;
	[tilespmem:$0xA500] =	vst v63  }
0x308: {  	s22 =	sadd.s32 $0x4000, s14;
	s20 =	sadd.s32 s20, s21  }
0x309: {  	[hbm4b:s22+s5] =	stream.linear.scatter [tilespmem:s1], [sflag:$0x2], $0x400, $0x38;
	v1 =	vadd.s32 s20, v0;
	[tilespmem:$0xA500] =	vst v63  }
0x30a: {  	s23 =	sadd.s32 $0x8000, s14  }
0x30b: {  	[hbm4b:s23+s5] =	stream.linear.scatter [tilespmem:s6], [sflag:$0x2], $0x400, $0x38;
	[tilespmem:$0xA500] =	vst v63  }
0x30c: {  	s14 =	sadd.s32 $0xC000, s14  }
0x30d: {  	[hbm4b:s14+s5] =	stream.linear.scatter [tilespmem:s7], [sflag:$0x2], $0x400, $0x38;
	[tilespmem:$0xA500] =	vst v63  }
0x30e: {  	s24 =	sadd.s32 $0x320, s20;
	v1 =	vld.idx.msk [tilespmem:v1+s5+$0x0], $0xffff  }
0x30f: {  	v2 =	vadd.s32 s24, v0;
	_ =	sdelay $0x3  }
0x310: {  	[tilespmem:$0x6400] =	vst v1  }
0x311: {  	s21 =	sadd.s32 $0x640, s20;
	v1 =	vld.idx.msk [tilespmem:v2+s5+$0x0], $0xffff  }
0x312: {  	v2 =	vadd.s32 s21, v0;
	_ =	sdelay $0x3  }
0x313: {  	[tilespmem:$0x6410] =	vst v1  }
0x314: {  	s22 =	sadd.s32 $0x960, s20;
	v1 =	vld.idx.msk [tilespmem:v2+s5+$0x0], $0xffff  }
0x315: {  	v2 =	vadd.s32 s22, v0;
	_ =	sdelay $0x3  }
0x316: {  	[tilespmem:$0x6420] =	vst v1  }
0x317: {  	s23 =	sadd.s32 $0xC80, s20;
	v1 =	vld.idx.msk [tilespmem:v2+s5+$0x0], $0xffff  }
0x318: {  	v2 =	vadd.s32 s23, v0;
	_ =	sdelay $0x3  }
0x319: {  	[tilespmem:$0x6430] =	vst v1  }
0x31a: {  	s24 =	sadd.s32 $0xFA0, s20;
	v1 =	vld.idx.msk [tilespmem:v2+s5+$0x0], $0xffff  }
0x31b: {  	v2 =	vadd.s32 s24, v0;
	_ =	sdelay $0x3  }
0x31c: {  	[tilespmem:$0x6440] =	vst v1  }
0x31d: {  	s21 =	sadd.s32 $0x12C0, s20;
	v1 =	vld.idx.msk [tilespmem:v2+s5+$0x0], $0xffff  }
0x31e: {  	v2 =	vadd.s32 s21, v0;
	_ =	sdelay $0x3  }
0x31f: {  	[tilespmem:$0x6450] =	vst v1  }
0x320: {  	s22 =	sadd.s32 $0x15E0, s20;
	v1 =	vld.idx.msk [tilespmem:v2+s5+$0x0], $0xffff  }
0x321: {  	v2 =	vadd.s32 s22, v0;
	_ =	sdelay $0x3  }
0x322: {  	[tilespmem:$0x6460] =	vst v1  }
0x323: {  	v1 =	vld.idx.msk [tilespmem:v2+s5+$0x0], $0xffff;
	_ =	sdelay $0x4  }
0x324: {  	[tilespmem:$0x6470] =	vst v1  }
0x325: {  	[tilespmem:s28], [sflag:$0x1] =	stream.indirect.gather [hbm4b:s4+s25], $0x20, s26, s25, $0xb8;
	[tilespmem:$0xA500] =	vst v63  }
0x326: {  	_ =	swait.ge [sflag:s31], $0x1000  }
0x327: {  	[sflag:s31] =	ssyncset.done $0x0  }
0x328: {  	[sflag:s31] =	ssyncadd.s32 $0xFFFFF000  }
0x329: {  	_ =	swait.ge [sflag:s13], $0x400  }
0x32a: {  	[sflag:s13] =	ssyncset.done $0x0  }
0x32b: {  	s23 =	simm.s32 $0x3;
	[sflag:s13] =	ssyncadd.s32 $0xFFFFFC00  }
0x32c: {  	v1 =	vmov s23;
	_ =	swait.ge [sflag:s13], $0x400  }
0x32d: {  	v1 =	vand.u32 $0xF, v1;
	[sflag:s13] =	ssyncset.done $0x0  }
0x32e: {  	v35 =	vbroadcast v1, $0x0;
	[sflag:s13] =	ssyncadd.s32 $0xFFFFFC00  }
0x32f: {  	s24 =	simm.s32 $0x1;
	_ =	swait.ge [sflag:s13], $0x400  }
0x330: {  	v1 =	vmov s24;
	v2 =	vor.u32 v17, v35;
	[sflag:s13] =	ssyncset.done $0x0  }
0x331: {  	s20 =	simm.s32 $0x2;
	v1 =	vand.u32 $0xD, v1;
	v3 =	vor.u32 v11, v35;
	[sflag:s13] =	ssyncadd.s32 $0xFFFFFC00  }
0x332: {  	v49 =	vbroadcast v1, $0x0;
	v1 =	vmov s20;
	_ =	swait.ge [sflag:s13], $0x400  }
0x333: {  	v1 =	vand.u32 $0xE, v1;
	[sflag:s13] =	ssyncset.done $0x0  }
0x334: {  	v4 =	vor.u32 v11, v49;
	v48 =	vbroadcast v1, $0x0;
	[sflag:s13] =	ssyncadd.s32 $0xFFFFFC00  }
0x335: {  	v1 =	vmov s5;
	v5 =	vor.u32 v17, v49;
	v2 =	vld.idx.msk [tilespmem:v2+s30+$0x0], $0xffff  }
0x336: {  	v1 =	vand.u32 $0xC, v1;
	v6 =	vor.u32 v17, v48;
	v3 =	vld.idx.msk [tilespmem:v3+s30+$0x0], $0xffff  }
0x337: {  	v56 =	vbroadcast v1, $0x0;
	v1 =	vor.u32 v18, v35  }
0x338: {  	v7 =	vor.u32 v19, v35  }
0x339: {  	s20 =	simm.s32 $0x9D00;
	v8 =	vor.u32 v17, v56;
	v4 =	vld.idx.msk [tilespmem:v4+s30+$0x0], $0xffff  }
0x33a: {  	v9 =	vor.u32 v11, v48;
	v5 =	vld.idx.msk [tilespmem:v5+s30+$0x0], $0xffff;
	[tilespmem:s20+$0x180] =	vst v2  }
0x33b: {  	v2 =	vld.idx.msk [tilespmem:v6+s30+$0x0], $0xffff;
	v6 =	vor.u32 v19, v49;
	[tilespmem:s20+$0xFFFFF980] =	vst v3  }
0x33c: {  	v3 =	vor.u32 v11, v56;
	v1 =	vld.idx.msk [tilespmem:v1+s30+$0x0], $0xffff  }
0x33d: {  	v10 =	vor.u32 v18, v49;
	v7 =	vld.idx.msk [tilespmem:v7+s30+$0x0], $0xffff  }
0x33e: {  	[tilespmem:s20+$0xFFFFF880] =	vst v4;
	v4 =	vld.idx.msk [tilespmem:v8+s30+$0x0], $0xffff;
	v8 =	vor.u32 v20, v35  }
0x33f: {  	v9 =	vld.idx.msk [tilespmem:v9+s30+$0x0], $0xffff;
	[tilespmem:s20+$0x80] =	vst v5;
	v5 =	vor.u32 v21, v35  }
0x340: {  	v51 =	vor.u32 v19, v48;
	v6 =	vld.idx.msk [tilespmem:v6+s30+$0x0], $0xffff;
	[tilespmem:s20+$0x100] =	vst v2  }
0x341: {  	v2 =	vor.u32 v18, v48;
	v3 =	vld.idx.msk [tilespmem:v3+s30+$0x0], $0xffff;
	[tilespmem:s20+$0xFFFFF990] =	vst v1  }
0x342: {  	v10 =	vld.idx.msk [tilespmem:v10+s30+$0x0], $0xffff;
	v1 =	vor.u32 v18, v56;
	[tilespmem:s20+$0x190] =	vst v7  }
0x343: {  	[tilespmem:s20+$0x0] =	vst v4;
	v7 =	vor.u32 v20, v49;
	v4 =	vld.idx.msk [tilespmem:v8+s30+$0x0], $0xffff  }
0x344: {  	[tilespmem:s20+$0xFFFFF900] =	vst v9;
	v8 =	vor.u32 v21, v49;
	v5 =	vld.idx.msk [tilespmem:v5+s30+$0x0], $0xffff  }
0x345: {  	v9 =	vor.u32 v22, v35;
	[tilespmem:s20+$0x90] =	vst v6;
	v6 =	vld.idx.msk [tilespmem:v51+s30+$0x0], $0xffff  }
0x346: {  	[tilespmem:s20+$0xFFFFF800] =	vst v3;
	v2 =	vld.idx.msk [tilespmem:v2+s30+$0x0], $0xffff;
	v3 =	vor.u32 v23, v35  }
0x347: {  	v52 =	vor.u32 v19, v56;
	[tilespmem:s20+$0xFFFFF890] =	vst v10;
	v1 =	vld.idx.msk [tilespmem:v1+s30+$0x0], $0xffff  }
0x348: {  	v10 =	vor.u32 v20, v48;
	v7 =	vld.idx.msk [tilespmem:v7+s30+$0x0], $0xffff;
	[tilespmem:s20+$0xFFFFF9A0] =	vst v4  }
0x349: {  	v4 =	vor.u32 v21, v48;
	[tilespmem:s20+$0x1A0] =	vst v5;
	v5 =	vld.idx.msk [tilespmem:v8+s30+$0x0], $0xffff  }
0x34a: {  	s24 =	simm.s32 $0x4;
	v8 =	vor.u32 v22, v49;
	v9 =	vld.idx.msk [tilespmem:v9+s30+$0x0], $0xffff  }
0x34b: {  	v14 =	vmov s24;
	v13 =	vor.u32 v23, v49;
	[tilespmem:s20+$0x110] =	vst v6;
	v3 =	vld.idx.msk [tilespmem:v3+s30+$0x0], $0xffff  }
0x34c: {  	v14 =	vand.u32 $0xC, v14;
	v6 =	vld.idx.msk [tilespmem:v52+s30+$0x0], $0xffff;
	[tilespmem:s20+$0xFFFFF910] =	vst v2;
	v2 =	vor.u32 v24, v35  }
0x34d: {  	v52 =	vbroadcast v14, $0x0;
	v10 =	vld.idx.msk [tilespmem:v10+s30+$0x0], $0xffff;
	[tilespmem:s20+$0xFFFFF8A0] =	vst v7;
	v7 =	vor.u32 v25, v35  }
0x34e: {  	v4 =	vld.idx.msk [tilespmem:v4+s30+$0x0], $0xffff;
	[tilespmem:s20+$0xA0] =	vst v5;
	v5 =	vor.u32 v21, v56  }
0x34f: {  	v59 =	vor.u32 v17, v52;
	[tilespmem:s20+$0xFFFFF9B0] =	vst v9;
	v8 =	vld.idx.msk [tilespmem:v8+s30+$0x0], $0xffff  }
0x350: {  	v9 =	vor.u32 v20, v56;
	[tilespmem:s20+$0x1B0] =	vst v3;
	v3 =	vld.idx.msk [tilespmem:v13+s30+$0x0], $0xffff  }
0x351: {  	[tilespmem:s20+$0x10] =	vst v6;
	v6 =	vor.u32 v25, v49;
	v2 =	vld.idx.msk [tilespmem:v2+s30+$0x0], $0xffff  }
0x352: {  	[tilespmem:s20+$0xFFFFF810] =	vst v1;
	v1 =	vld.idx.msk [tilespmem:v7+s30+$0x0], $0xffff;
	v7 =	vor.u32 v24, v49  }
0x353: {  	[tilespmem:s20+$0xFFFFF920] =	vst v10;
	v10 =	vor.u32 v26, v35;
	v5 =	vld.idx.msk [tilespmem:v5+s30+$0x0], $0xffff  }
0x354: {  	v13 =	vld.idx.msk [tilespmem:v59+s30+$0x0], $0xffff;
	[tilespmem:s20+$0xFFFFF8B0] =	vst v8;
	v8 =	vor.u32 v27, v35  }
0x355: {  	v53 =	vor.u32 v22, v48;
	v9 =	vld.idx.msk [tilespmem:v9+s30+$0x0], $0xffff;
	[tilespmem:s20+$0xB0] =	vst v3  }
0x356: {  	v3 =	vor.u32 v23, v48;
	[tilespmem:s20+$0xFFFFF9C0] =	vst v2;
	v2 =	vld.idx.msk [tilespmem:v6+s30+$0x0], $0xffff  }
0x357: {  	s21 =	simm.s32 $0x5;
	v6 =	vor.u32 v22, v56;
	v7 =	vld.idx.msk [tilespmem:v7+s30+$0x0], $0xffff;
	[tilespmem:s20+$0x1C0] =	vst v1  }
0x358: {  	s22 =	simm.s32 $0x6;
	[tilespmem:s20+$0x120] =	vst v4;
	v1 =	vor.u32 v26, v49;
	v4 =	vld.idx.msk [tilespmem:v10+s30+$0x0], $0xffff;
	v10 =	vmov s21  }
0x359: {  	v55 =	vmov s22;
	[tilespmem:s20+$0x20] =	vst v5;
	v5 =	vor.u32 v27, v49;
	v8 =	vld.idx.msk [tilespmem:v8+s30+$0x0], $0xffff;
	v10 =	vand.u32 $0xD, v10  }
0x35a: {  	v12 =	vld.idx.msk [tilespmem:v53+s30+$0x0], $0xffff;
	[tilespmem:s20+$0xFFFFF820] =	vst v9;
	v9 =	vor.u32 v29, v35;
	v50 =	vbroadcast v10, $0x0;
	v10 =	vand.u32 $0xE, v55  }
0x35b: {  	v3 =	vld.idx.msk [tilespmem:v3+s30+$0x0], $0xffff;
	v51 =	vbroadcast v10, $0x0;
	[tilespmem:s20+$0xC0] =	vst v2;
	v2 =	vor.u32 v23, v56  }
0x35c: {  	v6 =	vld.idx.msk [tilespmem:v6+s30+$0x0], $0xffff;
	[tilespmem:s20+$0xFFFFF8C0] =	vst v7;
	v7 =	vor.u32 v11, v50  }
0x35d: {  	s23 =	simm.s32 $0x7;
	v1 =	vld.idx.msk [tilespmem:v1+s30+$0x0], $0xffff;
	[tilespmem:s20+$0xFFFFF9D0] =	vst v4;
	v4 =	vor.u32 v17, v51  }
0x35e: {  	v10 =	vmov s23;
	v57 =	vor.u32 v17, v50;
	v5 =	vld.idx.msk [tilespmem:v5+s30+$0x0], $0xffff;
	[tilespmem:s20+$0x1D0] =	vst v8  }
0x35f: {  	v15 =	vor.u32 v11, v51;
	v8 =	vand.u32 $0xF, v10;
	v9 =	vld.idx.msk [tilespmem:v9+s30+$0x0], $0xffff  }
0x360: {  	v10 =	vor.u32 v28, v35;
	v53 =	vbroadcast v8, $0x0;
	v2 =	vld.idx.msk [tilespmem:v2+s30+$0x0], $0xffff  }
0x361: {  	v8 =	vor.u32 v28, v49;
	v7 =	vld.idx.msk [tilespmem:v7+s30+$0x0], $0xffff  }
0x362: {  	[tilespmem:s20+$0x130] =	vst v3;
	v58 =	vor.u32 v17, v53;
	v4 =	vld.idx.msk [tilespmem:v4+s30+$0x0], $0xffff  }
0x363: {  	v16 =	vor.u32 v11, v53;
	[tilespmem:s20+$0xFFFFF8D0] =	vst v1;
	v1 =	vld.idx.msk [tilespmem:v57+s30+$0x0], $0xffff  }
0x364: {  	[tilespmem:s20+$0xFFFFF830] =	vst v6;
	v60 =	vld.idx.msk [tilespmem:v15+s30+$0x0], $0xffff;
	v15 =	vor.u32 v24, v56  }
0x365: {  	[tilespmem:s20+$0xD0] =	vst v5;
	v5 =	vld.idx.msk [tilespmem:v10+s30+$0x0], $0xffff;
	v10 =	vor.u32 v19, v50  }
0x366: {  	s21 =	simm.s32 $0x9F00;
	v6 =	vor.u32 v18, v50;
	v8 =	vld.idx.msk [tilespmem:v8+s30+$0x0], $0xffff;
	[tilespmem:s20+$0x1E0] =	vst v9  }
0x367: {  	v14 =	vld.idx.msk [tilespmem:v58+s30+$0x0], $0xffff;
	[tilespmem:s21+$0xFFFFF880] =	vst v7;
	v7 =	vor.u32 v25, v56  }
0x368: {  	v3 =	vld.idx.msk [tilespmem:v16+s30+$0x0], $0xffff;
	v16 =	vor.u32 v11, v52;
	[tilespmem:s20+$0x30] =	vst v2  }
0x369: {  	v62 =	vor.u32 v31, v35;
	[tilespmem:s21+$0x80] =	vst v1;
	v2 =	vld.idx.msk [tilespmem:v15+s30+$0x0], $0xffff  }
0x36a: {  	v1 =	vor.u32 v18, v53;
	[tilespmem:s21+$0x100] =	vst v4;
	v10 =	vld.idx.msk [tilespmem:v10+s30+$0x0], $0xffff  }
0x36b: {  	v4 =	vor.u32 v19, v53;
	v6 =	vld.idx.msk [tilespmem:v6+s30+$0x0], $0xffff;
	[tilespmem:s20+$0xFFFFF9E0] =	vst v5  }
0x36c: {  	v15 =	vor.u32 v29, v49;
	[tilespmem:s21+$0x180] =	vst v14;
	v7 =	vld.idx.msk [tilespmem:v7+s30+$0x0], $0xffff  }
0x36d: {  	v5 =	vor.u32 v19, v51;
	v61 =	vld.idx.msk [tilespmem:v16+s30+$0x0], $0xffff;
	[tilespmem:s21+$0xFFFFF980] =	vst v3  }
0x36e: {  	v3 =	vor.u32 v30, v35;
	[tilespmem:s21+$0x0] =	vst v13;
	v13 =	vld.idx.msk [tilespmem:v62+s30+$0x0], $0xffff  }
0x36f: {  	[tilespmem:s20+$0xFFFFF930] =	vst v12;
	v16 =	vor.u32 v18, v51;
	v1 =	vld.idx.msk [tilespmem:v1+s30+$0x0], $0xffff  }
0x370: {  	v9 =	vor.u32 v18, v52;
	[tilespmem:s21+$0xFFFFF900] =	vst v60;
	v4 =	vld.idx.msk [tilespmem:v4+s30+$0x0], $0xffff  }
0x371: {  	v63 =	vld.idx.msk [tilespmem:v15+s30+$0x0], $0xffff;
	v15 =	vor.u32 v19, v52;
	[tilespmem:s20+$0xFFFFF840] =	vst v2  }
0x372: {  	[tilespmem:s21+$0x90] =	vst v10;
	v5 =	vld.idx.msk [tilespmem:v5+s30+$0x0], $0xffff;
	v10 =	vor.u32 v20, v53  }
0x373: {  	v2 =	vld.idx.msk [tilespmem:v3+s30+$0x0], $0xffff;
	v3 =	vor.u32 v21, v53;
	[tilespmem:s21+$0xFFFFF800] =	vst v61  }
0x374: {  	v32 =	vld.idx.msk [tilespmem:v16+s30+$0x0], $0xffff;
	[tilespmem:s20+$0x40] =	vst v7;
	v7 =	vor.u32 v25, v48  }
0x375: {  	v16 =	vor.u32 v20, v50;
	[tilespmem:s21+$0xFFFFF990] =	vst v1;
	v9 =	vld.idx.msk [tilespmem:v9+s30+$0x0], $0xffff  }
0x376: {  	v1 =	vor.u32 v26, v56;
	[tilespmem:s21+$0x190] =	vst v4;
	v15 =	vld.idx.msk [tilespmem:v15+s30+$0x0], $0xffff  }
0x377: {  	v4 =	vor.u32 v30, v49;
	[tilespmem:s21+$0x110] =	vst v5;
	v5 =	vld.idx.msk [tilespmem:v10+s30+$0x0], $0xffff  }
0x378: {  	[tilespmem:s20+$0xFFFFF8E0] =	vst v8;
	v8 =	vor.u32 v21, v51;
	v3 =	vld.idx.msk [tilespmem:v3+s30+$0x0], $0xffff  }
0x379: {  	[tilespmem:s21+$0xFFFFF890] =	vst v6;
	v10 =	vor.u32 v20, v51;
	v6 =	vld.idx.msk [tilespmem:v7+s30+$0x0], $0xffff  }
0x37a: {  	[tilespmem:s20+$0x1F0] =	vst v13;
	v7 =	vor.u32 v21, v50;
	v34 =	vld.idx.msk [tilespmem:v16+s30+$0x0], $0xffff  }
0x37b: {  	v33 =	vor.u32 v22, v53;
	[tilespmem:s20+$0xE0] =	vst v63;
	v1 =	vld.idx.msk [tilespmem:v1+s30+$0x0], $0xffff  }
0x37c: {  	[tilespmem:s21+$0xFFFFF910] =	vst v32;
	v57 =	vld.idx.msk [tilespmem:v4+s30+$0x0], $0xffff;
	v4 =	vor.u32 v23, v53  }
0x37d: {  	[tilespmem:s21+$0x10] =	vst v15;
	v15 =	vor.u32 v20, v52;
	v8 =	vld.idx.msk [tilespmem:v8+s30+$0x0], $0xffff  }
0x37e: {  	v10 =	vld.idx.msk [tilespmem:v10+s30+$0x0], $0xffff;
	[tilespmem:s21+$0xFFFFF9A0] =	vst v5;
	v5 =	vor.u32 v24, v48  }
0x37f: {  	v35 =	vor.u32 v22, v51;
	[tilespmem:s21+$0x1A0] =	vst v3;
	v7 =	vld.idx.msk [tilespmem:v7+s30+$0x0], $0xffff  }
0x380: {  	[tilespmem:s21+$0xFFFFF810] =	vst v9;
	v3 =	vor.u32 v21, v52;
	v9 =	vld.idx.msk [tilespmem:v33+s30+$0x0], $0xffff  }
0x381: {  	v54 =	vor.u32 v23, v51;
	[tilespmem:s20+$0xFFFFF9F0] =	vst v2;
	v4 =	vld.idx.msk [tilespmem:v4+s30+$0x0], $0xffff  }
0x382: {  	v55 =	vor.u32 v27, v56;
	v2 =	vld.idx.msk [tilespmem:v15+s30+$0x0], $0xffff;
	[tilespmem:s21+$0x120] =	vst v8  }
0x383: {  	v15 =	vor.u32 v24, v53;
	[tilespmem:s21+$0xFFFFF920] =	vst v10;
	v5 =	vld.idx.msk [tilespmem:v5+s30+$0x0], $0xffff  }
0x384: {  	[tilespmem:s21+$0xFFFFF8A0] =	vst v34;
	v10 =	vor.u32 v22, v50;
	v60 =	vld.idx.msk [tilespmem:v35+s30+$0x0], $0xffff  }
0x385: {  	v8 =	vor.u32 v23, v50;
	v3 =	vld.idx.msk [tilespmem:v3+s30+$0x0], $0xffff;
	[tilespmem:s21+$0xA0] =	vst v7  }
0x386: {  	v58 =	vld.idx.msk [tilespmem:v54+s30+$0x0], $0xffff;
	v7 =	vor.u32 v25, v53;
	[tilespmem:s21+$0xFFFFF9B0] =	vst v9  }
0x387: {  	[tilespmem:s21+$0x1B0] =	vst v4;
	v4 =	vor.u32 v27, v48;
	v9 =	vld.idx.msk [tilespmem:v55+s30+$0x0], $0xffff  }
0x388: {  	[tilespmem:s20+$0x140] =	vst v6;
	v6 =	vor.u32 v26, v48;
	v32 =	vld.idx.msk [tilespmem:v15+s30+$0x0], $0xffff  }
0x389: {  	v33 =	vor.u32 v22, v52;
	v10 =	vld.idx.msk [tilespmem:v10+s30+$0x0], $0xffff;
	[tilespmem:s20+$0xFFFFF940] =	vst v5  }
0x38a: {  	v5 =	vor.u32 v28, v56;
	[tilespmem:s21+$0x20] =	vst v3;
	v3 =	vld.idx.msk [tilespmem:v8+s30+$0x0], $0xffff  }
0x38b: {  	[tilespmem:s21+$0xFFFFF820] =	vst v2;
	v8 =	vor.u32 v29, v56;
	v15 =	vld.idx.msk [tilespmem:v7+s30+$0x0], $0xffff  }
0x38c: {  	v34 =	vor.u32 v25, v50;
	[tilespmem:s20+$0xFFFFF850] =	vst v1;
	v4 =	vld.idx.msk [tilespmem:v4+s30+$0x0], $0xffff  }
0x38d: {  	v1 =	vor.u32 v24, v50;
	[tilespmem:s20+$0x50] =	vst v9;
	v9 =	vld.idx.msk [tilespmem:v6+s30+$0x0], $0xffff  }
0x38e: {  	v35 =	vor.u32 v26, v53;
	v59 =	vld.idx.msk [tilespmem:v33+s30+$0x0], $0xffff;
	[tilespmem:s21+$0xFFFFF9C0] =	vst v32  }
0x38f: {  	[tilespmem:s21+$0xFFFFF8B0] =	vst v10;
	v2 =	vld.idx.msk [tilespmem:v5+s30+$0x0], $0xffff  }
0x390: {  	v7 =	vor.u32 v29, v48;
	[tilespmem:s21+$0xB0] =	vst v3;
	v3 =	vld.idx.msk [tilespmem:v8+s30+$0x0], $0xffff  }
0x391: {  	v54 =	vor.u32 v24, v51;
	v6 =	vor.u32 v27, v53;
	[tilespmem:s21+$0x1C0] =	vst v15;
	v63 =	vld.idx.msk [tilespmem:v34+s30+$0x0], $0xffff  }
0x392: {  	v55 =	vor.u32 v26, v50;
	v5 =	vor.u32 v28, v48;
	[tilespmem:s20+$0x150] =	vst v4;
	v62 =	vld.idx.msk [tilespmem:v1+s30+$0x0], $0xffff  }
0x393: {  	s22 =	simm.s32 $0x9F00;
	s5 =	simm.s32 $0x8;
	v4 =	vor.u32 v30, v56;
	v61 =	vld.idx.msk [tilespmem:v35+s30+$0x0], $0xffff;
	v1 =	vor.u32 v31, v56;
	[tilespmem:s20+$0xFFFFF950] =	vst v9  }
.LBB2_9:
0x394: {  	s14 =	sadd.s32 $0x1, s5  }
0x395: {  	v8 =	vmov s5;
	p0 =	slt.u32 s5, $0xC;
	[tilespmem:s21+$0xFFFFF930] =	vst v60;
	v7 =	vld.idx.msk [tilespmem:v7+s30+$0x0], $0xffff;
	v9 =	vor.u32 v30, v48;
	v10 =	vor.u32 v31, v48;
	v48 =	vmovc v51;
	s23 =	smov.u32 s5;
	s5 =	sadd.s32 $0x4, s5  }
0x396: {  	v13 =	vor.u32 v27, v50;
	v8 =	vand.u32 $0xC, v8;
	v12 =	vmov s14;
	v6 =	vld.idx.msk [tilespmem:v6+s30+$0x0], $0xffff;
	[tilespmem:s20+$0xFFFFF860] =	vst v2  }
0x397: {  	s14 =	sadd.s32 $0x2, s23;
	v56 =	vbroadcast v8, $0x0;
	v2 =	vand.u32 $0xD, v12;
	[tilespmem:s20+$0x60] =	vst v3;
	v3 =	vor.u32 v31, v49;
	v5 =	vld.idx.msk [tilespmem:v5+s30+$0x0], $0xffff;
	v49 =	vmovc v50  }
0x398: {  	v8 =	vor.u32 v29, v53;
	v50 =	vbroadcast v2, $0x0;
	v2 =	vmov s14;
	[tilespmem:s21+$0xC0] =	vst v63;
	v4 =	vld.idx.msk [tilespmem:v4+s30+$0x0], $0xffff  }
0x399: {  	v14 =	vor.u32 v23, v52;
	s14 =	sadd.s32 $0x3, s23;
	v12 =	vor.u32 v11, v56;
	v2 =	vand.u32 $0xE, v2;
	[tilespmem:s21+$0xFFFFF8C0] =	vst v62;
	v1 =	vld.idx.msk [tilespmem:v1+s30+$0x0], $0xffff  }
0x39a: {  	v15 =	vor.u32 v11, v50;
	v51 =	vbroadcast v2, $0x0;
	v2 =	vmov s14;
	v16 =	vld.idx.msk [tilespmem:v55+s30+$0x0], $0xffff;
	[tilespmem:s21+$0xFFFFF9D0] =	vst v61  }
0x39b: {  	v32 =	vor.u32 v17, v50;
	v55 =	vor.u32 v26, v50;
	v2 =	vand.u32 $0xF, v2;
	v13 =	vld.idx.msk [tilespmem:v13+s30+$0x0], $0xffff;
	[tilespmem:s20+$0x160] =	vst v7  }
0x39c: {  	v7 =	vor.u32 v11, v51;
	v2 =	vbroadcast v2, $0x0;
	[tilespmem:s21+$0x1D0] =	vst v6;
	v3 =	vld.idx.msk [tilespmem:v3+s30+$0x0], $0xffff  }
0x39d: {  	v6 =	vor.u32 v17, v51;
	v8 =	vld.idx.msk [tilespmem:v8+s30+$0x0], $0xffff;
	[tilespmem:s20+$0xFFFFF960] =	vst v5  }
0x39e: {  	v5 =	vor.u32 v11, v2;
	[tilespmem:s20+$0xFFFFF8F0] =	vst v57;
	v9 =	vld.idx.msk [tilespmem:v9+s30+$0x0], $0xffff  }
0x39f: {  	v34 =	vor.u32 v28, v53;
	v33 =	vor.u32 v17, v2;
	[tilespmem:s20+$0xFFFFF870] =	vst v4;
	v4 =	vld.idx.msk [tilespmem:v10+s30+$0x0], $0xffff  }
0x3a0: {  	v35 =	vor.u32 v28, v49;
	v10 =	vor.u32 v17, v56;
	v14 =	vld.idx.msk [tilespmem:v14+s30+$0x0], $0xffff;
	[tilespmem:s20+$0x70] =	vst v1  }
0x3a1: {  	v1 =	vld.idx.msk [tilespmem:v15+s30+$0x0], $0xffff;
	[tilespmem:s21+$0xFFFFF830] =	vst v59  }
0x3a2: {  	v15 =	vor.u32 v18, v50;
	v6 =	vld.idx.msk [tilespmem:v6+s30+$0x0], $0xffff;
	[tilespmem:s21+$0xFFFFF8D0] =	vst v16  }
0x3a3: {  	v16 =	vld.idx.msk [tilespmem:v32+s30+$0x0], $0xffff;
	v32 =	vor.u32 v19, v50;
	[tilespmem:s21+$0xD0] =	vst v13  }
0x3a4: {  	v13 =	vor.u32 v18, v51;
	s21 =	sadd.s32 $0x200, s21;
	v34 =	vld.idx.msk [tilespmem:v34+s30+$0x0], $0xffff;
	[tilespmem:s20+$0xF0] =	vst v3  }
0x3a5: {  	v3 =	vor.u32 v19, v51;
	v35 =	vld.idx.msk [tilespmem:v35+s30+$0x0], $0xffff;
	[tilespmem:s20+$0x170] =	vst v4  }
0x3a6: {  	v4 =	vld.idx.msk [tilespmem:v7+s30+$0x0], $0xffff;
	v7 =	vor.u32 v19, v2;
	[tilespmem:s20+$0xFFFFF970] =	vst v9;
	s20 =	smov.u32 s22;
	s22 =	smov.u32 s21  }
0x3a7: {  	v57 =	vor.u32 v24, v52;
	v9 =	vld.idx.msk [tilespmem:v33+s30+$0x0], $0xffff;
	v33 =	vor.u32 v18, v2;
	[tilespmem:s20+$0x130] =	vst v58  }
0x3a8: {  	v58 =	vor.u32 v19, v56;
	[tilespmem:s21+$0xFFFFF880] =	vst v1;
	v1 =	vld.idx.msk [tilespmem:v5+s30+$0x0], $0xffff;
	v5 =	vor.u32 v25, v52  }
0x3a9: {  	v59 =	vor.u32 v18, v56;
	v10 =	vld.idx.msk [tilespmem:v10+s30+$0x0], $0xffff;
	[tilespmem:s21+$0x80] =	vst v16  }
0x3aa: {  	v16 =	vld.idx.msk [tilespmem:v32+s30+$0x0], $0xffff;
	v32 =	vor.u32 v20, v50;
	[tilespmem:s21+$0x100] =	vst v6  }
0x3ab: {  	v6 =	vld.idx.msk [tilespmem:v15+s30+$0x0], $0xffff;
	v15 =	vor.u32 v21, v50;
	[tilespmem:s20+$0x30] =	vst v14  }
0x3ac: {  	v60 =	vor.u32 v29, v49;
	v14 =	vor.u32 v20, v51;
	v57 =	vld.idx.msk [tilespmem:v57+s30+$0x0], $0xffff;
	[tilespmem:s20+$0xFFFFF9E0] =	vst v34  }
0x3ad: {  	v34 =	vor.u32 v21, v51;
	[tilespmem:s21+$0x180] =	vst v9;
	v5 =	vld.idx.msk [tilespmem:v5+s30+$0x0], $0xffff  }
0x3ae: {  	v9 =	vld.idx.msk [tilespmem:v12+s30+$0x0], $0xffff;
	[tilespmem:s21+$0xFFFFF980] =	vst v1;
	v1 =	vor.u32 v20, v2;
	v12 =	vor.u32 v30, v53  }
0x3af: {  	v61 =	vor.u32 v31, v53;
	v53 =	vmov v2;
	[tilespmem:s21+$0x0] =	vst v10;
	v10 =	vld.idx.msk [tilespmem:v33+s30+$0x0], $0xffff;
	v33 =	vor.u32 v21, v2  }
0x3b0: {  	v2 =	vor.u32 v20, v56;
	v7 =	vld.idx.msk [tilespmem:v7+s30+$0x0], $0xffff;
	[tilespmem:s20+$0x1E0] =	vst v8  }
0x3b1: {  	v8 =	vor.u32 v21, v56;
	[tilespmem:s21+$0xFFFFF900] =	vst v4;
	v4 =	vld.idx.msk [tilespmem:v60+s30+$0x0], $0xffff  }
0x3b2: {  	[tilespmem:s21+$0x90] =	vst v16;
	v16 =	vor.u32 v22, v50;
	v3 =	vld.idx.msk [tilespmem:v3+s30+$0x0], $0xffff  }
0x3b3: {  	v62 =	vor.u32 v23, v50;
	[tilespmem:s20+$0xFFFFF840] =	vst v57;
	v12 =	vld.idx.msk [tilespmem:v12+s30+$0x0], $0xffff  }
0x3b4: {  	[tilespmem:s21+$0xFFFFF800] =	vst v9;
	v9 =	vor.u32 v22, v51;
	v60 =	vld.idx.msk [tilespmem:v61+s30+$0x0], $0xffff  }
0x3b5: {  	v61 =	vor.u32 v23, v51;
	v13 =	vld.idx.msk [tilespmem:v13+s30+$0x0], $0xffff;
	[tilespmem:s21+$0xFFFFF990] =	vst v10;
	v10 =	vor.u32 v26, v52  }
0x3b6: {  	v57 =	vor.u32 v30, v49;
	v59 =	vld.idx.msk [tilespmem:v59+s30+$0x0], $0xffff;
	[tilespmem:s21+$0x190] =	vst v7;
	v7 =	vor.u32 v22, v53  }
0x3b7: {  	v63 =	vor.u32 v23, v53;
	v58 =	vld.idx.msk [tilespmem:v58+s30+$0x0], $0xffff;
	[tilespmem:s20+$0x40] =	vst v5;
	v5 =	vor.u32 v25, v48  }
0x3b8: {  	[tilespmem:s21+$0x110] =	vst v3;
	v1 =	vld.idx.msk [tilespmem:v1+s30+$0x0], $0xffff  }
0x3b9: {  	v3 =	vld.idx.msk [tilespmem:v33+s30+$0x0], $0xffff;
	[tilespmem:s20+$0xFFFFF8E0] =	vst v35  }
0x3ba: {  	v10 =	vld.idx.msk [tilespmem:v10+s30+$0x0], $0xffff;
	[tilespmem:s20+$0xE0] =	vst v4  }
0x3bb: {  	[tilespmem:s21+$0xFFFFF890] =	vst v6;
	v57 =	vld.idx.msk [tilespmem:v57+s30+$0x0], $0xffff  }
0x3bc: {  	v4 =	vor.u32 v24, v51;
	[tilespmem:s21+$0xFFFFF910] =	vst v13;
	v5 =	vld.idx.msk [tilespmem:v5+s30+$0x0], $0xffff  }
0x3bd: {  	[tilespmem:s21+$0x10] =	vst v58;
	v6 =	vld.idx.msk [tilespmem:v32+s30+$0x0], $0xffff  }
0x3be: {  	v13 =	vld.idx.msk [tilespmem:v14+s30+$0x0], $0xffff;
	[tilespmem:s21+$0xFFFFF9A0] =	vst v1;
	v1 =	vor.u32 v24, v53  }
0x3bf: {  	v14 =	vld.idx.msk [tilespmem:v34+s30+$0x0], $0xffff;
	[tilespmem:s21+$0x1A0] =	vst v3  }
0x3c0: {  	[tilespmem:s21+$0xFFFFF810] =	vst v59;
	v3 =	vld.idx.msk [tilespmem:v7+s30+$0x0], $0xffff  }
0x3c1: {  	v7 =	vld.idx.msk [tilespmem:v63+s30+$0x0], $0xffff;
	[tilespmem:s20+$0x1F0] =	vst v60  }
0x3c2: {  	v15 =	vld.idx.msk [tilespmem:v15+s30+$0x0], $0xffff;
	[tilespmem:s20+$0xFFFFF9F0] =	vst v12  }
0x3c3: {  	v2 =	vld.idx.msk [tilespmem:v2+s30+$0x0], $0xffff;
	[tilespmem:s21+$0xFFFFF8A0] =	vst v6;
	v6 =	vor.u32 v27, v52  }
0x3c4: {  	[tilespmem:s21+$0xFFFFF920] =	vst v13;
	v12 =	vld.idx.msk [tilespmem:v54+s30+$0x0], $0xffff;
	v54 =	vmov v4  }
0x3c5: {  	v4 =	vld.idx.msk [tilespmem:v8+s30+$0x0], $0xffff;
	[tilespmem:s21+$0x120] =	vst v14  }
0x3c6: {  	v60 =	vld.idx.msk [tilespmem:v9+s30+$0x0], $0xffff;
	[tilespmem:s21+$0xFFFFF9B0] =	vst v3  }
0x3c7: {  	v3 =	vor.u32 v27, v48;
	v58 =	vld.idx.msk [tilespmem:v61+s30+$0x0], $0xffff;
	[tilespmem:s21+$0x1B0] =	vst v7  }
0x3c8: {  	v7 =	vor.u32 v25, v53;
	[tilespmem:s21+$0xA0] =	vst v15;
	v6 =	vld.idx.msk [tilespmem:v6+s30+$0x0], $0xffff  }
0x3c9: {  	v1 =	vld.idx.msk [tilespmem:v1+s30+$0x0], $0xffff;
	[tilespmem:s20+$0x140] =	vst v5;
	v5 =	vor.u32 v26, v48  }
0x3ca: {  	v8 =	vor.u32 v22, v56;
	v9 =	vld.idx.msk [tilespmem:v16+s30+$0x0], $0xffff;
	[tilespmem:s20+$0xFFFFF940] =	vst v12  }
0x3cb: {  	v12 =	vor.u32 v28, v52;
	[tilespmem:s21+$0x20] =	vst v4;
	v4 =	vld.idx.msk [tilespmem:v62+s30+$0x0], $0xffff  }
0x3cc: {  	v13 =	vor.u32 v29, v52;
	[tilespmem:s21+$0xFFFFF820] =	vst v2;
	v14 =	vld.idx.msk [tilespmem:v3+s30+$0x0], $0xffff  }
0x3cd: {  	v15 =	vor.u32 v25, v50;
	v16 =	vld.idx.msk [tilespmem:v7+s30+$0x0], $0xffff;
	[tilespmem:s20+$0xFFFFF850] =	vst v10  }
0x3ce: {  	v10 =	vor.u32 v24, v50;
	[tilespmem:s20+$0x50] =	vst v6;
	v32 =	vld.idx.msk [tilespmem:v5+s30+$0x0], $0xffff  }
0x3cf: {  	v59 =	vld.idx.msk [tilespmem:v8+s30+$0x0], $0xffff;
	[tilespmem:s21+$0xFFFFF9C0] =	vst v1;
	v1 =	vor.u32 v26, v53  }
.Ltmp3:
0x3d0: {  	v7 =	vor.u32 v29, v48;
	[tilespmem:s21+$0xFFFFF8B0] =	vst v9;
	v2 =	vld.idx.msk [tilespmem:v12+s30+$0x0], $0xffff;
	(pc) =	sbr.rel @p0 .LBB2_9-.Ltmp3, $4  }
0x3d1: {  	v6 =	vor.u32 v27, v53;
	[tilespmem:s21+$0xB0] =	vst v4;
	v3 =	vld.idx.msk [tilespmem:v13+s30+$0x0], $0xffff  }
0x3d2: {  	v5 =	vor.u32 v28, v48;
	v63 =	vld.idx.msk [tilespmem:v15+s30+$0x0], $0xffff;
	[tilespmem:s20+$0x150] =	vst v14  }
0x3d3: {  	v4 =	vor.u32 v30, v52;
	v62 =	vld.idx.msk [tilespmem:v10+s30+$0x0], $0xffff;
	[tilespmem:s21+$0x1C0] =	vst v16  }
0x3d4: {  	v61 =	vld.idx.msk [tilespmem:v1+s30+$0x0], $0xffff;
	v1 =	vor.u32 v31, v52;
	[tilespmem:s20+$0xFFFFF950] =	vst v32;
	v52 =	vmov v56  }
0x3d5: {  	_ =	sdelay $0x1  }
0x3d6: {  	[tilespmem:s21+$0xFFFFF930] =	vst v60  }
0x3d7: {  	[tilespmem:s20+$0xFFFFF860] =	vst v2  }
0x3d8: {  	v2 =	vld.idx.msk [tilespmem:v6+s30+$0x0], $0xffff;
	[tilespmem:s20+$0x60] =	vst v3;
	v3 =	vor.u32 v23, v52  }
0x3d9: {  	v7 =	vld.idx.msk [tilespmem:v7+s30+$0x0], $0xffff;
	[tilespmem:s22+$0x130] =	vst v58  }
0x3da: {  	v5 =	vld.idx.msk [tilespmem:v5+s30+$0x0], $0xffff;
	[tilespmem:s21+$0xC0] =	vst v63  }
0x3db: {  	v60 =	vor.u32 v31, v49;
	[tilespmem:s21+$0xFFFFF8C0] =	vst v62  }
0x3dc: {  	v8 =	vor.u32 v27, v50;
	v4 =	vld.idx.msk [tilespmem:v4+s30+$0x0], $0xffff;
	[tilespmem:s21+$0xFFFFF9D0] =	vst v61  }
0x3dd: {  	v9 =	vor.u32 v31, v48;
	[tilespmem:s21+$0x1D0] =	vst v2;
	v2 =	vld.idx.msk [tilespmem:v3+s30+$0x0], $0xffff  }
0x3de: {  	v1 =	vld.idx.msk [tilespmem:v1+s30+$0x0], $0xffff;
	v62 =	vor.u32 v24, v52;
	[tilespmem:s20+$0x160] =	vst v7  }
0x3df: {  	v12 =	vor.u32 v25, v52;
	v63 =	vld.idx.msk [tilespmem:v55+s30+$0x0], $0xffff;
	[tilespmem:s20+$0xFFFFF960] =	vst v5  }
0x3e0: {  	v14 =	vor.u32 v28, v53;
	v3 =	vld.idx.msk [tilespmem:v60+s30+$0x0], $0xffff;
	[tilespmem:s20+$0xFFFFF8F0] =	vst v57  }
0x3e1: {  	v13 =	vld.idx.msk [tilespmem:v8+s30+$0x0], $0xffff;
	v8 =	vor.u32 v25, v51;
	[tilespmem:s21+$0xFFFFF830] =	vst v59  }
0x3e2: {  	v33 =	vld.idx.msk [tilespmem:v9+s30+$0x0], $0xffff;
	[tilespmem:s22+$0x30] =	vst v2  }
0x3e3: {  	[tilespmem:s20+$0x70] =	vst v1;
	v2 =	vor.u32 v30, v48;
	v1 =	vld.idx.msk [tilespmem:v62+s30+$0x0], $0xffff  }
0x3e4: {  	v10 =	vor.u32 v29, v53;
	[tilespmem:s20+$0xFFFFF870] =	vst v4;
	v32 =	vld.idx.msk [tilespmem:v12+s30+$0x0], $0xffff  }
0x3e5: {  	v9 =	vor.u32 v26, v52;
	v5 =	vld.idx.msk [tilespmem:v14+s30+$0x0], $0xffff;
	[tilespmem:s21+$0xFFFFF8D0] =	vst v63  }
0x3e6: {  	[tilespmem:s21+$0xD0] =	vst v13;
	v34 =	vld.idx.msk [tilespmem:v8+s30+$0x0], $0xffff;
	v8 =	vor.u32 v27, v52  }
0x3e7: {  	[tilespmem:s20+$0xF0] =	vst v3;
	v3 =	vld.idx.msk [tilespmem:v54+s30+$0x0], $0xffff  }
0x3e8: {  	v35 =	vor.u32 v26, v51;
	v2 =	vld.idx.msk [tilespmem:v2+s30+$0x0], $0xffff;
	[tilespmem:s22+$0xFFFFF840] =	vst v1  }
0x3e9: {  	v49 =	vld.idx.msk [tilespmem:v10+s30+$0x0], $0xffff;
	v1 =	vor.u32 v27, v51;
	[tilespmem:s22+$0x40] =	vst v32  }
0x3ea: {  	[tilespmem:s22+$0xFFFFF9E0] =	vst v5;
	v12 =	vor.u32 v28, v50;
	v48 =	vld.idx.msk [tilespmem:v9+s30+$0x0], $0xffff  }
0x3eb: {  	[tilespmem:s22+$0x140] =	vst v34;
	v9 =	vor.u32 v29, v50;
	v8 =	vld.idx.msk [tilespmem:v8+s30+$0x0], $0xffff  }
0x3ec: {  	[tilespmem:s22+$0xFFFFF940] =	vst v3;
	v3 =	vor.u32 v28, v52  }
0x3ed: {  	v6 =	vld.idx.msk [tilespmem:v35+s30+$0x0], $0xffff;
	[tilespmem:s20+$0xFFFFF970] =	vst v2;
	v2 =	vor.u32 v29, v52  }
0x3ee: {  	v54 =	vor.u32 v31, v53;
	[tilespmem:s22+$0x1E0] =	vst v49;
	v1 =	vld.idx.msk [tilespmem:v1+s30+$0x0], $0xffff  }
0x3ef: {  	v55 =	vor.u32 v29, v51;
	v10 =	vld.idx.msk [tilespmem:v12+s30+$0x0], $0xffff;
	[tilespmem:s22+$0xFFFFF850] =	vst v48  }
0x3f0: {  	v9 =	vld.idx.msk [tilespmem:v9+s30+$0x0], $0xffff;
	[tilespmem:s22+$0x50] =	vst v8;
	v8 =	vor.u32 v28, v51  }
0x3f1: {  	v56 =	vor.u32 v30, v53;
	[tilespmem:s20+$0x170] =	vst v33;
	v3 =	vld.idx.msk [tilespmem:v3+s30+$0x0], $0xffff  }
0x3f2: {  	v57 =	vor.u32 v30, v50;
	[tilespmem:s22+$0xFFFFF950] =	vst v6;
	v2 =	vld.idx.msk [tilespmem:v2+s30+$0x0], $0xffff  }
0x3f3: {  	v58 =	vor.u32 v30, v52;
	[tilespmem:s22+$0x150] =	vst v1;
	v1 =	vld.idx.msk [tilespmem:v54+s30+$0x0], $0xffff  }
0x3f4: {  	v59 =	vor.u32 v31, v52;
	[tilespmem:s22+$0xFFFFF8E0] =	vst v10;
	v7 =	vld.idx.msk [tilespmem:v55+s30+$0x0], $0xffff  }
0x3f5: {  	[tilespmem:s22+$0xE0] =	vst v9;
	v9 =	vor.u32 v31, v50;
	v8 =	vld.idx.msk [tilespmem:v8+s30+$0x0], $0xffff  }
0x3f6: {  	v60 =	vor.u32 v31, v51;
	v10 =	vld.idx.msk [tilespmem:v56+s30+$0x0], $0xffff;
	[tilespmem:s22+$0xFFFFF860] =	vst v3  }
0x3f7: {  	v61 =	vor.u32 v30, v51;
	v3 =	vld.idx.msk [tilespmem:v57+s30+$0x0], $0xffff;
	[tilespmem:s22+$0x60] =	vst v2  }
0x3f8: {  	[tilespmem:s22+$0x1F0] =	vst v1;
	v1 =	vld.idx.msk [tilespmem:v58+s30+$0x0], $0xffff  }
0x3f9: {  	v2 =	vld.idx.msk [tilespmem:v59+s30+$0x0], $0xffff;
	[tilespmem:s22+$0x160] =	vst v7  }
0x3fa: {  	v62 =	vld.idx.msk [tilespmem:v9+s30+$0x0], $0xffff;
	[tilespmem:s22+$0xFFFFF960] =	vst v8  }
0x3fb: {  	[tilespmem:s22+$0xFFFFF9F0] =	vst v10;
	v63 =	vld.idx.msk [tilespmem:v60+s30+$0x0], $0xffff  }
0x3fc: {  	[tilespmem:s22+$0xFFFFF8F0] =	vst v3;
	v3 =	vld.idx.msk [tilespmem:v61+s30+$0x0], $0xffff  }
0x3fd: {  	s5 =	sor.u32 s15, s18;
	[tilespmem:s22+$0xFFFFF870] =	vst v1  }
0x3fe: {  	s14 =	sshll.u32 s19, $0x13;
	s5 =	sshll.u32 s5, $0xA;
	[tilespmem:s22+$0x70] =	vst v2  }
0x3ff: {  	s5 =	sor.u32 s14, s5;
	[tilespmem:s22+$0xF0] =	vst v62  }
0x400: {  	s5 =	sshrl.u32 s5, $0x3;
	[tilespmem:s22+$0x170] =	vst v63  }
0x401: {  	s17 =	sadd.s32 $0x1, s17;
	s5 =	sadd.s32 s2, s5;
	[tilespmem:s22+$0xFFFFF970] =	vst v3  }
0x402: {  	[hbm4b:s5+s3] =	stream.linear.scatter [tilespmem:s8], [sflag:$0x3], $0x400, $0x38;
	[tilespmem:$0xA500] =	vst v63  }
0x403: {  	p0 =	sne.s32 s17, $0x62;
	s23 =	sadd.s32 $0x4000, s5  }
0x404: {  	[hbm4b:s23+s3] =	stream.linear.scatter [tilespmem:s9], [sflag:$0x3], $0x400, $0x38;
	[tilespmem:$0xA500] =	vst v63  }
.Ltmp4:
0x405: {  	_ = 	snop;
	(pc) =	sbr.rel @p0 .LBB2_6-.Ltmp4, $4  }
0x406: {  	s24 =	sadd.s32 $0x8000, s5  }
0x407: {  	[hbm4b:s24+s3] =	stream.linear.scatter [tilespmem:s10], [sflag:$0x3], $0x400, $0x38;
	[tilespmem:$0xA500] =	vst v63  }
0x408: {  	s5 =	sadd.s32 $0xC000, s5  }
0x409: {  	[hbm4b:s5+s3] =	stream.linear.scatter [tilespmem:s11], [sflag:$0x3], $0x400, $0x38;
	[tilespmem:$0xA500] =	vst v63  }
0x40a: {  	_ =	sdelay $0x2  }
0x40b: {  	s5 =	simm.s32 $0x0  }
0x40c: {  	v1 =	vld.idx.msk [tilespmem:v40+s5+$0x0], $0xffff;
	_ =	sdelay $0x4  }
0x40d: {  	[tilespmem:$0x6480] =	vst v1  }
0x40e: {  	v1 =	vld.idx.msk [tilespmem:v41+s5+$0x0], $0xffff;
	_ =	sdelay $0x4  }
0x40f: {  	[tilespmem:$0x6490] =	vst v1  }
0x410: {  	v1 =	vld.idx.msk [tilespmem:v42+s5+$0x0], $0xffff;
	_ =	sdelay $0x4  }
0x411: {  	[tilespmem:$0x64A0] =	vst v1  }
0x412: {  	v1 =	vld.idx.msk [tilespmem:v43+s5+$0x0], $0xffff;
	_ =	sdelay $0x4  }
0x413: {  	[tilespmem:$0x64B0] =	vst v1  }
0x414: {  	v1 =	vld.idx.msk [tilespmem:v44+s5+$0x0], $0xffff;
	_ =	sdelay $0x4  }
0x415: {  	[tilespmem:$0x64C0] =	vst v1  }
0x416: {  	v1 =	vld.idx.msk [tilespmem:v45+s5+$0x0], $0xffff;
	_ =	sdelay $0x4  }
0x417: {  	[tilespmem:$0x64D0] =	vst v1  }
0x418: {  	v1 =	vld.idx.msk [tilespmem:v46+s5+$0x0], $0xffff;
	_ =	sdelay $0x4  }
0x419: {  	[tilespmem:$0x64E0] =	vst v1  }
0x41a: {  	v1 =	vld.idx.msk [tilespmem:v47+s5+$0x0], $0xffff;
	_ =	sdelay $0x4  }
0x41b: {  	[tilespmem:$0x64F0] =	vst v1  }
0x41c: {  	[tilespmem:s30], [sflag:$0x1] =	stream.indirect.gather [hbm4b:s4+s25], $0x20, s29, s25, $0xb8;
	[tilespmem:$0xA500] =	vst v63  }
0x41d: {  	_ =	swait.ge [sflag:s31], $0x1000  }
0x41e: {  	[sflag:s31] =	ssyncset.done $0x0  }
0x41f: {  	[sflag:s31] =	ssyncadd.s32 $0xFFFFF000  }
0x420: {  	_ =	swait.ge [sflag:s12], $0x400  }
0x421: {  	[sflag:s12] =	ssyncset.done $0x0  }
0x422: {  	s14 =	simm.s32 $0x3;
	[sflag:s12] =	ssyncadd.s32 $0xFFFFFC00  }
0x423: {  	v1 =	vmov s14;
	_ =	swait.ge [sflag:s12], $0x400  }
0x424: {  	v1 =	vand.u32 $0xF, v1;
	[sflag:s12] =	ssyncset.done $0x0  }
0x425: {  	v54 =	vbroadcast v1, $0x0;
	[sflag:s12] =	ssyncadd.s32 $0xFFFFFC00  }
0x426: {  	s19 =	simm.s32 $0x1;
	_ =	swait.ge [sflag:s12], $0x400  }
0x427: {  	v1 =	vmov s19;
	v2 =	vor.u32 v17, v54;
	[sflag:s12] =	ssyncset.done $0x0  }
0x428: {  	s20 =	simm.s32 $0x2;
	v1 =	vand.u32 $0xD, v1;
	v3 =	vor.u32 v11, v54;
	[sflag:s12] =	ssyncadd.s32 $0xFFFFFC00  }
0x429: {  	v49 =	vbroadcast v1, $0x0;
	v1 =	vmov s20;
	_ =	swait.ge [sflag:s12], $0x400  }
0x42a: {  	v1 =	vand.u32 $0xE, v1;
	[sflag:s12] =	ssyncset.done $0x0  }
0x42b: {  	v4 =	vor.u32 v11, v49;
	v48 =	vbroadcast v1, $0x0;
	[sflag:s12] =	ssyncadd.s32 $0xFFFFFC00  }
0x42c: {  	v1 =	vmov s5;
	v5 =	vor.u32 v17, v49;
	v2 =	vld.idx.msk [tilespmem:v2+s28+$0x0], $0xffff  }
0x42d: {  	v1 =	vand.u32 $0xC, v1;
	v6 =	vor.u32 v17, v48;
	v3 =	vld.idx.msk [tilespmem:v3+s28+$0x0], $0xffff  }
0x42e: {  	v56 =	vbroadcast v1, $0x0;
	v1 =	vor.u32 v18, v54  }
0x42f: {  	v7 =	vor.u32 v19, v54  }
0x430: {  	s16 =	simm.s32 $0x8D00;
	v8 =	vor.u32 v17, v56;
	v4 =	vld.idx.msk [tilespmem:v4+s28+$0x0], $0xffff  }
0x431: {  	v9 =	vor.u32 v11, v48;
	v5 =	vld.idx.msk [tilespmem:v5+s28+$0x0], $0xffff;
	[tilespmem:s16+$0x180] =	vst v2  }
0x432: {  	v2 =	vld.idx.msk [tilespmem:v6+s28+$0x0], $0xffff;
	v6 =	vor.u32 v19, v49;
	[tilespmem:s16+$0xFFFFF980] =	vst v3  }
0x433: {  	v3 =	vor.u32 v11, v56;
	v1 =	vld.idx.msk [tilespmem:v1+s28+$0x0], $0xffff  }
0x434: {  	v10 =	vor.u32 v18, v49;
	v7 =	vld.idx.msk [tilespmem:v7+s28+$0x0], $0xffff  }
0x435: {  	[tilespmem:s16+$0xFFFFF880] =	vst v4;
	v4 =	vld.idx.msk [tilespmem:v8+s28+$0x0], $0xffff;
	v8 =	vor.u32 v20, v54  }
0x436: {  	v9 =	vld.idx.msk [tilespmem:v9+s28+$0x0], $0xffff;
	[tilespmem:s16+$0x80] =	vst v5;
	v5 =	vor.u32 v21, v54  }
0x437: {  	v12 =	vor.u32 v19, v48;
	v6 =	vld.idx.msk [tilespmem:v6+s28+$0x0], $0xffff;
	[tilespmem:s16+$0x100] =	vst v2  }
0x438: {  	v2 =	vor.u32 v18, v48;
	v3 =	vld.idx.msk [tilespmem:v3+s28+$0x0], $0xffff;
	[tilespmem:s16+$0xFFFFF990] =	vst v1  }
0x439: {  	v10 =	vld.idx.msk [tilespmem:v10+s28+$0x0], $0xffff;
	v1 =	vor.u32 v18, v56;
	[tilespmem:s16+$0x190] =	vst v7  }
0x43a: {  	[tilespmem:s16+$0x0] =	vst v4;
	v7 =	vor.u32 v20, v49;
	v4 =	vld.idx.msk [tilespmem:v8+s28+$0x0], $0xffff  }
0x43b: {  	[tilespmem:s16+$0xFFFFF900] =	vst v9;
	v8 =	vor.u32 v21, v49;
	v5 =	vld.idx.msk [tilespmem:v5+s28+$0x0], $0xffff  }
0x43c: {  	v9 =	vor.u32 v22, v54;
	[tilespmem:s16+$0x90] =	vst v6;
	v6 =	vld.idx.msk [tilespmem:v12+s28+$0x0], $0xffff  }
0x43d: {  	[tilespmem:s16+$0xFFFFF800] =	vst v3;
	v2 =	vld.idx.msk [tilespmem:v2+s28+$0x0], $0xffff;
	v3 =	vor.u32 v23, v54  }
0x43e: {  	v52 =	vor.u32 v19, v56;
	[tilespmem:s16+$0xFFFFF890] =	vst v10;
	v1 =	vld.idx.msk [tilespmem:v1+s28+$0x0], $0xffff  }
0x43f: {  	v10 =	vor.u32 v20, v48;
	v7 =	vld.idx.msk [tilespmem:v7+s28+$0x0], $0xffff;
	[tilespmem:s16+$0xFFFFF9A0] =	vst v4  }
0x440: {  	v4 =	vor.u32 v21, v48;
	[tilespmem:s16+$0x1A0] =	vst v5;
	v5 =	vld.idx.msk [tilespmem:v8+s28+$0x0], $0xffff  }
0x441: {  	s24 =	simm.s32 $0x4;
	v8 =	vor.u32 v22, v49;
	v9 =	vld.idx.msk [tilespmem:v9+s28+$0x0], $0xffff  }
0x442: {  	v14 =	vmov s24;
	v13 =	vor.u32 v23, v49;
	[tilespmem:s16+$0x110] =	vst v6;
	v3 =	vld.idx.msk [tilespmem:v3+s28+$0x0], $0xffff  }
0x443: {  	v14 =	vand.u32 $0xC, v14;
	v6 =	vld.idx.msk [tilespmem:v52+s28+$0x0], $0xffff;
	[tilespmem:s16+$0xFFFFF910] =	vst v2;
	v2 =	vor.u32 v24, v54  }
0x444: {  	v52 =	vbroadcast v14, $0x0;
	v10 =	vld.idx.msk [tilespmem:v10+s28+$0x0], $0xffff;
	[tilespmem:s16+$0xFFFFF8A0] =	vst v7;
	v7 =	vor.u32 v25, v54  }
0x445: {  	v4 =	vld.idx.msk [tilespmem:v4+s28+$0x0], $0xffff;
	[tilespmem:s16+$0xA0] =	vst v5;
	v5 =	vor.u32 v21, v56  }
0x446: {  	v59 =	vor.u32 v17, v52;
	[tilespmem:s16+$0xFFFFF9B0] =	vst v9;
	v8 =	vld.idx.msk [tilespmem:v8+s28+$0x0], $0xffff  }
0x447: {  	v9 =	vor.u32 v20, v56;
	[tilespmem:s16+$0x1B0] =	vst v3;
	v3 =	vld.idx.msk [tilespmem:v13+s28+$0x0], $0xffff  }
0x448: {  	[tilespmem:s16+$0x10] =	vst v6;
	v6 =	vor.u32 v25, v49;
	v2 =	vld.idx.msk [tilespmem:v2+s28+$0x0], $0xffff  }
0x449: {  	[tilespmem:s16+$0xFFFFF810] =	vst v1;
	v1 =	vld.idx.msk [tilespmem:v7+s28+$0x0], $0xffff;
	v7 =	vor.u32 v24, v49  }
0x44a: {  	[tilespmem:s16+$0xFFFFF920] =	vst v10;
	v10 =	vor.u32 v26, v54;
	v5 =	vld.idx.msk [tilespmem:v5+s28+$0x0], $0xffff  }
0x44b: {  	v13 =	vld.idx.msk [tilespmem:v59+s28+$0x0], $0xffff;
	[tilespmem:s16+$0xFFFFF8B0] =	vst v8;
	v8 =	vor.u32 v27, v54  }
0x44c: {  	v53 =	vor.u32 v22, v48;
	v9 =	vld.idx.msk [tilespmem:v9+s28+$0x0], $0xffff;
	[tilespmem:s16+$0xB0] =	vst v3  }
0x44d: {  	v3 =	vor.u32 v23, v48;
	[tilespmem:s16+$0xFFFFF9C0] =	vst v2;
	v2 =	vld.idx.msk [tilespmem:v6+s28+$0x0], $0xffff  }
0x44e: {  	s21 =	simm.s32 $0x5;
	v6 =	vor.u32 v22, v56;
	v7 =	vld.idx.msk [tilespmem:v7+s28+$0x0], $0xffff;
	[tilespmem:s16+$0x1C0] =	vst v1  }
0x44f: {  	s22 =	simm.s32 $0x6;
	[tilespmem:s16+$0x120] =	vst v4;
	v1 =	vor.u32 v26, v49;
	v4 =	vld.idx.msk [tilespmem:v10+s28+$0x0], $0xffff;
	v10 =	vmov s21  }
0x450: {  	v55 =	vmov s22;
	[tilespmem:s16+$0x20] =	vst v5;
	v5 =	vor.u32 v27, v49;
	v8 =	vld.idx.msk [tilespmem:v8+s28+$0x0], $0xffff;
	v10 =	vand.u32 $0xD, v10  }
0x451: {  	v12 =	vld.idx.msk [tilespmem:v53+s28+$0x0], $0xffff;
	[tilespmem:s16+$0xFFFFF820] =	vst v9;
	v9 =	vor.u32 v29, v54;
	v50 =	vbroadcast v10, $0x0;
	v10 =	vand.u32 $0xE, v55  }
0x452: {  	v3 =	vld.idx.msk [tilespmem:v3+s28+$0x0], $0xffff;
	v51 =	vbroadcast v10, $0x0;
	[tilespmem:s16+$0xC0] =	vst v2;
	v2 =	vor.u32 v23, v56  }
0x453: {  	v6 =	vld.idx.msk [tilespmem:v6+s28+$0x0], $0xffff;
	[tilespmem:s16+$0xFFFFF8C0] =	vst v7;
	v7 =	vor.u32 v11, v50  }
0x454: {  	s23 =	simm.s32 $0x7;
	v1 =	vld.idx.msk [tilespmem:v1+s28+$0x0], $0xffff;
	[tilespmem:s16+$0xFFFFF9D0] =	vst v4;
	v4 =	vor.u32 v17, v51  }
0x455: {  	v10 =	vmov s23;
	v57 =	vor.u32 v17, v50;
	v5 =	vld.idx.msk [tilespmem:v5+s28+$0x0], $0xffff;
	[tilespmem:s16+$0x1D0] =	vst v8  }
0x456: {  	v15 =	vor.u32 v11, v51;
	v8 =	vand.u32 $0xF, v10;
	v9 =	vld.idx.msk [tilespmem:v9+s28+$0x0], $0xffff  }
0x457: {  	v10 =	vor.u32 v28, v54;
	v53 =	vbroadcast v8, $0x0;
	v2 =	vld.idx.msk [tilespmem:v2+s28+$0x0], $0xffff  }
0x458: {  	v8 =	vor.u32 v28, v49;
	v7 =	vld.idx.msk [tilespmem:v7+s28+$0x0], $0xffff  }
0x459: {  	[tilespmem:s16+$0x130] =	vst v3;
	v58 =	vor.u32 v17, v53;
	v4 =	vld.idx.msk [tilespmem:v4+s28+$0x0], $0xffff  }
0x45a: {  	v16 =	vor.u32 v11, v53;
	[tilespmem:s16+$0xFFFFF8D0] =	vst v1;
	v1 =	vld.idx.msk [tilespmem:v57+s28+$0x0], $0xffff  }
0x45b: {  	[tilespmem:s16+$0xFFFFF830] =	vst v6;
	v60 =	vld.idx.msk [tilespmem:v15+s28+$0x0], $0xffff;
	v15 =	vor.u32 v24, v56  }
0x45c: {  	[tilespmem:s16+$0xD0] =	vst v5;
	v5 =	vld.idx.msk [tilespmem:v10+s28+$0x0], $0xffff;
	v10 =	vor.u32 v19, v50  }
0x45d: {  	s17 =	simm.s32 $0x8F00;
	v6 =	vor.u32 v18, v50;
	v8 =	vld.idx.msk [tilespmem:v8+s28+$0x0], $0xffff;
	[tilespmem:s16+$0x1E0] =	vst v9  }
0x45e: {  	v14 =	vld.idx.msk [tilespmem:v58+s28+$0x0], $0xffff;
	[tilespmem:s17+$0xFFFFF880] =	vst v7;
	v7 =	vor.u32 v25, v56  }
0x45f: {  	v3 =	vld.idx.msk [tilespmem:v16+s28+$0x0], $0xffff;
	v16 =	vor.u32 v11, v52;
	[tilespmem:s16+$0x30] =	vst v2  }
0x460: {  	v62 =	vor.u32 v31, v54;
	[tilespmem:s17+$0x80] =	vst v1;
	v2 =	vld.idx.msk [tilespmem:v15+s28+$0x0], $0xffff  }
0x461: {  	v1 =	vor.u32 v18, v53;
	[tilespmem:s17+$0x100] =	vst v4;
	v10 =	vld.idx.msk [tilespmem:v10+s28+$0x0], $0xffff  }
0x462: {  	v4 =	vor.u32 v19, v53;
	v6 =	vld.idx.msk [tilespmem:v6+s28+$0x0], $0xffff;
	[tilespmem:s16+$0xFFFFF9E0] =	vst v5  }
0x463: {  	v15 =	vor.u32 v29, v49;
	[tilespmem:s17+$0x180] =	vst v14;
	v7 =	vld.idx.msk [tilespmem:v7+s28+$0x0], $0xffff  }
0x464: {  	v5 =	vor.u32 v19, v51;
	v61 =	vld.idx.msk [tilespmem:v16+s28+$0x0], $0xffff;
	[tilespmem:s17+$0xFFFFF980] =	vst v3  }
0x465: {  	v3 =	vor.u32 v30, v54;
	[tilespmem:s17+$0x0] =	vst v13;
	v13 =	vld.idx.msk [tilespmem:v62+s28+$0x0], $0xffff  }
0x466: {  	[tilespmem:s16+$0xFFFFF930] =	vst v12;
	v16 =	vor.u32 v18, v51;
	v1 =	vld.idx.msk [tilespmem:v1+s28+$0x0], $0xffff  }
0x467: {  	v9 =	vor.u32 v18, v52;
	[tilespmem:s17+$0xFFFFF900] =	vst v60;
	v4 =	vld.idx.msk [tilespmem:v4+s28+$0x0], $0xffff  }
0x468: {  	v63 =	vld.idx.msk [tilespmem:v15+s28+$0x0], $0xffff;
	v15 =	vor.u32 v19, v52;
	[tilespmem:s16+$0xFFFFF840] =	vst v2  }
0x469: {  	[tilespmem:s17+$0x90] =	vst v10;
	v5 =	vld.idx.msk [tilespmem:v5+s28+$0x0], $0xffff;
	v10 =	vor.u32 v20, v53  }
0x46a: {  	v2 =	vld.idx.msk [tilespmem:v3+s28+$0x0], $0xffff;
	v3 =	vor.u32 v21, v53;
	[tilespmem:s17+$0xFFFFF800] =	vst v61  }
0x46b: {  	v32 =	vld.idx.msk [tilespmem:v16+s28+$0x0], $0xffff;
	[tilespmem:s16+$0x40] =	vst v7;
	v7 =	vor.u32 v25, v48  }
0x46c: {  	v16 =	vor.u32 v20, v50;
	[tilespmem:s17+$0xFFFFF990] =	vst v1;
	v9 =	vld.idx.msk [tilespmem:v9+s28+$0x0], $0xffff  }
0x46d: {  	v1 =	vor.u32 v26, v56;
	[tilespmem:s17+$0x190] =	vst v4;
	v15 =	vld.idx.msk [tilespmem:v15+s28+$0x0], $0xffff  }
0x46e: {  	v4 =	vor.u32 v30, v49;
	[tilespmem:s17+$0x110] =	vst v5;
	v5 =	vld.idx.msk [tilespmem:v10+s28+$0x0], $0xffff  }
0x46f: {  	[tilespmem:s16+$0xFFFFF8E0] =	vst v8;
	v8 =	vor.u32 v21, v51;
	v3 =	vld.idx.msk [tilespmem:v3+s28+$0x0], $0xffff  }
0x470: {  	[tilespmem:s17+$0xFFFFF890] =	vst v6;
	v10 =	vor.u32 v20, v51;
	v6 =	vld.idx.msk [tilespmem:v7+s28+$0x0], $0xffff  }
0x471: {  	[tilespmem:s16+$0x1F0] =	vst v13;
	v7 =	vor.u32 v21, v50;
	v34 =	vld.idx.msk [tilespmem:v16+s28+$0x0], $0xffff  }
0x472: {  	v33 =	vor.u32 v22, v53;
	[tilespmem:s16+$0xE0] =	vst v63;
	v1 =	vld.idx.msk [tilespmem:v1+s28+$0x0], $0xffff  }
0x473: {  	[tilespmem:s17+$0xFFFFF910] =	vst v32;
	v57 =	vld.idx.msk [tilespmem:v4+s28+$0x0], $0xffff;
	v4 =	vor.u32 v23, v53  }
0x474: {  	[tilespmem:s17+$0x10] =	vst v15;
	v15 =	vor.u32 v20, v52;
	v8 =	vld.idx.msk [tilespmem:v8+s28+$0x0], $0xffff  }
0x475: {  	v10 =	vld.idx.msk [tilespmem:v10+s28+$0x0], $0xffff;
	[tilespmem:s17+$0xFFFFF9A0] =	vst v5;
	v5 =	vor.u32 v24, v48  }
0x476: {  	v35 =	vor.u32 v22, v51;
	[tilespmem:s17+$0x1A0] =	vst v3;
	v7 =	vld.idx.msk [tilespmem:v7+s28+$0x0], $0xffff  }
0x477: {  	[tilespmem:s17+$0xFFFFF810] =	vst v9;
	v3 =	vor.u32 v21, v52;
	v9 =	vld.idx.msk [tilespmem:v33+s28+$0x0], $0xffff  }
0x478: {  	v54 =	vor.u32 v23, v51;
	[tilespmem:s16+$0xFFFFF9F0] =	vst v2;
	v4 =	vld.idx.msk [tilespmem:v4+s28+$0x0], $0xffff  }
0x479: {  	v55 =	vor.u32 v27, v56;
	v2 =	vld.idx.msk [tilespmem:v15+s28+$0x0], $0xffff;
	[tilespmem:s17+$0x120] =	vst v8  }
0x47a: {  	v15 =	vor.u32 v24, v53;
	[tilespmem:s17+$0xFFFFF920] =	vst v10;
	v5 =	vld.idx.msk [tilespmem:v5+s28+$0x0], $0xffff  }
0x47b: {  	[tilespmem:s17+$0xFFFFF8A0] =	vst v34;
	v10 =	vor.u32 v22, v50;
	v60 =	vld.idx.msk [tilespmem:v35+s28+$0x0], $0xffff  }
0x47c: {  	v8 =	vor.u32 v23, v50;
	v3 =	vld.idx.msk [tilespmem:v3+s28+$0x0], $0xffff;
	[tilespmem:s17+$0xA0] =	vst v7  }
0x47d: {  	v58 =	vld.idx.msk [tilespmem:v54+s28+$0x0], $0xffff;
	v7 =	vor.u32 v25, v53;
	[tilespmem:s17+$0xFFFFF9B0] =	vst v9  }
0x47e: {  	[tilespmem:s17+$0x1B0] =	vst v4;
	v4 =	vor.u32 v27, v48;
	v9 =	vld.idx.msk [tilespmem:v55+s28+$0x0], $0xffff  }
0x47f: {  	[tilespmem:s16+$0x140] =	vst v6;
	v6 =	vor.u32 v26, v48;
	v32 =	vld.idx.msk [tilespmem:v15+s28+$0x0], $0xffff  }
0x480: {  	v33 =	vor.u32 v22, v52;
	v10 =	vld.idx.msk [tilespmem:v10+s28+$0x0], $0xffff;
	[tilespmem:s16+$0xFFFFF940] =	vst v5  }
0x481: {  	v5 =	vor.u32 v28, v56;
	[tilespmem:s17+$0x20] =	vst v3;
	v3 =	vld.idx.msk [tilespmem:v8+s28+$0x0], $0xffff  }
0x482: {  	[tilespmem:s17+$0xFFFFF820] =	vst v2;
	v8 =	vor.u32 v29, v56;
	v15 =	vld.idx.msk [tilespmem:v7+s28+$0x0], $0xffff  }
0x483: {  	v34 =	vor.u32 v25, v50;
	[tilespmem:s16+$0xFFFFF850] =	vst v1;
	v4 =	vld.idx.msk [tilespmem:v4+s28+$0x0], $0xffff  }
0x484: {  	v1 =	vor.u32 v24, v50;
	[tilespmem:s16+$0x50] =	vst v9;
	v9 =	vld.idx.msk [tilespmem:v6+s28+$0x0], $0xffff  }
0x485: {  	v35 =	vor.u32 v26, v53;
	v59 =	vld.idx.msk [tilespmem:v33+s28+$0x0], $0xffff;
	[tilespmem:s17+$0xFFFFF9C0] =	vst v32  }
0x486: {  	[tilespmem:s17+$0xFFFFF8B0] =	vst v10;
	v2 =	vld.idx.msk [tilespmem:v5+s28+$0x0], $0xffff  }
0x487: {  	v7 =	vor.u32 v29, v48;
	[tilespmem:s17+$0xB0] =	vst v3;
	v3 =	vld.idx.msk [tilespmem:v8+s28+$0x0], $0xffff  }
0x488: {  	v54 =	vor.u32 v24, v51;
	v6 =	vor.u32 v27, v53;
	[tilespmem:s17+$0x1C0] =	vst v15;
	v63 =	vld.idx.msk [tilespmem:v34+s28+$0x0], $0xffff  }
0x489: {  	v55 =	vor.u32 v26, v50;
	v5 =	vor.u32 v28, v48;
	[tilespmem:s16+$0x150] =	vst v4;
	v62 =	vld.idx.msk [tilespmem:v1+s28+$0x0], $0xffff  }
0x48a: {  	s18 =	simm.s32 $0x8F00;
	s5 =	simm.s32 $0x8;
	v4 =	vor.u32 v30, v56;
	v61 =	vld.idx.msk [tilespmem:v35+s28+$0x0], $0xffff;
	v1 =	vor.u32 v31, v56;
	[tilespmem:s16+$0xFFFFF950] =	vst v9  }
.LBB2_12:
0x48b: {  	s14 =	sadd.s32 $0x1, s5  }
0x48c: {  	v8 =	vmov s5;
	p0 =	slt.u32 s5, $0xC;
	[tilespmem:s17+$0xFFFFF930] =	vst v60;
	v7 =	vld.idx.msk [tilespmem:v7+s28+$0x0], $0xffff;
	v9 =	vor.u32 v30, v48;
	v10 =	vor.u32 v31, v48;
	v48 =	vmovc v51;
	s19 =	smov.u32 s5;
	s5 =	sadd.s32 $0x4, s5  }
0x48d: {  	v13 =	vor.u32 v27, v50;
	v8 =	vand.u32 $0xC, v8;
	v12 =	vmov s14;
	v6 =	vld.idx.msk [tilespmem:v6+s28+$0x0], $0xffff;
	[tilespmem:s16+$0xFFFFF860] =	vst v2  }
0x48e: {  	s14 =	sadd.s32 $0x2, s19;
	v56 =	vbroadcast v8, $0x0;
	v2 =	vand.u32 $0xD, v12;
	[tilespmem:s16+$0x60] =	vst v3;
	v3 =	vor.u32 v31, v49;
	v5 =	vld.idx.msk [tilespmem:v5+s28+$0x0], $0xffff;
	v49 =	vmovc v50  }
0x48f: {  	v8 =	vor.u32 v29, v53;
	v50 =	vbroadcast v2, $0x0;
	v2 =	vmov s14;
	[tilespmem:s17+$0xC0] =	vst v63;
	v4 =	vld.idx.msk [tilespmem:v4+s28+$0x0], $0xffff  }
0x490: {  	v14 =	vor.u32 v23, v52;
	s14 =	sadd.s32 $0x3, s19;
	v12 =	vor.u32 v11, v56;
	v2 =	vand.u32 $0xE, v2;
	[tilespmem:s17+$0xFFFFF8C0] =	vst v62;
	v1 =	vld.idx.msk [tilespmem:v1+s28+$0x0], $0xffff  }
0x491: {  	v15 =	vor.u32 v11, v50;
	v51 =	vbroadcast v2, $0x0;
	v2 =	vmov s14;
	v16 =	vld.idx.msk [tilespmem:v55+s28+$0x0], $0xffff;
	[tilespmem:s17+$0xFFFFF9D0] =	vst v61  }
0x492: {  	v32 =	vor.u32 v17, v50;
	v55 =	vor.u32 v26, v50;
	v2 =	vand.u32 $0xF, v2;
	v13 =	vld.idx.msk [tilespmem:v13+s28+$0x0], $0xffff;
	[tilespmem:s16+$0x160] =	vst v7  }
0x493: {  	v7 =	vor.u32 v11, v51;
	v2 =	vbroadcast v2, $0x0;
	[tilespmem:s17+$0x1D0] =	vst v6;
	v3 =	vld.idx.msk [tilespmem:v3+s28+$0x0], $0xffff  }
0x494: {  	v6 =	vor.u32 v17, v51;
	v8 =	vld.idx.msk [tilespmem:v8+s28+$0x0], $0xffff;
	[tilespmem:s16+$0xFFFFF960] =	vst v5  }
0x495: {  	v5 =	vor.u32 v11, v2;
	[tilespmem:s16+$0xFFFFF8F0] =	vst v57;
	v9 =	vld.idx.msk [tilespmem:v9+s28+$0x0], $0xffff  }
0x496: {  	v34 =	vor.u32 v28, v53;
	v33 =	vor.u32 v17, v2;
	[tilespmem:s16+$0xFFFFF870] =	vst v4;
	v4 =	vld.idx.msk [tilespmem:v10+s28+$0x0], $0xffff  }
0x497: {  	v35 =	vor.u32 v28, v49;
	v10 =	vor.u32 v17, v56;
	v14 =	vld.idx.msk [tilespmem:v14+s28+$0x0], $0xffff;
	[tilespmem:s16+$0x70] =	vst v1  }
0x498: {  	v1 =	vld.idx.msk [tilespmem:v15+s28+$0x0], $0xffff;
	[tilespmem:s17+$0xFFFFF830] =	vst v59  }
0x499: {  	v15 =	vor.u32 v18, v50;
	v6 =	vld.idx.msk [tilespmem:v6+s28+$0x0], $0xffff;
	[tilespmem:s17+$0xFFFFF8D0] =	vst v16  }
0x49a: {  	v16 =	vld.idx.msk [tilespmem:v32+s28+$0x0], $0xffff;
	v32 =	vor.u32 v19, v50;
	[tilespmem:s17+$0xD0] =	vst v13  }
0x49b: {  	v13 =	vor.u32 v18, v51;
	s17 =	sadd.s32 $0x200, s17;
	v34 =	vld.idx.msk [tilespmem:v34+s28+$0x0], $0xffff;
	[tilespmem:s16+$0xF0] =	vst v3  }
0x49c: {  	v3 =	vor.u32 v19, v51;
	v35 =	vld.idx.msk [tilespmem:v35+s28+$0x0], $0xffff;
	[tilespmem:s16+$0x170] =	vst v4  }
0x49d: {  	v4 =	vld.idx.msk [tilespmem:v7+s28+$0x0], $0xffff;
	v7 =	vor.u32 v19, v2;
	[tilespmem:s16+$0xFFFFF970] =	vst v9;
	s16 =	smov.u32 s18;
	s18 =	smov.u32 s17  }
0x49e: {  	v57 =	vor.u32 v24, v52;
	v9 =	vld.idx.msk [tilespmem:v33+s28+$0x0], $0xffff;
	v33 =	vor.u32 v18, v2;
	[tilespmem:s16+$0x130] =	vst v58  }
0x49f: {  	v58 =	vor.u32 v19, v56;
	[tilespmem:s17+$0xFFFFF880] =	vst v1;
	v1 =	vld.idx.msk [tilespmem:v5+s28+$0x0], $0xffff;
	v5 =	vor.u32 v25, v52  }
0x4a0: {  	v59 =	vor.u32 v18, v56;
	v10 =	vld.idx.msk [tilespmem:v10+s28+$0x0], $0xffff;
	[tilespmem:s17+$0x80] =	vst v16  }
0x4a1: {  	v16 =	vld.idx.msk [tilespmem:v32+s28+$0x0], $0xffff;
	v32 =	vor.u32 v20, v50;
	[tilespmem:s17+$0x100] =	vst v6  }
0x4a2: {  	v6 =	vld.idx.msk [tilespmem:v15+s28+$0x0], $0xffff;
	v15 =	vor.u32 v21, v50;
	[tilespmem:s16+$0x30] =	vst v14  }
0x4a3: {  	v60 =	vor.u32 v29, v49;
	v14 =	vor.u32 v20, v51;
	v57 =	vld.idx.msk [tilespmem:v57+s28+$0x0], $0xffff;
	[tilespmem:s16+$0xFFFFF9E0] =	vst v34  }
0x4a4: {  	v34 =	vor.u32 v21, v51;
	[tilespmem:s17+$0x180] =	vst v9;
	v5 =	vld.idx.msk [tilespmem:v5+s28+$0x0], $0xffff  }
0x4a5: {  	v9 =	vld.idx.msk [tilespmem:v12+s28+$0x0], $0xffff;
	[tilespmem:s17+$0xFFFFF980] =	vst v1;
	v1 =	vor.u32 v20, v2;
	v12 =	vor.u32 v30, v53  }
0x4a6: {  	v61 =	vor.u32 v31, v53;
	v53 =	vmov v2;
	[tilespmem:s17+$0x0] =	vst v10;
	v10 =	vld.idx.msk [tilespmem:v33+s28+$0x0], $0xffff;
	v33 =	vor.u32 v21, v2  }
0x4a7: {  	v2 =	vor.u32 v20, v56;
	v7 =	vld.idx.msk [tilespmem:v7+s28+$0x0], $0xffff;
	[tilespmem:s16+$0x1E0] =	vst v8  }
0x4a8: {  	v8 =	vor.u32 v21, v56;
	[tilespmem:s17+$0xFFFFF900] =	vst v4;
	v4 =	vld.idx.msk [tilespmem:v60+s28+$0x0], $0xffff  }
0x4a9: {  	[tilespmem:s17+$0x90] =	vst v16;
	v16 =	vor.u32 v22, v50;
	v3 =	vld.idx.msk [tilespmem:v3+s28+$0x0], $0xffff  }
0x4aa: {  	v62 =	vor.u32 v23, v50;
	[tilespmem:s16+$0xFFFFF840] =	vst v57;
	v12 =	vld.idx.msk [tilespmem:v12+s28+$0x0], $0xffff  }
0x4ab: {  	[tilespmem:s17+$0xFFFFF800] =	vst v9;
	v9 =	vor.u32 v22, v51;
	v60 =	vld.idx.msk [tilespmem:v61+s28+$0x0], $0xffff  }
0x4ac: {  	v61 =	vor.u32 v23, v51;
	v13 =	vld.idx.msk [tilespmem:v13+s28+$0x0], $0xffff;
	[tilespmem:s17+$0xFFFFF990] =	vst v10;
	v10 =	vor.u32 v26, v52  }
0x4ad: {  	v57 =	vor.u32 v30, v49;
	v59 =	vld.idx.msk [tilespmem:v59+s28+$0x0], $0xffff;
	[tilespmem:s17+$0x190] =	vst v7;
	v7 =	vor.u32 v22, v53  }
0x4ae: {  	v63 =	vor.u32 v23, v53;
	v58 =	vld.idx.msk [tilespmem:v58+s28+$0x0], $0xffff;
	[tilespmem:s16+$0x40] =	vst v5;
	v5 =	vor.u32 v25, v48  }
0x4af: {  	[tilespmem:s17+$0x110] =	vst v3;
	v1 =	vld.idx.msk [tilespmem:v1+s28+$0x0], $0xffff  }
0x4b0: {  	v3 =	vld.idx.msk [tilespmem:v33+s28+$0x0], $0xffff;
	[tilespmem:s16+$0xFFFFF8E0] =	vst v35  }
0x4b1: {  	v10 =	vld.idx.msk [tilespmem:v10+s28+$0x0], $0xffff;
	[tilespmem:s16+$0xE0] =	vst v4  }
0x4b2: {  	[tilespmem:s17+$0xFFFFF890] =	vst v6;
	v57 =	vld.idx.msk [tilespmem:v57+s28+$0x0], $0xffff  }
0x4b3: {  	v4 =	vor.u32 v24, v51;
	[tilespmem:s17+$0xFFFFF910] =	vst v13;
	v5 =	vld.idx.msk [tilespmem:v5+s28+$0x0], $0xffff  }
0x4b4: {  	[tilespmem:s17+$0x10] =	vst v58;
	v6 =	vld.idx.msk [tilespmem:v32+s28+$0x0], $0xffff  }
0x4b5: {  	v13 =	vld.idx.msk [tilespmem:v14+s28+$0x0], $0xffff;
	[tilespmem:s17+$0xFFFFF9A0] =	vst v1;
	v1 =	vor.u32 v24, v53  }
0x4b6: {  	v14 =	vld.idx.msk [tilespmem:v34+s28+$0x0], $0xffff;
	[tilespmem:s17+$0x1A0] =	vst v3  }
0x4b7: {  	[tilespmem:s17+$0xFFFFF810] =	vst v59;
	v3 =	vld.idx.msk [tilespmem:v7+s28+$0x0], $0xffff  }
0x4b8: {  	v7 =	vld.idx.msk [tilespmem:v63+s28+$0x0], $0xffff;
	[tilespmem:s16+$0x1F0] =	vst v60  }
0x4b9: {  	v15 =	vld.idx.msk [tilespmem:v15+s28+$0x0], $0xffff;
	[tilespmem:s16+$0xFFFFF9F0] =	vst v12  }
0x4ba: {  	v2 =	vld.idx.msk [tilespmem:v2+s28+$0x0], $0xffff;
	[tilespmem:s17+$0xFFFFF8A0] =	vst v6;
	v6 =	vor.u32 v27, v52  }
0x4bb: {  	[tilespmem:s17+$0xFFFFF920] =	vst v13;
	v12 =	vld.idx.msk [tilespmem:v54+s28+$0x0], $0xffff;
	v54 =	vmov v4  }
0x4bc: {  	v4 =	vld.idx.msk [tilespmem:v8+s28+$0x0], $0xffff;
	[tilespmem:s17+$0x120] =	vst v14  }
0x4bd: {  	v60 =	vld.idx.msk [tilespmem:v9+s28+$0x0], $0xffff;
	[tilespmem:s17+$0xFFFFF9B0] =	vst v3  }
0x4be: {  	v3 =	vor.u32 v27, v48;
	v58 =	vld.idx.msk [tilespmem:v61+s28+$0x0], $0xffff;
	[tilespmem:s17+$0x1B0] =	vst v7  }
0x4bf: {  	v7 =	vor.u32 v25, v53;
	[tilespmem:s17+$0xA0] =	vst v15;
	v6 =	vld.idx.msk [tilespmem:v6+s28+$0x0], $0xffff  }
0x4c0: {  	v1 =	vld.idx.msk [tilespmem:v1+s28+$0x0], $0xffff;
	[tilespmem:s16+$0x140] =	vst v5;
	v5 =	vor.u32 v26, v48  }
0x4c1: {  	v8 =	vor.u32 v22, v56;
	v9 =	vld.idx.msk [tilespmem:v16+s28+$0x0], $0xffff;
	[tilespmem:s16+$0xFFFFF940] =	vst v12  }
0x4c2: {  	v12 =	vor.u32 v28, v52;
	[tilespmem:s17+$0x20] =	vst v4;
	v4 =	vld.idx.msk [tilespmem:v62+s28+$0x0], $0xffff  }
0x4c3: {  	v13 =	vor.u32 v29, v52;
	[tilespmem:s17+$0xFFFFF820] =	vst v2;
	v14 =	vld.idx.msk [tilespmem:v3+s28+$0x0], $0xffff  }
0x4c4: {  	v15 =	vor.u32 v25, v50;
	v16 =	vld.idx.msk [tilespmem:v7+s28+$0x0], $0xffff;
	[tilespmem:s16+$0xFFFFF850] =	vst v10  }
0x4c5: {  	v10 =	vor.u32 v24, v50;
	[tilespmem:s16+$0x50] =	vst v6;
	v32 =	vld.idx.msk [tilespmem:v5+s28+$0x0], $0xffff  }
0x4c6: {  	v59 =	vld.idx.msk [tilespmem:v8+s28+$0x0], $0xffff;
	[tilespmem:s17+$0xFFFFF9C0] =	vst v1;
	v1 =	vor.u32 v26, v53  }
.Ltmp5:
0x4c7: {  	v7 =	vor.u32 v29, v48;
	[tilespmem:s17+$0xFFFFF8B0] =	vst v9;
	v2 =	vld.idx.msk [tilespmem:v12+s28+$0x0], $0xffff;
	(pc) =	sbr.rel @p0 .LBB2_12-.Ltmp5, $4  }
0x4c8: {  	v6 =	vor.u32 v27, v53;
	[tilespmem:s17+$0xB0] =	vst v4;
	v3 =	vld.idx.msk [tilespmem:v13+s28+$0x0], $0xffff  }
0x4c9: {  	v5 =	vor.u32 v28, v48;
	v63 =	vld.idx.msk [tilespmem:v15+s28+$0x0], $0xffff;
	[tilespmem:s16+$0x150] =	vst v14  }
0x4ca: {  	v4 =	vor.u32 v30, v52;
	v62 =	vld.idx.msk [tilespmem:v10+s28+$0x0], $0xffff;
	[tilespmem:s17+$0x1C0] =	vst v16  }
0x4cb: {  	v61 =	vld.idx.msk [tilespmem:v1+s28+$0x0], $0xffff;
	v1 =	vor.u32 v31, v52;
	[tilespmem:s16+$0xFFFFF950] =	vst v32;
	v52 =	vmov v56  }
0x4cc: {  	_ =	sdelay $0x2  }
0x4cd: {  	[tilespmem:s16+$0xFFFFF860] =	vst v2  }
0x4ce: {  	v2 =	vld.idx.msk [tilespmem:v6+s28+$0x0], $0xffff;
	[tilespmem:s16+$0x60] =	vst v3;
	v3 =	vor.u32 v23, v52  }
0x4cf: {  	[tilespmem:s17+$0xFFFFF930] =	vst v60;
	v7 =	vld.idx.msk [tilespmem:v7+s28+$0x0], $0xffff;
	v6 =	vor.u32 v31, v49  }
0x4d0: {  	v5 =	vld.idx.msk [tilespmem:v5+s28+$0x0], $0xffff;
	[tilespmem:s18+$0x130] =	vst v58  }
0x4d1: {  	[tilespmem:s17+$0xC0] =	vst v63  }
0x4d2: {  	v4 =	vld.idx.msk [tilespmem:v4+s28+$0x0], $0xffff;
	[tilespmem:s17+$0xFFFFF8C0] =	vst v62  }
0x4d3: {  	v8 =	vor.u32 v27, v50;
	[tilespmem:s17+$0x1D0] =	vst v2;
	v2 =	vld.idx.msk [tilespmem:v3+s28+$0x0], $0xffff  }
0x4d4: {  	[tilespmem:s16+$0x160] =	vst v7;
	v3 =	vld.idx.msk [tilespmem:v6+s28+$0x0], $0xffff  }
0x4d5: {  	v1 =	vld.idx.msk [tilespmem:v1+s28+$0x0], $0xffff;
	[tilespmem:s16+$0xFFFFF960] =	vst v5;
	v5 =	vor.u32 v24, v52  }
0x4d6: {  	v7 =	vor.u32 v25, v52;
	v6 =	vld.idx.msk [tilespmem:v55+s28+$0x0], $0xffff;
	[tilespmem:s17+$0xFFFFF830] =	vst v59  }
0x4d7: {  	v9 =	vor.u32 v31, v48;
	[tilespmem:s16+$0xFFFFF870] =	vst v4  }
0x4d8: {  	v4 =	vld.idx.msk [tilespmem:v8+s28+$0x0], $0xffff;
	v8 =	vor.u32 v25, v51;
	[tilespmem:s18+$0x30] =	vst v2  }
0x4d9: {  	[tilespmem:s16+$0xF0] =	vst v3;
	v3 =	vld.idx.msk [tilespmem:v54+s28+$0x0], $0xffff  }
0x4da: {  	[tilespmem:s16+$0x70] =	vst v1;
	v2 =	vor.u32 v30, v48;
	v1 =	vld.idx.msk [tilespmem:v5+s28+$0x0], $0xffff  }
0x4db: {  	[tilespmem:s17+$0xFFFFF8D0] =	vst v6;
	v5 =	vor.u32 v28, v53;
	v6 =	vld.idx.msk [tilespmem:v7+s28+$0x0], $0xffff  }
0x4dc: {  	[tilespmem:s17+$0xFFFFF9D0] =	vst v61;
	v7 =	vld.idx.msk [tilespmem:v9+s28+$0x0], $0xffff;
	v9 =	vor.u32 v26, v52  }
0x4dd: {  	[tilespmem:s17+$0xD0] =	vst v4;
	v4 =	vld.idx.msk [tilespmem:v8+s28+$0x0], $0xffff;
	v8 =	vor.u32 v27, v52  }
0x4de: {  	v10 =	vor.u32 v29, v53;
	[tilespmem:s16+$0xFFFFF8F0] =	vst v57  }
0x4df: {  	v2 =	vld.idx.msk [tilespmem:v2+s28+$0x0], $0xffff;
	[tilespmem:s18+$0xFFFFF840] =	vst v1;
	v1 =	vor.u32 v27, v51  }
0x4e0: {  	v5 =	vld.idx.msk [tilespmem:v5+s28+$0x0], $0xffff;
	[tilespmem:s18+$0x40] =	vst v6;
	v6 =	vor.u32 v26, v51  }
0x4e1: {  	v12 =	vor.u32 v28, v50;
	[tilespmem:s16+$0x170] =	vst v7;
	v7 =	vld.idx.msk [tilespmem:v9+s28+$0x0], $0xffff  }
0x4e2: {  	[tilespmem:s18+$0xFFFFF940] =	vst v3;
	v9 =	vor.u32 v29, v50;
	v8 =	vld.idx.msk [tilespmem:v8+s28+$0x0], $0xffff  }
0x4e3: {  	v3 =	vor.u32 v28, v52;
	[tilespmem:s18+$0x140] =	vst v4;
	v4 =	vld.idx.msk [tilespmem:v10+s28+$0x0], $0xffff  }
0x4e4: {  	[tilespmem:s16+$0xFFFFF970] =	vst v2;
	v2 =	vor.u32 v29, v52;
	v1 =	vld.idx.msk [tilespmem:v1+s28+$0x0], $0xffff  }
0x4e5: {  	[tilespmem:s18+$0xFFFFF9E0] =	vst v5;
	v5 =	vor.u32 v31, v53;
	v6 =	vld.idx.msk [tilespmem:v6+s28+$0x0], $0xffff  }
0x4e6: {  	v10 =	vld.idx.msk [tilespmem:v12+s28+$0x0], $0xffff;
	[tilespmem:s18+$0xFFFFF850] =	vst v7;
	v7 =	vor.u32 v29, v51  }
0x4e7: {  	v9 =	vld.idx.msk [tilespmem:v9+s28+$0x0], $0xffff;
	[tilespmem:s18+$0x50] =	vst v8;
	v8 =	vor.u32 v28, v51  }
0x4e8: {  	v33 =	vor.u32 v30, v53;
	[tilespmem:s18+$0x1E0] =	vst v4;
	v3 =	vld.idx.msk [tilespmem:v3+s28+$0x0], $0xffff  }
0x4e9: {  	v4 =	vor.u32 v30, v50;
	v2 =	vld.idx.msk [tilespmem:v2+s28+$0x0], $0xffff;
	[tilespmem:s18+$0x150] =	vst v1  }
0x4ea: {  	v1 =	vld.idx.msk [tilespmem:v5+s28+$0x0], $0xffff;
	v5 =	vor.u32 v30, v52;
	[tilespmem:s18+$0xFFFFF950] =	vst v6  }
0x4eb: {  	[tilespmem:s18+$0xFFFFF8E0] =	vst v10;
	v6 =	vor.u32 v31, v52;
	v7 =	vld.idx.msk [tilespmem:v7+s28+$0x0], $0xffff  }
0x4ec: {  	[tilespmem:s18+$0xE0] =	vst v9;
	v9 =	vor.u32 v31, v50;
	v8 =	vld.idx.msk [tilespmem:v8+s28+$0x0], $0xffff  }
0x4ed: {  	v34 =	vor.u32 v31, v51;
	v10 =	vld.idx.msk [tilespmem:v33+s28+$0x0], $0xffff;
	[tilespmem:s18+$0xFFFFF860] =	vst v3  }
0x4ee: {  	v3 =	vld.idx.msk [tilespmem:v4+s28+$0x0], $0xffff;
	v4 =	vor.u32 v30, v51;
	[tilespmem:s18+$0x60] =	vst v2  }
0x4ef: {  	[tilespmem:s18+$0x1F0] =	vst v1;
	v1 =	vld.idx.msk [tilespmem:v5+s28+$0x0], $0xffff  }
0x4f0: {  	v2 =	vld.idx.msk [tilespmem:v6+s28+$0x0], $0xffff;
	[tilespmem:s18+$0x160] =	vst v7  }
0x4f1: {  	v5 =	vld.idx.msk [tilespmem:v9+s28+$0x0], $0xffff;
	[tilespmem:s18+$0xFFFFF960] =	vst v8  }
0x4f2: {  	[tilespmem:s18+$0xFFFFF9F0] =	vst v10;
	v6 =	vld.idx.msk [tilespmem:v34+s28+$0x0], $0xffff  }
0x4f3: {  	[tilespmem:s18+$0xFFFFF8F0] =	vst v3;
	v3 =	vld.idx.msk [tilespmem:v4+s28+$0x0], $0xffff  }
0x4f4: {  	[tilespmem:s18+$0xFFFFF870] =	vst v1  }
0x4f5: {  	[tilespmem:s18+$0x70] =	vst v2  }
0x4f6: {  	[tilespmem:s18+$0xF0] =	vst v5  }
0x4f7: {  	[tilespmem:s18+$0x170] =	vst v6  }
0x4f8: {  	[tilespmem:s18+$0xFFFFF970] =	vst v3  }
0x4f9: {  	s5 =	simm.s32 $0x0;
	s14 =	rddreg [dreg:$0x4]  }
0x4fa: {  	[hbm4b:s14+s5] =	stream.linear.scatter [tilespmem:s0], [sflag:$0x2], $0x400, $0x38;
	[tilespmem:$0xA500] =	vst v63  }
0x4fb: {  	s24 =	rddreg [dreg:$0x6]  }
0x4fc: {  	[hbm4b:s24+s5] =	stream.linear.scatter [tilespmem:s1], [sflag:$0x2], $0x400, $0x38;
	[tilespmem:$0xA500] =	vst v63  }
0x4fd: {  	s16 =	rddreg [dreg:$0x8]  }
0x4fe: {  	[hbm4b:s16+s5] =	stream.linear.scatter [tilespmem:s6], [sflag:$0x2], $0x400, $0x38;
	[tilespmem:$0xA500] =	vst v63  }
0x4ff: {  	s17 =	rddreg [dreg:$0xa]  }
0x500: {  	[hbm4b:s17+s5] =	stream.linear.scatter [tilespmem:s7], [sflag:$0x2], $0x400, $0x38;
	[tilespmem:$0xA500] =	vst v63  }
0x501: {  	_ =	swait.ge [sflag:s31], $0x1000  }
0x502: {  	[sflag:s31] =	ssyncset.done $0x0  }
0x503: {  	[sflag:s31] =	ssyncadd.s32 $0xFFFFF000  }
0x504: {  	_ =	swait.ge [sflag:s13], $0x400  }
0x505: {  	[sflag:s13] =	ssyncset.done $0x0  }
0x506: {  	s18 =	simm.s32 $0x3;
	[sflag:s13] =	ssyncadd.s32 $0xFFFFFC00  }
0x507: {  	v1 =	vmov s18;
	_ =	swait.ge [sflag:s13], $0x400  }
0x508: {  	v1 =	vand.u32 $0xF, v1;
	[sflag:s13] =	ssyncset.done $0x0  }
0x509: {  	v35 =	vbroadcast v1, $0x0;
	[sflag:s13] =	ssyncadd.s32 $0xFFFFFC00  }
0x50a: {  	s19 =	simm.s32 $0x1;
	_ =	swait.ge [sflag:s13], $0x400  }
0x50b: {  	v1 =	vmov s19;
	v2 =	vor.u32 v17, v35;
	[sflag:s13] =	ssyncset.done $0x0  }
0x50c: {  	s20 =	simm.s32 $0x2;
	v1 =	vand.u32 $0xD, v1;
	v3 =	vor.u32 v11, v35;
	[sflag:s13] =	ssyncadd.s32 $0xFFFFFC00  }
0x50d: {  	v49 =	vbroadcast v1, $0x0;
	v1 =	vmov s20;
	_ =	swait.ge [sflag:s13], $0x400  }
0x50e: {  	v1 =	vand.u32 $0xE, v1;
	[sflag:s13] =	ssyncset.done $0x0  }
0x50f: {  	v4 =	vor.u32 v11, v49;
	v48 =	vbroadcast v1, $0x0;
	[sflag:s13] =	ssyncadd.s32 $0xFFFFFC00  }
0x510: {  	v1 =	vmov s5;
	v5 =	vor.u32 v17, v49;
	v2 =	vld.idx.msk [tilespmem:v2+s30+$0x0], $0xffff  }
0x511: {  	v1 =	vand.u32 $0xC, v1;
	v6 =	vor.u32 v17, v48;
	v3 =	vld.idx.msk [tilespmem:v3+s30+$0x0], $0xffff  }
0x512: {  	v56 =	vbroadcast v1, $0x0;
	v1 =	vor.u32 v18, v35  }
0x513: {  	v7 =	vor.u32 v19, v35  }
0x514: {  	s16 =	simm.s32 $0x9D00;
	v8 =	vor.u32 v17, v56;
	v4 =	vld.idx.msk [tilespmem:v4+s30+$0x0], $0xffff  }
0x515: {  	v9 =	vor.u32 v11, v48;
	v5 =	vld.idx.msk [tilespmem:v5+s30+$0x0], $0xffff;
	[tilespmem:s16+$0x180] =	vst v2  }
0x516: {  	v2 =	vld.idx.msk [tilespmem:v6+s30+$0x0], $0xffff;
	v6 =	vor.u32 v19, v49;
	[tilespmem:s16+$0xFFFFF980] =	vst v3  }
0x517: {  	v3 =	vor.u32 v11, v56;
	v1 =	vld.idx.msk [tilespmem:v1+s30+$0x0], $0xffff  }
0x518: {  	v10 =	vor.u32 v18, v49;
	v7 =	vld.idx.msk [tilespmem:v7+s30+$0x0], $0xffff  }
0x519: {  	[tilespmem:s16+$0xFFFFF880] =	vst v4;
	v4 =	vld.idx.msk [tilespmem:v8+s30+$0x0], $0xffff;
	v8 =	vor.u32 v20, v35  }
0x51a: {  	v9 =	vld.idx.msk [tilespmem:v9+s30+$0x0], $0xffff;
	[tilespmem:s16+$0x80] =	vst v5;
	v5 =	vor.u32 v21, v35  }
0x51b: {  	v51 =	vor.u32 v19, v48;
	v6 =	vld.idx.msk [tilespmem:v6+s30+$0x0], $0xffff;
	[tilespmem:s16+$0x100] =	vst v2  }
0x51c: {  	v2 =	vor.u32 v18, v48;
	v3 =	vld.idx.msk [tilespmem:v3+s30+$0x0], $0xffff;
	[tilespmem:s16+$0xFFFFF990] =	vst v1  }
0x51d: {  	v10 =	vld.idx.msk [tilespmem:v10+s30+$0x0], $0xffff;
	v1 =	vor.u32 v18, v56;
	[tilespmem:s16+$0x190] =	vst v7  }
0x51e: {  	[tilespmem:s16+$0x0] =	vst v4;
	v7 =	vor.u32 v20, v49;
	v4 =	vld.idx.msk [tilespmem:v8+s30+$0x0], $0xffff  }
0x51f: {  	[tilespmem:s16+$0xFFFFF900] =	vst v9;
	v8 =	vor.u32 v21, v49;
	v5 =	vld.idx.msk [tilespmem:v5+s30+$0x0], $0xffff  }
0x520: {  	v9 =	vor.u32 v22, v35;
	[tilespmem:s16+$0x90] =	vst v6;
	v6 =	vld.idx.msk [tilespmem:v51+s30+$0x0], $0xffff  }
0x521: {  	[tilespmem:s16+$0xFFFFF800] =	vst v3;
	v2 =	vld.idx.msk [tilespmem:v2+s30+$0x0], $0xffff;
	v3 =	vor.u32 v23, v35  }
0x522: {  	v52 =	vor.u32 v19, v56;
	[tilespmem:s16+$0xFFFFF890] =	vst v10;
	v1 =	vld.idx.msk [tilespmem:v1+s30+$0x0], $0xffff  }
0x523: {  	v10 =	vor.u32 v20, v48;
	v7 =	vld.idx.msk [tilespmem:v7+s30+$0x0], $0xffff;
	[tilespmem:s16+$0xFFFFF9A0] =	vst v4  }
0x524: {  	v4 =	vor.u32 v21, v48;
	[tilespmem:s16+$0x1A0] =	vst v5;
	v5 =	vld.idx.msk [tilespmem:v8+s30+$0x0], $0xffff  }
0x525: {  	s24 =	simm.s32 $0x4;
	v8 =	vor.u32 v22, v49;
	v9 =	vld.idx.msk [tilespmem:v9+s30+$0x0], $0xffff  }
0x526: {  	v14 =	vmov s24;
	v13 =	vor.u32 v23, v49;
	[tilespmem:s16+$0x110] =	vst v6;
	v3 =	vld.idx.msk [tilespmem:v3+s30+$0x0], $0xffff  }
0x527: {  	v14 =	vand.u32 $0xC, v14;
	v6 =	vld.idx.msk [tilespmem:v52+s30+$0x0], $0xffff;
	[tilespmem:s16+$0xFFFFF910] =	vst v2;
	v2 =	vor.u32 v24, v35  }
0x528: {  	v52 =	vbroadcast v14, $0x0;
	v10 =	vld.idx.msk [tilespmem:v10+s30+$0x0], $0xffff;
	[tilespmem:s16+$0xFFFFF8A0] =	vst v7;
	v7 =	vor.u32 v25, v35  }
0x529: {  	v4 =	vld.idx.msk [tilespmem:v4+s30+$0x0], $0xffff;
	[tilespmem:s16+$0xA0] =	vst v5;
	v5 =	vor.u32 v21, v56  }
0x52a: {  	v59 =	vor.u32 v17, v52;
	[tilespmem:s16+$0xFFFFF9B0] =	vst v9;
	v8 =	vld.idx.msk [tilespmem:v8+s30+$0x0], $0xffff  }
0x52b: {  	v9 =	vor.u32 v20, v56;
	[tilespmem:s16+$0x1B0] =	vst v3;
	v3 =	vld.idx.msk [tilespmem:v13+s30+$0x0], $0xffff  }
0x52c: {  	[tilespmem:s16+$0x10] =	vst v6;
	v6 =	vor.u32 v25, v49;
	v2 =	vld.idx.msk [tilespmem:v2+s30+$0x0], $0xffff  }
0x52d: {  	[tilespmem:s16+$0xFFFFF810] =	vst v1;
	v1 =	vld.idx.msk [tilespmem:v7+s30+$0x0], $0xffff;
	v7 =	vor.u32 v24, v49  }
0x52e: {  	[tilespmem:s16+$0xFFFFF920] =	vst v10;
	v10 =	vor.u32 v26, v35;
	v5 =	vld.idx.msk [tilespmem:v5+s30+$0x0], $0xffff  }
0x52f: {  	v13 =	vld.idx.msk [tilespmem:v59+s30+$0x0], $0xffff;
	[tilespmem:s16+$0xFFFFF8B0] =	vst v8;
	v8 =	vor.u32 v27, v35  }
0x530: {  	v53 =	vor.u32 v22, v48;
	v9 =	vld.idx.msk [tilespmem:v9+s30+$0x0], $0xffff;
	[tilespmem:s16+$0xB0] =	vst v3  }
0x531: {  	v3 =	vor.u32 v23, v48;
	[tilespmem:s16+$0xFFFFF9C0] =	vst v2;
	v2 =	vld.idx.msk [tilespmem:v6+s30+$0x0], $0xffff  }
0x532: {  	s21 =	simm.s32 $0x5;
	v6 =	vor.u32 v22, v56;
	v7 =	vld.idx.msk [tilespmem:v7+s30+$0x0], $0xffff;
	[tilespmem:s16+$0x1C0] =	vst v1  }
0x533: {  	s22 =	simm.s32 $0x6;
	[tilespmem:s16+$0x120] =	vst v4;
	v1 =	vor.u32 v26, v49;
	v4 =	vld.idx.msk [tilespmem:v10+s30+$0x0], $0xffff;
	v10 =	vmov s21  }
0x534: {  	v55 =	vmov s22;
	[tilespmem:s16+$0x20] =	vst v5;
	v5 =	vor.u32 v27, v49;
	v8 =	vld.idx.msk [tilespmem:v8+s30+$0x0], $0xffff;
	v10 =	vand.u32 $0xD, v10  }
0x535: {  	v12 =	vld.idx.msk [tilespmem:v53+s30+$0x0], $0xffff;
	[tilespmem:s16+$0xFFFFF820] =	vst v9;
	v9 =	vor.u32 v29, v35;
	v50 =	vbroadcast v10, $0x0;
	v10 =	vand.u32 $0xE, v55  }
0x536: {  	v3 =	vld.idx.msk [tilespmem:v3+s30+$0x0], $0xffff;
	v51 =	vbroadcast v10, $0x0;
	[tilespmem:s16+$0xC0] =	vst v2;
	v2 =	vor.u32 v23, v56  }
0x537: {  	v6 =	vld.idx.msk [tilespmem:v6+s30+$0x0], $0xffff;
	[tilespmem:s16+$0xFFFFF8C0] =	vst v7;
	v7 =	vor.u32 v11, v50  }
0x538: {  	s23 =	simm.s32 $0x7;
	v1 =	vld.idx.msk [tilespmem:v1+s30+$0x0], $0xffff;
	[tilespmem:s16+$0xFFFFF9D0] =	vst v4;
	v4 =	vor.u32 v17, v51  }
0x539: {  	v10 =	vmov s23;
	v57 =	vor.u32 v17, v50;
	v5 =	vld.idx.msk [tilespmem:v5+s30+$0x0], $0xffff;
	[tilespmem:s16+$0x1D0] =	vst v8  }
0x53a: {  	v15 =	vor.u32 v11, v51;
	v8 =	vand.u32 $0xF, v10;
	v9 =	vld.idx.msk [tilespmem:v9+s30+$0x0], $0xffff  }
0x53b: {  	v10 =	vor.u32 v28, v35;
	v53 =	vbroadcast v8, $0x0;
	v2 =	vld.idx.msk [tilespmem:v2+s30+$0x0], $0xffff  }
0x53c: {  	v8 =	vor.u32 v28, v49;
	v7 =	vld.idx.msk [tilespmem:v7+s30+$0x0], $0xffff  }
0x53d: {  	[tilespmem:s16+$0x130] =	vst v3;
	v58 =	vor.u32 v17, v53;
	v4 =	vld.idx.msk [tilespmem:v4+s30+$0x0], $0xffff  }
0x53e: {  	v16 =	vor.u32 v11, v53;
	[tilespmem:s16+$0xFFFFF8D0] =	vst v1;
	v1 =	vld.idx.msk [tilespmem:v57+s30+$0x0], $0xffff  }
0x53f: {  	[tilespmem:s16+$0xFFFFF830] =	vst v6;
	v60 =	vld.idx.msk [tilespmem:v15+s30+$0x0], $0xffff;
	v15 =	vor.u32 v24, v56  }
0x540: {  	[tilespmem:s16+$0xD0] =	vst v5;
	v5 =	vld.idx.msk [tilespmem:v10+s30+$0x0], $0xffff;
	v10 =	vor.u32 v19, v50  }
0x541: {  	s17 =	simm.s32 $0x9F00;
	v6 =	vor.u32 v18, v50;
	v8 =	vld.idx.msk [tilespmem:v8+s30+$0x0], $0xffff;
	[tilespmem:s16+$0x1E0] =	vst v9  }
0x542: {  	v14 =	vld.idx.msk [tilespmem:v58+s30+$0x0], $0xffff;
	[tilespmem:s17+$0xFFFFF880] =	vst v7;
	v7 =	vor.u32 v25, v56  }
0x543: {  	v3 =	vld.idx.msk [tilespmem:v16+s30+$0x0], $0xffff;
	v16 =	vor.u32 v11, v52;
	[tilespmem:s16+$0x30] =	vst v2  }
0x544: {  	v62 =	vor.u32 v31, v35;
	[tilespmem:s17+$0x80] =	vst v1;
	v2 =	vld.idx.msk [tilespmem:v15+s30+$0x0], $0xffff  }
0x545: {  	v1 =	vor.u32 v18, v53;
	[tilespmem:s17+$0x100] =	vst v4;
	v10 =	vld.idx.msk [tilespmem:v10+s30+$0x0], $0xffff  }
0x546: {  	v4 =	vor.u32 v19, v53;
	v6 =	vld.idx.msk [tilespmem:v6+s30+$0x0], $0xffff;
	[tilespmem:s16+$0xFFFFF9E0] =	vst v5  }
0x547: {  	v15 =	vor.u32 v29, v49;
	[tilespmem:s17+$0x180] =	vst v14;
	v7 =	vld.idx.msk [tilespmem:v7+s30+$0x0], $0xffff  }
0x548: {  	v5 =	vor.u32 v19, v51;
	v61 =	vld.idx.msk [tilespmem:v16+s30+$0x0], $0xffff;
	[tilespmem:s17+$0xFFFFF980] =	vst v3  }
0x549: {  	v3 =	vor.u32 v30, v35;
	[tilespmem:s17+$0x0] =	vst v13;
	v13 =	vld.idx.msk [tilespmem:v62+s30+$0x0], $0xffff  }
0x54a: {  	[tilespmem:s16+$0xFFFFF930] =	vst v12;
	v16 =	vor.u32 v18, v51;
	v1 =	vld.idx.msk [tilespmem:v1+s30+$0x0], $0xffff  }
0x54b: {  	v9 =	vor.u32 v18, v52;
	[tilespmem:s17+$0xFFFFF900] =	vst v60;
	v4 =	vld.idx.msk [tilespmem:v4+s30+$0x0], $0xffff  }
0x54c: {  	v63 =	vld.idx.msk [tilespmem:v15+s30+$0x0], $0xffff;
	v15 =	vor.u32 v19, v52;
	[tilespmem:s16+$0xFFFFF840] =	vst v2  }
0x54d: {  	[tilespmem:s17+$0x90] =	vst v10;
	v5 =	vld.idx.msk [tilespmem:v5+s30+$0x0], $0xffff;
	v10 =	vor.u32 v20, v53  }
0x54e: {  	v2 =	vld.idx.msk [tilespmem:v3+s30+$0x0], $0xffff;
	v3 =	vor.u32 v21, v53;
	[tilespmem:s17+$0xFFFFF800] =	vst v61  }
0x54f: {  	v32 =	vld.idx.msk [tilespmem:v16+s30+$0x0], $0xffff;
	[tilespmem:s16+$0x40] =	vst v7;
	v7 =	vor.u32 v25, v48  }
0x550: {  	v16 =	vor.u32 v20, v50;
	[tilespmem:s17+$0xFFFFF990] =	vst v1;
	v9 =	vld.idx.msk [tilespmem:v9+s30+$0x0], $0xffff  }
0x551: {  	v1 =	vor.u32 v26, v56;
	[tilespmem:s17+$0x190] =	vst v4;
	v15 =	vld.idx.msk [tilespmem:v15+s30+$0x0], $0xffff  }
0x552: {  	v4 =	vor.u32 v30, v49;
	[tilespmem:s17+$0x110] =	vst v5;
	v5 =	vld.idx.msk [tilespmem:v10+s30+$0x0], $0xffff  }
0x553: {  	[tilespmem:s16+$0xFFFFF8E0] =	vst v8;
	v8 =	vor.u32 v21, v51;
	v3 =	vld.idx.msk [tilespmem:v3+s30+$0x0], $0xffff  }
0x554: {  	[tilespmem:s17+$0xFFFFF890] =	vst v6;
	v10 =	vor.u32 v20, v51;
	v6 =	vld.idx.msk [tilespmem:v7+s30+$0x0], $0xffff  }
0x555: {  	[tilespmem:s16+$0x1F0] =	vst v13;
	v7 =	vor.u32 v21, v50;
	v34 =	vld.idx.msk [tilespmem:v16+s30+$0x0], $0xffff  }
0x556: {  	v33 =	vor.u32 v22, v53;
	[tilespmem:s16+$0xE0] =	vst v63;
	v1 =	vld.idx.msk [tilespmem:v1+s30+$0x0], $0xffff  }
0x557: {  	[tilespmem:s17+$0xFFFFF910] =	vst v32;
	v57 =	vld.idx.msk [tilespmem:v4+s30+$0x0], $0xffff;
	v4 =	vor.u32 v23, v53  }
0x558: {  	[tilespmem:s17+$0x10] =	vst v15;
	v15 =	vor.u32 v20, v52;
	v8 =	vld.idx.msk [tilespmem:v8+s30+$0x0], $0xffff  }
0x559: {  	v10 =	vld.idx.msk [tilespmem:v10+s30+$0x0], $0xffff;
	[tilespmem:s17+$0xFFFFF9A0] =	vst v5;
	v5 =	vor.u32 v24, v48  }
0x55a: {  	v35 =	vor.u32 v22, v51;
	[tilespmem:s17+$0x1A0] =	vst v3;
	v7 =	vld.idx.msk [tilespmem:v7+s30+$0x0], $0xffff  }
0x55b: {  	[tilespmem:s17+$0xFFFFF810] =	vst v9;
	v3 =	vor.u32 v21, v52;
	v9 =	vld.idx.msk [tilespmem:v33+s30+$0x0], $0xffff  }
0x55c: {  	v54 =	vor.u32 v23, v51;
	[tilespmem:s16+$0xFFFFF9F0] =	vst v2;
	v4 =	vld.idx.msk [tilespmem:v4+s30+$0x0], $0xffff  }
0x55d: {  	v55 =	vor.u32 v27, v56;
	v2 =	vld.idx.msk [tilespmem:v15+s30+$0x0], $0xffff;
	[tilespmem:s17+$0x120] =	vst v8  }
0x55e: {  	v15 =	vor.u32 v24, v53;
	[tilespmem:s17+$0xFFFFF920] =	vst v10;
	v5 =	vld.idx.msk [tilespmem:v5+s30+$0x0], $0xffff  }
0x55f: {  	[tilespmem:s17+$0xFFFFF8A0] =	vst v34;
	v10 =	vor.u32 v22, v50;
	v60 =	vld.idx.msk [tilespmem:v35+s30+$0x0], $0xffff  }
0x560: {  	v8 =	vor.u32 v23, v50;
	v3 =	vld.idx.msk [tilespmem:v3+s30+$0x0], $0xffff;
	[tilespmem:s17+$0xA0] =	vst v7  }
0x561: {  	v58 =	vld.idx.msk [tilespmem:v54+s30+$0x0], $0xffff;
	v7 =	vor.u32 v25, v53;
	[tilespmem:s17+$0xFFFFF9B0] =	vst v9  }
0x562: {  	[tilespmem:s17+$0x1B0] =	vst v4;
	v4 =	vor.u32 v27, v48;
	v9 =	vld.idx.msk [tilespmem:v55+s30+$0x0], $0xffff  }
0x563: {  	[tilespmem:s16+$0x140] =	vst v6;
	v6 =	vor.u32 v26, v48;
	v32 =	vld.idx.msk [tilespmem:v15+s30+$0x0], $0xffff  }
0x564: {  	v33 =	vor.u32 v22, v52;
	v10 =	vld.idx.msk [tilespmem:v10+s30+$0x0], $0xffff;
	[tilespmem:s16+$0xFFFFF940] =	vst v5  }
0x565: {  	v5 =	vor.u32 v28, v56;
	[tilespmem:s17+$0x20] =	vst v3;
	v3 =	vld.idx.msk [tilespmem:v8+s30+$0x0], $0xffff  }
0x566: {  	[tilespmem:s17+$0xFFFFF820] =	vst v2;
	v8 =	vor.u32 v29, v56;
	v15 =	vld.idx.msk [tilespmem:v7+s30+$0x0], $0xffff  }
0x567: {  	v34 =	vor.u32 v25, v50;
	[tilespmem:s16+$0xFFFFF850] =	vst v1;
	v4 =	vld.idx.msk [tilespmem:v4+s30+$0x0], $0xffff  }
0x568: {  	v1 =	vor.u32 v24, v50;
	[tilespmem:s16+$0x50] =	vst v9;
	v9 =	vld.idx.msk [tilespmem:v6+s30+$0x0], $0xffff  }
0x569: {  	v35 =	vor.u32 v26, v53;
	v59 =	vld.idx.msk [tilespmem:v33+s30+$0x0], $0xffff;
	[tilespmem:s17+$0xFFFFF9C0] =	vst v32  }
0x56a: {  	[tilespmem:s17+$0xFFFFF8B0] =	vst v10;
	v2 =	vld.idx.msk [tilespmem:v5+s30+$0x0], $0xffff  }
0x56b: {  	v7 =	vor.u32 v29, v48;
	[tilespmem:s17+$0xB0] =	vst v3;
	v3 =	vld.idx.msk [tilespmem:v8+s30+$0x0], $0xffff  }
0x56c: {  	v54 =	vor.u32 v24, v51;
	v6 =	vor.u32 v27, v53;
	[tilespmem:s17+$0x1C0] =	vst v15;
	v63 =	vld.idx.msk [tilespmem:v34+s30+$0x0], $0xffff  }
0x56d: {  	v55 =	vor.u32 v26, v50;
	v5 =	vor.u32 v28, v48;
	[tilespmem:s16+$0x150] =	vst v4;
	v62 =	vld.idx.msk [tilespmem:v1+s30+$0x0], $0xffff  }
0x56e: {  	s18 =	simm.s32 $0x9F00;
	s5 =	simm.s32 $0x8;
	v4 =	vor.u32 v30, v56;
	v61 =	vld.idx.msk [tilespmem:v35+s30+$0x0], $0xffff;
	v1 =	vor.u32 v31, v56;
	[tilespmem:s16+$0xFFFFF950] =	vst v9  }
.LBB2_14:
0x56f: {  	s14 =	sadd.s32 $0x1, s5  }
0x570: {  	v8 =	vmov s5;
	p0 =	slt.u32 s5, $0xC;
	[tilespmem:s17+$0xFFFFF930] =	vst v60;
	v7 =	vld.idx.msk [tilespmem:v7+s30+$0x0], $0xffff;
	v9 =	vor.u32 v30, v48;
	v10 =	vor.u32 v31, v48;
	v48 =	vmovc v51;
	s19 =	smov.u32 s5;
	s5 =	sadd.s32 $0x4, s5  }
0x571: {  	v13 =	vor.u32 v27, v50;
	v8 =	vand.u32 $0xC, v8;
	v12 =	vmov s14;
	v6 =	vld.idx.msk [tilespmem:v6+s30+$0x0], $0xffff;
	[tilespmem:s16+$0xFFFFF860] =	vst v2  }
0x572: {  	s14 =	sadd.s32 $0x2, s19;
	v56 =	vbroadcast v8, $0x0;
	v2 =	vand.u32 $0xD, v12;
	[tilespmem:s16+$0x60] =	vst v3;
	v3 =	vor.u32 v31, v49;
	v5 =	vld.idx.msk [tilespmem:v5+s30+$0x0], $0xffff;
	v49 =	vmovc v50  }
0x573: {  	v8 =	vor.u32 v29, v53;
	v50 =	vbroadcast v2, $0x0;
	v2 =	vmov s14;
	[tilespmem:s17+$0xC0] =	vst v63;
	v4 =	vld.idx.msk [tilespmem:v4+s30+$0x0], $0xffff  }
0x574: {  	v14 =	vor.u32 v23, v52;
	s14 =	sadd.s32 $0x3, s19;
	v12 =	vor.u32 v11, v56;
	v2 =	vand.u32 $0xE, v2;
	[tilespmem:s17+$0xFFFFF8C0] =	vst v62;
	v1 =	vld.idx.msk [tilespmem:v1+s30+$0x0], $0xffff  }
0x575: {  	v15 =	vor.u32 v11, v50;
	v51 =	vbroadcast v2, $0x0;
	v2 =	vmov s14;
	v16 =	vld.idx.msk [tilespmem:v55+s30+$0x0], $0xffff;
	[tilespmem:s17+$0xFFFFF9D0] =	vst v61  }
0x576: {  	v32 =	vor.u32 v17, v50;
	v55 =	vor.u32 v26, v50;
	v2 =	vand.u32 $0xF, v2;
	v13 =	vld.idx.msk [tilespmem:v13+s30+$0x0], $0xffff;
	[tilespmem:s16+$0x160] =	vst v7  }
0x577: {  	v7 =	vor.u32 v11, v51;
	v2 =	vbroadcast v2, $0x0;
	[tilespmem:s17+$0x1D0] =	vst v6;
	v3 =	vld.idx.msk [tilespmem:v3+s30+$0x0], $0xffff  }
0x578: {  	v6 =	vor.u32 v17, v51;
	v8 =	vld.idx.msk [tilespmem:v8+s30+$0x0], $0xffff;
	[tilespmem:s16+$0xFFFFF960] =	vst v5  }
0x579: {  	v5 =	vor.u32 v11, v2;
	[tilespmem:s16+$0xFFFFF8F0] =	vst v57;
	v9 =	vld.idx.msk [tilespmem:v9+s30+$0x0], $0xffff  }
0x57a: {  	v34 =	vor.u32 v28, v53;
	v33 =	vor.u32 v17, v2;
	[tilespmem:s16+$0xFFFFF870] =	vst v4;
	v4 =	vld.idx.msk [tilespmem:v10+s30+$0x0], $0xffff  }
0x57b: {  	v35 =	vor.u32 v28, v49;
	v10 =	vor.u32 v17, v56;
	v14 =	vld.idx.msk [tilespmem:v14+s30+$0x0], $0xffff;
	[tilespmem:s16+$0x70] =	vst v1  }
0x57c: {  	v1 =	vld.idx.msk [tilespmem:v15+s30+$0x0], $0xffff;
	[tilespmem:s17+$0xFFFFF830] =	vst v59  }
0x57d: {  	v15 =	vor.u32 v18, v50;
	v6 =	vld.idx.msk [tilespmem:v6+s30+$0x0], $0xffff;
	[tilespmem:s17+$0xFFFFF8D0] =	vst v16  }
0x57e: {  	v16 =	vld.idx.msk [tilespmem:v32+s30+$0x0], $0xffff;
	v32 =	vor.u32 v19, v50;
	[tilespmem:s17+$0xD0] =	vst v13  }
0x57f: {  	v13 =	vor.u32 v18, v51;
	s17 =	sadd.s32 $0x200, s17;
	v34 =	vld.idx.msk [tilespmem:v34+s30+$0x0], $0xffff;
	[tilespmem:s16+$0xF0] =	vst v3  }
0x580: {  	v3 =	vor.u32 v19, v51;
	v35 =	vld.idx.msk [tilespmem:v35+s30+$0x0], $0xffff;
	[tilespmem:s16+$0x170] =	vst v4  }
0x581: {  	v4 =	vld.idx.msk [tilespmem:v7+s30+$0x0], $0xffff;
	v7 =	vor.u32 v19, v2;
	[tilespmem:s16+$0xFFFFF970] =	vst v9;
	s16 =	smov.u32 s18;
	s18 =	smov.u32 s17  }
0x582: {  	v57 =	vor.u32 v24, v52;
	v9 =	vld.idx.msk [tilespmem:v33+s30+$0x0], $0xffff;
	v33 =	vor.u32 v18, v2;
	[tilespmem:s16+$0x130] =	vst v58  }
0x583: {  	v58 =	vor.u32 v19, v56;
	[tilespmem:s17+$0xFFFFF880] =	vst v1;
	v1 =	vld.idx.msk [tilespmem:v5+s30+$0x0], $0xffff;
	v5 =	vor.u32 v25, v52  }
0x584: {  	v59 =	vor.u32 v18, v56;
	v10 =	vld.idx.msk [tilespmem:v10+s30+$0x0], $0xffff;
	[tilespmem:s17+$0x80] =	vst v16  }
0x585: {  	v16 =	vld.idx.msk [tilespmem:v32+s30+$0x0], $0xffff;
	v32 =	vor.u32 v20, v50;
	[tilespmem:s17+$0x100] =	vst v6  }
0x586: {  	v6 =	vld.idx.msk [tilespmem:v15+s30+$0x0], $0xffff;
	v15 =	vor.u32 v21, v50;
	[tilespmem:s16+$0x30] =	vst v14  }
0x587: {  	v60 =	vor.u32 v29, v49;
	v14 =	vor.u32 v20, v51;
	v57 =	vld.idx.msk [tilespmem:v57+s30+$0x0], $0xffff;
	[tilespmem:s16+$0xFFFFF9E0] =	vst v34  }
0x588: {  	v34 =	vor.u32 v21, v51;
	[tilespmem:s17+$0x180] =	vst v9;
	v5 =	vld.idx.msk [tilespmem:v5+s30+$0x0], $0xffff  }
0x589: {  	v9 =	vld.idx.msk [tilespmem:v12+s30+$0x0], $0xffff;
	[tilespmem:s17+$0xFFFFF980] =	vst v1;
	v1 =	vor.u32 v20, v2;
	v12 =	vor.u32 v30, v53  }
0x58a: {  	v61 =	vor.u32 v31, v53;
	v53 =	vmov v2;
	[tilespmem:s17+$0x0] =	vst v10;
	v10 =	vld.idx.msk [tilespmem:v33+s30+$0x0], $0xffff;
	v33 =	vor.u32 v21, v2  }
0x58b: {  	v2 =	vor.u32 v20, v56;
	v7 =	vld.idx.msk [tilespmem:v7+s30+$0x0], $0xffff;
	[tilespmem:s16+$0x1E0] =	vst v8  }
0x58c: {  	v8 =	vor.u32 v21, v56;
	[tilespmem:s17+$0xFFFFF900] =	vst v4;
	v4 =	vld.idx.msk [tilespmem:v60+s30+$0x0], $0xffff  }
0x58d: {  	[tilespmem:s17+$0x90] =	vst v16;
	v16 =	vor.u32 v22, v50;
	v3 =	vld.idx.msk [tilespmem:v3+s30+$0x0], $0xffff  }
0x58e: {  	v62 =	vor.u32 v23, v50;
	[tilespmem:s16+$0xFFFFF840] =	vst v57;
	v12 =	vld.idx.msk [tilespmem:v12+s30+$0x0], $0xffff  }
0x58f: {  	[tilespmem:s17+$0xFFFFF800] =	vst v9;
	v9 =	vor.u32 v22, v51;
	v60 =	vld.idx.msk [tilespmem:v61+s30+$0x0], $0xffff  }
0x590: {  	v61 =	vor.u32 v23, v51;
	v13 =	vld.idx.msk [tilespmem:v13+s30+$0x0], $0xffff;
	[tilespmem:s17+$0xFFFFF990] =	vst v10;
	v10 =	vor.u32 v26, v52  }
0x591: {  	v57 =	vor.u32 v30, v49;
	v59 =	vld.idx.msk [tilespmem:v59+s30+$0x0], $0xffff;
	[tilespmem:s17+$0x190] =	vst v7;
	v7 =	vor.u32 v22, v53  }
0x592: {  	v63 =	vor.u32 v23, v53;
	v58 =	vld.idx.msk [tilespmem:v58+s30+$0x0], $0xffff;
	[tilespmem:s16+$0x40] =	vst v5;
	v5 =	vor.u32 v25, v48  }
0x593: {  	[tilespmem:s17+$0x110] =	vst v3;
	v1 =	vld.idx.msk [tilespmem:v1+s30+$0x0], $0xffff  }
0x594: {  	v3 =	vld.idx.msk [tilespmem:v33+s30+$0x0], $0xffff;
	[tilespmem:s16+$0xFFFFF8E0] =	vst v35  }
0x595: {  	v10 =	vld.idx.msk [tilespmem:v10+s30+$0x0], $0xffff;
	[tilespmem:s16+$0xE0] =	vst v4  }
0x596: {  	[tilespmem:s17+$0xFFFFF890] =	vst v6;
	v57 =	vld.idx.msk [tilespmem:v57+s30+$0x0], $0xffff  }
0x597: {  	v4 =	vor.u32 v24, v51;
	[tilespmem:s17+$0xFFFFF910] =	vst v13;
	v5 =	vld.idx.msk [tilespmem:v5+s30+$0x0], $0xffff  }
0x598: {  	[tilespmem:s17+$0x10] =	vst v58;
	v6 =	vld.idx.msk [tilespmem:v32+s30+$0x0], $0xffff  }
0x599: {  	v13 =	vld.idx.msk [tilespmem:v14+s30+$0x0], $0xffff;
	[tilespmem:s17+$0xFFFFF9A0] =	vst v1;
	v1 =	vor.u32 v24, v53  }
0x59a: {  	v14 =	vld.idx.msk [tilespmem:v34+s30+$0x0], $0xffff;
	[tilespmem:s17+$0x1A0] =	vst v3  }
0x59b: {  	[tilespmem:s17+$0xFFFFF810] =	vst v59;
	v3 =	vld.idx.msk [tilespmem:v7+s30+$0x0], $0xffff  }
0x59c: {  	v7 =	vld.idx.msk [tilespmem:v63+s30+$0x0], $0xffff;
	[tilespmem:s16+$0x1F0] =	vst v60  }
0x59d: {  	v15 =	vld.idx.msk [tilespmem:v15+s30+$0x0], $0xffff;
	[tilespmem:s16+$0xFFFFF9F0] =	vst v12  }
0x59e: {  	v2 =	vld.idx.msk [tilespmem:v2+s30+$0x0], $0xffff;
	[tilespmem:s17+$0xFFFFF8A0] =	vst v6;
	v6 =	vor.u32 v27, v52  }
0x59f: {  	[tilespmem:s17+$0xFFFFF920] =	vst v13;
	v12 =	vld.idx.msk [tilespmem:v54+s30+$0x0], $0xffff;
	v54 =	vmov v4  }
0x5a0: {  	v4 =	vld.idx.msk [tilespmem:v8+s30+$0x0], $0xffff;
	[tilespmem:s17+$0x120] =	vst v14  }
0x5a1: {  	v60 =	vld.idx.msk [tilespmem:v9+s30+$0x0], $0xffff;
	[tilespmem:s17+$0xFFFFF9B0] =	vst v3  }
0x5a2: {  	v3 =	vor.u32 v27, v48;
	v58 =	vld.idx.msk [tilespmem:v61+s30+$0x0], $0xffff;
	[tilespmem:s17+$0x1B0] =	vst v7  }
0x5a3: {  	v7 =	vor.u32 v25, v53;
	[tilespmem:s17+$0xA0] =	vst v15;
	v6 =	vld.idx.msk [tilespmem:v6+s30+$0x0], $0xffff  }
0x5a4: {  	v1 =	vld.idx.msk [tilespmem:v1+s30+$0x0], $0xffff;
	[tilespmem:s16+$0x140] =	vst v5;
	v5 =	vor.u32 v26, v48  }
0x5a5: {  	v8 =	vor.u32 v22, v56;
	v9 =	vld.idx.msk [tilespmem:v16+s30+$0x0], $0xffff;
	[tilespmem:s16+$0xFFFFF940] =	vst v12  }
0x5a6: {  	v12 =	vor.u32 v28, v52;
	[tilespmem:s17+$0x20] =	vst v4;
	v4 =	vld.idx.msk [tilespmem:v62+s30+$0x0], $0xffff  }
0x5a7: {  	v13 =	vor.u32 v29, v52;
	[tilespmem:s17+$0xFFFFF820] =	vst v2;
	v14 =	vld.idx.msk [tilespmem:v3+s30+$0x0], $0xffff  }
0x5a8: {  	v15 =	vor.u32 v25, v50;
	v16 =	vld.idx.msk [tilespmem:v7+s30+$0x0], $0xffff;
	[tilespmem:s16+$0xFFFFF850] =	vst v10  }
0x5a9: {  	v10 =	vor.u32 v24, v50;
	[tilespmem:s16+$0x50] =	vst v6;
	v32 =	vld.idx.msk [tilespmem:v5+s30+$0x0], $0xffff  }
0x5aa: {  	v59 =	vld.idx.msk [tilespmem:v8+s30+$0x0], $0xffff;
	[tilespmem:s17+$0xFFFFF9C0] =	vst v1;
	v1 =	vor.u32 v26, v53  }
.Ltmp6:
0x5ab: {  	v7 =	vor.u32 v29, v48;
	[tilespmem:s17+$0xFFFFF8B0] =	vst v9;
	v2 =	vld.idx.msk [tilespmem:v12+s30+$0x0], $0xffff;
	(pc) =	sbr.rel @p0 .LBB2_14-.Ltmp6, $4  }
0x5ac: {  	v6 =	vor.u32 v27, v53;
	[tilespmem:s17+$0xB0] =	vst v4;
	v3 =	vld.idx.msk [tilespmem:v13+s30+$0x0], $0xffff  }
0x5ad: {  	v5 =	vor.u32 v28, v48;
	v63 =	vld.idx.msk [tilespmem:v15+s30+$0x0], $0xffff;
	[tilespmem:s16+$0x150] =	vst v14  }
0x5ae: {  	v4 =	vor.u32 v30, v52;
	v62 =	vld.idx.msk [tilespmem:v10+s30+$0x0], $0xffff;
	[tilespmem:s17+$0x1C0] =	vst v16  }
0x5af: {  	v61 =	vld.idx.msk [tilespmem:v1+s30+$0x0], $0xffff;
	v1 =	vor.u32 v31, v52;
	[tilespmem:s16+$0xFFFFF950] =	vst v32;
	v52 =	vmov v56  }
0x5b0: {  	_ =	sdelay $0x1  }
0x5b1: {  	[tilespmem:s17+$0xFFFFF930] =	vst v60  }
0x5b2: {  	[tilespmem:s16+$0xFFFFF860] =	vst v2  }
0x5b3: {  	v2 =	vld.idx.msk [tilespmem:v6+s30+$0x0], $0xffff;
	[tilespmem:s16+$0x60] =	vst v3;
	v3 =	vor.u32 v23, v52  }
0x5b4: {  	v7 =	vld.idx.msk [tilespmem:v7+s30+$0x0], $0xffff;
	[tilespmem:s18+$0x130] =	vst v58  }
0x5b5: {  	v5 =	vld.idx.msk [tilespmem:v5+s30+$0x0], $0xffff;
	[tilespmem:s17+$0xC0] =	vst v63  }
0x5b6: {  	v60 =	vor.u32 v31, v49;
	[tilespmem:s17+$0xFFFFF8C0] =	vst v62  }
0x5b7: {  	v8 =	vor.u32 v27, v50;
	v4 =	vld.idx.msk [tilespmem:v4+s30+$0x0], $0xffff;
	[tilespmem:s17+$0xFFFFF9D0] =	vst v61  }
0x5b8: {  	v9 =	vor.u32 v31, v48;
	[tilespmem:s17+$0x1D0] =	vst v2;
	v2 =	vld.idx.msk [tilespmem:v3+s30+$0x0], $0xffff  }
0x5b9: {  	v1 =	vld.idx.msk [tilespmem:v1+s30+$0x0], $0xffff;
	v62 =	vor.u32 v24, v52;
	[tilespmem:s16+$0x160] =	vst v7  }
0x5ba: {  	v12 =	vor.u32 v25, v52;
	v63 =	vld.idx.msk [tilespmem:v55+s30+$0x0], $0xffff;
	[tilespmem:s16+$0xFFFFF960] =	vst v5  }
0x5bb: {  	v14 =	vor.u32 v28, v53;
	v3 =	vld.idx.msk [tilespmem:v60+s30+$0x0], $0xffff;
	[tilespmem:s16+$0xFFFFF8F0] =	vst v57  }
0x5bc: {  	v13 =	vld.idx.msk [tilespmem:v8+s30+$0x0], $0xffff;
	v8 =	vor.u32 v25, v51;
	[tilespmem:s17+$0xFFFFF830] =	vst v59  }
0x5bd: {  	v33 =	vld.idx.msk [tilespmem:v9+s30+$0x0], $0xffff;
	[tilespmem:s18+$0x30] =	vst v2  }
0x5be: {  	[tilespmem:s16+$0x70] =	vst v1;
	v2 =	vor.u32 v30, v48;
	v1 =	vld.idx.msk [tilespmem:v62+s30+$0x0], $0xffff  }
0x5bf: {  	v10 =	vor.u32 v29, v53;
	[tilespmem:s16+$0xFFFFF870] =	vst v4;
	v32 =	vld.idx.msk [tilespmem:v12+s30+$0x0], $0xffff  }
0x5c0: {  	v9 =	vor.u32 v26, v52;
	v5 =	vld.idx.msk [tilespmem:v14+s30+$0x0], $0xffff;
	[tilespmem:s17+$0xFFFFF8D0] =	vst v63  }
0x5c1: {  	[tilespmem:s17+$0xD0] =	vst v13;
	v34 =	vld.idx.msk [tilespmem:v8+s30+$0x0], $0xffff;
	v8 =	vor.u32 v27, v52  }
0x5c2: {  	[tilespmem:s16+$0xF0] =	vst v3;
	v3 =	vld.idx.msk [tilespmem:v54+s30+$0x0], $0xffff  }
0x5c3: {  	v35 =	vor.u32 v26, v51;
	v2 =	vld.idx.msk [tilespmem:v2+s30+$0x0], $0xffff;
	[tilespmem:s18+$0xFFFFF840] =	vst v1  }
0x5c4: {  	v49 =	vld.idx.msk [tilespmem:v10+s30+$0x0], $0xffff;
	v1 =	vor.u32 v27, v51;
	[tilespmem:s18+$0x40] =	vst v32  }
0x5c5: {  	[tilespmem:s18+$0xFFFFF9E0] =	vst v5;
	v12 =	vor.u32 v28, v50;
	v48 =	vld.idx.msk [tilespmem:v9+s30+$0x0], $0xffff  }
0x5c6: {  	[tilespmem:s18+$0x140] =	vst v34;
	v9 =	vor.u32 v29, v50;
	v8 =	vld.idx.msk [tilespmem:v8+s30+$0x0], $0xffff  }
0x5c7: {  	[tilespmem:s18+$0xFFFFF940] =	vst v3;
	v3 =	vor.u32 v28, v52  }
0x5c8: {  	v6 =	vld.idx.msk [tilespmem:v35+s30+$0x0], $0xffff;
	[tilespmem:s16+$0xFFFFF970] =	vst v2;
	v2 =	vor.u32 v29, v52  }
0x5c9: {  	v54 =	vor.u32 v31, v53;
	[tilespmem:s18+$0x1E0] =	vst v49;
	v1 =	vld.idx.msk [tilespmem:v1+s30+$0x0], $0xffff  }
0x5ca: {  	v55 =	vor.u32 v29, v51;
	v10 =	vld.idx.msk [tilespmem:v12+s30+$0x0], $0xffff;
	[tilespmem:s18+$0xFFFFF850] =	vst v48  }
0x5cb: {  	v9 =	vld.idx.msk [tilespmem:v9+s30+$0x0], $0xffff;
	[tilespmem:s18+$0x50] =	vst v8;
	v8 =	vor.u32 v28, v51  }
0x5cc: {  	v56 =	vor.u32 v30, v53;
	[tilespmem:s16+$0x170] =	vst v33;
	v3 =	vld.idx.msk [tilespmem:v3+s30+$0x0], $0xffff  }
0x5cd: {  	v57 =	vor.u32 v30, v50;
	[tilespmem:s18+$0xFFFFF950] =	vst v6;
	v2 =	vld.idx.msk [tilespmem:v2+s30+$0x0], $0xffff  }
0x5ce: {  	v58 =	vor.u32 v30, v52;
	[tilespmem:s18+$0x150] =	vst v1;
	v1 =	vld.idx.msk [tilespmem:v54+s30+$0x0], $0xffff  }
0x5cf: {  	v59 =	vor.u32 v31, v52;
	[tilespmem:s18+$0xFFFFF8E0] =	vst v10;
	v7 =	vld.idx.msk [tilespmem:v55+s30+$0x0], $0xffff  }
0x5d0: {  	[tilespmem:s18+$0xE0] =	vst v9;
	v9 =	vor.u32 v31, v50;
	v8 =	vld.idx.msk [tilespmem:v8+s30+$0x0], $0xffff  }
0x5d1: {  	v60 =	vor.u32 v31, v51;
	v10 =	vld.idx.msk [tilespmem:v56+s30+$0x0], $0xffff;
	[tilespmem:s18+$0xFFFFF860] =	vst v3  }
0x5d2: {  	v61 =	vor.u32 v30, v51;
	v3 =	vld.idx.msk [tilespmem:v57+s30+$0x0], $0xffff;
	[tilespmem:s18+$0x60] =	vst v2  }
0x5d3: {  	[tilespmem:s18+$0x1F0] =	vst v1;
	v1 =	vld.idx.msk [tilespmem:v58+s30+$0x0], $0xffff  }
0x5d4: {  	v2 =	vld.idx.msk [tilespmem:v59+s30+$0x0], $0xffff;
	[tilespmem:s18+$0x160] =	vst v7  }
0x5d5: {  	v62 =	vld.idx.msk [tilespmem:v9+s30+$0x0], $0xffff;
	[tilespmem:s18+$0xFFFFF960] =	vst v8  }
0x5d6: {  	[tilespmem:s18+$0xFFFFF9F0] =	vst v10;
	v63 =	vld.idx.msk [tilespmem:v60+s30+$0x0], $0xffff  }
0x5d7: {  	[tilespmem:s18+$0xFFFFF8F0] =	vst v3;
	v3 =	vld.idx.msk [tilespmem:v61+s30+$0x0], $0xffff  }
0x5d8: {  	[tilespmem:s18+$0xFFFFF870] =	vst v1  }
0x5d9: {  	[tilespmem:s18+$0x70] =	vst v2  }
0x5da: {  	[tilespmem:s18+$0xF0] =	vst v62  }
0x5db: {  	[tilespmem:s18+$0x170] =	vst v63  }
0x5dc: {  	[tilespmem:s18+$0xFFFFF970] =	vst v3  }
0x5dd: {  	s5 =	rddreg [dreg:$0xc]  }
0x5de: {  	[hbm4b:s5+s3] =	stream.linear.scatter [tilespmem:s8], [sflag:$0x3], $0x400, $0x38;
	[tilespmem:$0xA500] =	vst v63  }
0x5df: {  	s21 =	rddreg [dreg:$0xe]  }
0x5e0: {  	[hbm4b:s21+s3] =	stream.linear.scatter [tilespmem:s9], [sflag:$0x3], $0x400, $0x38;
	[tilespmem:$0xA500] =	vst v63  }
0x5e1: {  	s22 =	rddreg [dreg:$0x11]  }
0x5e2: {  	[hbm4b:s22+s3] =	stream.linear.scatter [tilespmem:s10], [sflag:$0x3], $0x400, $0x38;
	[tilespmem:$0xA500] =	vst v63  }
0x5e3: {  	s23 =	rddreg [dreg:$0x13]  }
0x5e4: {  	[hbm4b:s23+s3] =	stream.linear.scatter [tilespmem:s11], [sflag:$0x3], $0x400, $0x38;
	[tilespmem:$0xA500] =	vst v63  }
0x5e5: {  	_ =	swait.ge [sflag:s12], $0x400  }
0x5e6: {  	[sflag:s12] =	ssyncset.done $0x0  }
0x5e7: {  	[sflag:s12] =	ssyncadd.s32 $0xFFFFFC00  }
0x5e8: {  	_ =	swait.ge [sflag:s12], $0x400  }
0x5e9: {  	[sflag:s12] =	ssyncset.done $0x0  }
0x5ea: {  	[sflag:s12] =	ssyncadd.s32 $0xFFFFFC00  }
0x5eb: {  	_ =	swait.ge [sflag:s12], $0x400  }
0x5ec: {  	[sflag:s12] =	ssyncset.done $0x0  }
0x5ed: {  	[sflag:s12] =	ssyncadd.s32 $0xFFFFFC00  }
0x5ee: {  	_ =	swait.ge [sflag:s12], $0x400  }
0x5ef: {  	[sflag:s12] =	ssyncset.done $0x0  }
0x5f0: {  	[sflag:s12] =	ssyncadd.s32 $0xFFFFFC00  }
0x5f1: {  	_ =	swait.ge [sflag:s13], $0x400  }
0x5f2: {  	[sflag:s13] =	ssyncset.done $0x0  }
0x5f3: {  	[sflag:s13] =	ssyncadd.s32 $0xFFFFFC00  }
0x5f4: {  	_ =	swait.ge [sflag:s13], $0x400  }
0x5f5: {  	[sflag:s13] =	ssyncset.done $0x0  }
0x5f6: {  	[sflag:s13] =	ssyncadd.s32 $0xFFFFFC00  }
0x5f7: {  	_ =	swait.ge [sflag:s13], $0x400  }
0x5f8: {  	[sflag:s13] =	ssyncset.done $0x0  }
0x5f9: {  	[sflag:s13] =	ssyncadd.s32 $0xFFFFFC00  }
0x5fa: {  	_ =	swait.ge [sflag:s13], $0x400  }
0x5fb: {  	s14 =	rddreg [dreg:$0x15]  }
0x5fc: {  	s24 =	rddreg [dreg:$0x14];
	s14 =	sadd.s32 $0x1, s14  }
0x5fd: {  	p0 =	sne.s32 s14, s24  }
.Ltmp7:
0x5fe: {  	_ = 	snop;
	(pc) =	sbr.rel @p0 .LBB2_1-.Ltmp7, $3  }
0x5ff: {  	_ =	sdelay $0x1  }
0x600: {  	[sflag:s13] =	ssyncset.done $0x0  }
0x601: {  	[sflag:s13] =	ssyncadd.s32 $0xFFFFFC00  }
0x602: {  	_ =	sfence.sel $0x180000  }
0x603: {  	[bflag:$0x0] =	sbarrier.arrive $0xFFFF  }
0x604: {  	_ =	strace $0x90000047  }
0x605: {  	s0 =	stileid.u32;
	[bflag:$0x2] =	sbarrier.arrive $0xFFFF  }
0x606: {  	p0 =	sne.s32 s0, $0x0;
	s0 =	rddreg [dreg:$0x2]  }
0x607: {  	s0 =	sadd.s32 @!p0 $0x100000, s0  }
0x608: {  	[sflag:s0] =	ssyncadd.tile.s32 @!p0 $0x1;
	_ =	shalt  }
.Lfunc_end2:
_tile_overlayer_lowered:
.L_overlay_start_2:
0x609: {  	(tag) =	ssettag $0x2  }
0x60a: {  	s0 =	rddreg [dreg:$0x0];
	s2 =	stileid.u32  }
0x60b: {  	s1 =	rddreg [dreg:$0x1];
	p0 =	sne.s32 s2, $0x0  }
0x60c: {  	s3 =	rddreg [dreg:$0x2];
	[bflag:$0x3] =	sbarrier.arrive $0xFFFF;
	s2 =	simm.s32 @!p0 $0x1C04  }
0x60d: {  	[timem:s3], [sflag:s2] =	dma.local @!p0 [hbm:s0], s1  }
0x60e: {  	s0 =	simm.s32 @!p0 $0x4  }
0x60f: {  	_ =	swait.ge @!p0 [sflag:s0], s1  }
0x610: {  	s1 =	ssub.s32 @!p0 $0x0, s1;
	[sflag:s0] =	ssyncset.done @!p0 $0x0  }
0x611: {  	[sflag:s0] =	ssyncadd.s32 @!p0 s1  }
0x612: {  	[bflag:$0x3] =	sbarrier.arrive $0xFFFF  }
0x613: {  	_ =	shalt  }

</sc_bundles>
